<compile_context>
chip_gen: v7x
topology: tpu7x:2x2x1
jax: 0.10.2.dev20260603
libtpu: 0.0.44.dev20260713+nightly
codegen_flags: <defaults>
</compile_context>

<pallas_src>
import functools

import jax
import jax.numpy as jnp
from jax import lax
from jax.experimental import pallas as pl
from jax.experimental.pallas import tpu as pltpu
from jax.experimental.pallas import tpu_sc as plsc

N = 320000
D = 128
S = 1024
L = 16
NC = 2
NS = 16
NW = NC * NS
CHUNK = 80
K_SC = 80
N_SC = NW * CHUNK * K_SC
ROWS_PER_W = N_SC // NW
NCHUNKS = K_SC
DCH = D // L
UNROLL = 4
NBUF = 3
NLOOP = (NCHUNKS - 2) // NBUF

BT = 2560
N_TC = N - N_SC
NB_TC = N_TC // BT
OFF_TC = N_SC // BT


def _issue_fill(x_hbm, batch_hbm, base, t, buf):
    xb, ib, xsem, isem, _ = buf
    start = base + t * CHUNK
    pltpu.async_copy(x_hbm.at[pl.ds(start, CHUNK)], xb, xsem)
    pltpu.async_copy(batch_hbm.at[pl.ds(start, CHUNK)], ib, isem)


def _step(x_hbm, batch_hbm, base, t, cur, prev, wcs, bvec, acc):
    xb, ib, xsem, isem, ssem = cur
    pltpu.make_async_copy(x_hbm.at[pl.ds(0, CHUNK)], xb, xsem).wait()
    pltpu.make_async_copy(batch_hbm.at[pl.ds(0, CHUNK)], ib, isem).wait()

    def _rows(g, _):
        for u in range(UNROLL):
            r = g * UNROLL + u
            xs = [xb[r, pl.ds(k * L, L)] for k in range(DCH)]
            accv = xs[0] * wcs[0]
            for k in range(1, DCH):
                accv = accv + xs[k] * wcs[k]
            y = jnp.sum(accv)
            yv = jnp.broadcast_to(y, (L,)) + bvec
            w = 1.0 / (1.0 + jnp.exp(yv))
            for k in range(DCH):
                xb[r, pl.ds(k * L, L)] = xs[k] * w
        return 0

    lax.fori_loop(0, CHUNK // UNROLL, _rows, 0)
    pltpu.async_copy(xb, acc.at[ib], ssem, add=True)

    @pl.when(jnp.logical_and(t >= 1, t + 2 < NCHUNKS))
    def _():
        pxb, pib, _, _, pssem = prev
        pltpu.make_async_copy(pxb, acc.at[pib], pssem).wait()
        _issue_fill(x_hbm, batch_hbm, base, t + 2, prev)


def _sc_body(x_hbm, batch_hbm, wb_hbm, out_hbm,
             xb0, xb1, xb2, ib0, ib1, ib2, wbuf, acc,
             xsem0, xsem1, xsem2, isem0, isem1, isem2,
             ssem0, ssem1, ssem2):
    c = lax.axis_index("c")
    s = lax.axis_index("s")
    wid = s * NC + c
    base = wid * ROWS_PER_W
    stripe = S // NS

    bufs = [
        (xb0, ib0, xsem0, isem0, ssem0),
        (xb1, ib1, xsem1, isem1, ssem1),
        (xb2, ib2, xsem2, isem2, ssem2),
    ]

    pltpu.sync_copy(wb_hbm, wbuf)

    zeros = jnp.zeros((L,), jnp.float32)

    def _zero_row(r, _):
        for k in range(DCH):
            xb0[r, pl.ds(k * L, L)] = zeros
        return 0

    lax.fori_loop(0, stripe, _zero_row, 0)
    pltpu.sync_copy(xb0.at[pl.ds(0, stripe)], acc.at[pl.ds(s * stripe, stripe)])
    plsc.subcore_barrier()

    wcs = [wbuf[pl.ds(k * L, L)] for k in range(DCH)]
    bvec = wbuf[pl.ds(D, L)]

    for j in range(NBUF):
        _issue_fill(x_hbm, batch_hbm, base, j, bufs[j])

    def _round(i, _):
        t = i * NBUF
        for j in range(NBUF):
            _step(x_hbm, batch_hbm, base, t + j, bufs[j], bufs[j - 1],
                  wcs, bvec, acc)
        return 0

    lax.fori_loop(0, NLOOP, _round, 0)
    _step(x_hbm, batch_hbm, base, NCHUNKS - 2, bufs[0], bufs[2],
          wcs, bvec, acc)
    _step(x_hbm, batch_hbm, base, NCHUNKS - 1, bufs[1], bufs[0],
          wcs, bvec, acc)

    for j in (2, 0, 1):
        xb, ib, _, _, ssem = bufs[j]
        pltpu.make_async_copy(xb, acc.at[ib], ssem).wait()

    plsc.subcore_barrier()
    pltpu.sync_copy(acc.at[pl.ds(s * stripe, stripe)],
                    out_hbm.at[c, pl.ds(s * stripe, stripe)])


def _sc_weighted_segment_sum(x, batch32, wb):
    mesh = plsc.VectorSubcoreMesh(core_axis_name="c", subcore_axis_name="s")
    kern = functools.partial(
        pl.kernel,
        mesh=mesh,
        compiler_params=pltpu.CompilerParams(needs_layout_passes=False),
        out_type=jax.ShapeDtypeStruct((NC, S, D), jnp.float32),
        scratch_types=[
            pltpu.VMEM((CHUNK, D), jnp.float32),
            pltpu.VMEM((CHUNK, D), jnp.float32),
            pltpu.VMEM((CHUNK, D), jnp.float32),
            pltpu.VMEM((CHUNK,), jnp.int32),
            pltpu.VMEM((CHUNK,), jnp.int32),
            pltpu.VMEM((CHUNK,), jnp.int32),
            pltpu.VMEM((D + L,), jnp.float32),
            pltpu.VMEM_SHARED((S, D), jnp.float32),
            pltpu.SemaphoreType.DMA,
            pltpu.SemaphoreType.DMA,
            pltpu.SemaphoreType.DMA,
            pltpu.SemaphoreType.DMA,
            pltpu.SemaphoreType.DMA,
            pltpu.SemaphoreType.DMA,
            pltpu.SemaphoreType.DMA,
            pltpu.SemaphoreType.DMA,
            pltpu.SemaphoreType.DMA,
        ],
    )(_sc_body)
    return kern(x, batch32, wb)


def _tc_seg_body(x_ref, b_ref, w_ref, bias_ref, o_ref):
    i = pl.program_id(0)

    @pl.when(i == 0)
    def _():
        o_ref[...] = jnp.zeros_like(o_ref)

    xb = x_ref[...]
    z = jax.lax.dot(xb, w_ref[...],
                    preferred_element_type=jnp.float32) + bias_ref[0, 0]
    gate = jax.nn.sigmoid(z)
    p = (gate * xb).astype(jnp.bfloat16)
    seg = b_ref[0]
    oh = (lax.broadcasted_iota(jnp.int16, (S, BT), 0) == seg
          ).astype(jnp.bfloat16)
    o_ref[...] += jax.lax.dot(oh, p, preferred_element_type=jnp.float32)


def _tc_seg_sum(x, batch3d, W, bias2d):
    return pl.pallas_call(
        _tc_seg_body,
        grid=(NB_TC,),
        in_specs=[
            pl.BlockSpec((BT, D), lambda i: (i + OFF_TC, 0)),
            pl.BlockSpec((1, 1, BT), lambda i: (i + OFF_TC, 0, 0)),
            pl.BlockSpec((D, 1), lambda i: (0, 0)),
            pl.BlockSpec((1, 1), lambda i: (0, 0)),
        ],
        out_specs=pl.BlockSpec((S, D), lambda i: (0, 0)),
        out_shape=jax.ShapeDtypeStruct((S, D), jnp.float32),
    )(x, batch3d, W, bias2d)


def _add_body(a_ref, t_ref, o_ref):
    o_ref[...] = a_ref[0] + a_ref[1] + t_ref[...]


def _merge(partials, tc_part):
    return pl.pallas_call(
        _add_body,
        out_shape=jax.ShapeDtypeStruct((S, D), jnp.float32),
    )(partials, tc_part)


@jax.jit
def _run(x, batch32, wb, batch3d, W, bias2d):
    partials = _sc_weighted_segment_sum(x, batch32, wb)
    tc_part = _tc_seg_sum(x, batch3d, W, bias2d)
    return _merge(partials, tc_part)


def kernel(x, batch, W, b):
    batch32 = batch.astype(jnp.int32)
    wb = jnp.concatenate([-W.reshape(-1),
                          jnp.broadcast_to(-b.reshape(()), (L,))])
    batch3d = batch32.astype(jnp.int16).reshape(N // BT, 1, BT)
    bias2d = b.reshape(1, 1)
    return _run(x, batch32, wb, batch3d, W, bias2d)

# --- scband reference (transcript-rebuilt; emitter-appended) ---
"""Pipeline reference for scband-weighted-sum-58557584113859 (READ-ONLY COPY).

The authoritative reference and input builder live on the scoring server;
editing this copy changes nothing except your own understanding.
"""

import jax, jax.numpy as jnp
import numpy as np

N = 320000
D = 128
S = 1024

def setup_inputs(seed: int = 0) -> dict:
    key = jax.random.key(seed)
    k1, k2, k3, k4 = jax.random.split(key, 4)
    x = jax.random.normal(k1, (N, D), dtype=jnp.float32)
    batch = jnp.sort(jax.random.randint(k2, (N,), 0, S, dtype=jnp.int64))
    # Linear(input_units, 1) parameters
    W = jax.random.normal(k3, (D, 1), dtype=jnp.float32) * (1.0 / np.sqrt(D))
    b = jax.random.normal(k4, (1,), dtype=jnp.float32) * 0.01
    return {"x": x, "batch": batch, "W": W, "b": b}

def reference(x, batch, W, b):
    # weights = sigmoid(lin1(x))  -> [N, 1]
    weights = jax.nn.sigmoid(x @ W + b)
    # scatter(weights * x, batch, dim=0, reduce='sum') -> [S, D]
    out = jax.ops.segment_sum(weights * x, batch, num_segments=S)
    return out

if __name__ == "__main__":
    import jax
    _d = setup_inputs()
    print(jax.jit(kernel)(*tuple(_d.values())))

</pallas_src>

<mosaic_0001>
#map = affine_map<(d0, d1) -> (0, 0)>
#map1 = affine_map<(d0, d1) -> (0)>
#map2 = affine_map<(d0, d1) -> (0, 0, 0)>
module attributes {stable_mosaic.version = 14 : i64} {
  func.func @_sc_body(%arg0: i32, %arg1: i32, %arg2: memref<320000x128xf32, #tpu.memory_space<hbm>>, %arg3: memref<320000xi32, #tpu.memory_space<hbm>>, %arg4: memref<144xf32, #tpu.memory_space<hbm>>, %arg5: memref<2x1024x128xf32, #tpu.memory_space<hbm>>, %arg6: memref<80x128xf32, #tpu.memory_space<vmem>>, %arg7: memref<80x128xf32, #tpu.memory_space<vmem>>, %arg8: memref<80x128xf32, #tpu.memory_space<vmem>>, %arg9: memref<80xi32, #tpu.memory_space<vmem>>, %arg10: memref<80xi32, #tpu.memory_space<vmem>>, %arg11: memref<80xi32, #tpu.memory_space<vmem>>, %arg12: memref<144xf32, #tpu.memory_space<vmem>>, %arg13: memref<1024x128xf32, #tpu.memory_space<vmem_shared>>, %arg14: memref<!tpu.dma_semaphore, #tpu.memory_space<semaphore_mem>>, %arg15: memref<!tpu.dma_semaphore, #tpu.memory_space<semaphore_mem>>, %arg16: memref<!tpu.dma_semaphore, #tpu.memory_space<semaphore_mem>>, %arg17: memref<!tpu.dma_semaphore, #tpu.memory_space<semaphore_mem>>, %arg18: memref<!tpu.dma_semaphore, #tpu.memory_space<semaphore_mem>>, %arg19: memref<!tpu.dma_semaphore, #tpu.memory_space<semaphore_mem>>, %arg20: memref<!tpu.dma_semaphore, #tpu.memory_space<semaphore_mem>>, %arg21: memref<!tpu.dma_semaphore, #tpu.memory_space<semaphore_mem>>, %arg22: memref<!tpu.dma_semaphore, #tpu.memory_space<semaphore_mem>>) attributes {dimension_semantics = [#tpu.dimension_semantics<core_parallel>, #tpu.dimension_semantics<subcore_parallel>], iteration_bounds = array<i64: 2, 16>, scalar_prefetch = 0 : i64, scratch_operands = 17 : i64, tpu.core_type = #tpu.core_type<sc_vector_subcore>, window_params = [{transform_indices = #map}, {transform_indices = #map1}, {transform_indices = #map1}, {transform_indices = #map2}]} {
    %mul3A = arith.constant 2 : i32
    %mul3A_0 = arith.muli %arg1, %mul3A : i32
    %add3A = arith.addi %mul3A_0, %arg0 : i32
    %mul3A_1 = arith.constant 6400 : i32
    %mul3A_2 = arith.muli %add3A, %mul3A_1 : i32
    "tpu.region"() ({
      %run_scoped3A = tpu.sem_alloc : memref<!tpu.dma_semaphore, #tpu.memory_space<semaphore_mem>>
      tpu.enqueue_dma source(%arg4 : memref<144xf32, #tpu.memory_space<hbm>>) target(%arg12 : memref<144xf32, #tpu.memory_space<vmem>>) target_semaphore(%run_scoped3A : memref<!tpu.dma_semaphore, #tpu.memory_space<semaphore_mem>>)
      tpu.wait_dma2 semaphore(%run_scoped3A : memref<!tpu.dma_semaphore, #tpu.memory_space<semaphore_mem>>) src(%arg4 : memref<144xf32, #tpu.memory_space<hbm>>) dst(%arg12 : memref<144xf32, #tpu.memory_space<vmem>>)
      tpu.yield
    }) : () -> ()
    %broadcast_in_dim3A = arith.constant 0.000000e+00 : f32
    %broadcast_in_dim3A_3 = vector.broadcast %broadcast_in_dim3A : f32 to vector<16xf32>
    %scan3A = arith.constant 0 : i32
    %scan3A_4 = arith.constant 0 : i32
    %scan3A_5 = arith.constant 64 : i32
    %scan3A_6 = arith.addi %scan3A_4, %scan3A_5 : i32
    %scan3A_7 = arith.constant 1 : i32
    %scan3A_8 = scf.for %scan3A_121 = %scan3A_4 to %scan3A_6 step %scan3A_7 iter_args(%scan3A_122 = %scan3A) -> (i32)  : i32 {
      %swap3A = arith.index_cast %scan3A_121 : i32 to index
      %swap3A_123 = arith.constant 0 : index
      %swap3A_124 = tpu.vector_load %arg6[%swap3A, %swap3A_123] {strides = array<i32>} : memref<80x128xf32, #tpu.memory_space<vmem>>, vector<16xf32>,
      tpu.vector_store %arg6[%swap3A, %swap3A_123], %broadcast_in_dim3A_3 {strides = array<i32>} : memref<80x128xf32, #tpu.memory_space<vmem>>, vector<16xf32>,
      %swap3A_125 = arith.index_cast %scan3A_121 : i32 to index
      %swap3A_126 = arith.constant 16 : index
      %swap3A_127 = tpu.vector_load %arg6[%swap3A_125, %swap3A_126] {strides = array<i32>} : memref<80x128xf32, #tpu.memory_space<vmem>>, vector<16xf32>,
      tpu.vector_store %arg6[%swap3A_125, %swap3A_126], %broadcast_in_dim3A_3 {strides = array<i32>} : memref<80x128xf32, #tpu.memory_space<vmem>>, vector<16xf32>,
      %swap3A_128 = arith.index_cast %scan3A_121 : i32 to index
      %swap3A_129 = arith.constant 32 : index
      %swap3A_130 = tpu.vector_load %arg6[%swap3A_128, %swap3A_129] {strides = array<i32>} : memref<80x128xf32, #tpu.memory_space<vmem>>, vector<16xf32>,
      tpu.vector_store %arg6[%swap3A_128, %swap3A_129], %broadcast_in_dim3A_3 {strides = array<i32>} : memref<80x128xf32, #tpu.memory_space<vmem>>, vector<16xf32>,
      %swap3A_131 = arith.index_cast %scan3A_121 : i32 to index
      %swap3A_132 = arith.constant 48 : index
      %swap3A_133 = tpu.vector_load %arg6[%swap3A_131, %swap3A_132] {strides = array<i32>} : memref<80x128xf32, #tpu.memory_space<vmem>>, vector<16xf32>,
      tpu.vector_store %arg6[%swap3A_131, %swap3A_132], %broadcast_in_dim3A_3 {strides = array<i32>} : memref<80x128xf32, #tpu.memory_space<vmem>>, vector<16xf32>,
      %swap3A_134 = arith.index_cast %scan3A_121 : i32 to index
      %swap3A_135 = arith.constant 64 : index
      %swap3A_136 = tpu.vector_load %arg6[%swap3A_134, %swap3A_135] {strides = array<i32>} : memref<80x128xf32, #tpu.memory_space<vmem>>, vector<16xf32>,
      tpu.vector_store %arg6[%swap3A_134, %swap3A_135], %broadcast_in_dim3A_3 {strides = array<i32>} : memref<80x128xf32, #tpu.memory_space<vmem>>, vector<16xf32>,
      %swap3A_137 = arith.index_cast %scan3A_121 : i32 to index
      %swap3A_138 = arith.constant 80 : index
      %swap3A_139 = tpu.vector_load %arg6[%swap3A_137, %swap3A_138] {strides = array<i32>} : memref<80x128xf32, #tpu.memory_space<vmem>>, vector<16xf32>,
      tpu.vector_store %arg6[%swap3A_137, %swap3A_138], %broadcast_in_dim3A_3 {strides = array<i32>} : memref<80x128xf32, #tpu.memory_space<vmem>>, vector<16xf32>,
      %swap3A_140 = arith.index_cast %scan3A_121 : i32 to index
      %swap3A_141 = arith.constant 96 : index
      %swap3A_142 = tpu.vector_load %arg6[%swap3A_140, %swap3A_141] {strides = array<i32>} : memref<80x128xf32, #tpu.memory_space<vmem>>, vector<16xf32>,
      tpu.vector_store %arg6[%swap3A_140, %swap3A_141], %broadcast_in_dim3A_3 {strides = array<i32>} : memref<80x128xf32, #tpu.memory_space<vmem>>, vector<16xf32>,
      %swap3A_143 = arith.index_cast %scan3A_121 : i32 to index
      %swap3A_144 = arith.constant 112 : index
      %swap3A_145 = tpu.vector_load %arg6[%swap3A_143, %swap3A_144] {strides = array<i32>} : memref<80x128xf32, #tpu.memory_space<vmem>>, vector<16xf32>,
      tpu.vector_store %arg6[%swap3A_143, %swap3A_144], %broadcast_in_dim3A_3 {strides = array<i32>} : memref<80x128xf32, #tpu.memory_space<vmem>>, vector<16xf32>,
      %scan3A_146 = arith.constant 0 : i32
      scf.yield %scan3A_146 : i32
    }
    %scan3A_9 = arith.constant 64 : i32
    %mul3A_10 = arith.constant 64 : i32
    %mul3A_11 = arith.muli %arg1, %mul3A_10 : i32
    "tpu.region"() ({
      %run_scoped3A = tpu.sem_alloc : memref<!tpu.dma_semaphore, #tpu.memory_space<semaphore_mem>>
      %dma_start3A_121 = arith.constant 0 : i32
      %dma_start3A_122 = arith.constant 0 : i32
      %dma_start3A_123 = tpu.memref_slice %arg6[%dma_start3A_121, %dma_start3A_122] : memref<80x128xf32, #tpu.memory_space<vmem>> -> memref<64x128xf32, #tpu.memory_space<vmem>>
      %dma_start3A_124 = arith.constant 0 : i32
      %dma_start3A_125 = tpu.memref_slice %arg13[%mul3A_11, %dma_start3A_124] : memref<1024x128xf32, #tpu.memory_space<vmem_shared>> -> memref<64x128xf32, #tpu.memory_space<vmem_shared>>
      %dma_start3A_126 = arith.constant 0 : i32
      %dma_start3A_127 = tpu.memref_slice %arg13[%mul3A_11, %dma_start3A_126] : memref<1024x128xf32, #tpu.memory_space<vmem_shared>> -> memref<64x128xf32, #tpu.memory_space<vmem_shared>>
      %dma_start3A_128 = arith.constant 0 : i32
      %dma_start3A_129 = arith.constant 0 : i32
      %dma_start3A_130 = tpu.memref_slice %arg6[%dma_start3A_128, %dma_start3A_129] : memref<80x128xf32, #tpu.memory_space<vmem>> -> memref<64x128xf32, #tpu.memory_space<vmem>>
      tpu.enqueue_dma source(%dma_start3A_130 : memref<64x128xf32, #tpu.memory_space<vmem>>) target(%dma_start3A_127 : memref<64x128xf32, #tpu.memory_space<vmem_shared>>) target_semaphore(%run_scoped3A : memref<!tpu.dma_semaphore, #tpu.memory_space<semaphore_mem>>)
      %dma_wait3A_131 = arith.constant 0 : i32
      %dma_wait3A_132 = arith.constant 0 : i32
      %dma_wait3A_133 = tpu.memref_slice %arg6[%dma_wait3A_131, %dma_wait3A_132] : memref<80x128xf32, #tpu.memory_space<vmem>> -> memref<64x128xf32, #tpu.memory_space<vmem>>
      %dma_wait3A_134 = arith.constant 0 : i32
      %dma_wait3A_135 = tpu.memref_slice %arg13[%mul3A_11, %dma_wait3A_134] : memref<1024x128xf32, #tpu.memory_space<vmem_shared>> -> memref<64x128xf32, #tpu.memory_space<vmem_shared>>
      %dma_wait3A_136 = arith.constant 0 : i32
      %dma_wait3A_137 = tpu.memref_slice %arg13[%mul3A_11, %dma_wait3A_136] : memref<1024x128xf32, #tpu.memory_space<vmem_shared>> -> memref<64x128xf32, #tpu.memory_space<vmem_shared>>
      %dma_wait3A_138 = arith.constant 0 : i32
      %dma_wait3A_139 = arith.constant 0 : i32
      %dma_wait3A_140 = tpu.memref_slice %arg6[%dma_wait3A_138, %dma_wait3A_139] : memref<80x128xf32, #tpu.memory_space<vmem>> -> memref<64x128xf32, #tpu.memory_space<vmem>>
      tpu.wait_dma2 semaphore(%run_scoped3A : memref<!tpu.dma_semaphore, #tpu.memory_space<semaphore_mem>>) src(%dma_wait3A_140 : memref<64x128xf32, #tpu.memory_space<vmem>>) dst(%dma_wait3A_137 : memref<64x128xf32, #tpu.memory_space<vmem_shared>>)
      tpu.yield
    }) : () -> ()
    %barrier3A = arith.constant 0 : index
    tpu.barrier barrier_id(%barrier3A)
    %get3A = arith.constant 0 : index
    %get3A_12 = tpu.vector_load %arg12[%get3A] {strides = array<i32>} : memref<144xf32, #tpu.memory_space<vmem>>, vector<16xf32>,
    %get3A_13 = arith.constant 16 : index
    %get3A_14 = tpu.vector_load %arg12[%get3A_13] {strides = array<i32>} : memref<144xf32, #tpu.memory_space<vmem>>, vector<16xf32>,
    %get3A_15 = arith.constant 32 : index
    %get3A_16 = tpu.vector_load %arg12[%get3A_15] {strides = array<i32>} : memref<144xf32, #tpu.memory_space<vmem>>, vector<16xf32>,
    %get3A_17 = arith.constant 48 : index
    %get3A_18 = tpu.vector_load %arg12[%get3A_17] {strides = array<i32>} : memref<144xf32, #tpu.memory_space<vmem>>, vector<16xf32>,
    %get3A_19 = arith.constant 64 : index
    %get3A_20 = tpu.vector_load %arg12[%get3A_19] {strides = array<i32>} : memref<144xf32, #tpu.memory_space<vmem>>, vector<16xf32>,
    %get3A_21 = arith.constant 80 : index
    %get3A_22 = tpu.vector_load %arg12[%get3A_21] {strides = array<i32>} : memref<144xf32, #tpu.memory_space<vmem>>, vector<16xf32>,
    %get3A_23 = arith.constant 96 : index
    %get3A_24 = tpu.vector_load %arg12[%get3A_23] {strides = array<i32>} : memref<144xf32, #tpu.memory_space<vmem>>, vector<16xf32>,
    %get3A_25 = arith.constant 112 : index
    %get3A_26 = tpu.vector_load %arg12[%get3A_25] {strides = array<i32>} : memref<144xf32, #tpu.memory_space<vmem>>, vector<16xf32>,
    %get3A_27 = arith.constant 128 : index
    %get3A_28 = tpu.vector_load %arg12[%get3A_27] {strides = array<i32>} : memref<144xf32, #tpu.memory_space<vmem>>, vector<16xf32>,
    %add3A_29 = arith.constant 0 : i32
    %add3A_30 = arith.addi %mul3A_2, %add3A_29 : i32
    %dma_start3A = arith.constant 0 : i32
    %dma_start3A_31 = tpu.memref_slice %arg2[%add3A_30, %dma_start3A] : memref<320000x128xf32, #tpu.memory_space<hbm>> -> memref<80x128xf32, #tpu.memory_space<hbm>>
    %dma_start3A_32 = arith.constant 0 : i32
    %dma_start3A_33 = tpu.memref_slice %arg2[%add3A_30, %dma_start3A_32] : memref<320000x128xf32, #tpu.memory_space<hbm>> -> memref<80x128xf32, #tpu.memory_space<hbm>>
    tpu.enqueue_dma source(%dma_start3A_33 : memref<80x128xf32, #tpu.memory_space<hbm>>) target(%arg6 : memref<80x128xf32, #tpu.memory_space<vmem>>) target_semaphore(%arg14 : memref<!tpu.dma_semaphore, #tpu.memory_space<semaphore_mem>>)
    %dma_start3A_34 = tpu.memref_slice %arg3[%add3A_30] : memref<320000xi32, #tpu.memory_space<hbm>> -> memref<80xi32, #tpu.memory_space<hbm>>
    %dma_start3A_35 = tpu.memref_slice %arg3[%add3A_30] : memref<320000xi32, #tpu.memory_space<hbm>> -> memref<80xi32, #tpu.memory_space<hbm>>
    tpu.enqueue_dma source(%dma_start3A_35 : memref<80xi32, #tpu.memory_space<hbm>>) target(%arg9 : memref<80xi32, #tpu.memory_space<vmem>>) target_semaphore(%arg17 : memref<!tpu.dma_semaphore, #tpu.memory_space<semaphore_mem>>)
    %add3A_36 = arith.constant 80 : i32
    %add3A_37 = arith.addi %mul3A_2, %add3A_36 : i32
    %dma_start3A_38 = arith.constant 0 : i32
    %dma_start3A_39 = tpu.memref_slice %arg2[%add3A_37, %dma_start3A_38] : memref<320000x128xf32, #tpu.memory_space<hbm>> -> memref<80x128xf32, #tpu.memory_space<hbm>>
    %dma_start3A_40 = arith.constant 0 : i32
    %dma_start3A_41 = tpu.memref_slice %arg2[%add3A_37, %dma_start3A_40] : memref<320000x128xf32, #tpu.memory_space<hbm>> -> memref<80x128xf32, #tpu.memory_space<hbm>>
    tpu.enqueue_dma source(%dma_start3A_41 : memref<80x128xf32, #tpu.memory_space<hbm>>) target(%arg7 : memref<80x128xf32, #tpu.memory_space<vmem>>) target_semaphore(%arg15 : memref<!tpu.dma_semaphore, #tpu.memory_space<semaphore_mem>>)
    %dma_start3A_42 = tpu.memref_slice %arg3[%add3A_37] : memref<320000xi32, #tpu.memory_space<hbm>> -> memref<80xi32, #tpu.memory_space<hbm>>
    %dma_start3A_43 = tpu.memref_slice %arg3[%add3A_37] : memref<320000xi32, #tpu.memory_space<hbm>> -> memref<80xi32, #tpu.memory_space<hbm>>
    tpu.enqueue_dma source(%dma_start3A_43 : memref<80xi32, #tpu.memory_space<hbm>>) target(%arg10 : memref<80xi32, #tpu.memory_space<vmem>>) target_semaphore(%arg18 : memref<!tpu.dma_semaphore, #tpu.memory_space<semaphore_mem>>)
    %add3A_44 = arith.constant 160 : i32
    %add3A_45 = arith.addi %mul3A_2, %add3A_44 : i32
    %dma_start3A_46 = arith.constant 0 : i32
    %dma_start3A_47 = tpu.memref_slice %arg2[%add3A_45, %dma_start3A_46] : memref<320000x128xf32, #tpu.memory_space<hbm>> -> memref<80x128xf32, #tpu.memory_space<hbm>>
    %dma_start3A_48 = arith.constant 0 : i32
    %dma_start3A_49 = tpu.memref_slice %arg2[%add3A_45, %dma_start3A_48] : memref<320000x128xf32, #tpu.memory_space<hbm>> -> memref<80x128xf32, #tpu.memory_space<hbm>>
    tpu.enqueue_dma source(%dma_start3A_49 : memref<80x128xf32, #tpu.memory_space<hbm>>) target(%arg8 : memref<80x128xf32, #tpu.memory_space<vmem>>) target_semaphore(%arg16 : memref<!tpu.dma_semaphore, #tpu.memory_space<semaphore_mem>>)
    %dma_start3A_50 = tpu.memref_slice %arg3[%add3A_45] : memref<320000xi32, #tpu.memory_space<hbm>> -> memref<80xi32, #tpu.memory_space<hbm>>
    %dma_start3A_51 = tpu.memref_slice %arg3[%add3A_45] : memref<320000xi32, #tpu.memory_space<hbm>> -> memref<80xi32, #tpu.memory_space<hbm>>
    tpu.enqueue_dma source(%dma_start3A_51 : memref<80xi32, #tpu.memory_space<hbm>>) target(%arg11 : memref<80xi32, #tpu.memory_space<vmem>>) target_semaphore(%arg19 : memref<!tpu.dma_semaphore, #tpu.memory_space<semaphore_mem>>)
    %scan3A_52 = arith.constant 0 : i32
    %scan3A_53 = arith.constant 0 : i32
    %scan3A_54 = arith.constant 26 : i32
    %scan3A_55 = arith.addi %scan3A_53, %scan3A_54 : i32
    %scan3A_56 = arith.constant 1 : i32
    %scan3A_57 = scf.for %scan3A_121 = %scan3A_53 to %scan3A_55 step %scan3A_56 iter_args(%scan3A_122 = %scan3A_52) -> (i32)  : i32 {
      %mul3A_123 = arith.constant 3 : i32
      %mul3A_124 = arith.muli %scan3A_121, %mul3A_123 : i32
      %add3A_125 = arith.constant 0 : i32
      %add3A_126 = arith.addi %mul3A_124, %add3A_125 : i32
      %dma_wait3A_127 = arith.constant 0 : i32
      %dma_wait3A_128 = arith.constant 0 : i32
      %dma_wait3A_129 = tpu.memref_slice %arg2[%dma_wait3A_127, %dma_wait3A_128] : memref<320000x128xf32, #tpu.memory_space<hbm>> -> memref<80x128xf32, #tpu.memory_space<hbm>>
      %dma_wait3A_130 = arith.constant 0 : i32
      %dma_wait3A_131 = arith.constant 0 : i32
      %dma_wait3A_132 = tpu.memref_slice %arg2[%dma_wait3A_130, %dma_wait3A_131] : memref<320000x128xf32, #tpu.memory_space<hbm>> -> memref<80x128xf32, #tpu.memory_space<hbm>>
      tpu.wait_dma2 semaphore(%arg14 : memref<!tpu.dma_semaphore, #tpu.memory_space<semaphore_mem>>) src(%dma_wait3A_132 : memref<80x128xf32, #tpu.memory_space<hbm>>) dst(%arg6 : memref<80x128xf32, #tpu.memory_space<vmem>>)
      %dma_wait3A_133 = arith.constant 0 : i32
      %dma_wait3A_134 = tpu.memref_slice %arg3[%dma_wait3A_133] : memref<320000xi32, #tpu.memory_space<hbm>> -> memref<80xi32, #tpu.memory_space<hbm>>
      %dma_wait3A_135 = arith.constant 0 : i32
      %dma_wait3A_136 = tpu.memref_slice %arg3[%dma_wait3A_135] : memref<320000xi32, #tpu.memory_space<hbm>> -> memref<80xi32, #tpu.memory_space<hbm>>
      tpu.wait_dma2 semaphore(%arg17 : memref<!tpu.dma_semaphore, #tpu.memory_space<semaphore_mem>>) src(%dma_wait3A_136 : memref<80xi32, #tpu.memory_space<hbm>>) dst(%arg9 : memref<80xi32, #tpu.memory_space<vmem>>)
      %scan3A_137 = arith.constant 0 : i32
      %scan3A_138 = arith.constant 0 : i32
      %scan3A_139 = arith.constant 20 : i32
      %scan3A_140 = arith.addi %scan3A_138, %scan3A_139 : i32
      %scan3A_141 = arith.constant 1 : i32
      %scan3A_142 = scf.for %scan3A_220 = %scan3A_138 to %scan3A_140 step %scan3A_141 iter_args(%scan3A_221 = %scan3A_137) -> (i32)  : i32 {
        %mul3A_222 = arith.constant 4 : i32
        %mul3A_223 = arith.muli %scan3A_220, %mul3A_222 : i32
        %add3A_224 = arith.constant 0 : i32
        %add3A_225 = arith.addi %mul3A_223, %add3A_224 : i32
        %get3A_226 = arith.index_cast %add3A_225 : i32 to index
        %get3A_227 = arith.constant 0 : index
        %get3A_228 = tpu.vector_load %arg6[%get3A_226, %get3A_227] {strides = array<i32>} : memref<80x128xf32, #tpu.memory_space<vmem>>, vector<16xf32>,
        %get3A_229 = arith.index_cast %add3A_225 : i32 to index
        %get3A_230 = arith.constant 16 : index
        %get3A_231 = tpu.vector_load %arg6[%get3A_229, %get3A_230] {strides = array<i32>} : memref<80x128xf32, #tpu.memory_space<vmem>>, vector<16xf32>,
        %get3A_232 = arith.index_cast %add3A_225 : i32 to index
        %get3A_233 = arith.constant 32 : index
        %get3A_234 = tpu.vector_load %arg6[%get3A_232, %get3A_233] {strides = array<i32>} : memref<80x128xf32, #tpu.memory_space<vmem>>, vector<16xf32>,
        %get3A_235 = arith.index_cast %add3A_225 : i32 to index
        %get3A_236 = arith.constant 48 : index
        %get3A_237 = tpu.vector_load %arg6[%get3A_235, %get3A_236] {strides = array<i32>} : memref<80x128xf32, #tpu.memory_space<vmem>>, vector<16xf32>,
        %get3A_238 = arith.index_cast %add3A_225 : i32 to index
        %get3A_239 = arith.constant 64 : index
        %get3A_240 = tpu.vector_load %arg6[%get3A_238, %get3A_239] {strides = array<i32>} : memref<80x128xf32, #tpu.memory_space<vmem>>, vector<16xf32>,
        %get3A_241 = arith.index_cast %add3A_225 : i32 to index
        %get3A_242 = arith.constant 80 : index
        %get3A_243 = tpu.vector_load %arg6[%get3A_241, %get3A_242] {strides = array<i32>} : memref<80x128xf32, #tpu.memory_space<vmem>>, vector<16xf32>,
        %get3A_244 = arith.index_cast %add3A_225 : i32 to index
        %get3A_245 = arith.constant 96 : index
        %get3A_246 = tpu.vector_load %arg6[%get3A_244, %get3A_245] {strides = array<i32>} : memref<80x128xf32, #tpu.memory_space<vmem>>, vector<16xf32>,
        %get3A_247 = arith.index_cast %add3A_225 : i32 to index
        %get3A_248 = arith.constant 112 : index
        %get3A_249 = tpu.vector_load %arg6[%get3A_247, %get3A_248] {strides = array<i32>} : memref<80x128xf32, #tpu.memory_space<vmem>>, vector<16xf32>,
        %mul3A_250 = arith.mulf %get3A_228, %get3A_12 : vector<16xf32>
        %mul3A_251 = arith.mulf %get3A_231, %get3A_14 : vector<16xf32>
        %add3A_252 = arith.addf %mul3A_250, %mul3A_251 : vector<16xf32>
        %mul3A_253 = arith.mulf %get3A_234, %get3A_16 : vector<16xf32>
        %add3A_254 = arith.addf %add3A_252, %mul3A_253 : vector<16xf32>
        %mul3A_255 = arith.mulf %get3A_237, %get3A_18 : vector<16xf32>
        %add3A_256 = arith.addf %add3A_254, %mul3A_255 : vector<16xf32>
        %mul3A_257 = arith.mulf %get3A_240, %get3A_20 : vector<16xf32>
        %add3A_258 = arith.addf %add3A_256, %mul3A_257 : vector<16xf32>
        %mul3A_259 = arith.mulf %get3A_243, %get3A_22 : vector<16xf32>
        %add3A_260 = arith.addf %add3A_258, %mul3A_259 : vector<16xf32>
        %mul3A_261 = arith.mulf %get3A_246, %get3A_24 : vector<16xf32>
        %add3A_262 = arith.addf %add3A_260, %mul3A_261 : vector<16xf32>
        %mul3A_263 = arith.mulf %get3A_249, %get3A_26 : vector<16xf32>
        %add3A_264 = arith.addf %add3A_262, %mul3A_263 : vector<16xf32>
        %reduce_sum3A = arith.constant true
        %reduce_sum3A_265 = vector.broadcast %reduce_sum3A : i1 to vector<16xi1>
        %reduce_sum3A_266 = tpu.scan <sum>, %add3A_264 masked %reduce_sum3A_265 : vector<16xf32>, vector<16xi1> -> vector<16xf32>
        %reduce_sum3A_267 = vector.extract %reduce_sum3A_266[15] : f32 from vector<16xf32>
        %broadcast_in_dim3A_268 = vector.broadcast %reduce_sum3A_267 : f32 to vector<16xf32>
        %add3A_269 = arith.addf %broadcast_in_dim3A_268, %get3A_28 : vector<16xf32>
        %exp3A = math.exp %add3A_269 : vector<16xf32>
        %add3A_270 = arith.constant 1.000000e+00 : f32
        %add3A_271 = vector.broadcast %add3A_270 : f32 to vector<16xf32>
        %add3A_272 = arith.addf %add3A_271, %exp3A : vector<16xf32>
        %div3A = arith.constant 1.000000e+00 : f32
        %div3A_273 = vector.broadcast %div3A : f32 to vector<16xf32>
        %div3A_274 = arith.divf %div3A_273, %add3A_272 : vector<16xf32>
        %mul3A_275 = arith.mulf %get3A_228, %div3A_274 : vector<16xf32>
        %swap3A = arith.index_cast %add3A_225 : i32 to index
        %swap3A_276 = arith.constant 0 : index
        %swap3A_277 = tpu.vector_load %arg6[%swap3A, %swap3A_276] {strides = array<i32>} : memref<80x128xf32, #tpu.memory_space<vmem>>, vector<16xf32>,
        tpu.vector_store %arg6[%swap3A, %swap3A_276], %mul3A_275 {strides = array<i32>} : memref<80x128xf32, #tpu.memory_space<vmem>>, vector<16xf32>,
        %mul3A_278 = arith.mulf %get3A_231, %div3A_274 : vector<16xf32>
        %swap3A_279 = arith.index_cast %add3A_225 : i32 to index
        %swap3A_280 = arith.constant 16 : index
        %swap3A_281 = tpu.vector_load %arg6[%swap3A_279, %swap3A_280] {strides = array<i32>} : memref<80x128xf32, #tpu.memory_space<vmem>>, vector<16xf32>,
        tpu.vector_store %arg6[%swap3A_279, %swap3A_280], %mul3A_278 {strides = array<i32>} : memref<80x128xf32, #tpu.memory_space<vmem>>, vector<16xf32>,
        %mul3A_282 = arith.mulf %get3A_234, %div3A_274 : vector<16xf32>
        %swap3A_283 = arith.index_cast %add3A_225 : i32 to index
        %swap3A_284 = arith.constant 32 : index
        %swap3A_285 = tpu.vector_load %arg6[%swap3A_283, %swap3A_284] {strides = array<i32>} : memref<80x128xf32, #tpu.memory_space<vmem>>, vector<16xf32>,
        tpu.vector_store %arg6[%swap3A_283, %swap3A_284], %mul3A_282 {strides = array<i32>} : memref<80x128xf32, #tpu.memory_space<vmem>>, vector<16xf32>,
        %mul3A_286 = arith.mulf %get3A_237, %div3A_274 : vector<16xf32>
        %swap3A_287 = arith.index_cast %add3A_225 : i32 to index
        %swap3A_288 = arith.constant 48 : index
        %swap3A_289 = tpu.vector_load %arg6[%swap3A_287, %swap3A_288] {strides = array<i32>} : memref<80x128xf32, #tpu.memory_space<vmem>>, vector<16xf32>,
        tpu.vector_store %arg6[%swap3A_287, %swap3A_288], %mul3A_286 {strides = array<i32>} : memref<80x128xf32, #tpu.memory_space<vmem>>, vector<16xf32>,
        %mul3A_290 = arith.mulf %get3A_240, %div3A_274 : vector<16xf32>
        %swap3A_291 = arith.index_cast %add3A_225 : i32 to index
        %swap3A_292 = arith.constant 64 : index
        %swap3A_293 = tpu.vector_load %arg6[%swap3A_291, %swap3A_292] {strides = array<i32>} : memref<80x128xf32, #tpu.memory_space<vmem>>, vector<16xf32>,
        tpu.vector_store %arg6[%swap3A_291, %swap3A_292], %mul3A_290 {strides = array<i32>} : memref<80x128xf32, #tpu.memory_space<vmem>>, vector<16xf32>,
        %mul3A_294 = arith.mulf %get3A_243, %div3A_274 : vector<16xf32>
        %swap3A_295 = arith.index_cast %add3A_225 : i32 to index
        %swap3A_296 = arith.constant 80 : index
        %swap3A_297 = tpu.vector_load %arg6[%swap3A_295, %swap3A_296] {strides = array<i32>} : memref<80x128xf32, #tpu.memory_space<vmem>>, vector<16xf32>,
        tpu.vector_store %arg6[%swap3A_295, %swap3A_296], %mul3A_294 {strides = array<i32>} : memref<80x128xf32, #tpu.memory_space<vmem>>, vector<16xf32>,
        %mul3A_298 = arith.mulf %get3A_246, %div3A_274 : vector<16xf32>
        %swap3A_299 = arith.index_cast %add3A_225 : i32 to index
        %swap3A_300 = arith.constant 96 : index
        %swap3A_301 = tpu.vector_load %arg6[%swap3A_299, %swap3A_300] {strides = array<i32>} : memref<80x128xf32, #tpu.memory_space<vmem>>, vector<16xf32>,
        tpu.vector_store %arg6[%swap3A_299, %swap3A_300], %mul3A_298 {strides = array<i32>} : memref<80x128xf32, #tpu.memory_space<vmem>>, vector<16xf32>,
        %mul3A_302 = arith.mulf %get3A_249, %div3A_274 : vector<16xf32>
        %swap3A_303 = arith.index_cast %add3A_225 : i32 to index
        %swap3A_304 = arith.constant 112 : index
        %swap3A_305 = tpu.vector_load %arg6[%swap3A_303, %swap3A_304] {strides = array<i32>} : memref<80x128xf32, #tpu.memory_space<vmem>>, vector<16xf32>,
        tpu.vector_store %arg6[%swap3A_303, %swap3A_304], %mul3A_302 {strides = array<i32>} : memref<80x128xf32, #tpu.memory_space<vmem>>, vector<16xf32>,
        %mul3A_306 = arith.constant 4 : i32
        %mul3A_307 = arith.muli %scan3A_220, %mul3A_306 : i32
        %add3A_308 = arith.constant 1 : i32
        %add3A_309 = arith.addi %mul3A_307, %add3A_308 : i32
        %get3A_310 = arith.index_cast %add3A_309 : i32 to index
        %get3A_311 = arith.constant 0 : index
        %get3A_312 = tpu.vector_load %arg6[%get3A_310, %get3A_311] {strides = array<i32>} : memref<80x128xf32, #tpu.memory_space<vmem>>, vector<16xf32>,
        %get3A_313 = arith.index_cast %add3A_309 : i32 to index
        %get3A_314 = arith.constant 16 : index
        %get3A_315 = tpu.vector_load %arg6[%get3A_313, %get3A_314] {strides = array<i32>} : memref<80x128xf32, #tpu.memory_space<vmem>>, vector<16xf32>,
        %get3A_316 = arith.index_cast %add3A_309 : i32 to index
        %get3A_317 = arith.constant 32 : index
        %get3A_318 = tpu.vector_load %arg6[%get3A_316, %get3A_317] {strides = array<i32>} : memref<80x128xf32, #tpu.memory_space<vmem>>, vector<16xf32>,
        %get3A_319 = arith.index_cast %add3A_309 : i32 to index
        %get3A_320 = arith.constant 48 : index
        %get3A_321 = tpu.vector_load %arg6[%get3A_319, %get3A_320] {strides = array<i32>} : memref<80x128xf32, #tpu.memory_space<vmem>>, vector<16xf32>,
        %get3A_322 = arith.index_cast %add3A_309 : i32 to index
        %get3A_323 = arith.constant 64 : index
        %get3A_324 = tpu.vector_load %arg6[%get3A_322, %get3A_323] {strides = array<i32>} : memref<80x128xf32, #tpu.memory_space<vmem>>, vector<16xf32>,
        %get3A_325 = arith.index_cast %add3A_309 : i32 to index
        %get3A_326 = arith.constant 80 : index
        %get3A_327 = tpu.vector_load %arg6[%get3A_325, %get3A_326] {strides = array<i32>} : memref<80x128xf32, #tpu.memory_space<vmem>>, vector<16xf32>,
        %get3A_328 = arith.index_cast %add3A_309 : i32 to index
        %get3A_329 = arith.constant 96 : index
        %get3A_330 = tpu.vector_load %arg6[%get3A_328, %get3A_329] {strides = array<i32>} : memref<80x128xf32, #tpu.memory_space<vmem>>, vector<16xf32>,
        %get3A_331 = arith.index_cast %add3A_309 : i32 to index
        %get3A_332 = arith.constant 112 : index
        %get3A_333 = tpu.vector_load %arg6[%get3A_331, %get3A_332] {strides = array<i32>} : memref<80x128xf32, #tpu.memory_space<vmem>>, vector<16xf32>,
        %mul3A_334 = arith.mulf %get3A_312, %get3A_12 : vector<16xf32>
        %mul3A_335 = arith.mulf %get3A_315, %get3A_14 : vector<16xf32>
        %add3A_336 = arith.addf %mul3A_334, %mul3A_335 : vector<16xf32>
        %mul3A_337 = arith.mulf %get3A_318, %get3A_16 : vector<16xf32>
        %add3A_338 = arith.addf %add3A_336, %mul3A_337 : vector<16xf32>
        %mul3A_339 = arith.mulf %get3A_321, %get3A_18 : vector<16xf32>
        %add3A_340 = arith.addf %add3A_338, %mul3A_339 : vector<16xf32>
        %mul3A_341 = arith.mulf %get3A_324, %get3A_20 : vector<16xf32>
        %add3A_342 = arith.addf %add3A_340, %mul3A_341 : vector<16xf32>
        %mul3A_343 = arith.mulf %get3A_327, %get3A_22 : vector<16xf32>
        %add3A_344 = arith.addf %add3A_342, %mul3A_343 : vector<16xf32>
        %mul3A_345 = arith.mulf %get3A_330, %get3A_24 : vector<16xf32>
        %add3A_346 = arith.addf %add3A_344, %mul3A_345 : vector<16xf32>
        %mul3A_347 = arith.mulf %get3A_333, %get3A_26 : vector<16xf32>
        %add3A_348 = arith.addf %add3A_346, %mul3A_347 : vector<16xf32>
        %reduce_sum3A_349 = arith.constant true
        %reduce_sum3A_350 = vector.broadcast %reduce_sum3A_349 : i1 to vector<16xi1>
        %reduce_sum3A_351 = tpu.scan <sum>, %add3A_348 masked %reduce_sum3A_350 : vector<16xf32>, vector<16xi1> -> vector<16xf32>
        %reduce_sum3A_352 = vector.extract %reduce_sum3A_351[15] : f32 from vector<16xf32>
        %broadcast_in_dim3A_353 = vector.broadcast %reduce_sum3A_352 : f32 to vector<16xf32>
        %add3A_354 = arith.addf %broadcast_in_dim3A_353, %get3A_28 : vector<16xf32>
        %exp3A_355 = math.exp %add3A_354 : vector<16xf32>
        %add3A_356 = arith.constant 1.000000e+00 : f32
        %add3A_357 = vector.broadcast %add3A_356 : f32 to vector<16xf32>
        %add3A_358 = arith.addf %add3A_357, %exp3A_355 : vector<16xf32>
        %div3A_359 = arith.constant 1.000000e+00 : f32
        %div3A_360 = vector.broadcast %div3A_359 : f32 to vector<16xf32>
        %div3A_361 = arith.divf %div3A_360, %add3A_358 : vector<16xf32>
        %mul3A_362 = arith.mulf %get3A_312, %div3A_361 : vector<16xf32>
        %swap3A_363 = arith.index_cast %add3A_309 : i32 to index
        %swap3A_364 = arith.constant 0 : index
        %swap3A_365 = tpu.vector_load %arg6[%swap3A_363, %swap3A_364] {strides = array<i32>} : memref<80x128xf32, #tpu.memory_space<vmem>>, vector<16xf32>,
        tpu.vector_store %arg6[%swap3A_363, %swap3A_364], %mul3A_362 {strides = array<i32>} : memref<80x128xf32, #tpu.memory_space<vmem>>, vector<16xf32>,
        %mul3A_366 = arith.mulf %get3A_315, %div3A_361 : vector<16xf32>
        %swap3A_367 = arith.index_cast %add3A_309 : i32 to index
        %swap3A_368 = arith.constant 16 : index
        %swap3A_369 = tpu.vector_load %arg6[%swap3A_367, %swap3A_368] {strides = array<i32>} : memref<80x128xf32, #tpu.memory_space<vmem>>, vector<16xf32>,
        tpu.vector_store %arg6[%swap3A_367, %swap3A_368], %mul3A_366 {strides = array<i32>} : memref<80x128xf32, #tpu.memory_space<vmem>>, vector<16xf32>,
        %mul3A_370 = arith.mulf %get3A_318, %div3A_361 : vector<16xf32>
        %swap3A_371 = arith.index_cast %add3A_309 : i32 to index
        %swap3A_372 = arith.constant 32 : index
        %swap3A_373 = tpu.vector_load %arg6[%swap3A_371, %swap3A_372] {strides = array<i32>} : memref<80x128xf32, #tpu.memory_space<vmem>>, vector<16xf32>,
        tpu.vector_store %arg6[%swap3A_371, %swap3A_372], %mul3A_370 {strides = array<i32>} : memref<80x128xf32, #tpu.memory_space<vmem>>, vector<16xf32>,
        %mul3A_374 = arith.mulf %get3A_321, %div3A_361 : vector<16xf32>
        %swap3A_375 = arith.index_cast %add3A_309 : i32 to index
        %swap3A_376 = arith.constant 48 : index
        %swap3A_377 = tpu.vector_load %arg6[%swap3A_375, %swap3A_376] {strides = array<i32>} : memref<80x128xf32, #tpu.memory_space<vmem>>, vector<16xf32>,
        tpu.vector_store %arg6[%swap3A_375, %swap3A_376], %mul3A_374 {strides = array<i32>} : memref<80x128xf32, #tpu.memory_space<vmem>>, vector<16xf32>,
        %mul3A_378 = arith.mulf %get3A_324, %div3A_361 : vector<16xf32>
        %swap3A_379 = arith.index_cast %add3A_309 : i32 to index
        %swap3A_380 = arith.constant 64 : index
        %swap3A_381 = tpu.vector_load %arg6[%swap3A_379, %swap3A_380] {strides = array<i32>} : memref<80x128xf32, #tpu.memory_space<vmem>>, vector<16xf32>,
        tpu.vector_store %arg6[%swap3A_379, %swap3A_380], %mul3A_378 {strides = array<i32>} : memref<80x128xf32, #tpu.memory_space<vmem>>, vector<16xf32>,
        %mul3A_382 = arith.mulf %get3A_327, %div3A_361 : vector<16xf32>
        %swap3A_383 = arith.index_cast %add3A_309 : i32 to index
        %swap3A_384 = arith.constant 80 : index
        %swap3A_385 = tpu.vector_load %arg6[%swap3A_383, %swap3A_384] {strides = array<i32>} : memref<80x128xf32, #tpu.memory_space<vmem>>, vector<16xf32>,
        tpu.vector_store %arg6[%swap3A_383, %swap3A_384], %mul3A_382 {strides = array<i32>} : memref<80x128xf32, #tpu.memory_space<vmem>>, vector<16xf32>,
        %mul3A_386 = arith.mulf %get3A_330, %div3A_361 : vector<16xf32>
        %swap3A_387 = arith.index_cast %add3A_309 : i32 to index
        %swap3A_388 = arith.constant 96 : index
        %swap3A_389 = tpu.vector_load %arg6[%swap3A_387, %swap3A_388] {strides = array<i32>} : memref<80x128xf32, #tpu.memory_space<vmem>>, vector<16xf32>,
        tpu.vector_store %arg6[%swap3A_387, %swap3A_388], %mul3A_386 {strides = array<i32>} : memref<80x128xf32, #tpu.memory_space<vmem>>, vector<16xf32>,
        %mul3A_390 = arith.mulf %get3A_333, %div3A_361 : vector<16xf32>
        %swap3A_391 = arith.index_cast %add3A_309 : i32 to index
        %swap3A_392 = arith.constant 112 : index
        %swap3A_393 = tpu.vector_load %arg6[%swap3A_391, %swap3A_392] {strides = array<i32>} : memref<80x128xf32, #tpu.memory_space<vmem>>, vector<16xf32>,
        tpu.vector_store %arg6[%swap3A_391, %swap3A_392], %mul3A_390 {strides = array<i32>} : memref<80x128xf32, #tpu.memory_space<vmem>>, vector<16xf32>,
        %mul3A_394 = arith.constant 4 : i32
        %mul3A_395 = arith.muli %scan3A_220, %mul3A_394 : i32
        %add3A_396 = arith.constant 2 : i32
        %add3A_397 = arith.addi %mul3A_395, %add3A_396 : i32
        %get3A_398 = arith.index_cast %add3A_397 : i32 to index
        %get3A_399 = arith.constant 0 : index
        %get3A_400 = tpu.vector_load %arg6[%get3A_398, %get3A_399] {strides = array<i32>} : memref<80x128xf32, #tpu.memory_space<vmem>>, vector<16xf32>,
        %get3A_401 = arith.index_cast %add3A_397 : i32 to index
        %get3A_402 = arith.constant 16 : index
        %get3A_403 = tpu.vector_load %arg6[%get3A_401, %get3A_402] {strides = array<i32>} : memref<80x128xf32, #tpu.memory_space<vmem>>, vector<16xf32>,
        %get3A_404 = arith.index_cast %add3A_397 : i32 to index
        %get3A_405 = arith.constant 32 : index
        %get3A_406 = tpu.vector_load %arg6[%get3A_404, %get3A_405] {strides = array<i32>} : memref<80x128xf32, #tpu.memory_space<vmem>>, vector<16xf32>,
        %get3A_407 = arith.index_cast %add3A_397 : i32 to index
        %get3A_408 = arith.constant 48 : index
        %get3A_409 = tpu.vector_load %arg6[%get3A_407, %get3A_408] {strides = array<i32>} : memref<80x128xf32, #tpu.memory_space<vmem>>, vector<16xf32>,
        %get3A_410 = arith.index_cast %add3A_397 : i32 to index
        %get3A_411 = arith.constant 64 : index
        %get3A_412 = tpu.vector_load %arg6[%get3A_410, %get3A_411] {strides = array<i32>} : memref<80x128xf32, #tpu.memory_space<vmem>>, vector<16xf32>,
        %get3A_413 = arith.index_cast %add3A_397 : i32 to index
        %get3A_414 = arith.constant 80 : index
        %get3A_415 = tpu.vector_load %arg6[%get3A_413, %get3A_414] {strides = array<i32>} : memref<80x128xf32, #tpu.memory_space<vmem>>, vector<16xf32>,
        %get3A_416 = arith.index_cast %add3A_397 : i32 to index
        %get3A_417 = arith.constant 96 : index
        %get3A_418 = tpu.vector_load %arg6[%get3A_416, %get3A_417] {strides = array<i32>} : memref<80x128xf32, #tpu.memory_space<vmem>>, vector<16xf32>,
        %get3A_419 = arith.index_cast %add3A_397 : i32 to index
        %get3A_420 = arith.constant 112 : index
        %get3A_421 = tpu.vector_load %arg6[%get3A_419, %get3A_420] {strides = array<i32>} : memref<80x128xf32, #tpu.memory_space<vmem>>, vector<16xf32>,
        %mul3A_422 = arith.mulf %get3A_400, %get3A_12 : vector<16xf32>
        %mul3A_423 = arith.mulf %get3A_403, %get3A_14 : vector<16xf32>
        %add3A_424 = arith.addf %mul3A_422, %mul3A_423 : vector<16xf32>
        %mul3A_425 = arith.mulf %get3A_406, %get3A_16 : vector<16xf32>
        %add3A_426 = arith.addf %add3A_424, %mul3A_425 : vector<16xf32>
        %mul3A_427 = arith.mulf %get3A_409, %get3A_18 : vector<16xf32>
        %add3A_428 = arith.addf %add3A_426, %mul3A_427 : vector<16xf32>
        %mul3A_429 = arith.mulf %get3A_412, %get3A_20 : vector<16xf32>
        %add3A_430 = arith.addf %add3A_428, %mul3A_429 : vector<16xf32>
        %mul3A_431 = arith.mulf %get3A_415, %get3A_22 : vector<16xf32>
        %add3A_432 = arith.addf %add3A_430, %mul3A_431 : vector<16xf32>
        %mul3A_433 = arith.mulf %get3A_418, %get3A_24 : vector<16xf32>
        %add3A_434 = arith.addf %add3A_432, %mul3A_433 : vector<16xf32>
        %mul3A_435 = arith.mulf %get3A_421, %get3A_26 : vector<16xf32>
        %add3A_436 = arith.addf %add3A_434, %mul3A_435 : vector<16xf32>
        %reduce_sum3A_437 = arith.constant true
        %reduce_sum3A_438 = vector.broadcast %reduce_sum3A_437 : i1 to vector<16xi1>
        %reduce_sum3A_439 = tpu.scan <sum>, %add3A_436 masked %reduce_sum3A_438 : vector<16xf32>, vector<16xi1> -> vector<16xf32>
        %reduce_sum3A_440 = vector.extract %reduce_sum3A_439[15] : f32 from vector<16xf32>
        %broadcast_in_dim3A_441 = vector.broadcast %reduce_sum3A_440 : f32 to vector<16xf32>
        %add3A_442 = arith.addf %broadcast_in_dim3A_441, %get3A_28 : vector<16xf32>
        %exp3A_443 = math.exp %add3A_442 : vector<16xf32>
        %add3A_444 = arith.constant 1.000000e+00 : f32
        %add3A_445 = vector.broadcast %add3A_444 : f32 to vector<16xf32>
        %add3A_446 = arith.addf %add3A_445, %exp3A_443 : vector<16xf32>
        %div3A_447 = arith.constant 1.000000e+00 : f32
        %div3A_448 = vector.broadcast %div3A_447 : f32 to vector<16xf32>
        %div3A_449 = arith.divf %div3A_448, %add3A_446 : vector<16xf32>
        %mul3A_450 = arith.mulf %get3A_400, %div3A_449 : vector<16xf32>
        %swap3A_451 = arith.index_cast %add3A_397 : i32 to index
        %swap3A_452 = arith.constant 0 : index
        %swap3A_453 = tpu.vector_load %arg6[%swap3A_451, %swap3A_452] {strides = array<i32>} : memref<80x128xf32, #tpu.memory_space<vmem>>, vector<16xf32>,
        tpu.vector_store %arg6[%swap3A_451, %swap3A_452], %mul3A_450 {strides = array<i32>} : memref<80x128xf32, #tpu.memory_space<vmem>>, vector<16xf32>,
        %mul3A_454 = arith.mulf %get3A_403, %div3A_449 : vector<16xf32>
        %swap3A_455 = arith.index_cast %add3A_397 : i32 to index
        %swap3A_456 = arith.constant 16 : index
        %swap3A_457 = tpu.vector_load %arg6[%swap3A_455, %swap3A_456] {strides = array<i32>} : memref<80x128xf32, #tpu.memory_space<vmem>>, vector<16xf32>,
        tpu.vector_store %arg6[%swap3A_455, %swap3A_456], %mul3A_454 {strides = array<i32>} : memref<80x128xf32, #tpu.memory_space<vmem>>, vector<16xf32>,
        %mul3A_458 = arith.mulf %get3A_406, %div3A_449 : vector<16xf32>
        %swap3A_459 = arith.index_cast %add3A_397 : i32 to index
        %swap3A_460 = arith.constant 32 : index
        %swap3A_461 = tpu.vector_load %arg6[%swap3A_459, %swap3A_460] {strides = array<i32>} : memref<80x128xf32, #tpu.memory_space<vmem>>, vector<16xf32>,
        tpu.vector_store %arg6[%swap3A_459, %swap3A_460], %mul3A_458 {strides = array<i32>} : memref<80x128xf32, #tpu.memory_space<vmem>>, vector<16xf32>,
        %mul3A_462 = arith.mulf %get3A_409, %div3A_449 : vector<16xf32>
        %swap3A_463 = arith.index_cast %add3A_397 : i32 to index
        %swap3A_464 = arith.constant 48 : index
        %swap3A_465 = tpu.vector_load %arg6[%swap3A_463, %swap3A_464] {strides = array<i32>} : memref<80x128xf32, #tpu.memory_space<vmem>>, vector<16xf32>,
        tpu.vector_store %arg6[%swap3A_463, %swap3A_464], %mul3A_462 {strides = array<i32>} : memref<80x128xf32, #tpu.memory_space<vmem>>, vector<16xf32>,
        %mul3A_466 = arith.mulf %get3A_412, %div3A_449 : vector<16xf32>
        %swap3A_467 = arith.index_cast %add3A_397 : i32 to index
        %swap3A_468 = arith.constant 64 : index
        %swap3A_469 = tpu.vector_load %arg6[%swap3A_467, %swap3A_468] {strides = array<i32>} : memref<80x128xf32, #tpu.memory_space<vmem>>, vector<16xf32>,
        tpu.vector_store %arg6[%swap3A_467, %swap3A_468], %mul3A_466 {strides = array<i32>} : memref<80x128xf32, #tpu.memory_space<vmem>>, vector<16xf32>,
        %mul3A_470 = arith.mulf %get3A_415, %div3A_449 : vector<16xf32>
        %swap3A_471 = arith.index_cast %add3A_397 : i32 to index
        %swap3A_472 = arith.constant 80 : index
        %swap3A_473 = tpu.vector_load %arg6[%swap3A_471, %swap3A_472] {strides = array<i32>} : memref<80x128xf32, #tpu.memory_space<vmem>>, vector<16xf32>,
        tpu.vector_store %arg6[%swap3A_471, %swap3A_472], %mul3A_470 {strides = array<i32>} : memref<80x128xf32, #tpu.memory_space<vmem>>, vector<16xf32>,
        %mul3A_474 = arith.mulf %get3A_418, %div3A_449 : vector<16xf32>
        %swap3A_475 = arith.index_cast %add3A_397 : i32 to index
        %swap3A_476 = arith.constant 96 : index
        %swap3A_477 = tpu.vector_load %arg6[%swap3A_475, %swap3A_476] {strides = array<i32>} : memref<80x128xf32, #tpu.memory_space<vmem>>, vector<16xf32>,
        tpu.vector_store %arg6[%swap3A_475, %swap3A_476], %mul3A_474 {strides = array<i32>} : memref<80x128xf32, #tpu.memory_space<vmem>>, vector<16xf32>,
        %mul3A_478 = arith.mulf %get3A_421, %div3A_449 : vector<16xf32>
        %swap3A_479 = arith.index_cast %add3A_397 : i32 to index
        %swap3A_480 = arith.constant 112 : index
        %swap3A_481 = tpu.vector_load %arg6[%swap3A_479, %swap3A_480] {strides = array<i32>} : memref<80x128xf32, #tpu.memory_space<vmem>>, vector<16xf32>,
        tpu.vector_store %arg6[%swap3A_479, %swap3A_480], %mul3A_478 {strides = array<i32>} : memref<80x128xf32, #tpu.memory_space<vmem>>, vector<16xf32>,
        %mul3A_482 = arith.constant 4 : i32
        %mul3A_483 = arith.muli %scan3A_220, %mul3A_482 : i32
        %add3A_484 = arith.constant 3 : i32
        %add3A_485 = arith.addi %mul3A_483, %add3A_484 : i32
        %get3A_486 = arith.index_cast %add3A_485 : i32 to index
        %get3A_487 = arith.constant 0 : index
        %get3A_488 = tpu.vector_load %arg6[%get3A_486, %get3A_487] {strides = array<i32>} : memref<80x128xf32, #tpu.memory_space<vmem>>, vector<16xf32>,
        %get3A_489 = arith.index_cast %add3A_485 : i32 to index
        %get3A_490 = arith.constant 16 : index
        %get3A_491 = tpu.vector_load %arg6[%get3A_489, %get3A_490] {strides = array<i32>} : memref<80x128xf32, #tpu.memory_space<vmem>>, vector<16xf32>,
        %get3A_492 = arith.index_cast %add3A_485 : i32 to index
        %get3A_493 = arith.constant 32 : index
        %get3A_494 = tpu.vector_load %arg6[%get3A_492, %get3A_493] {strides = array<i32>} : memref<80x128xf32, #tpu.memory_space<vmem>>, vector<16xf32>,
        %get3A_495 = arith.index_cast %add3A_485 : i32 to index
        %get3A_496 = arith.constant 48 : index
        %get3A_497 = tpu.vector_load %arg6[%get3A_495, %get3A_496] {strides = array<i32>} : memref<80x128xf32, #tpu.memory_space<vmem>>, vector<16xf32>,
        %get3A_498 = arith.index_cast %add3A_485 : i32 to index
        %get3A_499 = arith.constant 64 : index
        %get3A_500 = tpu.vector_load %arg6[%get3A_498, %get3A_499] {strides = array<i32>} : memref<80x128xf32, #tpu.memory_space<vmem>>, vector<16xf32>,
        %get3A_501 = arith.index_cast %add3A_485 : i32 to index
        %get3A_502 = arith.constant 80 : index
        %get3A_503 = tpu.vector_load %arg6[%get3A_501, %get3A_502] {strides = array<i32>} : memref<80x128xf32, #tpu.memory_space<vmem>>, vector<16xf32>,
        %get3A_504 = arith.index_cast %add3A_485 : i32 to index
        %get3A_505 = arith.constant 96 : index
        %get3A_506 = tpu.vector_load %arg6[%get3A_504, %get3A_505] {strides = array<i32>} : memref<80x128xf32, #tpu.memory_space<vmem>>, vector<16xf32>,
        %get3A_507 = arith.index_cast %add3A_485 : i32 to index
        %get3A_508 = arith.constant 112 : index
        %get3A_509 = tpu.vector_load %arg6[%get3A_507, %get3A_508] {strides = array<i32>} : memref<80x128xf32, #tpu.memory_space<vmem>>, vector<16xf32>,
        %mul3A_510 = arith.mulf %get3A_488, %get3A_12 : vector<16xf32>
        %mul3A_511 = arith.mulf %get3A_491, %get3A_14 : vector<16xf32>
        %add3A_512 = arith.addf %mul3A_510, %mul3A_511 : vector<16xf32>
        %mul3A_513 = arith.mulf %get3A_494, %get3A_16 : vector<16xf32>
        %add3A_514 = arith.addf %add3A_512, %mul3A_513 : vector<16xf32>
        %mul3A_515 = arith.mulf %get3A_497, %get3A_18 : vector<16xf32>
        %add3A_516 = arith.addf %add3A_514, %mul3A_515 : vector<16xf32>
        %mul3A_517 = arith.mulf %get3A_500, %get3A_20 : vector<16xf32>
        %add3A_518 = arith.addf %add3A_516, %mul3A_517 : vector<16xf32>
        %mul3A_519 = arith.mulf %get3A_503, %get3A_22 : vector<16xf32>
        %add3A_520 = arith.addf %add3A_518, %mul3A_519 : vector<16xf32>
        %mul3A_521 = arith.mulf %get3A_506, %get3A_24 : vector<16xf32>
        %add3A_522 = arith.addf %add3A_520, %mul3A_521 : vector<16xf32>
        %mul3A_523 = arith.mulf %get3A_509, %get3A_26 : vector<16xf32>
        %add3A_524 = arith.addf %add3A_522, %mul3A_523 : vector<16xf32>
        %reduce_sum3A_525 = arith.constant true
        %reduce_sum3A_526 = vector.broadcast %reduce_sum3A_525 : i1 to vector<16xi1>
        %reduce_sum3A_527 = tpu.scan <sum>, %add3A_524 masked %reduce_sum3A_526 : vector<16xf32>, vector<16xi1> -> vector<16xf32>
        %reduce_sum3A_528 = vector.extract %reduce_sum3A_527[15] : f32 from vector<16xf32>
        %broadcast_in_dim3A_529 = vector.broadcast %reduce_sum3A_528 : f32 to vector<16xf32>
        %add3A_530 = arith.addf %broadcast_in_dim3A_529, %get3A_28 : vector<16xf32>
        %exp3A_531 = math.exp %add3A_530 : vector<16xf32>
        %add3A_532 = arith.constant 1.000000e+00 : f32
        %add3A_533 = vector.broadcast %add3A_532 : f32 to vector<16xf32>
        %add3A_534 = arith.addf %add3A_533, %exp3A_531 : vector<16xf32>
        %div3A_535 = arith.constant 1.000000e+00 : f32
        %div3A_536 = vector.broadcast %div3A_535 : f32 to vector<16xf32>
        %div3A_537 = arith.divf %div3A_536, %add3A_534 : vector<16xf32>
        %mul3A_538 = arith.mulf %get3A_488, %div3A_537 : vector<16xf32>
        %swap3A_539 = arith.index_cast %add3A_485 : i32 to index
        %swap3A_540 = arith.constant 0 : index
        %swap3A_541 = tpu.vector_load %arg6[%swap3A_539, %swap3A_540] {strides = array<i32>} : memref<80x128xf32, #tpu.memory_space<vmem>>, vector<16xf32>,
        tpu.vector_store %arg6[%swap3A_539, %swap3A_540], %mul3A_538 {strides = array<i32>} : memref<80x128xf32, #tpu.memory_space<vmem>>, vector<16xf32>,
        %mul3A_542 = arith.mulf %get3A_491, %div3A_537 : vector<16xf32>
        %swap3A_543 = arith.index_cast %add3A_485 : i32 to index
        %swap3A_544 = arith.constant 16 : index
        %swap3A_545 = tpu.vector_load %arg6[%swap3A_543, %swap3A_544] {strides = array<i32>} : memref<80x128xf32, #tpu.memory_space<vmem>>, vector<16xf32>,
        tpu.vector_store %arg6[%swap3A_543, %swap3A_544], %mul3A_542 {strides = array<i32>} : memref<80x128xf32, #tpu.memory_space<vmem>>, vector<16xf32>,
        %mul3A_546 = arith.mulf %get3A_494, %div3A_537 : vector<16xf32>
        %swap3A_547 = arith.index_cast %add3A_485 : i32 to index
        %swap3A_548 = arith.constant 32 : index
        %swap3A_549 = tpu.vector_load %arg6[%swap3A_547, %swap3A_548] {strides = array<i32>} : memref<80x128xf32, #tpu.memory_space<vmem>>, vector<16xf32>,
        tpu.vector_store %arg6[%swap3A_547, %swap3A_548], %mul3A_546 {strides = array<i32>} : memref<80x128xf32, #tpu.memory_space<vmem>>, vector<16xf32>,
        %mul3A_550 = arith.mulf %get3A_497, %div3A_537 : vector<16xf32>
        %swap3A_551 = arith.index_cast %add3A_485 : i32 to index
        %swap3A_552 = arith.constant 48 : index
        %swap3A_553 = tpu.vector_load %arg6[%swap3A_551, %swap3A_552] {strides = array<i32>} : memref<80x128xf32, #tpu.memory_space<vmem>>, vector<16xf32>,
        tpu.vector_store %arg6[%swap3A_551, %swap3A_552], %mul3A_550 {strides = array<i32>} : memref<80x128xf32, #tpu.memory_space<vmem>>, vector<16xf32>,
        %mul3A_554 = arith.mulf %get3A_500, %div3A_537 : vector<16xf32>
        %swap3A_555 = arith.index_cast %add3A_485 : i32 to index
        %swap3A_556 = arith.constant 64 : index
        %swap3A_557 = tpu.vector_load %arg6[%swap3A_555, %swap3A_556] {strides = array<i32>} : memref<80x128xf32, #tpu.memory_space<vmem>>, vector<16xf32>,
        tpu.vector_store %arg6[%swap3A_555, %swap3A_556], %mul3A_554 {strides = array<i32>} : memref<80x128xf32, #tpu.memory_space<vmem>>, vector<16xf32>,
        %mul3A_558 = arith.mulf %get3A_503, %div3A_537 : vector<16xf32>
        %swap3A_559 = arith.index_cast %add3A_485 : i32 to index
        %swap3A_560 = arith.constant 80 : index
        %swap3A_561 = tpu.vector_load %arg6[%swap3A_559, %swap3A_560] {strides = array<i32>} : memref<80x128xf32, #tpu.memory_space<vmem>>, vector<16xf32>,
        tpu.vector_store %arg6[%swap3A_559, %swap3A_560], %mul3A_558 {strides = array<i32>} : memref<80x128xf32, #tpu.memory_space<vmem>>, vector<16xf32>,
        %mul3A_562 = arith.mulf %get3A_506, %div3A_537 : vector<16xf32>
        %swap3A_563 = arith.index_cast %add3A_485 : i32 to index
        %swap3A_564 = arith.constant 96 : index
        %swap3A_565 = tpu.vector_load %arg6[%swap3A_563, %swap3A_564] {strides = array<i32>} : memref<80x128xf32, #tpu.memory_space<vmem>>, vector<16xf32>,
        tpu.vector_store %arg6[%swap3A_563, %swap3A_564], %mul3A_562 {strides = array<i32>} : memref<80x128xf32, #tpu.memory_space<vmem>>, vector<16xf32>,
        %mul3A_566 = arith.mulf %get3A_509, %div3A_537 : vector<16xf32>
        %swap3A_567 = arith.index_cast %add3A_485 : i32 to index
        %swap3A_568 = arith.constant 112 : index
        %swap3A_569 = tpu.vector_load %arg6[%swap3A_567, %swap3A_568] {strides = array<i32>} : memref<80x128xf32, #tpu.memory_space<vmem>>, vector<16xf32>,
        tpu.vector_store %arg6[%swap3A_567, %swap3A_568], %mul3A_566 {strides = array<i32>} : memref<80x128xf32, #tpu.memory_space<vmem>>, vector<16xf32>,
        %scan3A_570 = arith.constant 0 : i32
        scf.yield %scan3A_570 : i32
      }
      %scan3A_143 = arith.constant 20 : i32
      %dma_start3A_144 = arith.constant 0 : i32
      %dma_start3A_145 = arith.constant 0 : i32
      %dma_start3A_146 = tpu.memref_slice %arg13[%dma_start3A_144, %dma_start3A_145] : memref<1024x128xf32, #tpu.memory_space<vmem_shared>> -> memref<1024x128xf32, #tpu.memory_space<vmem_shared>>
      tpu.enqueue_indirect_dma source(%arg6 : memref<80x128xf32, #tpu.memory_space<vmem>>) target(%dma_start3A_146 : memref<1024x128xf32, #tpu.memory_space<vmem_shared>>) offsets(%arg9 : memref<80xi32, #tpu.memory_space<vmem>>) semaphore(%arg20 : memref<!tpu.dma_semaphore, #tpu.memory_space<semaphore_mem>>) {add = true}
      %ge3A = arith.constant 1 : i32
      %ge3A_147 = arith.cmpi sge, %add3A_126, %ge3A : i32
      %add3A_148 = arith.constant 2 : i32
      %add3A_149 = arith.addi %add3A_126, %add3A_148 : i32
      %lt3A = arith.constant 80 : i32
      %lt3A_150 = arith.cmpi slt, %add3A_149, %lt3A : i32
      %and3A_151 = arith.andi %ge3A_147, %lt3A_150 : i1
      %convert_element_type3A_152 = arith.extui %and3A_151 : i1 to i32
      %cond3A_153 = arith.constant 0 : i32
      %cond3A_154 = arith.cmpi ne, %convert_element_type3A_152, %cond3A_153 : i32
      scf.if %cond3A_154 {
        %dma_wait3A_220 = arith.constant 0 : i32
        %dma_wait3A_221 = arith.constant 0 : i32
        %dma_wait3A_222 = tpu.memref_slice %arg13[%dma_wait3A_220, %dma_wait3A_221] : memref<1024x128xf32, #tpu.memory_space<vmem_shared>> -> memref<1024x128xf32, #tpu.memory_space<vmem_shared>>
        tpu.wait_indirect_dma semaphore(%arg22 : memref<!tpu.dma_semaphore, #tpu.memory_space<semaphore_mem>>) src(%arg8 : memref<80x128xf32, #tpu.memory_space<vmem>>) dst(%dma_wait3A_222 : memref<1024x128xf32, #tpu.memory_space<vmem_shared>>)
        %add3A_223 = arith.constant 2 : i32
        %add3A_224 = arith.addi %add3A_126, %add3A_223 : i32
        %mul3A_225 = arith.constant 80 : i32
        %mul3A_226 = arith.muli %add3A_224, %mul3A_225 : i32
        %add3A_227 = arith.addi %mul3A_2, %mul3A_226 : i32
        %dma_start3A_228 = arith.constant 0 : i32
        %dma_start3A_229 = tpu.memref_slice %arg2[%add3A_227, %dma_start3A_228] : memref<320000x128xf32, #tpu.memory_space<hbm>> -> memref<80x128xf32, #tpu.memory_space<hbm>>
        %dma_start3A_230 = arith.constant 0 : i32
        %dma_start3A_231 = tpu.memref_slice %arg2[%add3A_227, %dma_start3A_230] : memref<320000x128xf32, #tpu.memory_space<hbm>> -> memref<80x128xf32, #tpu.memory_space<hbm>>
        tpu.enqueue_dma source(%dma_start3A_231 : memref<80x128xf32, #tpu.memory_space<hbm>>) target(%arg8 : memref<80x128xf32, #tpu.memory_space<vmem>>) target_semaphore(%arg16 : memref<!tpu.dma_semaphore, #tpu.memory_space<semaphore_mem>>)
        %dma_start3A_232 = tpu.memref_slice %arg3[%add3A_227] : memref<320000xi32, #tpu.memory_space<hbm>> -> memref<80xi32, #tpu.memory_space<hbm>>
        %dma_start3A_233 = tpu.memref_slice %arg3[%add3A_227] : memref<320000xi32, #tpu.memory_space<hbm>> -> memref<80xi32, #tpu.memory_space<hbm>>
        tpu.enqueue_dma source(%dma_start3A_233 : memref<80xi32, #tpu.memory_space<hbm>>) target(%arg11 : memref<80xi32, #tpu.memory_space<vmem>>) target_semaphore(%arg19 : memref<!tpu.dma_semaphore, #tpu.memory_space<semaphore_mem>>)
      } else {
      }
      %add3A_155 = arith.constant 1 : i32
      %add3A_156 = arith.addi %mul3A_124, %add3A_155 : i32
      %dma_wait3A_157 = arith.constant 0 : i32
      %dma_wait3A_158 = arith.constant 0 : i32
      %dma_wait3A_159 = tpu.memref_slice %arg2[%dma_wait3A_157, %dma_wait3A_158] : memref<320000x128xf32, #tpu.memory_space<hbm>> -> memref<80x128xf32, #tpu.memory_space<hbm>>
      %dma_wait3A_160 = arith.constant 0 : i32
      %dma_wait3A_161 = arith.constant 0 : i32
      %dma_wait3A_162 = tpu.memref_slice %arg2[%dma_wait3A_160, %dma_wait3A_161] : memref<320000x128xf32, #tpu.memory_space<hbm>> -> memref<80x128xf32, #tpu.memory_space<hbm>>
      tpu.wait_dma2 semaphore(%arg15 : memref<!tpu.dma_semaphore, #tpu.memory_space<semaphore_mem>>) src(%dma_wait3A_162 : memref<80x128xf32, #tpu.memory_space<hbm>>) dst(%arg7 : memref<80x128xf32, #tpu.memory_space<vmem>>)
      %dma_wait3A_163 = arith.constant 0 : i32
      %dma_wait3A_164 = tpu.memref_slice %arg3[%dma_wait3A_163] : memref<320000xi32, #tpu.memory_space<hbm>> -> memref<80xi32, #tpu.memory_space<hbm>>
      %dma_wait3A_165 = arith.constant 0 : i32
      %dma_wait3A_166 = tpu.memref_slice %arg3[%dma_wait3A_165] : memref<320000xi32, #tpu.memory_space<hbm>> -> memref<80xi32, #tpu.memory_space<hbm>>
      tpu.wait_dma2 semaphore(%arg18 : memref<!tpu.dma_semaphore, #tpu.memory_space<semaphore_mem>>) src(%dma_wait3A_166 : memref<80xi32, #tpu.memory_space<hbm>>) dst(%arg10 : memref<80xi32, #tpu.memory_space<vmem>>)
      %scan3A_167 = arith.constant 0 : i32
      %scan3A_168 = arith.constant 0 : i32
      %scan3A_169 = arith.constant 20 : i32
      %scan3A_170 = arith.addi %scan3A_168, %scan3A_169 : i32
      %scan3A_171 = arith.constant 1 : i32
      %scan3A_172 = scf.for %scan3A_220 = %scan3A_168 to %scan3A_170 step %scan3A_171 iter_args(%scan3A_221 = %scan3A_167) -> (i32)  : i32 {
        %mul3A_222 = arith.constant 4 : i32
        %mul3A_223 = arith.muli %scan3A_220, %mul3A_222 : i32
        %add3A_224 = arith.constant 0 : i32
        %add3A_225 = arith.addi %mul3A_223, %add3A_224 : i32
        %get3A_226 = arith.index_cast %add3A_225 : i32 to index
        %get3A_227 = arith.constant 0 : index
        %get3A_228 = tpu.vector_load %arg7[%get3A_226, %get3A_227] {strides = array<i32>} : memref<80x128xf32, #tpu.memory_space<vmem>>, vector<16xf32>,
        %get3A_229 = arith.index_cast %add3A_225 : i32 to index
        %get3A_230 = arith.constant 16 : index
        %get3A_231 = tpu.vector_load %arg7[%get3A_229, %get3A_230] {strides = array<i32>} : memref<80x128xf32, #tpu.memory_space<vmem>>, vector<16xf32>,
        %get3A_232 = arith.index_cast %add3A_225 : i32 to index
        %get3A_233 = arith.constant 32 : index
        %get3A_234 = tpu.vector_load %arg7[%get3A_232, %get3A_233] {strides = array<i32>} : memref<80x128xf32, #tpu.memory_space<vmem>>, vector<16xf32>,
        %get3A_235 = arith.index_cast %add3A_225 : i32 to index
        %get3A_236 = arith.constant 48 : index
        %get3A_237 = tpu.vector_load %arg7[%get3A_235, %get3A_236] {strides = array<i32>} : memref<80x128xf32, #tpu.memory_space<vmem>>, vector<16xf32>,
        %get3A_238 = arith.index_cast %add3A_225 : i32 to index
        %get3A_239 = arith.constant 64 : index
        %get3A_240 = tpu.vector_load %arg7[%get3A_238, %get3A_239] {strides = array<i32>} : memref<80x128xf32, #tpu.memory_space<vmem>>, vector<16xf32>,
        %get3A_241 = arith.index_cast %add3A_225 : i32 to index
        %get3A_242 = arith.constant 80 : index
        %get3A_243 = tpu.vector_load %arg7[%get3A_241, %get3A_242] {strides = array<i32>} : memref<80x128xf32, #tpu.memory_space<vmem>>, vector<16xf32>,
        %get3A_244 = arith.index_cast %add3A_225 : i32 to index
        %get3A_245 = arith.constant 96 : index
        %get3A_246 = tpu.vector_load %arg7[%get3A_244, %get3A_245] {strides = array<i32>} : memref<80x128xf32, #tpu.memory_space<vmem>>, vector<16xf32>,
        %get3A_247 = arith.index_cast %add3A_225 : i32 to index
        %get3A_248 = arith.constant 112 : index
        %get3A_249 = tpu.vector_load %arg7[%get3A_247, %get3A_248] {strides = array<i32>} : memref<80x128xf32, #tpu.memory_space<vmem>>, vector<16xf32>,
        %mul3A_250 = arith.mulf %get3A_228, %get3A_12 : vector<16xf32>
        %mul3A_251 = arith.mulf %get3A_231, %get3A_14 : vector<16xf32>
        %add3A_252 = arith.addf %mul3A_250, %mul3A_251 : vector<16xf32>
        %mul3A_253 = arith.mulf %get3A_234, %get3A_16 : vector<16xf32>
        %add3A_254 = arith.addf %add3A_252, %mul3A_253 : vector<16xf32>
        %mul3A_255 = arith.mulf %get3A_237, %get3A_18 : vector<16xf32>
        %add3A_256 = arith.addf %add3A_254, %mul3A_255 : vector<16xf32>
        %mul3A_257 = arith.mulf %get3A_240, %get3A_20 : vector<16xf32>
        %add3A_258 = arith.addf %add3A_256, %mul3A_257 : vector<16xf32>
        %mul3A_259 = arith.mulf %get3A_243, %get3A_22 : vector<16xf32>
        %add3A_260 = arith.addf %add3A_258, %mul3A_259 : vector<16xf32>
        %mul3A_261 = arith.mulf %get3A_246, %get3A_24 : vector<16xf32>
        %add3A_262 = arith.addf %add3A_260, %mul3A_261 : vector<16xf32>
        %mul3A_263 = arith.mulf %get3A_249, %get3A_26 : vector<16xf32>
        %add3A_264 = arith.addf %add3A_262, %mul3A_263 : vector<16xf32>
        %reduce_sum3A = arith.constant true
        %reduce_sum3A_265 = vector.broadcast %reduce_sum3A : i1 to vector<16xi1>
        %reduce_sum3A_266 = tpu.scan <sum>, %add3A_264 masked %reduce_sum3A_265 : vector<16xf32>, vector<16xi1> -> vector<16xf32>
        %reduce_sum3A_267 = vector.extract %reduce_sum3A_266[15] : f32 from vector<16xf32>
        %broadcast_in_dim3A_268 = vector.broadcast %reduce_sum3A_267 : f32 to vector<16xf32>
        %add3A_269 = arith.addf %broadcast_in_dim3A_268, %get3A_28 : vector<16xf32>
        %exp3A = math.exp %add3A_269 : vector<16xf32>
        %add3A_270 = arith.constant 1.000000e+00 : f32
        %add3A_271 = vector.broadcast %add3A_270 : f32 to vector<16xf32>
        %add3A_272 = arith.addf %add3A_271, %exp3A : vector<16xf32>
        %div3A = arith.constant 1.000000e+00 : f32
        %div3A_273 = vector.broadcast %div3A : f32 to vector<16xf32>
        %div3A_274 = arith.divf %div3A_273, %add3A_272 : vector<16xf32>
        %mul3A_275 = arith.mulf %get3A_228, %div3A_274 : vector<16xf32>
        %swap3A = arith.index_cast %add3A_225 : i32 to index
        %swap3A_276 = arith.constant 0 : index
        %swap3A_277 = tpu.vector_load %arg7[%swap3A, %swap3A_276] {strides = array<i32>} : memref<80x128xf32, #tpu.memory_space<vmem>>, vector<16xf32>,
        tpu.vector_store %arg7[%swap3A, %swap3A_276], %mul3A_275 {strides = array<i32>} : memref<80x128xf32, #tpu.memory_space<vmem>>, vector<16xf32>,
        %mul3A_278 = arith.mulf %get3A_231, %div3A_274 : vector<16xf32>
        %swap3A_279 = arith.index_cast %add3A_225 : i32 to index
        %swap3A_280 = arith.constant 16 : index
        %swap3A_281 = tpu.vector_load %arg7[%swap3A_279, %swap3A_280] {strides = array<i32>} : memref<80x128xf32, #tpu.memory_space<vmem>>, vector<16xf32>,
        tpu.vector_store %arg7[%swap3A_279, %swap3A_280], %mul3A_278 {strides = array<i32>} : memref<80x128xf32, #tpu.memory_space<vmem>>, vector<16xf32>,
        %mul3A_282 = arith.mulf %get3A_234, %div3A_274 : vector<16xf32>
        %swap3A_283 = arith.index_cast %add3A_225 : i32 to index
        %swap3A_284 = arith.constant 32 : index
        %swap3A_285 = tpu.vector_load %arg7[%swap3A_283, %swap3A_284] {strides = array<i32>} : memref<80x128xf32, #tpu.memory_space<vmem>>, vector<16xf32>,
        tpu.vector_store %arg7[%swap3A_283, %swap3A_284], %mul3A_282 {strides = array<i32>} : memref<80x128xf32, #tpu.memory_space<vmem>>, vector<16xf32>,
        %mul3A_286 = arith.mulf %get3A_237, %div3A_274 : vector<16xf32>
        %swap3A_287 = arith.index_cast %add3A_225 : i32 to index
        %swap3A_288 = arith.constant 48 : index
        %swap3A_289 = tpu.vector_load %arg7[%swap3A_287, %swap3A_288] {strides = array<i32>} : memref<80x128xf32, #tpu.memory_space<vmem>>, vector<16xf32>,
        tpu.vector_store %arg7[%swap3A_287, %swap3A_288], %mul3A_286 {strides = array<i32>} : memref<80x128xf32, #tpu.memory_space<vmem>>, vector<16xf32>,
        %mul3A_290 = arith.mulf %get3A_240, %div3A_274 : vector<16xf32>
        %swap3A_291 = arith.index_cast %add3A_225 : i32 to index
        %swap3A_292 = arith.constant 64 : index
        %swap3A_293 = tpu.vector_load %arg7[%swap3A_291, %swap3A_292] {strides = array<i32>} : memref<80x128xf32, #tpu.memory_space<vmem>>, vector<16xf32>,
        tpu.vector_store %arg7[%swap3A_291, %swap3A_292], %mul3A_290 {strides = array<i32>} : memref<80x128xf32, #tpu.memory_space<vmem>>, vector<16xf32>,
        %mul3A_294 = arith.mulf %get3A_243, %div3A_274 : vector<16xf32>
        %swap3A_295 = arith.index_cast %add3A_225 : i32 to index
        %swap3A_296 = arith.constant 80 : index
        %swap3A_297 = tpu.vector_load %arg7[%swap3A_295, %swap3A_296] {strides = array<i32>} : memref<80x128xf32, #tpu.memory_space<vmem>>, vector<16xf32>,
        tpu.vector_store %arg7[%swap3A_295, %swap3A_296], %mul3A_294 {strides = array<i32>} : memref<80x128xf32, #tpu.memory_space<vmem>>, vector<16xf32>,
        %mul3A_298 = arith.mulf %get3A_246, %div3A_274 : vector<16xf32>
        %swap3A_299 = arith.index_cast %add3A_225 : i32 to index
        %swap3A_300 = arith.constant 96 : index
        %swap3A_301 = tpu.vector_load %arg7[%swap3A_299, %swap3A_300] {strides = array<i32>} : memref<80x128xf32, #tpu.memory_space<vmem>>, vector<16xf32>,
        tpu.vector_store %arg7[%swap3A_299, %swap3A_300], %mul3A_298 {strides = array<i32>} : memref<80x128xf32, #tpu.memory_space<vmem>>, vector<16xf32>,
        %mul3A_302 = arith.mulf %get3A_249, %div3A_274 : vector<16xf32>
        %swap3A_303 = arith.index_cast %add3A_225 : i32 to index
        %swap3A_304 = arith.constant 112 : index
        %swap3A_305 = tpu.vector_load %arg7[%swap3A_303, %swap3A_304] {strides = array<i32>} : memref<80x128xf32, #tpu.memory_space<vmem>>, vector<16xf32>,
        tpu.vector_store %arg7[%swap3A_303, %swap3A_304], %mul3A_302 {strides = array<i32>} : memref<80x128xf32, #tpu.memory_space<vmem>>, vector<16xf32>,
        %mul3A_306 = arith.constant 4 : i32
        %mul3A_307 = arith.muli %scan3A_220, %mul3A_306 : i32
        %add3A_308 = arith.constant 1 : i32
        %add3A_309 = arith.addi %mul3A_307, %add3A_308 : i32
        %get3A_310 = arith.index_cast %add3A_309 : i32 to index
        %get3A_311 = arith.constant 0 : index
        %get3A_312 = tpu.vector_load %arg7[%get3A_310, %get3A_311] {strides = array<i32>} : memref<80x128xf32, #tpu.memory_space<vmem>>, vector<16xf32>,
        %get3A_313 = arith.index_cast %add3A_309 : i32 to index
        %get3A_314 = arith.constant 16 : index
        %get3A_315 = tpu.vector_load %arg7[%get3A_313, %get3A_314] {strides = array<i32>} : memref<80x128xf32, #tpu.memory_space<vmem>>, vector<16xf32>,
        %get3A_316 = arith.index_cast %add3A_309 : i32 to index
        %get3A_317 = arith.constant 32 : index
        %get3A_318 = tpu.vector_load %arg7[%get3A_316, %get3A_317] {strides = array<i32>} : memref<80x128xf32, #tpu.memory_space<vmem>>, vector<16xf32>,
        %get3A_319 = arith.index_cast %add3A_309 : i32 to index
        %get3A_320 = arith.constant 48 : index
        %get3A_321 = tpu.vector_load %arg7[%get3A_319, %get3A_320] {strides = array<i32>} : memref<80x128xf32, #tpu.memory_space<vmem>>, vector<16xf32>,
        %get3A_322 = arith.index_cast %add3A_309 : i32 to index
        %get3A_323 = arith.constant 64 : index
        %get3A_324 = tpu.vector_load %arg7[%get3A_322, %get3A_323] {strides = array<i32>} : memref<80x128xf32, #tpu.memory_space<vmem>>, vector<16xf32>,
        %get3A_325 = arith.index_cast %add3A_309 : i32 to index
        %get3A_326 = arith.constant 80 : index
        %get3A_327 = tpu.vector_load %arg7[%get3A_325, %get3A_326] {strides = array<i32>} : memref<80x128xf32, #tpu.memory_space<vmem>>, vector<16xf32>,
        %get3A_328 = arith.index_cast %add3A_309 : i32 to index
        %get3A_329 = arith.constant 96 : index
        %get3A_330 = tpu.vector_load %arg7[%get3A_328, %get3A_329] {strides = array<i32>} : memref<80x128xf32, #tpu.memory_space<vmem>>, vector<16xf32>,
        %get3A_331 = arith.index_cast %add3A_309 : i32 to index
        %get3A_332 = arith.constant 112 : index
        %get3A_333 = tpu.vector_load %arg7[%get3A_331, %get3A_332] {strides = array<i32>} : memref<80x128xf32, #tpu.memory_space<vmem>>, vector<16xf32>,
        %mul3A_334 = arith.mulf %get3A_312, %get3A_12 : vector<16xf32>
        %mul3A_335 = arith.mulf %get3A_315, %get3A_14 : vector<16xf32>
        %add3A_336 = arith.addf %mul3A_334, %mul3A_335 : vector<16xf32>
        %mul3A_337 = arith.mulf %get3A_318, %get3A_16 : vector<16xf32>
        %add3A_338 = arith.addf %add3A_336, %mul3A_337 : vector<16xf32>
        %mul3A_339 = arith.mulf %get3A_321, %get3A_18 : vector<16xf32>
        %add3A_340 = arith.addf %add3A_338, %mul3A_339 : vector<16xf32>
        %mul3A_341 = arith.mulf %get3A_324, %get3A_20 : vector<16xf32>
        %add3A_342 = arith.addf %add3A_340, %mul3A_341 : vector<16xf32>
        %mul3A_343 = arith.mulf %get3A_327, %get3A_22 : vector<16xf32>
        %add3A_344 = arith.addf %add3A_342, %mul3A_343 : vector<16xf32>
        %mul3A_345 = arith.mulf %get3A_330, %get3A_24 : vector<16xf32>
        %add3A_346 = arith.addf %add3A_344, %mul3A_345 : vector<16xf32>
        %mul3A_347 = arith.mulf %get3A_333, %get3A_26 : vector<16xf32>
        %add3A_348 = arith.addf %add3A_346, %mul3A_347 : vector<16xf32>
        %reduce_sum3A_349 = arith.constant true
        %reduce_sum3A_350 = vector.broadcast %reduce_sum3A_349 : i1 to vector<16xi1>
        %reduce_sum3A_351 = tpu.scan <sum>, %add3A_348 masked %reduce_sum3A_350 : vector<16xf32>, vector<16xi1> -> vector<16xf32>
        %reduce_sum3A_352 = vector.extract %reduce_sum3A_351[15] : f32 from vector<16xf32>
        %broadcast_in_dim3A_353 = vector.broadcast %reduce_sum3A_352 : f32 to vector<16xf32>
        %add3A_354 = arith.addf %broadcast_in_dim3A_353, %get3A_28 : vector<16xf32>
        %exp3A_355 = math.exp %add3A_354 : vector<16xf32>
        %add3A_356 = arith.constant 1.000000e+00 : f32
        %add3A_357 = vector.broadcast %add3A_356 : f32 to vector<16xf32>
        %add3A_358 = arith.addf %add3A_357, %exp3A_355 : vector<16xf32>
        %div3A_359 = arith.constant 1.000000e+00 : f32
        %div3A_360 = vector.broadcast %div3A_359 : f32 to vector<16xf32>
        %div3A_361 = arith.divf %div3A_360, %add3A_358 : vector<16xf32>
        %mul3A_362 = arith.mulf %get3A_312, %div3A_361 : vector<16xf32>
        %swap3A_363 = arith.index_cast %add3A_309 : i32 to index
        %swap3A_364 = arith.constant 0 : index
        %swap3A_365 = tpu.vector_load %arg7[%swap3A_363, %swap3A_364] {strides = array<i32>} : memref<80x128xf32, #tpu.memory_space<vmem>>, vector<16xf32>,
        tpu.vector_store %arg7[%swap3A_363, %swap3A_364], %mul3A_362 {strides = array<i32>} : memref<80x128xf32, #tpu.memory_space<vmem>>, vector<16xf32>,
        %mul3A_366 = arith.mulf %get3A_315, %div3A_361 : vector<16xf32>
        %swap3A_367 = arith.index_cast %add3A_309 : i32 to index
        %swap3A_368 = arith.constant 16 : index
        %swap3A_369 = tpu.vector_load %arg7[%swap3A_367, %swap3A_368] {strides = array<i32>} : memref<80x128xf32, #tpu.memory_space<vmem>>, vector<16xf32>,
        tpu.vector_store %arg7[%swap3A_367, %swap3A_368], %mul3A_366 {strides = array<i32>} : memref<80x128xf32, #tpu.memory_space<vmem>>, vector<16xf32>,
        %mul3A_370 = arith.mulf %get3A_318, %div3A_361 : vector<16xf32>
        %swap3A_371 = arith.index_cast %add3A_309 : i32 to index
        %swap3A_372 = arith.constant 32 : index
        %swap3A_373 = tpu.vector_load %arg7[%swap3A_371, %swap3A_372] {strides = array<i32>} : memref<80x128xf32, #tpu.memory_space<vmem>>, vector<16xf32>,
        tpu.vector_store %arg7[%swap3A_371, %swap3A_372], %mul3A_370 {strides = array<i32>} : memref<80x128xf32, #tpu.memory_space<vmem>>, vector<16xf32>,
        %mul3A_374 = arith.mulf %get3A_321, %div3A_361 : vector<16xf32>
        %swap3A_375 = arith.index_cast %add3A_309 : i32 to index
        %swap3A_376 = arith.constant 48 : index
        %swap3A_377 = tpu.vector_load %arg7[%swap3A_375, %swap3A_376] {strides = array<i32>} : memref<80x128xf32, #tpu.memory_space<vmem>>, vector<16xf32>,
        tpu.vector_store %arg7[%swap3A_375, %swap3A_376], %mul3A_374 {strides = array<i32>} : memref<80x128xf32, #tpu.memory_space<vmem>>, vector<16xf32>,
        %mul3A_378 = arith.mulf %get3A_324, %div3A_361 : vector<16xf32>
        %swap3A_379 = arith.index_cast %add3A_309 : i32 to index
        %swap3A_380 = arith.constant 64 : index
        %swap3A_381 = tpu.vector_load %arg7[%swap3A_379, %swap3A_380] {strides = array<i32>} : memref<80x128xf32, #tpu.memory_space<vmem>>, vector<16xf32>,
        tpu.vector_store %arg7[%swap3A_379, %swap3A_380], %mul3A_378 {strides = array<i32>} : memref<80x128xf32, #tpu.memory_space<vmem>>, vector<16xf32>,
        %mul3A_382 = arith.mulf %get3A_327, %div3A_361 : vector<16xf32>
        %swap3A_383 = arith.index_cast %add3A_309 : i32 to index
        %swap3A_384 = arith.constant 80 : index
        %swap3A_385 = tpu.vector_load %arg7[%swap3A_383, %swap3A_384] {strides = array<i32>} : memref<80x128xf32, #tpu.memory_space<vmem>>, vector<16xf32>,
        tpu.vector_store %arg7[%swap3A_383, %swap3A_384], %mul3A_382 {strides = array<i32>} : memref<80x128xf32, #tpu.memory_space<vmem>>, vector<16xf32>,
        %mul3A_386 = arith.mulf %get3A_330, %div3A_361 : vector<16xf32>
        %swap3A_387 = arith.index_cast %add3A_309 : i32 to index
        %swap3A_388 = arith.constant 96 : index
        %swap3A_389 = tpu.vector_load %arg7[%swap3A_387, %swap3A_388] {strides = array<i32>} : memref<80x128xf32, #tpu.memory_space<vmem>>, vector<16xf32>,
        tpu.vector_store %arg7[%swap3A_387, %swap3A_388], %mul3A_386 {strides = array<i32>} : memref<80x128xf32, #tpu.memory_space<vmem>>, vector<16xf32>,
        %mul3A_390 = arith.mulf %get3A_333, %div3A_361 : vector<16xf32>
        %swap3A_391 = arith.index_cast %add3A_309 : i32 to index
        %swap3A_392 = arith.constant 112 : index
        %swap3A_393 = tpu.vector_load %arg7[%swap3A_391, %swap3A_392] {strides = array<i32>} : memref<80x128xf32, #tpu.memory_space<vmem>>, vector<16xf32>,
        tpu.vector_store %arg7[%swap3A_391, %swap3A_392], %mul3A_390 {strides = array<i32>} : memref<80x128xf32, #tpu.memory_space<vmem>>, vector<16xf32>,
        %mul3A_394 = arith.constant 4 : i32
        %mul3A_395 = arith.muli %scan3A_220, %mul3A_394 : i32
        %add3A_396 = arith.constant 2 : i32
        %add3A_397 = arith.addi %mul3A_395, %add3A_396 : i32
        %get3A_398 = arith.index_cast %add3A_397 : i32 to index
        %get3A_399 = arith.constant 0 : index
        %get3A_400 = tpu.vector_load %arg7[%get3A_398, %get3A_399] {strides = array<i32>} : memref<80x128xf32, #tpu.memory_space<vmem>>, vector<16xf32>,
        %get3A_401 = arith.index_cast %add3A_397 : i32 to index
        %get3A_402 = arith.constant 16 : index
        %get3A_403 = tpu.vector_load %arg7[%get3A_401, %get3A_402] {strides = array<i32>} : memref<80x128xf32, #tpu.memory_space<vmem>>, vector<16xf32>,
        %get3A_404 = arith.index_cast %add3A_397 : i32 to index
        %get3A_405 = arith.constant 32 : index
        %get3A_406 = tpu.vector_load %arg7[%get3A_404, %get3A_405] {strides = array<i32>} : memref<80x128xf32, #tpu.memory_space<vmem>>, vector<16xf32>,
        %get3A_407 = arith.index_cast %add3A_397 : i32 to index
        %get3A_408 = arith.constant 48 : index
        %get3A_409 = tpu.vector_load %arg7[%get3A_407, %get3A_408] {strides = array<i32>} : memref<80x128xf32, #tpu.memory_space<vmem>>, vector<16xf32>,
        %get3A_410 = arith.index_cast %add3A_397 : i32 to index
        %get3A_411 = arith.constant 64 : index
        %get3A_412 = tpu.vector_load %arg7[%get3A_410, %get3A_411] {strides = array<i32>} : memref<80x128xf32, #tpu.memory_space<vmem>>, vector<16xf32>,
        %get3A_413 = arith.index_cast %add3A_397 : i32 to index
        %get3A_414 = arith.constant 80 : index
        %get3A_415 = tpu.vector_load %arg7[%get3A_413, %get3A_414] {strides = array<i32>} : memref<80x128xf32, #tpu.memory_space<vmem>>, vector<16xf32>,
        %get3A_416 = arith.index_cast %add3A_397 : i32 to index
        %get3A_417 = arith.constant 96 : index
        %get3A_418 = tpu.vector_load %arg7[%get3A_416, %get3A_417] {strides = array<i32>} : memref<80x128xf32, #tpu.memory_space<vmem>>, vector<16xf32>,
        %get3A_419 = arith.index_cast %add3A_397 : i32 to index
        %get3A_420 = arith.constant 112 : index
        %get3A_421 = tpu.vector_load %arg7[%get3A_419, %get3A_420] {strides = array<i32>} : memref<80x128xf32, #tpu.memory_space<vmem>>, vector<16xf32>,
        %mul3A_422 = arith.mulf %get3A_400, %get3A_12 : vector<16xf32>
        %mul3A_423 = arith.mulf %get3A_403, %get3A_14 : vector<16xf32>
        %add3A_424 = arith.addf %mul3A_422, %mul3A_423 : vector<16xf32>
        %mul3A_425 = arith.mulf %get3A_406, %get3A_16 : vector<16xf32>
        %add3A_426 = arith.addf %add3A_424, %mul3A_425 : vector<16xf32>
        %mul3A_427 = arith.mulf %get3A_409, %get3A_18 : vector<16xf32>
        %add3A_428 = arith.addf %add3A_426, %mul3A_427 : vector<16xf32>
        %mul3A_429 = arith.mulf %get3A_412, %get3A_20 : vector<16xf32>
        %add3A_430 = arith.addf %add3A_428, %mul3A_429 : vector<16xf32>
        %mul3A_431 = arith.mulf %get3A_415, %get3A_22 : vector<16xf32>
        %add3A_432 = arith.addf %add3A_430, %mul3A_431 : vector<16xf32>
        %mul3A_433 = arith.mulf %get3A_418, %get3A_24 : vector<16xf32>
        %add3A_434 = arith.addf %add3A_432, %mul3A_433 : vector<16xf32>
        %mul3A_435 = arith.mulf %get3A_421, %get3A_26 : vector<16xf32>
        %add3A_436 = arith.addf %add3A_434, %mul3A_435 : vector<16xf32>
        %reduce_sum3A_437 = arith.constant true
        %reduce_sum3A_438 = vector.broadcast %reduce_sum3A_437 : i1 to vector<16xi1>
        %reduce_sum3A_439 = tpu.scan <sum>, %add3A_436 masked %reduce_sum3A_438 : vector<16xf32>, vector<16xi1> -> vector<16xf32>
        %reduce_sum3A_440 = vector.extract %reduce_sum3A_439[15] : f32 from vector<16xf32>
        %broadcast_in_dim3A_441 = vector.broadcast %reduce_sum3A_440 : f32 to vector<16xf32>
        %add3A_442 = arith.addf %broadcast_in_dim3A_441, %get3A_28 : vector<16xf32>
        %exp3A_443 = math.exp %add3A_442 : vector<16xf32>
        %add3A_444 = arith.constant 1.000000e+00 : f32
        %add3A_445 = vector.broadcast %add3A_444 : f32 to vector<16xf32>
        %add3A_446 = arith.addf %add3A_445, %exp3A_443 : vector<16xf32>
        %div3A_447 = arith.constant 1.000000e+00 : f32
        %div3A_448 = vector.broadcast %div3A_447 : f32 to vector<16xf32>
        %div3A_449 = arith.divf %div3A_448, %add3A_446 : vector<16xf32>
        %mul3A_450 = arith.mulf %get3A_400, %div3A_449 : vector<16xf32>
        %swap3A_451 = arith.index_cast %add3A_397 : i32 to index
        %swap3A_452 = arith.constant 0 : index
        %swap3A_453 = tpu.vector_load %arg7[%swap3A_451, %swap3A_452] {strides = array<i32>} : memref<80x128xf32, #tpu.memory_space<vmem>>, vector<16xf32>,
        tpu.vector_store %arg7[%swap3A_451, %swap3A_452], %mul3A_450 {strides = array<i32>} : memref<80x128xf32, #tpu.memory_space<vmem>>, vector<16xf32>,
        %mul3A_454 = arith.mulf %get3A_403, %div3A_449 : vector<16xf32>
        %swap3A_455 = arith.index_cast %add3A_397 : i32 to index
        %swap3A_456 = arith.constant 16 : index
        %swap3A_457 = tpu.vector_load %arg7[%swap3A_455, %swap3A_456] {strides = array<i32>} : memref<80x128xf32, #tpu.memory_space<vmem>>, vector<16xf32>,
        tpu.vector_store %arg7[%swap3A_455, %swap3A_456], %mul3A_454 {strides = array<i32>} : memref<80x128xf32, #tpu.memory_space<vmem>>, vector<16xf32>,
        %mul3A_458 = arith.mulf %get3A_406, %div3A_449 : vector<16xf32>
        %swap3A_459 = arith.index_cast %add3A_397 : i32 to index
        %swap3A_460 = arith.constant 32 : index
        %swap3A_461 = tpu.vector_load %arg7[%swap3A_459, %swap3A_460] {strides = array<i32>} : memref<80x128xf32, #tpu.memory_space<vmem>>, vector<16xf32>,
        tpu.vector_store %arg7[%swap3A_459, %swap3A_460], %mul3A_458 {strides = array<i32>} : memref<80x128xf32, #tpu.memory_space<vmem>>, vector<16xf32>,
        %mul3A_462 = arith.mulf %get3A_409, %div3A_449 : vector<16xf32>
        %swap3A_463 = arith.index_cast %add3A_397 : i32 to index
        %swap3A_464 = arith.constant 48 : index
        %swap3A_465 = tpu.vector_load %arg7[%swap3A_463, %swap3A_464] {strides = array<i32>} : memref<80x128xf32, #tpu.memory_space<vmem>>, vector<16xf32>,
        tpu.vector_store %arg7[%swap3A_463, %swap3A_464], %mul3A_462 {strides = array<i32>} : memref<80x128xf32, #tpu.memory_space<vmem>>, vector<16xf32>,
        %mul3A_466 = arith.mulf %get3A_412, %div3A_449 : vector<16xf32>
        %swap3A_467 = arith.index_cast %add3A_397 : i32 to index
        %swap3A_468 = arith.constant 64 : index
        %swap3A_469 = tpu.vector_load %arg7[%swap3A_467, %swap3A_468] {strides = array<i32>} : memref<80x128xf32, #tpu.memory_space<vmem>>, vector<16xf32>,
        tpu.vector_store %arg7[%swap3A_467, %swap3A_468], %mul3A_466 {strides = array<i32>} : memref<80x128xf32, #tpu.memory_space<vmem>>, vector<16xf32>,
        %mul3A_470 = arith.mulf %get3A_415, %div3A_449 : vector<16xf32>
        %swap3A_471 = arith.index_cast %add3A_397 : i32 to index
        %swap3A_472 = arith.constant 80 : index
        %swap3A_473 = tpu.vector_load %arg7[%swap3A_471, %swap3A_472] {strides = array<i32>} : memref<80x128xf32, #tpu.memory_space<vmem>>, vector<16xf32>,
        tpu.vector_store %arg7[%swap3A_471, %swap3A_472], %mul3A_470 {strides = array<i32>} : memref<80x128xf32, #tpu.memory_space<vmem>>, vector<16xf32>,
        %mul3A_474 = arith.mulf %get3A_418, %div3A_449 : vector<16xf32>
        %swap3A_475 = arith.index_cast %add3A_397 : i32 to index
        %swap3A_476 = arith.constant 96 : index
        %swap3A_477 = tpu.vector_load %arg7[%swap3A_475, %swap3A_476] {strides = array<i32>} : memref<80x128xf32, #tpu.memory_space<vmem>>, vector<16xf32>,
        tpu.vector_store %arg7[%swap3A_475, %swap3A_476], %mul3A_474 {strides = array<i32>} : memref<80x128xf32, #tpu.memory_space<vmem>>, vector<16xf32>,
        %mul3A_478 = arith.mulf %get3A_421, %div3A_449 : vector<16xf32>
        %swap3A_479 = arith.index_cast %add3A_397 : i32 to index
        %swap3A_480 = arith.constant 112 : index
        %swap3A_481 = tpu.vector_load %arg7[%swap3A_479, %swap3A_480] {strides = array<i32>} : memref<80x128xf32, #tpu.memory_space<vmem>>, vector<16xf32>,
        tpu.vector_store %arg7[%swap3A_479, %swap3A_480], %mul3A_478 {strides = array<i32>} : memref<80x128xf32, #tpu.memory_space<vmem>>, vector<16xf32>,
        %mul3A_482 = arith.constant 4 : i32
        %mul3A_483 = arith.muli %scan3A_220, %mul3A_482 : i32
        %add3A_484 = arith.constant 3 : i32
        %add3A_485 = arith.addi %mul3A_483, %add3A_484 : i32
        %get3A_486 = arith.index_cast %add3A_485 : i32 to index
        %get3A_487 = arith.constant 0 : index
        %get3A_488 = tpu.vector_load %arg7[%get3A_486, %get3A_487] {strides = array<i32>} : memref<80x128xf32, #tpu.memory_space<vmem>>, vector<16xf32>,
        %get3A_489 = arith.index_cast %add3A_485 : i32 to index
        %get3A_490 = arith.constant 16 : index
        %get3A_491 = tpu.vector_load %arg7[%get3A_489, %get3A_490] {strides = array<i32>} : memref<80x128xf32, #tpu.memory_space<vmem>>, vector<16xf32>,
        %get3A_492 = arith.index_cast %add3A_485 : i32 to index
        %get3A_493 = arith.constant 32 : index
        %get3A_494 = tpu.vector_load %arg7[%get3A_492, %get3A_493] {strides = array<i32>} : memref<80x128xf32, #tpu.memory_space<vmem>>, vector<16xf32>,
        %get3A_495 = arith.index_cast %add3A_485 : i32 to index
        %get3A_496 = arith.constant 48 : index
        %get3A_497 = tpu.vector_load %arg7[%get3A_495, %get3A_496] {strides = array<i32>} : memref<80x128xf32, #tpu.memory_space<vmem>>, vector<16xf32>,
        %get3A_498 = arith.index_cast %add3A_485 : i32 to index
        %get3A_499 = arith.constant 64 : index
        %get3A_500 = tpu.vector_load %arg7[%get3A_498, %get3A_499] {strides = array<i32>} : memref<80x128xf32, #tpu.memory_space<vmem>>, vector<16xf32>,
        %get3A_501 = arith.index_cast %add3A_485 : i32 to index
        %get3A_502 = arith.constant 80 : index
        %get3A_503 = tpu.vector_load %arg7[%get3A_501, %get3A_502] {strides = array<i32>} : memref<80x128xf32, #tpu.memory_space<vmem>>, vector<16xf32>,
        %get3A_504 = arith.index_cast %add3A_485 : i32 to index
        %get3A_505 = arith.constant 96 : index
        %get3A_506 = tpu.vector_load %arg7[%get3A_504, %get3A_505] {strides = array<i32>} : memref<80x128xf32, #tpu.memory_space<vmem>>, vector<16xf32>,
        %get3A_507 = arith.index_cast %add3A_485 : i32 to index
        %get3A_508 = arith.constant 112 : index
        %get3A_509 = tpu.vector_load %arg7[%get3A_507, %get3A_508] {strides = array<i32>} : memref<80x128xf32, #tpu.memory_space<vmem>>, vector<16xf32>,
        %mul3A_510 = arith.mulf %get3A_488, %get3A_12 : vector<16xf32>
        %mul3A_511 = arith.mulf %get3A_491, %get3A_14 : vector<16xf32>
        %add3A_512 = arith.addf %mul3A_510, %mul3A_511 : vector<16xf32>
        %mul3A_513 = arith.mulf %get3A_494, %get3A_16 : vector<16xf32>
        %add3A_514 = arith.addf %add3A_512, %mul3A_513 : vector<16xf32>
        %mul3A_515 = arith.mulf %get3A_497, %get3A_18 : vector<16xf32>
        %add3A_516 = arith.addf %add3A_514, %mul3A_515 : vector<16xf32>
        %mul3A_517 = arith.mulf %get3A_500, %get3A_20 : vector<16xf32>
        %add3A_518 = arith.addf %add3A_516, %mul3A_517 : vector<16xf32>
        %mul3A_519 = arith.mulf %get3A_503, %get3A_22 : vector<16xf32>
        %add3A_520 = arith.addf %add3A_518, %mul3A_519 : vector<16xf32>
        %mul3A_521 = arith.mulf %get3A_506, %get3A_24 : vector<16xf32>
        %add3A_522 = arith.addf %add3A_520, %mul3A_521 : vector<16xf32>
        %mul3A_523 = arith.mulf %get3A_509, %get3A_26 : vector<16xf32>
        %add3A_524 = arith.addf %add3A_522, %mul3A_523 : vector<16xf32>
        %reduce_sum3A_525 = arith.constant true
        %reduce_sum3A_526 = vector.broadcast %reduce_sum3A_525 : i1 to vector<16xi1>
        %reduce_sum3A_527 = tpu.scan <sum>, %add3A_524 masked %reduce_sum3A_526 : vector<16xf32>, vector<16xi1> -> vector<16xf32>
        %reduce_sum3A_528 = vector.extract %reduce_sum3A_527[15] : f32 from vector<16xf32>
        %broadcast_in_dim3A_529 = vector.broadcast %reduce_sum3A_528 : f32 to vector<16xf32>
        %add3A_530 = arith.addf %broadcast_in_dim3A_529, %get3A_28 : vector<16xf32>
        %exp3A_531 = math.exp %add3A_530 : vector<16xf32>
        %add3A_532 = arith.constant 1.000000e+00 : f32
        %add3A_533 = vector.broadcast %add3A_532 : f32 to vector<16xf32>
        %add3A_534 = arith.addf %add3A_533, %exp3A_531 : vector<16xf32>
        %div3A_535 = arith.constant 1.000000e+00 : f32
        %div3A_536 = vector.broadcast %div3A_535 : f32 to vector<16xf32>
        %div3A_537 = arith.divf %div3A_536, %add3A_534 : vector<16xf32>
        %mul3A_538 = arith.mulf %get3A_488, %div3A_537 : vector<16xf32>
        %swap3A_539 = arith.index_cast %add3A_485 : i32 to index
        %swap3A_540 = arith.constant 0 : index
        %swap3A_541 = tpu.vector_load %arg7[%swap3A_539, %swap3A_540] {strides = array<i32>} : memref<80x128xf32, #tpu.memory_space<vmem>>, vector<16xf32>,
        tpu.vector_store %arg7[%swap3A_539, %swap3A_540], %mul3A_538 {strides = array<i32>} : memref<80x128xf32, #tpu.memory_space<vmem>>, vector<16xf32>,
        %mul3A_542 = arith.mulf %get3A_491, %div3A_537 : vector<16xf32>
        %swap3A_543 = arith.index_cast %add3A_485 : i32 to index
        %swap3A_544 = arith.constant 16 : index
        %swap3A_545 = tpu.vector_load %arg7[%swap3A_543, %swap3A_544] {strides = array<i32>} : memref<80x128xf32, #tpu.memory_space<vmem>>, vector<16xf32>,
        tpu.vector_store %arg7[%swap3A_543, %swap3A_544], %mul3A_542 {strides = array<i32>} : memref<80x128xf32, #tpu.memory_space<vmem>>, vector<16xf32>,
        %mul3A_546 = arith.mulf %get3A_494, %div3A_537 : vector<16xf32>
        %swap3A_547 = arith.index_cast %add3A_485 : i32 to index
        %swap3A_548 = arith.constant 32 : index
        %swap3A_549 = tpu.vector_load %arg7[%swap3A_547, %swap3A_548] {strides = array<i32>} : memref<80x128xf32, #tpu.memory_space<vmem>>, vector<16xf32>,
        tpu.vector_store %arg7[%swap3A_547, %swap3A_548], %mul3A_546 {strides = array<i32>} : memref<80x128xf32, #tpu.memory_space<vmem>>, vector<16xf32>,
        %mul3A_550 = arith.mulf %get3A_497, %div3A_537 : vector<16xf32>
        %swap3A_551 = arith.index_cast %add3A_485 : i32 to index
        %swap3A_552 = arith.constant 48 : index
        %swap3A_553 = tpu.vector_load %arg7[%swap3A_551, %swap3A_552] {strides = array<i32>} : memref<80x128xf32, #tpu.memory_space<vmem>>, vector<16xf32>,
        tpu.vector_store %arg7[%swap3A_551, %swap3A_552], %mul3A_550 {strides = array<i32>} : memref<80x128xf32, #tpu.memory_space<vmem>>, vector<16xf32>,
        %mul3A_554 = arith.mulf %get3A_500, %div3A_537 : vector<16xf32>
        %swap3A_555 = arith.index_cast %add3A_485 : i32 to index
        %swap3A_556 = arith.constant 64 : index
        %swap3A_557 = tpu.vector_load %arg7[%swap3A_555, %swap3A_556] {strides = array<i32>} : memref<80x128xf32, #tpu.memory_space<vmem>>, vector<16xf32>,
        tpu.vector_store %arg7[%swap3A_555, %swap3A_556], %mul3A_554 {strides = array<i32>} : memref<80x128xf32, #tpu.memory_space<vmem>>, vector<16xf32>,
        %mul3A_558 = arith.mulf %get3A_503, %div3A_537 : vector<16xf32>
        %swap3A_559 = arith.index_cast %add3A_485 : i32 to index
        %swap3A_560 = arith.constant 80 : index
        %swap3A_561 = tpu.vector_load %arg7[%swap3A_559, %swap3A_560] {strides = array<i32>} : memref<80x128xf32, #tpu.memory_space<vmem>>, vector<16xf32>,
        tpu.vector_store %arg7[%swap3A_559, %swap3A_560], %mul3A_558 {strides = array<i32>} : memref<80x128xf32, #tpu.memory_space<vmem>>, vector<16xf32>,
        %mul3A_562 = arith.mulf %get3A_506, %div3A_537 : vector<16xf32>
        %swap3A_563 = arith.index_cast %add3A_485 : i32 to index
        %swap3A_564 = arith.constant 96 : index
        %swap3A_565 = tpu.vector_load %arg7[%swap3A_563, %swap3A_564] {strides = array<i32>} : memref<80x128xf32, #tpu.memory_space<vmem>>, vector<16xf32>,
        tpu.vector_store %arg7[%swap3A_563, %swap3A_564], %mul3A_562 {strides = array<i32>} : memref<80x128xf32, #tpu.memory_space<vmem>>, vector<16xf32>,
        %mul3A_566 = arith.mulf %get3A_509, %div3A_537 : vector<16xf32>
        %swap3A_567 = arith.index_cast %add3A_485 : i32 to index
        %swap3A_568 = arith.constant 112 : index
        %swap3A_569 = tpu.vector_load %arg7[%swap3A_567, %swap3A_568] {strides = array<i32>} : memref<80x128xf32, #tpu.memory_space<vmem>>, vector<16xf32>,
        tpu.vector_store %arg7[%swap3A_567, %swap3A_568], %mul3A_566 {strides = array<i32>} : memref<80x128xf32, #tpu.memory_space<vmem>>, vector<16xf32>,
        %scan3A_570 = arith.constant 0 : i32
        scf.yield %scan3A_570 : i32
      }
      %scan3A_173 = arith.constant 20 : i32
      %dma_start3A_174 = arith.constant 0 : i32
      %dma_start3A_175 = arith.constant 0 : i32
      %dma_start3A_176 = tpu.memref_slice %arg13[%dma_start3A_174, %dma_start3A_175] : memref<1024x128xf32, #tpu.memory_space<vmem_shared>> -> memref<1024x128xf32, #tpu.memory_space<vmem_shared>>
      tpu.enqueue_indirect_dma source(%arg7 : memref<80x128xf32, #tpu.memory_space<vmem>>) target(%dma_start3A_176 : memref<1024x128xf32, #tpu.memory_space<vmem_shared>>) offsets(%arg10 : memref<80xi32, #tpu.memory_space<vmem>>) semaphore(%arg21 : memref<!tpu.dma_semaphore, #tpu.memory_space<semaphore_mem>>) {add = true}
      %ge3A_177 = arith.constant 1 : i32
      %ge3A_178 = arith.cmpi sge, %add3A_156, %ge3A_177 : i32
      %add3A_179 = arith.constant 2 : i32
      %add3A_180 = arith.addi %add3A_156, %add3A_179 : i32
      %lt3A_181 = arith.constant 80 : i32
      %lt3A_182 = arith.cmpi slt, %add3A_180, %lt3A_181 : i32
      %and3A_183 = arith.andi %ge3A_178, %lt3A_182 : i1
      %convert_element_type3A_184 = arith.extui %and3A_183 : i1 to i32
      %cond3A_185 = arith.constant 0 : i32
      %cond3A_186 = arith.cmpi ne, %convert_element_type3A_184, %cond3A_185 : i32
      scf.if %cond3A_186 {
        %dma_wait3A_220 = arith.constant 0 : i32
        %dma_wait3A_221 = arith.constant 0 : i32
        %dma_wait3A_222 = tpu.memref_slice %arg13[%dma_wait3A_220, %dma_wait3A_221] : memref<1024x128xf32, #tpu.memory_space<vmem_shared>> -> memref<1024x128xf32, #tpu.memory_space<vmem_shared>>
        tpu.wait_indirect_dma semaphore(%arg20 : memref<!tpu.dma_semaphore, #tpu.memory_space<semaphore_mem>>) src(%arg6 : memref<80x128xf32, #tpu.memory_space<vmem>>) dst(%dma_wait3A_222 : memref<1024x128xf32, #tpu.memory_space<vmem_shared>>)
        %add3A_223 = arith.constant 2 : i32
        %add3A_224 = arith.addi %add3A_156, %add3A_223 : i32
        %mul3A_225 = arith.constant 80 : i32
        %mul3A_226 = arith.muli %add3A_224, %mul3A_225 : i32
        %add3A_227 = arith.addi %mul3A_2, %mul3A_226 : i32
        %dma_start3A_228 = arith.constant 0 : i32
        %dma_start3A_229 = tpu.memref_slice %arg2[%add3A_227, %dma_start3A_228] : memref<320000x128xf32, #tpu.memory_space<hbm>> -> memref<80x128xf32, #tpu.memory_space<hbm>>
        %dma_start3A_230 = arith.constant 0 : i32
        %dma_start3A_231 = tpu.memref_slice %arg2[%add3A_227, %dma_start3A_230] : memref<320000x128xf32, #tpu.memory_space<hbm>> -> memref<80x128xf32, #tpu.memory_space<hbm>>
        tpu.enqueue_dma source(%dma_start3A_231 : memref<80x128xf32, #tpu.memory_space<hbm>>) target(%arg6 : memref<80x128xf32, #tpu.memory_space<vmem>>) target_semaphore(%arg14 : memref<!tpu.dma_semaphore, #tpu.memory_space<semaphore_mem>>)
        %dma_start3A_232 = tpu.memref_slice %arg3[%add3A_227] : memref<320000xi32, #tpu.memory_space<hbm>> -> memref<80xi32, #tpu.memory_space<hbm>>
        %dma_start3A_233 = tpu.memref_slice %arg3[%add3A_227] : memref<320000xi32, #tpu.memory_space<hbm>> -> memref<80xi32, #tpu.memory_space<hbm>>
        tpu.enqueue_dma source(%dma_start3A_233 : memref<80xi32, #tpu.memory_space<hbm>>) target(%arg9 : memref<80xi32, #tpu.memory_space<vmem>>) target_semaphore(%arg17 : memref<!tpu.dma_semaphore, #tpu.memory_space<semaphore_mem>>)
      } else {
      }
      %add3A_187 = arith.constant 2 : i32
      %add3A_188 = arith.addi %mul3A_124, %add3A_187 : i32
      %dma_wait3A_189 = arith.constant 0 : i32
      %dma_wait3A_190 = arith.constant 0 : i32
      %dma_wait3A_191 = tpu.memref_slice %arg2[%dma_wait3A_189, %dma_wait3A_190] : memref<320000x128xf32, #tpu.memory_space<hbm>> -> memref<80x128xf32, #tpu.memory_space<hbm>>
      %dma_wait3A_192 = arith.constant 0 : i32
      %dma_wait3A_193 = arith.constant 0 : i32
      %dma_wait3A_194 = tpu.memref_slice %arg2[%dma_wait3A_192, %dma_wait3A_193] : memref<320000x128xf32, #tpu.memory_space<hbm>> -> memref<80x128xf32, #tpu.memory_space<hbm>>
      tpu.wait_dma2 semaphore(%arg16 : memref<!tpu.dma_semaphore, #tpu.memory_space<semaphore_mem>>) src(%dma_wait3A_194 : memref<80x128xf32, #tpu.memory_space<hbm>>) dst(%arg8 : memref<80x128xf32, #tpu.memory_space<vmem>>)
      %dma_wait3A_195 = arith.constant 0 : i32
      %dma_wait3A_196 = tpu.memref_slice %arg3[%dma_wait3A_195] : memref<320000xi32, #tpu.memory_space<hbm>> -> memref<80xi32, #tpu.memory_space<hbm>>
      %dma_wait3A_197 = arith.constant 0 : i32
      %dma_wait3A_198 = tpu.memref_slice %arg3[%dma_wait3A_197] : memref<320000xi32, #tpu.memory_space<hbm>> -> memref<80xi32, #tpu.memory_space<hbm>>
      tpu.wait_dma2 semaphore(%arg19 : memref<!tpu.dma_semaphore, #tpu.memory_space<semaphore_mem>>) src(%dma_wait3A_198 : memref<80xi32, #tpu.memory_space<hbm>>) dst(%arg11 : memref<80xi32, #tpu.memory_space<vmem>>)
      %scan3A_199 = arith.constant 0 : i32
      %scan3A_200 = arith.constant 0 : i32
      %scan3A_201 = arith.constant 20 : i32
      %scan3A_202 = arith.addi %scan3A_200, %scan3A_201 : i32
      %scan3A_203 = arith.constant 1 : i32
      %scan3A_204 = scf.for %scan3A_220 = %scan3A_200 to %scan3A_202 step %scan3A_203 iter_args(%scan3A_221 = %scan3A_199) -> (i32)  : i32 {
        %mul3A_222 = arith.constant 4 : i32
        %mul3A_223 = arith.muli %scan3A_220, %mul3A_222 : i32
        %add3A_224 = arith.constant 0 : i32
        %add3A_225 = arith.addi %mul3A_223, %add3A_224 : i32
        %get3A_226 = arith.index_cast %add3A_225 : i32 to index
        %get3A_227 = arith.constant 0 : index
        %get3A_228 = tpu.vector_load %arg8[%get3A_226, %get3A_227] {strides = array<i32>} : memref<80x128xf32, #tpu.memory_space<vmem>>, vector<16xf32>,
        %get3A_229 = arith.index_cast %add3A_225 : i32 to index
        %get3A_230 = arith.constant 16 : index
        %get3A_231 = tpu.vector_load %arg8[%get3A_229, %get3A_230] {strides = array<i32>} : memref<80x128xf32, #tpu.memory_space<vmem>>, vector<16xf32>,
        %get3A_232 = arith.index_cast %add3A_225 : i32 to index
        %get3A_233 = arith.constant 32 : index
        %get3A_234 = tpu.vector_load %arg8[%get3A_232, %get3A_233] {strides = array<i32>} : memref<80x128xf32, #tpu.memory_space<vmem>>, vector<16xf32>,
        %get3A_235 = arith.index_cast %add3A_225 : i32 to index
        %get3A_236 = arith.constant 48 : index
        %get3A_237 = tpu.vector_load %arg8[%get3A_235, %get3A_236] {strides = array<i32>} : memref<80x128xf32, #tpu.memory_space<vmem>>, vector<16xf32>,
        %get3A_238 = arith.index_cast %add3A_225 : i32 to index
        %get3A_239 = arith.constant 64 : index
        %get3A_240 = tpu.vector_load %arg8[%get3A_238, %get3A_239] {strides = array<i32>} : memref<80x128xf32, #tpu.memory_space<vmem>>, vector<16xf32>,
        %get3A_241 = arith.index_cast %add3A_225 : i32 to index
        %get3A_242 = arith.constant 80 : index
        %get3A_243 = tpu.vector_load %arg8[%get3A_241, %get3A_242] {strides = array<i32>} : memref<80x128xf32, #tpu.memory_space<vmem>>, vector<16xf32>,
        %get3A_244 = arith.index_cast %add3A_225 : i32 to index
        %get3A_245 = arith.constant 96 : index
        %get3A_246 = tpu.vector_load %arg8[%get3A_244, %get3A_245] {strides = array<i32>} : memref<80x128xf32, #tpu.memory_space<vmem>>, vector<16xf32>,
        %get3A_247 = arith.index_cast %add3A_225 : i32 to index
        %get3A_248 = arith.constant 112 : index
        %get3A_249 = tpu.vector_load %arg8[%get3A_247, %get3A_248] {strides = array<i32>} : memref<80x128xf32, #tpu.memory_space<vmem>>, vector<16xf32>,
        %mul3A_250 = arith.mulf %get3A_228, %get3A_12 : vector<16xf32>
        %mul3A_251 = arith.mulf %get3A_231, %get3A_14 : vector<16xf32>
        %add3A_252 = arith.addf %mul3A_250, %mul3A_251 : vector<16xf32>
        %mul3A_253 = arith.mulf %get3A_234, %get3A_16 : vector<16xf32>
        %add3A_254 = arith.addf %add3A_252, %mul3A_253 : vector<16xf32>
        %mul3A_255 = arith.mulf %get3A_237, %get3A_18 : vector<16xf32>
        %add3A_256 = arith.addf %add3A_254, %mul3A_255 : vector<16xf32>
        %mul3A_257 = arith.mulf %get3A_240, %get3A_20 : vector<16xf32>
        %add3A_258 = arith.addf %add3A_256, %mul3A_257 : vector<16xf32>
        %mul3A_259 = arith.mulf %get3A_243, %get3A_22 : vector<16xf32>
        %add3A_260 = arith.addf %add3A_258, %mul3A_259 : vector<16xf32>
        %mul3A_261 = arith.mulf %get3A_246, %get3A_24 : vector<16xf32>
        %add3A_262 = arith.addf %add3A_260, %mul3A_261 : vector<16xf32>
        %mul3A_263 = arith.mulf %get3A_249, %get3A_26 : vector<16xf32>
        %add3A_264 = arith.addf %add3A_262, %mul3A_263 : vector<16xf32>
        %reduce_sum3A = arith.constant true
        %reduce_sum3A_265 = vector.broadcast %reduce_sum3A : i1 to vector<16xi1>
        %reduce_sum3A_266 = tpu.scan <sum>, %add3A_264 masked %reduce_sum3A_265 : vector<16xf32>, vector<16xi1> -> vector<16xf32>
        %reduce_sum3A_267 = vector.extract %reduce_sum3A_266[15] : f32 from vector<16xf32>
        %broadcast_in_dim3A_268 = vector.broadcast %reduce_sum3A_267 : f32 to vector<16xf32>
        %add3A_269 = arith.addf %broadcast_in_dim3A_268, %get3A_28 : vector<16xf32>
        %exp3A = math.exp %add3A_269 : vector<16xf32>
        %add3A_270 = arith.constant 1.000000e+00 : f32
        %add3A_271 = vector.broadcast %add3A_270 : f32 to vector<16xf32>
        %add3A_272 = arith.addf %add3A_271, %exp3A : vector<16xf32>
        %div3A = arith.constant 1.000000e+00 : f32
        %div3A_273 = vector.broadcast %div3A : f32 to vector<16xf32>
        %div3A_274 = arith.divf %div3A_273, %add3A_272 : vector<16xf32>
        %mul3A_275 = arith.mulf %get3A_228, %div3A_274 : vector<16xf32>
        %swap3A = arith.index_cast %add3A_225 : i32 to index
        %swap3A_276 = arith.constant 0 : index
        %swap3A_277 = tpu.vector_load %arg8[%swap3A, %swap3A_276] {strides = array<i32>} : memref<80x128xf32, #tpu.memory_space<vmem>>, vector<16xf32>,
        tpu.vector_store %arg8[%swap3A, %swap3A_276], %mul3A_275 {strides = array<i32>} : memref<80x128xf32, #tpu.memory_space<vmem>>, vector<16xf32>,
        %mul3A_278 = arith.mulf %get3A_231, %div3A_274 : vector<16xf32>
        %swap3A_279 = arith.index_cast %add3A_225 : i32 to index
        %swap3A_280 = arith.constant 16 : index
        %swap3A_281 = tpu.vector_load %arg8[%swap3A_279, %swap3A_280] {strides = array<i32>} : memref<80x128xf32, #tpu.memory_space<vmem>>, vector<16xf32>,
        tpu.vector_store %arg8[%swap3A_279, %swap3A_280], %mul3A_278 {strides = array<i32>} : memref<80x128xf32, #tpu.memory_space<vmem>>, vector<16xf32>,
        %mul3A_282 = arith.mulf %get3A_234, %div3A_274 : vector<16xf32>
        %swap3A_283 = arith.index_cast %add3A_225 : i32 to index
        %swap3A_284 = arith.constant 32 : index
        %swap3A_285 = tpu.vector_load %arg8[%swap3A_283, %swap3A_284] {strides = array<i32>} : memref<80x128xf32, #tpu.memory_space<vmem>>, vector<16xf32>,
        tpu.vector_store %arg8[%swap3A_283, %swap3A_284], %mul3A_282 {strides = array<i32>} : memref<80x128xf32, #tpu.memory_space<vmem>>, vector<16xf32>,
        %mul3A_286 = arith.mulf %get3A_237, %div3A_274 : vector<16xf32>
        %swap3A_287 = arith.index_cast %add3A_225 : i32 to index
        %swap3A_288 = arith.constant 48 : index
        %swap3A_289 = tpu.vector_load %arg8[%swap3A_287, %swap3A_288] {strides = array<i32>} : memref<80x128xf32, #tpu.memory_space<vmem>>, vector<16xf32>,
        tpu.vector_store %arg8[%swap3A_287, %swap3A_288], %mul3A_286 {strides = array<i32>} : memref<80x128xf32, #tpu.memory_space<vmem>>, vector<16xf32>,
        %mul3A_290 = arith.mulf %get3A_240, %div3A_274 : vector<16xf32>
        %swap3A_291 = arith.index_cast %add3A_225 : i32 to index
        %swap3A_292 = arith.constant 64 : index
        %swap3A_293 = tpu.vector_load %arg8[%swap3A_291, %swap3A_292] {strides = array<i32>} : memref<80x128xf32, #tpu.memory_space<vmem>>, vector<16xf32>,
        tpu.vector_store %arg8[%swap3A_291, %swap3A_292], %mul3A_290 {strides = array<i32>} : memref<80x128xf32, #tpu.memory_space<vmem>>, vector<16xf32>,
        %mul3A_294 = arith.mulf %get3A_243, %div3A_274 : vector<16xf32>
        %swap3A_295 = arith.index_cast %add3A_225 : i32 to index
        %swap3A_296 = arith.constant 80 : index
        %swap3A_297 = tpu.vector_load %arg8[%swap3A_295, %swap3A_296] {strides = array<i32>} : memref<80x128xf32, #tpu.memory_space<vmem>>, vector<16xf32>,
        tpu.vector_store %arg8[%swap3A_295, %swap3A_296], %mul3A_294 {strides = array<i32>} : memref<80x128xf32, #tpu.memory_space<vmem>>, vector<16xf32>,
        %mul3A_298 = arith.mulf %get3A_246, %div3A_274 : vector<16xf32>
        %swap3A_299 = arith.index_cast %add3A_225 : i32 to index
        %swap3A_300 = arith.constant 96 : index
        %swap3A_301 = tpu.vector_load %arg8[%swap3A_299, %swap3A_300] {strides = array<i32>} : memref<80x128xf32, #tpu.memory_space<vmem>>, vector<16xf32>,
        tpu.vector_store %arg8[%swap3A_299, %swap3A_300], %mul3A_298 {strides = array<i32>} : memref<80x128xf32, #tpu.memory_space<vmem>>, vector<16xf32>,
        %mul3A_302 = arith.mulf %get3A_249, %div3A_274 : vector<16xf32>
        %swap3A_303 = arith.index_cast %add3A_225 : i32 to index
        %swap3A_304 = arith.constant 112 : index
        %swap3A_305 = tpu.vector_load %arg8[%swap3A_303, %swap3A_304] {strides = array<i32>} : memref<80x128xf32, #tpu.memory_space<vmem>>, vector<16xf32>,
        tpu.vector_store %arg8[%swap3A_303, %swap3A_304], %mul3A_302 {strides = array<i32>} : memref<80x128xf32, #tpu.memory_space<vmem>>, vector<16xf32>,
        %mul3A_306 = arith.constant 4 : i32
        %mul3A_307 = arith.muli %scan3A_220, %mul3A_306 : i32
        %add3A_308 = arith.constant 1 : i32
        %add3A_309 = arith.addi %mul3A_307, %add3A_308 : i32
        %get3A_310 = arith.index_cast %add3A_309 : i32 to index
        %get3A_311 = arith.constant 0 : index
        %get3A_312 = tpu.vector_load %arg8[%get3A_310, %get3A_311] {strides = array<i32>} : memref<80x128xf32, #tpu.memory_space<vmem>>, vector<16xf32>,
        %get3A_313 = arith.index_cast %add3A_309 : i32 to index
        %get3A_314 = arith.constant 16 : index
        %get3A_315 = tpu.vector_load %arg8[%get3A_313, %get3A_314] {strides = array<i32>} : memref<80x128xf32, #tpu.memory_space<vmem>>, vector<16xf32>,
        %get3A_316 = arith.index_cast %add3A_309 : i32 to index
        %get3A_317 = arith.constant 32 : index
        %get3A_318 = tpu.vector_load %arg8[%get3A_316, %get3A_317] {strides = array<i32>} : memref<80x128xf32, #tpu.memory_space<vmem>>, vector<16xf32>,
        %get3A_319 = arith.index_cast %add3A_309 : i32 to index
        %get3A_320 = arith.constant 48 : index
        %get3A_321 = tpu.vector_load %arg8[%get3A_319, %get3A_320] {strides = array<i32>} : memref<80x128xf32, #tpu.memory_space<vmem>>, vector<16xf32>,
        %get3A_322 = arith.index_cast %add3A_309 : i32 to index
        %get3A_323 = arith.constant 64 : index
        %get3A_324 = tpu.vector_load %arg8[%get3A_322, %get3A_323] {strides = array<i32>} : memref<80x128xf32, #tpu.memory_space<vmem>>, vector<16xf32>,
        %get3A_325 = arith.index_cast %add3A_309 : i32 to index
        %get3A_326 = arith.constant 80 : index
        %get3A_327 = tpu.vector_load %arg8[%get3A_325, %get3A_326] {strides = array<i32>} : memref<80x128xf32, #tpu.memory_space<vmem>>, vector<16xf32>,
        %get3A_328 = arith.index_cast %add3A_309 : i32 to index
        %get3A_329 = arith.constant 96 : index
        %get3A_330 = tpu.vector_load %arg8[%get3A_328, %get3A_329] {strides = array<i32>} : memref<80x128xf32, #tpu.memory_space<vmem>>, vector<16xf32>,
        %get3A_331 = arith.index_cast %add3A_309 : i32 to index
        %get3A_332 = arith.constant 112 : index
        %get3A_333 = tpu.vector_load %arg8[%get3A_331, %get3A_332] {strides = array<i32>} : memref<80x128xf32, #tpu.memory_space<vmem>>, vector<16xf32>,
        %mul3A_334 = arith.mulf %get3A_312, %get3A_12 : vector<16xf32>
        %mul3A_335 = arith.mulf %get3A_315, %get3A_14 : vector<16xf32>
        %add3A_336 = arith.addf %mul3A_334, %mul3A_335 : vector<16xf32>
        %mul3A_337 = arith.mulf %get3A_318, %get3A_16 : vector<16xf32>
        %add3A_338 = arith.addf %add3A_336, %mul3A_337 : vector<16xf32>
        %mul3A_339 = arith.mulf %get3A_321, %get3A_18 : vector<16xf32>
        %add3A_340 = arith.addf %add3A_338, %mul3A_339 : vector<16xf32>
        %mul3A_341 = arith.mulf %get3A_324, %get3A_20 : vector<16xf32>
        %add3A_342 = arith.addf %add3A_340, %mul3A_341 : vector<16xf32>
        %mul3A_343 = arith.mulf %get3A_327, %get3A_22 : vector<16xf32>
        %add3A_344 = arith.addf %add3A_342, %mul3A_343 : vector<16xf32>
        %mul3A_345 = arith.mulf %get3A_330, %get3A_24 : vector<16xf32>
        %add3A_346 = arith.addf %add3A_344, %mul3A_345 : vector<16xf32>
        %mul3A_347 = arith.mulf %get3A_333, %get3A_26 : vector<16xf32>
        %add3A_348 = arith.addf %add3A_346, %mul3A_347 : vector<16xf32>
        %reduce_sum3A_349 = arith.constant true
        %reduce_sum3A_350 = vector.broadcast %reduce_sum3A_349 : i1 to vector<16xi1>
        %reduce_sum3A_351 = tpu.scan <sum>, %add3A_348 masked %reduce_sum3A_350 : vector<16xf32>, vector<16xi1> -> vector<16xf32>
        %reduce_sum3A_352 = vector.extract %reduce_sum3A_351[15] : f32 from vector<16xf32>
        %broadcast_in_dim3A_353 = vector.broadcast %reduce_sum3A_352 : f32 to vector<16xf32>
        %add3A_354 = arith.addf %broadcast_in_dim3A_353, %get3A_28 : vector<16xf32>
        %exp3A_355 = math.exp %add3A_354 : vector<16xf32>
        %add3A_356 = arith.constant 1.000000e+00 : f32
        %add3A_357 = vector.broadcast %add3A_356 : f32 to vector<16xf32>
        %add3A_358 = arith.addf %add3A_357, %exp3A_355 : vector<16xf32>
        %div3A_359 = arith.constant 1.000000e+00 : f32
        %div3A_360 = vector.broadcast %div3A_359 : f32 to vector<16xf32>
        %div3A_361 = arith.divf %div3A_360, %add3A_358 : vector<16xf32>
        %mul3A_362 = arith.mulf %get3A_312, %div3A_361 : vector<16xf32>
        %swap3A_363 = arith.index_cast %add3A_309 : i32 to index
        %swap3A_364 = arith.constant 0 : index
        %swap3A_365 = tpu.vector_load %arg8[%swap3A_363, %swap3A_364] {strides = array<i32>} : memref<80x128xf32, #tpu.memory_space<vmem>>, vector<16xf32>,
        tpu.vector_store %arg8[%swap3A_363, %swap3A_364], %mul3A_362 {strides = array<i32>} : memref<80x128xf32, #tpu.memory_space<vmem>>, vector<16xf32>,
        %mul3A_366 = arith.mulf %get3A_315, %div3A_361 : vector<16xf32>
        %swap3A_367 = arith.index_cast %add3A_309 : i32 to index
        %swap3A_368 = arith.constant 16 : index
        %swap3A_369 = tpu.vector_load %arg8[%swap3A_367, %swap3A_368] {strides = array<i32>} : memref<80x128xf32, #tpu.memory_space<vmem>>, vector<16xf32>,
        tpu.vector_store %arg8[%swap3A_367, %swap3A_368], %mul3A_366 {strides = array<i32>} : memref<80x128xf32, #tpu.memory_space<vmem>>, vector<16xf32>,
        %mul3A_370 = arith.mulf %get3A_318, %div3A_361 : vector<16xf32>
        %swap3A_371 = arith.index_cast %add3A_309 : i32 to index
        %swap3A_372 = arith.constant 32 : index
        %swap3A_373 = tpu.vector_load %arg8[%swap3A_371, %swap3A_372] {strides = array<i32>} : memref<80x128xf32, #tpu.memory_space<vmem>>, vector<16xf32>,
        tpu.vector_store %arg8[%swap3A_371, %swap3A_372], %mul3A_370 {strides = array<i32>} : memref<80x128xf32, #tpu.memory_space<vmem>>, vector<16xf32>,
        %mul3A_374 = arith.mulf %get3A_321, %div3A_361 : vector<16xf32>
        %swap3A_375 = arith.index_cast %add3A_309 : i32 to index
        %swap3A_376 = arith.constant 48 : index
        %swap3A_377 = tpu.vector_load %arg8[%swap3A_375, %swap3A_376] {strides = array<i32>} : memref<80x128xf32, #tpu.memory_space<vmem>>, vector<16xf32>,
        tpu.vector_store %arg8[%swap3A_375, %swap3A_376], %mul3A_374 {strides = array<i32>} : memref<80x128xf32, #tpu.memory_space<vmem>>, vector<16xf32>,
        %mul3A_378 = arith.mulf %get3A_324, %div3A_361 : vector<16xf32>
        %swap3A_379 = arith.index_cast %add3A_309 : i32 to index
        %swap3A_380 = arith.constant 64 : index
        %swap3A_381 = tpu.vector_load %arg8[%swap3A_379, %swap3A_380] {strides = array<i32>} : memref<80x128xf32, #tpu.memory_space<vmem>>, vector<16xf32>,
        tpu.vector_store %arg8[%swap3A_379, %swap3A_380], %mul3A_378 {strides = array<i32>} : memref<80x128xf32, #tpu.memory_space<vmem>>, vector<16xf32>,
        %mul3A_382 = arith.mulf %get3A_327, %div3A_361 : vector<16xf32>
        %swap3A_383 = arith.index_cast %add3A_309 : i32 to index
        %swap3A_384 = arith.constant 80 : index
        %swap3A_385 = tpu.vector_load %arg8[%swap3A_383, %swap3A_384] {strides = array<i32>} : memref<80x128xf32, #tpu.memory_space<vmem>>, vector<16xf32>,
        tpu.vector_store %arg8[%swap3A_383, %swap3A_384], %mul3A_382 {strides = array<i32>} : memref<80x128xf32, #tpu.memory_space<vmem>>, vector<16xf32>,
        %mul3A_386 = arith.mulf %get3A_330, %div3A_361 : vector<16xf32>
        %swap3A_387 = arith.index_cast %add3A_309 : i32 to index
        %swap3A_388 = arith.constant 96 : index
        %swap3A_389 = tpu.vector_load %arg8[%swap3A_387, %swap3A_388] {strides = array<i32>} : memref<80x128xf32, #tpu.memory_space<vmem>>, vector<16xf32>,
        tpu.vector_store %arg8[%swap3A_387, %swap3A_388], %mul3A_386 {strides = array<i32>} : memref<80x128xf32, #tpu.memory_space<vmem>>, vector<16xf32>,
        %mul3A_390 = arith.mulf %get3A_333, %div3A_361 : vector<16xf32>
        %swap3A_391 = arith.index_cast %add3A_309 : i32 to index
        %swap3A_392 = arith.constant 112 : index
        %swap3A_393 = tpu.vector_load %arg8[%swap3A_391, %swap3A_392] {strides = array<i32>} : memref<80x128xf32, #tpu.memory_space<vmem>>, vector<16xf32>,
        tpu.vector_store %arg8[%swap3A_391, %swap3A_392], %mul3A_390 {strides = array<i32>} : memref<80x128xf32, #tpu.memory_space<vmem>>, vector<16xf32>,
        %mul3A_394 = arith.constant 4 : i32
        %mul3A_395 = arith.muli %scan3A_220, %mul3A_394 : i32
        %add3A_396 = arith.constant 2 : i32
        %add3A_397 = arith.addi %mul3A_395, %add3A_396 : i32
        %get3A_398 = arith.index_cast %add3A_397 : i32 to index
        %get3A_399 = arith.constant 0 : index
        %get3A_400 = tpu.vector_load %arg8[%get3A_398, %get3A_399] {strides = array<i32>} : memref<80x128xf32, #tpu.memory_space<vmem>>, vector<16xf32>,
        %get3A_401 = arith.index_cast %add3A_397 : i32 to index
        %get3A_402 = arith.constant 16 : index
        %get3A_403 = tpu.vector_load %arg8[%get3A_401, %get3A_402] {strides = array<i32>} : memref<80x128xf32, #tpu.memory_space<vmem>>, vector<16xf32>,
        %get3A_404 = arith.index_cast %add3A_397 : i32 to index
        %get3A_405 = arith.constant 32 : index
        %get3A_406 = tpu.vector_load %arg8[%get3A_404, %get3A_405] {strides = array<i32>} : memref<80x128xf32, #tpu.memory_space<vmem>>, vector<16xf32>,
        %get3A_407 = arith.index_cast %add3A_397 : i32 to index
        %get3A_408 = arith.constant 48 : index
        %get3A_409 = tpu.vector_load %arg8[%get3A_407, %get3A_408] {strides = array<i32>} : memref<80x128xf32, #tpu.memory_space<vmem>>, vector<16xf32>,
        %get3A_410 = arith.index_cast %add3A_397 : i32 to index
        %get3A_411 = arith.constant 64 : index
        %get3A_412 = tpu.vector_load %arg8[%get3A_410, %get3A_411] {strides = array<i32>} : memref<80x128xf32, #tpu.memory_space<vmem>>, vector<16xf32>,
        %get3A_413 = arith.index_cast %add3A_397 : i32 to index
        %get3A_414 = arith.constant 80 : index
        %get3A_415 = tpu.vector_load %arg8[%get3A_413, %get3A_414] {strides = array<i32>} : memref<80x128xf32, #tpu.memory_space<vmem>>, vector<16xf32>,
        %get3A_416 = arith.index_cast %add3A_397 : i32 to index
        %get3A_417 = arith.constant 96 : index
        %get3A_418 = tpu.vector_load %arg8[%get3A_416, %get3A_417] {strides = array<i32>} : memref<80x128xf32, #tpu.memory_space<vmem>>, vector<16xf32>,
        %get3A_419 = arith.index_cast %add3A_397 : i32 to index
        %get3A_420 = arith.constant 112 : index
        %get3A_421 = tpu.vector_load %arg8[%get3A_419, %get3A_420] {strides = array<i32>} : memref<80x128xf32, #tpu.memory_space<vmem>>, vector<16xf32>,
        %mul3A_422 = arith.mulf %get3A_400, %get3A_12 : vector<16xf32>
        %mul3A_423 = arith.mulf %get3A_403, %get3A_14 : vector<16xf32>
        %add3A_424 = arith.addf %mul3A_422, %mul3A_423 : vector<16xf32>
        %mul3A_425 = arith.mulf %get3A_406, %get3A_16 : vector<16xf32>
        %add3A_426 = arith.addf %add3A_424, %mul3A_425 : vector<16xf32>
        %mul3A_427 = arith.mulf %get3A_409, %get3A_18 : vector<16xf32>
        %add3A_428 = arith.addf %add3A_426, %mul3A_427 : vector<16xf32>
        %mul3A_429 = arith.mulf %get3A_412, %get3A_20 : vector<16xf32>
        %add3A_430 = arith.addf %add3A_428, %mul3A_429 : vector<16xf32>
        %mul3A_431 = arith.mulf %get3A_415, %get3A_22 : vector<16xf32>
        %add3A_432 = arith.addf %add3A_430, %mul3A_431 : vector<16xf32>
        %mul3A_433 = arith.mulf %get3A_418, %get3A_24 : vector<16xf32>
        %add3A_434 = arith.addf %add3A_432, %mul3A_433 : vector<16xf32>
        %mul3A_435 = arith.mulf %get3A_421, %get3A_26 : vector<16xf32>
        %add3A_436 = arith.addf %add3A_434, %mul3A_435 : vector<16xf32>
        %reduce_sum3A_437 = arith.constant true
        %reduce_sum3A_438 = vector.broadcast %reduce_sum3A_437 : i1 to vector<16xi1>
        %reduce_sum3A_439 = tpu.scan <sum>, %add3A_436 masked %reduce_sum3A_438 : vector<16xf32>, vector<16xi1> -> vector<16xf32>
        %reduce_sum3A_440 = vector.extract %reduce_sum3A_439[15] : f32 from vector<16xf32>
        %broadcast_in_dim3A_441 = vector.broadcast %reduce_sum3A_440 : f32 to vector<16xf32>
        %add3A_442 = arith.addf %broadcast_in_dim3A_441, %get3A_28 : vector<16xf32>
        %exp3A_443 = math.exp %add3A_442 : vector<16xf32>
        %add3A_444 = arith.constant 1.000000e+00 : f32
        %add3A_445 = vector.broadcast %add3A_444 : f32 to vector<16xf32>
        %add3A_446 = arith.addf %add3A_445, %exp3A_443 : vector<16xf32>
        %div3A_447 = arith.constant 1.000000e+00 : f32
        %div3A_448 = vector.broadcast %div3A_447 : f32 to vector<16xf32>
        %div3A_449 = arith.divf %div3A_448, %add3A_446 : vector<16xf32>
        %mul3A_450 = arith.mulf %get3A_400, %div3A_449 : vector<16xf32>
        %swap3A_451 = arith.index_cast %add3A_397 : i32 to index
        %swap3A_452 = arith.constant 0 : index
        %swap3A_453 = tpu.vector_load %arg8[%swap3A_451, %swap3A_452] {strides = array<i32>} : memref<80x128xf32, #tpu.memory_space<vmem>>, vector<16xf32>,
        tpu.vector_store %arg8[%swap3A_451, %swap3A_452], %mul3A_450 {strides = array<i32>} : memref<80x128xf32, #tpu.memory_space<vmem>>, vector<16xf32>,
        %mul3A_454 = arith.mulf %get3A_403, %div3A_449 : vector<16xf32>
        %swap3A_455 = arith.index_cast %add3A_397 : i32 to index
        %swap3A_456 = arith.constant 16 : index
        %swap3A_457 = tpu.vector_load %arg8[%swap3A_455, %swap3A_456] {strides = array<i32>} : memref<80x128xf32, #tpu.memory_space<vmem>>, vector<16xf32>,
        tpu.vector_store %arg8[%swap3A_455, %swap3A_456], %mul3A_454 {strides = array<i32>} : memref<80x128xf32, #tpu.memory_space<vmem>>, vector<16xf32>,
        %mul3A_458 = arith.mulf %get3A_406, %div3A_449 : vector<16xf32>
        %swap3A_459 = arith.index_cast %add3A_397 : i32 to index
        %swap3A_460 = arith.constant 32 : index
        %swap3A_461 = tpu.vector_load %arg8[%swap3A_459, %swap3A_460] {strides = array<i32>} : memref<80x128xf32, #tpu.memory_space<vmem>>, vector<16xf32>,
        tpu.vector_store %arg8[%swap3A_459, %swap3A_460], %mul3A_458 {strides = array<i32>} : memref<80x128xf32, #tpu.memory_space<vmem>>, vector<16xf32>,
        %mul3A_462 = arith.mulf %get3A_409, %div3A_449 : vector<16xf32>
        %swap3A_463 = arith.index_cast %add3A_397 : i32 to index
        %swap3A_464 = arith.constant 48 : index
        %swap3A_465 = tpu.vector_load %arg8[%swap3A_463, %swap3A_464] {strides = array<i32>} : memref<80x128xf32, #tpu.memory_space<vmem>>, vector<16xf32>,
        tpu.vector_store %arg8[%swap3A_463, %swap3A_464], %mul3A_462 {strides = array<i32>} : memref<80x128xf32, #tpu.memory_space<vmem>>, vector<16xf32>,
        %mul3A_466 = arith.mulf %get3A_412, %div3A_449 : vector<16xf32>
        %swap3A_467 = arith.index_cast %add3A_397 : i32 to index
        %swap3A_468 = arith.constant 64 : index
        %swap3A_469 = tpu.vector_load %arg8[%swap3A_467, %swap3A_468] {strides = array<i32>} : memref<80x128xf32, #tpu.memory_space<vmem>>, vector<16xf32>,
        tpu.vector_store %arg8[%swap3A_467, %swap3A_468], %mul3A_466 {strides = array<i32>} : memref<80x128xf32, #tpu.memory_space<vmem>>, vector<16xf32>,
        %mul3A_470 = arith.mulf %get3A_415, %div3A_449 : vector<16xf32>
        %swap3A_471 = arith.index_cast %add3A_397 : i32 to index
        %swap3A_472 = arith.constant 80 : index
        %swap3A_473 = tpu.vector_load %arg8[%swap3A_471, %swap3A_472] {strides = array<i32>} : memref<80x128xf32, #tpu.memory_space<vmem>>, vector<16xf32>,
        tpu.vector_store %arg8[%swap3A_471, %swap3A_472], %mul3A_470 {strides = array<i32>} : memref<80x128xf32, #tpu.memory_space<vmem>>, vector<16xf32>,
        %mul3A_474 = arith.mulf %get3A_418, %div3A_449 : vector<16xf32>
        %swap3A_475 = arith.index_cast %add3A_397 : i32 to index
        %swap3A_476 = arith.constant 96 : index
        %swap3A_477 = tpu.vector_load %arg8[%swap3A_475, %swap3A_476] {strides = array<i32>} : memref<80x128xf32, #tpu.memory_space<vmem>>, vector<16xf32>,
        tpu.vector_store %arg8[%swap3A_475, %swap3A_476], %mul3A_474 {strides = array<i32>} : memref<80x128xf32, #tpu.memory_space<vmem>>, vector<16xf32>,
        %mul3A_478 = arith.mulf %get3A_421, %div3A_449 : vector<16xf32>
        %swap3A_479 = arith.index_cast %add3A_397 : i32 to index
        %swap3A_480 = arith.constant 112 : index
        %swap3A_481 = tpu.vector_load %arg8[%swap3A_479, %swap3A_480] {strides = array<i32>} : memref<80x128xf32, #tpu.memory_space<vmem>>, vector<16xf32>,
        tpu.vector_store %arg8[%swap3A_479, %swap3A_480], %mul3A_478 {strides = array<i32>} : memref<80x128xf32, #tpu.memory_space<vmem>>, vector<16xf32>,
        %mul3A_482 = arith.constant 4 : i32
        %mul3A_483 = arith.muli %scan3A_220, %mul3A_482 : i32
        %add3A_484 = arith.constant 3 : i32
        %add3A_485 = arith.addi %mul3A_483, %add3A_484 : i32
        %get3A_486 = arith.index_cast %add3A_485 : i32 to index
        %get3A_487 = arith.constant 0 : index
        %get3A_488 = tpu.vector_load %arg8[%get3A_486, %get3A_487] {strides = array<i32>} : memref<80x128xf32, #tpu.memory_space<vmem>>, vector<16xf32>,
        %get3A_489 = arith.index_cast %add3A_485 : i32 to index
        %get3A_490 = arith.constant 16 : index
        %get3A_491 = tpu.vector_load %arg8[%get3A_489, %get3A_490] {strides = array<i32>} : memref<80x128xf32, #tpu.memory_space<vmem>>, vector<16xf32>,
        %get3A_492 = arith.index_cast %add3A_485 : i32 to index
        %get3A_493 = arith.constant 32 : index
        %get3A_494 = tpu.vector_load %arg8[%get3A_492, %get3A_493] {strides = array<i32>} : memref<80x128xf32, #tpu.memory_space<vmem>>, vector<16xf32>,
        %get3A_495 = arith.index_cast %add3A_485 : i32 to index
        %get3A_496 = arith.constant 48 : index
        %get3A_497 = tpu.vector_load %arg8[%get3A_495, %get3A_496] {strides = array<i32>} : memref<80x128xf32, #tpu.memory_space<vmem>>, vector<16xf32>,
        %get3A_498 = arith.index_cast %add3A_485 : i32 to index
        %get3A_499 = arith.constant 64 : index
        %get3A_500 = tpu.vector_load %arg8[%get3A_498, %get3A_499] {strides = array<i32>} : memref<80x128xf32, #tpu.memory_space<vmem>>, vector<16xf32>,
        %get3A_501 = arith.index_cast %add3A_485 : i32 to index
        %get3A_502 = arith.constant 80 : index
        %get3A_503 = tpu.vector_load %arg8[%get3A_501, %get3A_502] {strides = array<i32>} : memref<80x128xf32, #tpu.memory_space<vmem>>, vector<16xf32>,
        %get3A_504 = arith.index_cast %add3A_485 : i32 to index
        %get3A_505 = arith.constant 96 : index
        %get3A_506 = tpu.vector_load %arg8[%get3A_504, %get3A_505] {strides = array<i32>} : memref<80x128xf32, #tpu.memory_space<vmem>>, vector<16xf32>,
        %get3A_507 = arith.index_cast %add3A_485 : i32 to index
        %get3A_508 = arith.constant 112 : index
        %get3A_509 = tpu.vector_load %arg8[%get3A_507, %get3A_508] {strides = array<i32>} : memref<80x128xf32, #tpu.memory_space<vmem>>, vector<16xf32>,
        %mul3A_510 = arith.mulf %get3A_488, %get3A_12 : vector<16xf32>
        %mul3A_511 = arith.mulf %get3A_491, %get3A_14 : vector<16xf32>
        %add3A_512 = arith.addf %mul3A_510, %mul3A_511 : vector<16xf32>
        %mul3A_513 = arith.mulf %get3A_494, %get3A_16 : vector<16xf32>
        %add3A_514 = arith.addf %add3A_512, %mul3A_513 : vector<16xf32>
        %mul3A_515 = arith.mulf %get3A_497, %get3A_18 : vector<16xf32>
        %add3A_516 = arith.addf %add3A_514, %mul3A_515 : vector<16xf32>
        %mul3A_517 = arith.mulf %get3A_500, %get3A_20 : vector<16xf32>
        %add3A_518 = arith.addf %add3A_516, %mul3A_517 : vector<16xf32>
        %mul3A_519 = arith.mulf %get3A_503, %get3A_22 : vector<16xf32>
        %add3A_520 = arith.addf %add3A_518, %mul3A_519 : vector<16xf32>
        %mul3A_521 = arith.mulf %get3A_506, %get3A_24 : vector<16xf32>
        %add3A_522 = arith.addf %add3A_520, %mul3A_521 : vector<16xf32>
        %mul3A_523 = arith.mulf %get3A_509, %get3A_26 : vector<16xf32>
        %add3A_524 = arith.addf %add3A_522, %mul3A_523 : vector<16xf32>
        %reduce_sum3A_525 = arith.constant true
        %reduce_sum3A_526 = vector.broadcast %reduce_sum3A_525 : i1 to vector<16xi1>
        %reduce_sum3A_527 = tpu.scan <sum>, %add3A_524 masked %reduce_sum3A_526 : vector<16xf32>, vector<16xi1> -> vector<16xf32>
        %reduce_sum3A_528 = vector.extract %reduce_sum3A_527[15] : f32 from vector<16xf32>
        %broadcast_in_dim3A_529 = vector.broadcast %reduce_sum3A_528 : f32 to vector<16xf32>
        %add3A_530 = arith.addf %broadcast_in_dim3A_529, %get3A_28 : vector<16xf32>
        %exp3A_531 = math.exp %add3A_530 : vector<16xf32>
        %add3A_532 = arith.constant 1.000000e+00 : f32
        %add3A_533 = vector.broadcast %add3A_532 : f32 to vector<16xf32>
        %add3A_534 = arith.addf %add3A_533, %exp3A_531 : vector<16xf32>
        %div3A_535 = arith.constant 1.000000e+00 : f32
        %div3A_536 = vector.broadcast %div3A_535 : f32 to vector<16xf32>
        %div3A_537 = arith.divf %div3A_536, %add3A_534 : vector<16xf32>
        %mul3A_538 = arith.mulf %get3A_488, %div3A_537 : vector<16xf32>
        %swap3A_539 = arith.index_cast %add3A_485 : i32 to index
        %swap3A_540 = arith.constant 0 : index
        %swap3A_541 = tpu.vector_load %arg8[%swap3A_539, %swap3A_540] {strides = array<i32>} : memref<80x128xf32, #tpu.memory_space<vmem>>, vector<16xf32>,
        tpu.vector_store %arg8[%swap3A_539, %swap3A_540], %mul3A_538 {strides = array<i32>} : memref<80x128xf32, #tpu.memory_space<vmem>>, vector<16xf32>,
        %mul3A_542 = arith.mulf %get3A_491, %div3A_537 : vector<16xf32>
        %swap3A_543 = arith.index_cast %add3A_485 : i32 to index
        %swap3A_544 = arith.constant 16 : index
        %swap3A_545 = tpu.vector_load %arg8[%swap3A_543, %swap3A_544] {strides = array<i32>} : memref<80x128xf32, #tpu.memory_space<vmem>>, vector<16xf32>,
        tpu.vector_store %arg8[%swap3A_543, %swap3A_544], %mul3A_542 {strides = array<i32>} : memref<80x128xf32, #tpu.memory_space<vmem>>, vector<16xf32>,
        %mul3A_546 = arith.mulf %get3A_494, %div3A_537 : vector<16xf32>
        %swap3A_547 = arith.index_cast %add3A_485 : i32 to index
        %swap3A_548 = arith.constant 32 : index
        %swap3A_549 = tpu.vector_load %arg8[%swap3A_547, %swap3A_548] {strides = array<i32>} : memref<80x128xf32, #tpu.memory_space<vmem>>, vector<16xf32>,
        tpu.vector_store %arg8[%swap3A_547, %swap3A_548], %mul3A_546 {strides = array<i32>} : memref<80x128xf32, #tpu.memory_space<vmem>>, vector<16xf32>,
        %mul3A_550 = arith.mulf %get3A_497, %div3A_537 : vector<16xf32>
        %swap3A_551 = arith.index_cast %add3A_485 : i32 to index
        %swap3A_552 = arith.constant 48 : index
        %swap3A_553 = tpu.vector_load %arg8[%swap3A_551, %swap3A_552] {strides = array<i32>} : memref<80x128xf32, #tpu.memory_space<vmem>>, vector<16xf32>,
        tpu.vector_store %arg8[%swap3A_551, %swap3A_552], %mul3A_550 {strides = array<i32>} : memref<80x128xf32, #tpu.memory_space<vmem>>, vector<16xf32>,
        %mul3A_554 = arith.mulf %get3A_500, %div3A_537 : vector<16xf32>
        %swap3A_555 = arith.index_cast %add3A_485 : i32 to index
        %swap3A_556 = arith.constant 64 : index
        %swap3A_557 = tpu.vector_load %arg8[%swap3A_555, %swap3A_556] {strides = array<i32>} : memref<80x128xf32, #tpu.memory_space<vmem>>, vector<16xf32>,
        tpu.vector_store %arg8[%swap3A_555, %swap3A_556], %mul3A_554 {strides = array<i32>} : memref<80x128xf32, #tpu.memory_space<vmem>>, vector<16xf32>,
        %mul3A_558 = arith.mulf %get3A_503, %div3A_537 : vector<16xf32>
        %swap3A_559 = arith.index_cast %add3A_485 : i32 to index
        %swap3A_560 = arith.constant 80 : index
        %swap3A_561 = tpu.vector_load %arg8[%swap3A_559, %swap3A_560] {strides = array<i32>} : memref<80x128xf32, #tpu.memory_space<vmem>>, vector<16xf32>,
        tpu.vector_store %arg8[%swap3A_559, %swap3A_560], %mul3A_558 {strides = array<i32>} : memref<80x128xf32, #tpu.memory_space<vmem>>, vector<16xf32>,
        %mul3A_562 = arith.mulf %get3A_506, %div3A_537 : vector<16xf32>
        %swap3A_563 = arith.index_cast %add3A_485 : i32 to index
        %swap3A_564 = arith.constant 96 : index
        %swap3A_565 = tpu.vector_load %arg8[%swap3A_563, %swap3A_564] {strides = array<i32>} : memref<80x128xf32, #tpu.memory_space<vmem>>, vector<16xf32>,
        tpu.vector_store %arg8[%swap3A_563, %swap3A_564], %mul3A_562 {strides = array<i32>} : memref<80x128xf32, #tpu.memory_space<vmem>>, vector<16xf32>,
        %mul3A_566 = arith.mulf %get3A_509, %div3A_537 : vector<16xf32>
        %swap3A_567 = arith.index_cast %add3A_485 : i32 to index
        %swap3A_568 = arith.constant 112 : index
        %swap3A_569 = tpu.vector_load %arg8[%swap3A_567, %swap3A_568] {strides = array<i32>} : memref<80x128xf32, #tpu.memory_space<vmem>>, vector<16xf32>,
        tpu.vector_store %arg8[%swap3A_567, %swap3A_568], %mul3A_566 {strides = array<i32>} : memref<80x128xf32, #tpu.memory_space<vmem>>, vector<16xf32>,
        %scan3A_570 = arith.constant 0 : i32
        scf.yield %scan3A_570 : i32
      }
      %scan3A_205 = arith.constant 20 : i32
      %dma_start3A_206 = arith.constant 0 : i32
      %dma_start3A_207 = arith.constant 0 : i32
      %dma_start3A_208 = tpu.memref_slice %arg13[%dma_start3A_206, %dma_start3A_207] : memref<1024x128xf32, #tpu.memory_space<vmem_shared>> -> memref<1024x128xf32, #tpu.memory_space<vmem_shared>>
      tpu.enqueue_indirect_dma source(%arg8 : memref<80x128xf32, #tpu.memory_space<vmem>>) target(%dma_start3A_208 : memref<1024x128xf32, #tpu.memory_space<vmem_shared>>) offsets(%arg11 : memref<80xi32, #tpu.memory_space<vmem>>) semaphore(%arg22 : memref<!tpu.dma_semaphore, #tpu.memory_space<semaphore_mem>>) {add = true}
      %ge3A_209 = arith.constant 1 : i32
      %ge3A_210 = arith.cmpi sge, %add3A_188, %ge3A_209 : i32
      %add3A_211 = arith.constant 2 : i32
      %add3A_212 = arith.addi %add3A_188, %add3A_211 : i32
      %lt3A_213 = arith.constant 80 : i32
      %lt3A_214 = arith.cmpi slt, %add3A_212, %lt3A_213 : i32
      %and3A_215 = arith.andi %ge3A_210, %lt3A_214 : i1
      %convert_element_type3A_216 = arith.extui %and3A_215 : i1 to i32
      %cond3A_217 = arith.constant 0 : i32
      %cond3A_218 = arith.cmpi ne, %convert_element_type3A_216, %cond3A_217 : i32
      scf.if %cond3A_218 {
        %dma_wait3A_220 = arith.constant 0 : i32
        %dma_wait3A_221 = arith.constant 0 : i32
        %dma_wait3A_222 = tpu.memref_slice %arg13[%dma_wait3A_220, %dma_wait3A_221] : memref<1024x128xf32, #tpu.memory_space<vmem_shared>> -> memref<1024x128xf32, #tpu.memory_space<vmem_shared>>
        tpu.wait_indirect_dma semaphore(%arg21 : memref<!tpu.dma_semaphore, #tpu.memory_space<semaphore_mem>>) src(%arg7 : memref<80x128xf32, #tpu.memory_space<vmem>>) dst(%dma_wait3A_222 : memref<1024x128xf32, #tpu.memory_space<vmem_shared>>)
        %add3A_223 = arith.constant 2 : i32
        %add3A_224 = arith.addi %add3A_188, %add3A_223 : i32
        %mul3A_225 = arith.constant 80 : i32
        %mul3A_226 = arith.muli %add3A_224, %mul3A_225 : i32
        %add3A_227 = arith.addi %mul3A_2, %mul3A_226 : i32
        %dma_start3A_228 = arith.constant 0 : i32
        %dma_start3A_229 = tpu.memref_slice %arg2[%add3A_227, %dma_start3A_228] : memref<320000x128xf32, #tpu.memory_space<hbm>> -> memref<80x128xf32, #tpu.memory_space<hbm>>
        %dma_start3A_230 = arith.constant 0 : i32
        %dma_start3A_231 = tpu.memref_slice %arg2[%add3A_227, %dma_start3A_230] : memref<320000x128xf32, #tpu.memory_space<hbm>> -> memref<80x128xf32, #tpu.memory_space<hbm>>
        tpu.enqueue_dma source(%dma_start3A_231 : memref<80x128xf32, #tpu.memory_space<hbm>>) target(%arg7 : memref<80x128xf32, #tpu.memory_space<vmem>>) target_semaphore(%arg15 : memref<!tpu.dma_semaphore, #tpu.memory_space<semaphore_mem>>)
        %dma_start3A_232 = tpu.memref_slice %arg3[%add3A_227] : memref<320000xi32, #tpu.memory_space<hbm>> -> memref<80xi32, #tpu.memory_space<hbm>>
        %dma_start3A_233 = tpu.memref_slice %arg3[%add3A_227] : memref<320000xi32, #tpu.memory_space<hbm>> -> memref<80xi32, #tpu.memory_space<hbm>>
        tpu.enqueue_dma source(%dma_start3A_233 : memref<80xi32, #tpu.memory_space<hbm>>) target(%arg10 : memref<80xi32, #tpu.memory_space<vmem>>) target_semaphore(%arg18 : memref<!tpu.dma_semaphore, #tpu.memory_space<semaphore_mem>>)
      } else {
      }
      %scan3A_219 = arith.constant 0 : i32
      scf.yield %scan3A_219 : i32
    }
    %scan3A_58 = arith.constant 26 : i32
    %dma_wait3A = arith.constant 0 : i32
    %dma_wait3A_59 = arith.constant 0 : i32
    %dma_wait3A_60 = tpu.memref_slice %arg2[%dma_wait3A, %dma_wait3A_59] : memref<320000x128xf32, #tpu.memory_space<hbm>> -> memref<80x128xf32, #tpu.memory_space<hbm>>
    %dma_wait3A_61 = arith.constant 0 : i32
    %dma_wait3A_62 = arith.constant 0 : i32
    %dma_wait3A_63 = tpu.memref_slice %arg2[%dma_wait3A_61, %dma_wait3A_62] : memref<320000x128xf32, #tpu.memory_space<hbm>> -> memref<80x128xf32, #tpu.memory_space<hbm>>
    tpu.wait_dma2 semaphore(%arg14 : memref<!tpu.dma_semaphore, #tpu.memory_space<semaphore_mem>>) src(%dma_wait3A_63 : memref<80x128xf32, #tpu.memory_space<hbm>>) dst(%arg6 : memref<80x128xf32, #tpu.memory_space<vmem>>)
    %dma_wait3A_64 = arith.constant 0 : i32
    %dma_wait3A_65 = tpu.memref_slice %arg3[%dma_wait3A_64] : memref<320000xi32, #tpu.memory_space<hbm>> -> memref<80xi32, #tpu.memory_space<hbm>>
    %dma_wait3A_66 = arith.constant 0 : i32
    %dma_wait3A_67 = tpu.memref_slice %arg3[%dma_wait3A_66] : memref<320000xi32, #tpu.memory_space<hbm>> -> memref<80xi32, #tpu.memory_space<hbm>>
    tpu.wait_dma2 semaphore(%arg17 : memref<!tpu.dma_semaphore, #tpu.memory_space<semaphore_mem>>) src(%dma_wait3A_67 : memref<80xi32, #tpu.memory_space<hbm>>) dst(%arg9 : memref<80xi32, #tpu.memory_space<vmem>>)
    %scan3A_68 = arith.constant 0 : i32
    %scan3A_69 = arith.constant 0 : i32
    %scan3A_70 = arith.constant 20 : i32
    %scan3A_71 = arith.addi %scan3A_69, %scan3A_70 : i32
    %scan3A_72 = arith.constant 1 : i32
    %scan3A_73 = scf.for %scan3A_121 = %scan3A_69 to %scan3A_71 step %scan3A_72 iter_args(%scan3A_122 = %scan3A_68) -> (i32)  : i32 {
      %mul3A_123 = arith.constant 4 : i32
      %mul3A_124 = arith.muli %scan3A_121, %mul3A_123 : i32
      %add3A_125 = arith.constant 0 : i32
      %add3A_126 = arith.addi %mul3A_124, %add3A_125 : i32
      %get3A_127 = arith.index_cast %add3A_126 : i32 to index
      %get3A_128 = arith.constant 0 : index
      %get3A_129 = tpu.vector_load %arg6[%get3A_127, %get3A_128] {strides = array<i32>} : memref<80x128xf32, #tpu.memory_space<vmem>>, vector<16xf32>,
      %get3A_130 = arith.index_cast %add3A_126 : i32 to index
      %get3A_131 = arith.constant 16 : index
      %get3A_132 = tpu.vector_load %arg6[%get3A_130, %get3A_131] {strides = array<i32>} : memref<80x128xf32, #tpu.memory_space<vmem>>, vector<16xf32>,
      %get3A_133 = arith.index_cast %add3A_126 : i32 to index
      %get3A_134 = arith.constant 32 : index
      %get3A_135 = tpu.vector_load %arg6[%get3A_133, %get3A_134] {strides = array<i32>} : memref<80x128xf32, #tpu.memory_space<vmem>>, vector<16xf32>,
      %get3A_136 = arith.index_cast %add3A_126 : i32 to index
      %get3A_137 = arith.constant 48 : index
      %get3A_138 = tpu.vector_load %arg6[%get3A_136, %get3A_137] {strides = array<i32>} : memref<80x128xf32, #tpu.memory_space<vmem>>, vector<16xf32>,
      %get3A_139 = arith.index_cast %add3A_126 : i32 to index
      %get3A_140 = arith.constant 64 : index
      %get3A_141 = tpu.vector_load %arg6[%get3A_139, %get3A_140] {strides = array<i32>} : memref<80x128xf32, #tpu.memory_space<vmem>>, vector<16xf32>,
      %get3A_142 = arith.index_cast %add3A_126 : i32 to index
      %get3A_143 = arith.constant 80 : index
      %get3A_144 = tpu.vector_load %arg6[%get3A_142, %get3A_143] {strides = array<i32>} : memref<80x128xf32, #tpu.memory_space<vmem>>, vector<16xf32>,
      %get3A_145 = arith.index_cast %add3A_126 : i32 to index
      %get3A_146 = arith.constant 96 : index
      %get3A_147 = tpu.vector_load %arg6[%get3A_145, %get3A_146] {strides = array<i32>} : memref<80x128xf32, #tpu.memory_space<vmem>>, vector<16xf32>,
      %get3A_148 = arith.index_cast %add3A_126 : i32 to index
      %get3A_149 = arith.constant 112 : index
      %get3A_150 = tpu.vector_load %arg6[%get3A_148, %get3A_149] {strides = array<i32>} : memref<80x128xf32, #tpu.memory_space<vmem>>, vector<16xf32>,
      %mul3A_151 = arith.mulf %get3A_129, %get3A_12 : vector<16xf32>
      %mul3A_152 = arith.mulf %get3A_132, %get3A_14 : vector<16xf32>
      %add3A_153 = arith.addf %mul3A_151, %mul3A_152 : vector<16xf32>
      %mul3A_154 = arith.mulf %get3A_135, %get3A_16 : vector<16xf32>
      %add3A_155 = arith.addf %add3A_153, %mul3A_154 : vector<16xf32>
      %mul3A_156 = arith.mulf %get3A_138, %get3A_18 : vector<16xf32>
      %add3A_157 = arith.addf %add3A_155, %mul3A_156 : vector<16xf32>
      %mul3A_158 = arith.mulf %get3A_141, %get3A_20 : vector<16xf32>
      %add3A_159 = arith.addf %add3A_157, %mul3A_158 : vector<16xf32>
      %mul3A_160 = arith.mulf %get3A_144, %get3A_22 : vector<16xf32>
      %add3A_161 = arith.addf %add3A_159, %mul3A_160 : vector<16xf32>
      %mul3A_162 = arith.mulf %get3A_147, %get3A_24 : vector<16xf32>
      %add3A_163 = arith.addf %add3A_161, %mul3A_162 : vector<16xf32>
      %mul3A_164 = arith.mulf %get3A_150, %get3A_26 : vector<16xf32>
      %add3A_165 = arith.addf %add3A_163, %mul3A_164 : vector<16xf32>
      %reduce_sum3A = arith.constant true
      %reduce_sum3A_166 = vector.broadcast %reduce_sum3A : i1 to vector<16xi1>
      %reduce_sum3A_167 = tpu.scan <sum>, %add3A_165 masked %reduce_sum3A_166 : vector<16xf32>, vector<16xi1> -> vector<16xf32>
      %reduce_sum3A_168 = vector.extract %reduce_sum3A_167[15] : f32 from vector<16xf32>
      %broadcast_in_dim3A_169 = vector.broadcast %reduce_sum3A_168 : f32 to vector<16xf32>
      %add3A_170 = arith.addf %broadcast_in_dim3A_169, %get3A_28 : vector<16xf32>
      %exp3A = math.exp %add3A_170 : vector<16xf32>
      %add3A_171 = arith.constant 1.000000e+00 : f32
      %add3A_172 = vector.broadcast %add3A_171 : f32 to vector<16xf32>
      %add3A_173 = arith.addf %add3A_172, %exp3A : vector<16xf32>
      %div3A = arith.constant 1.000000e+00 : f32
      %div3A_174 = vector.broadcast %div3A : f32 to vector<16xf32>
      %div3A_175 = arith.divf %div3A_174, %add3A_173 : vector<16xf32>
      %mul3A_176 = arith.mulf %get3A_129, %div3A_175 : vector<16xf32>
      %swap3A = arith.index_cast %add3A_126 : i32 to index
      %swap3A_177 = arith.constant 0 : index
      %swap3A_178 = tpu.vector_load %arg6[%swap3A, %swap3A_177] {strides = array<i32>} : memref<80x128xf32, #tpu.memory_space<vmem>>, vector<16xf32>,
      tpu.vector_store %arg6[%swap3A, %swap3A_177], %mul3A_176 {strides = array<i32>} : memref<80x128xf32, #tpu.memory_space<vmem>>, vector<16xf32>,
      %mul3A_179 = arith.mulf %get3A_132, %div3A_175 : vector<16xf32>
      %swap3A_180 = arith.index_cast %add3A_126 : i32 to index
      %swap3A_181 = arith.constant 16 : index
      %swap3A_182 = tpu.vector_load %arg6[%swap3A_180, %swap3A_181] {strides = array<i32>} : memref<80x128xf32, #tpu.memory_space<vmem>>, vector<16xf32>,
      tpu.vector_store %arg6[%swap3A_180, %swap3A_181], %mul3A_179 {strides = array<i32>} : memref<80x128xf32, #tpu.memory_space<vmem>>, vector<16xf32>,
      %mul3A_183 = arith.mulf %get3A_135, %div3A_175 : vector<16xf32>
      %swap3A_184 = arith.index_cast %add3A_126 : i32 to index
      %swap3A_185 = arith.constant 32 : index
      %swap3A_186 = tpu.vector_load %arg6[%swap3A_184, %swap3A_185] {strides = array<i32>} : memref<80x128xf32, #tpu.memory_space<vmem>>, vector<16xf32>,
      tpu.vector_store %arg6[%swap3A_184, %swap3A_185], %mul3A_183 {strides = array<i32>} : memref<80x128xf32, #tpu.memory_space<vmem>>, vector<16xf32>,
      %mul3A_187 = arith.mulf %get3A_138, %div3A_175 : vector<16xf32>
      %swap3A_188 = arith.index_cast %add3A_126 : i32 to index
      %swap3A_189 = arith.constant 48 : index
      %swap3A_190 = tpu.vector_load %arg6[%swap3A_188, %swap3A_189] {strides = array<i32>} : memref<80x128xf32, #tpu.memory_space<vmem>>, vector<16xf32>,
      tpu.vector_store %arg6[%swap3A_188, %swap3A_189], %mul3A_187 {strides = array<i32>} : memref<80x128xf32, #tpu.memory_space<vmem>>, vector<16xf32>,
      %mul3A_191 = arith.mulf %get3A_141, %div3A_175 : vector<16xf32>
      %swap3A_192 = arith.index_cast %add3A_126 : i32 to index
      %swap3A_193 = arith.constant 64 : index
      %swap3A_194 = tpu.vector_load %arg6[%swap3A_192, %swap3A_193] {strides = array<i32>} : memref<80x128xf32, #tpu.memory_space<vmem>>, vector<16xf32>,
      tpu.vector_store %arg6[%swap3A_192, %swap3A_193], %mul3A_191 {strides = array<i32>} : memref<80x128xf32, #tpu.memory_space<vmem>>, vector<16xf32>,
      %mul3A_195 = arith.mulf %get3A_144, %div3A_175 : vector<16xf32>
      %swap3A_196 = arith.index_cast %add3A_126 : i32 to index
      %swap3A_197 = arith.constant 80 : index
      %swap3A_198 = tpu.vector_load %arg6[%swap3A_196, %swap3A_197] {strides = array<i32>} : memref<80x128xf32, #tpu.memory_space<vmem>>, vector<16xf32>,
      tpu.vector_store %arg6[%swap3A_196, %swap3A_197], %mul3A_195 {strides = array<i32>} : memref<80x128xf32, #tpu.memory_space<vmem>>, vector<16xf32>,
      %mul3A_199 = arith.mulf %get3A_147, %div3A_175 : vector<16xf32>
      %swap3A_200 = arith.index_cast %add3A_126 : i32 to index
      %swap3A_201 = arith.constant 96 : index
      %swap3A_202 = tpu.vector_load %arg6[%swap3A_200, %swap3A_201] {strides = array<i32>} : memref<80x128xf32, #tpu.memory_space<vmem>>, vector<16xf32>,
      tpu.vector_store %arg6[%swap3A_200, %swap3A_201], %mul3A_199 {strides = array<i32>} : memref<80x128xf32, #tpu.memory_space<vmem>>, vector<16xf32>,
      %mul3A_203 = arith.mulf %get3A_150, %div3A_175 : vector<16xf32>
      %swap3A_204 = arith.index_cast %add3A_126 : i32 to index
      %swap3A_205 = arith.constant 112 : index
      %swap3A_206 = tpu.vector_load %arg6[%swap3A_204, %swap3A_205] {strides = array<i32>} : memref<80x128xf32, #tpu.memory_space<vmem>>, vector<16xf32>,
      tpu.vector_store %arg6[%swap3A_204, %swap3A_205], %mul3A_203 {strides = array<i32>} : memref<80x128xf32, #tpu.memory_space<vmem>>, vector<16xf32>,
      %mul3A_207 = arith.constant 4 : i32
      %mul3A_208 = arith.muli %scan3A_121, %mul3A_207 : i32
      %add3A_209 = arith.constant 1 : i32
      %add3A_210 = arith.addi %mul3A_208, %add3A_209 : i32
      %get3A_211 = arith.index_cast %add3A_210 : i32 to index
      %get3A_212 = arith.constant 0 : index
      %get3A_213 = tpu.vector_load %arg6[%get3A_211, %get3A_212] {strides = array<i32>} : memref<80x128xf32, #tpu.memory_space<vmem>>, vector<16xf32>,
      %get3A_214 = arith.index_cast %add3A_210 : i32 to index
      %get3A_215 = arith.constant 16 : index
      %get3A_216 = tpu.vector_load %arg6[%get3A_214, %get3A_215] {strides = array<i32>} : memref<80x128xf32, #tpu.memory_space<vmem>>, vector<16xf32>,
      %get3A_217 = arith.index_cast %add3A_210 : i32 to index
      %get3A_218 = arith.constant 32 : index
      %get3A_219 = tpu.vector_load %arg6[%get3A_217, %get3A_218] {strides = array<i32>} : memref<80x128xf32, #tpu.memory_space<vmem>>, vector<16xf32>,
      %get3A_220 = arith.index_cast %add3A_210 : i32 to index
      %get3A_221 = arith.constant 48 : index
      %get3A_222 = tpu.vector_load %arg6[%get3A_220, %get3A_221] {strides = array<i32>} : memref<80x128xf32, #tpu.memory_space<vmem>>, vector<16xf32>,
      %get3A_223 = arith.index_cast %add3A_210 : i32 to index
      %get3A_224 = arith.constant 64 : index
      %get3A_225 = tpu.vector_load %arg6[%get3A_223, %get3A_224] {strides = array<i32>} : memref<80x128xf32, #tpu.memory_space<vmem>>, vector<16xf32>,
      %get3A_226 = arith.index_cast %add3A_210 : i32 to index
      %get3A_227 = arith.constant 80 : index
      %get3A_228 = tpu.vector_load %arg6[%get3A_226, %get3A_227] {strides = array<i32>} : memref<80x128xf32, #tpu.memory_space<vmem>>, vector<16xf32>,
      %get3A_229 = arith.index_cast %add3A_210 : i32 to index
      %get3A_230 = arith.constant 96 : index
      %get3A_231 = tpu.vector_load %arg6[%get3A_229, %get3A_230] {strides = array<i32>} : memref<80x128xf32, #tpu.memory_space<vmem>>, vector<16xf32>,
      %get3A_232 = arith.index_cast %add3A_210 : i32 to index
      %get3A_233 = arith.constant 112 : index
      %get3A_234 = tpu.vector_load %arg6[%get3A_232, %get3A_233] {strides = array<i32>} : memref<80x128xf32, #tpu.memory_space<vmem>>, vector<16xf32>,
      %mul3A_235 = arith.mulf %get3A_213, %get3A_12 : vector<16xf32>
      %mul3A_236 = arith.mulf %get3A_216, %get3A_14 : vector<16xf32>
      %add3A_237 = arith.addf %mul3A_235, %mul3A_236 : vector<16xf32>
      %mul3A_238 = arith.mulf %get3A_219, %get3A_16 : vector<16xf32>
      %add3A_239 = arith.addf %add3A_237, %mul3A_238 : vector<16xf32>
      %mul3A_240 = arith.mulf %get3A_222, %get3A_18 : vector<16xf32>
      %add3A_241 = arith.addf %add3A_239, %mul3A_240 : vector<16xf32>
      %mul3A_242 = arith.mulf %get3A_225, %get3A_20 : vector<16xf32>
      %add3A_243 = arith.addf %add3A_241, %mul3A_242 : vector<16xf32>
      %mul3A_244 = arith.mulf %get3A_228, %get3A_22 : vector<16xf32>
      %add3A_245 = arith.addf %add3A_243, %mul3A_244 : vector<16xf32>
      %mul3A_246 = arith.mulf %get3A_231, %get3A_24 : vector<16xf32>
      %add3A_247 = arith.addf %add3A_245, %mul3A_246 : vector<16xf32>
      %mul3A_248 = arith.mulf %get3A_234, %get3A_26 : vector<16xf32>
      %add3A_249 = arith.addf %add3A_247, %mul3A_248 : vector<16xf32>
      %reduce_sum3A_250 = arith.constant true
      %reduce_sum3A_251 = vector.broadcast %reduce_sum3A_250 : i1 to vector<16xi1>
      %reduce_sum3A_252 = tpu.scan <sum>, %add3A_249 masked %reduce_sum3A_251 : vector<16xf32>, vector<16xi1> -> vector<16xf32>
      %reduce_sum3A_253 = vector.extract %reduce_sum3A_252[15] : f32 from vector<16xf32>
      %broadcast_in_dim3A_254 = vector.broadcast %reduce_sum3A_253 : f32 to vector<16xf32>
      %add3A_255 = arith.addf %broadcast_in_dim3A_254, %get3A_28 : vector<16xf32>
      %exp3A_256 = math.exp %add3A_255 : vector<16xf32>
      %add3A_257 = arith.constant 1.000000e+00 : f32
      %add3A_258 = vector.broadcast %add3A_257 : f32 to vector<16xf32>
      %add3A_259 = arith.addf %add3A_258, %exp3A_256 : vector<16xf32>
      %div3A_260 = arith.constant 1.000000e+00 : f32
      %div3A_261 = vector.broadcast %div3A_260 : f32 to vector<16xf32>
      %div3A_262 = arith.divf %div3A_261, %add3A_259 : vector<16xf32>
      %mul3A_263 = arith.mulf %get3A_213, %div3A_262 : vector<16xf32>
      %swap3A_264 = arith.index_cast %add3A_210 : i32 to index
      %swap3A_265 = arith.constant 0 : index
      %swap3A_266 = tpu.vector_load %arg6[%swap3A_264, %swap3A_265] {strides = array<i32>} : memref<80x128xf32, #tpu.memory_space<vmem>>, vector<16xf32>,
      tpu.vector_store %arg6[%swap3A_264, %swap3A_265], %mul3A_263 {strides = array<i32>} : memref<80x128xf32, #tpu.memory_space<vmem>>, vector<16xf32>,
      %mul3A_267 = arith.mulf %get3A_216, %div3A_262 : vector<16xf32>
      %swap3A_268 = arith.index_cast %add3A_210 : i32 to index
      %swap3A_269 = arith.constant 16 : index
      %swap3A_270 = tpu.vector_load %arg6[%swap3A_268, %swap3A_269] {strides = array<i32>} : memref<80x128xf32, #tpu.memory_space<vmem>>, vector<16xf32>,
      tpu.vector_store %arg6[%swap3A_268, %swap3A_269], %mul3A_267 {strides = array<i32>} : memref<80x128xf32, #tpu.memory_space<vmem>>, vector<16xf32>,
      %mul3A_271 = arith.mulf %get3A_219, %div3A_262 : vector<16xf32>
      %swap3A_272 = arith.index_cast %add3A_210 : i32 to index
      %swap3A_273 = arith.constant 32 : index
      %swap3A_274 = tpu.vector_load %arg6[%swap3A_272, %swap3A_273] {strides = array<i32>} : memref<80x128xf32, #tpu.memory_space<vmem>>, vector<16xf32>,
      tpu.vector_store %arg6[%swap3A_272, %swap3A_273], %mul3A_271 {strides = array<i32>} : memref<80x128xf32, #tpu.memory_space<vmem>>, vector<16xf32>,
      %mul3A_275 = arith.mulf %get3A_222, %div3A_262 : vector<16xf32>
      %swap3A_276 = arith.index_cast %add3A_210 : i32 to index
      %swap3A_277 = arith.constant 48 : index
      %swap3A_278 = tpu.vector_load %arg6[%swap3A_276, %swap3A_277] {strides = array<i32>} : memref<80x128xf32, #tpu.memory_space<vmem>>, vector<16xf32>,
      tpu.vector_store %arg6[%swap3A_276, %swap3A_277], %mul3A_275 {strides = array<i32>} : memref<80x128xf32, #tpu.memory_space<vmem>>, vector<16xf32>,
      %mul3A_279 = arith.mulf %get3A_225, %div3A_262 : vector<16xf32>
      %swap3A_280 = arith.index_cast %add3A_210 : i32 to index
      %swap3A_281 = arith.constant 64 : index
      %swap3A_282 = tpu.vector_load %arg6[%swap3A_280, %swap3A_281] {strides = array<i32>} : memref<80x128xf32, #tpu.memory_space<vmem>>, vector<16xf32>,
      tpu.vector_store %arg6[%swap3A_280, %swap3A_281], %mul3A_279 {strides = array<i32>} : memref<80x128xf32, #tpu.memory_space<vmem>>, vector<16xf32>,
      %mul3A_283 = arith.mulf %get3A_228, %div3A_262 : vector<16xf32>
      %swap3A_284 = arith.index_cast %add3A_210 : i32 to index
      %swap3A_285 = arith.constant 80 : index
      %swap3A_286 = tpu.vector_load %arg6[%swap3A_284, %swap3A_285] {strides = array<i32>} : memref<80x128xf32, #tpu.memory_space<vmem>>, vector<16xf32>,
      tpu.vector_store %arg6[%swap3A_284, %swap3A_285], %mul3A_283 {strides = array<i32>} : memref<80x128xf32, #tpu.memory_space<vmem>>, vector<16xf32>,
      %mul3A_287 = arith.mulf %get3A_231, %div3A_262 : vector<16xf32>
      %swap3A_288 = arith.index_cast %add3A_210 : i32 to index
      %swap3A_289 = arith.constant 96 : index
      %swap3A_290 = tpu.vector_load %arg6[%swap3A_288, %swap3A_289] {strides = array<i32>} : memref<80x128xf32, #tpu.memory_space<vmem>>, vector<16xf32>,
      tpu.vector_store %arg6[%swap3A_288, %swap3A_289], %mul3A_287 {strides = array<i32>} : memref<80x128xf32, #tpu.memory_space<vmem>>, vector<16xf32>,
      %mul3A_291 = arith.mulf %get3A_234, %div3A_262 : vector<16xf32>
      %swap3A_292 = arith.index_cast %add3A_210 : i32 to index
      %swap3A_293 = arith.constant 112 : index
      %swap3A_294 = tpu.vector_load %arg6[%swap3A_292, %swap3A_293] {strides = array<i32>} : memref<80x128xf32, #tpu.memory_space<vmem>>, vector<16xf32>,
      tpu.vector_store %arg6[%swap3A_292, %swap3A_293], %mul3A_291 {strides = array<i32>} : memref<80x128xf32, #tpu.memory_space<vmem>>, vector<16xf32>,
      %mul3A_295 = arith.constant 4 : i32
      %mul3A_296 = arith.muli %scan3A_121, %mul3A_295 : i32
      %add3A_297 = arith.constant 2 : i32
      %add3A_298 = arith.addi %mul3A_296, %add3A_297 : i32
      %get3A_299 = arith.index_cast %add3A_298 : i32 to index
      %get3A_300 = arith.constant 0 : index
      %get3A_301 = tpu.vector_load %arg6[%get3A_299, %get3A_300] {strides = array<i32>} : memref<80x128xf32, #tpu.memory_space<vmem>>, vector<16xf32>,
      %get3A_302 = arith.index_cast %add3A_298 : i32 to index
      %get3A_303 = arith.constant 16 : index
      %get3A_304 = tpu.vector_load %arg6[%get3A_302, %get3A_303] {strides = array<i32>} : memref<80x128xf32, #tpu.memory_space<vmem>>, vector<16xf32>,
      %get3A_305 = arith.index_cast %add3A_298 : i32 to index
      %get3A_306 = arith.constant 32 : index
      %get3A_307 = tpu.vector_load %arg6[%get3A_305, %get3A_306] {strides = array<i32>} : memref<80x128xf32, #tpu.memory_space<vmem>>, vector<16xf32>,
      %get3A_308 = arith.index_cast %add3A_298 : i32 to index
      %get3A_309 = arith.constant 48 : index
      %get3A_310 = tpu.vector_load %arg6[%get3A_308, %get3A_309] {strides = array<i32>} : memref<80x128xf32, #tpu.memory_space<vmem>>, vector<16xf32>,
      %get3A_311 = arith.index_cast %add3A_298 : i32 to index
      %get3A_312 = arith.constant 64 : index
      %get3A_313 = tpu.vector_load %arg6[%get3A_311, %get3A_312] {strides = array<i32>} : memref<80x128xf32, #tpu.memory_space<vmem>>, vector<16xf32>,
      %get3A_314 = arith.index_cast %add3A_298 : i32 to index
      %get3A_315 = arith.constant 80 : index
      %get3A_316 = tpu.vector_load %arg6[%get3A_314, %get3A_315] {strides = array<i32>} : memref<80x128xf32, #tpu.memory_space<vmem>>, vector<16xf32>,
      %get3A_317 = arith.index_cast %add3A_298 : i32 to index
      %get3A_318 = arith.constant 96 : index
      %get3A_319 = tpu.vector_load %arg6[%get3A_317, %get3A_318] {strides = array<i32>} : memref<80x128xf32, #tpu.memory_space<vmem>>, vector<16xf32>,
      %get3A_320 = arith.index_cast %add3A_298 : i32 to index
      %get3A_321 = arith.constant 112 : index
      %get3A_322 = tpu.vector_load %arg6[%get3A_320, %get3A_321] {strides = array<i32>} : memref<80x128xf32, #tpu.memory_space<vmem>>, vector<16xf32>,
      %mul3A_323 = arith.mulf %get3A_301, %get3A_12 : vector<16xf32>
      %mul3A_324 = arith.mulf %get3A_304, %get3A_14 : vector<16xf32>
      %add3A_325 = arith.addf %mul3A_323, %mul3A_324 : vector<16xf32>
      %mul3A_326 = arith.mulf %get3A_307, %get3A_16 : vector<16xf32>
      %add3A_327 = arith.addf %add3A_325, %mul3A_326 : vector<16xf32>
      %mul3A_328 = arith.mulf %get3A_310, %get3A_18 : vector<16xf32>
      %add3A_329 = arith.addf %add3A_327, %mul3A_328 : vector<16xf32>
      %mul3A_330 = arith.mulf %get3A_313, %get3A_20 : vector<16xf32>
      %add3A_331 = arith.addf %add3A_329, %mul3A_330 : vector<16xf32>
      %mul3A_332 = arith.mulf %get3A_316, %get3A_22 : vector<16xf32>
      %add3A_333 = arith.addf %add3A_331, %mul3A_332 : vector<16xf32>
      %mul3A_334 = arith.mulf %get3A_319, %get3A_24 : vector<16xf32>
      %add3A_335 = arith.addf %add3A_333, %mul3A_334 : vector<16xf32>
      %mul3A_336 = arith.mulf %get3A_322, %get3A_26 : vector<16xf32>
      %add3A_337 = arith.addf %add3A_335, %mul3A_336 : vector<16xf32>
      %reduce_sum3A_338 = arith.constant true
      %reduce_sum3A_339 = vector.broadcast %reduce_sum3A_338 : i1 to vector<16xi1>
      %reduce_sum3A_340 = tpu.scan <sum>, %add3A_337 masked %reduce_sum3A_339 : vector<16xf32>, vector<16xi1> -> vector<16xf32>
      %reduce_sum3A_341 = vector.extract %reduce_sum3A_340[15] : f32 from vector<16xf32>
      %broadcast_in_dim3A_342 = vector.broadcast %reduce_sum3A_341 : f32 to vector<16xf32>
      %add3A_343 = arith.addf %broadcast_in_dim3A_342, %get3A_28 : vector<16xf32>
      %exp3A_344 = math.exp %add3A_343 : vector<16xf32>
      %add3A_345 = arith.constant 1.000000e+00 : f32
      %add3A_346 = vector.broadcast %add3A_345 : f32 to vector<16xf32>
      %add3A_347 = arith.addf %add3A_346, %exp3A_344 : vector<16xf32>
      %div3A_348 = arith.constant 1.000000e+00 : f32
      %div3A_349 = vector.broadcast %div3A_348 : f32 to vector<16xf32>
      %div3A_350 = arith.divf %div3A_349, %add3A_347 : vector<16xf32>
      %mul3A_351 = arith.mulf %get3A_301, %div3A_350 : vector<16xf32>
      %swap3A_352 = arith.index_cast %add3A_298 : i32 to index
      %swap3A_353 = arith.constant 0 : index
      %swap3A_354 = tpu.vector_load %arg6[%swap3A_352, %swap3A_353] {strides = array<i32>} : memref<80x128xf32, #tpu.memory_space<vmem>>, vector<16xf32>,
      tpu.vector_store %arg6[%swap3A_352, %swap3A_353], %mul3A_351 {strides = array<i32>} : memref<80x128xf32, #tpu.memory_space<vmem>>, vector<16xf32>,
      %mul3A_355 = arith.mulf %get3A_304, %div3A_350 : vector<16xf32>
      %swap3A_356 = arith.index_cast %add3A_298 : i32 to index
      %swap3A_357 = arith.constant 16 : index
      %swap3A_358 = tpu.vector_load %arg6[%swap3A_356, %swap3A_357] {strides = array<i32>} : memref<80x128xf32, #tpu.memory_space<vmem>>, vector<16xf32>,
      tpu.vector_store %arg6[%swap3A_356, %swap3A_357], %mul3A_355 {strides = array<i32>} : memref<80x128xf32, #tpu.memory_space<vmem>>, vector<16xf32>,
      %mul3A_359 = arith.mulf %get3A_307, %div3A_350 : vector<16xf32>
      %swap3A_360 = arith.index_cast %add3A_298 : i32 to index
      %swap3A_361 = arith.constant 32 : index
      %swap3A_362 = tpu.vector_load %arg6[%swap3A_360, %swap3A_361] {strides = array<i32>} : memref<80x128xf32, #tpu.memory_space<vmem>>, vector<16xf32>,
      tpu.vector_store %arg6[%swap3A_360, %swap3A_361], %mul3A_359 {strides = array<i32>} : memref<80x128xf32, #tpu.memory_space<vmem>>, vector<16xf32>,
      %mul3A_363 = arith.mulf %get3A_310, %div3A_350 : vector<16xf32>
      %swap3A_364 = arith.index_cast %add3A_298 : i32 to index
      %swap3A_365 = arith.constant 48 : index
      %swap3A_366 = tpu.vector_load %arg6[%swap3A_364, %swap3A_365] {strides = array<i32>} : memref<80x128xf32, #tpu.memory_space<vmem>>, vector<16xf32>,
      tpu.vector_store %arg6[%swap3A_364, %swap3A_365], %mul3A_363 {strides = array<i32>} : memref<80x128xf32, #tpu.memory_space<vmem>>, vector<16xf32>,
      %mul3A_367 = arith.mulf %get3A_313, %div3A_350 : vector<16xf32>
      %swap3A_368 = arith.index_cast %add3A_298 : i32 to index
      %swap3A_369 = arith.constant 64 : index
      %swap3A_370 = tpu.vector_load %arg6[%swap3A_368, %swap3A_369] {strides = array<i32>} : memref<80x128xf32, #tpu.memory_space<vmem>>, vector<16xf32>,
      tpu.vector_store %arg6[%swap3A_368, %swap3A_369], %mul3A_367 {strides = array<i32>} : memref<80x128xf32, #tpu.memory_space<vmem>>, vector<16xf32>,
      %mul3A_371 = arith.mulf %get3A_316, %div3A_350 : vector<16xf32>
      %swap3A_372 = arith.index_cast %add3A_298 : i32 to index
      %swap3A_373 = arith.constant 80 : index
      %swap3A_374 = tpu.vector_load %arg6[%swap3A_372, %swap3A_373] {strides = array<i32>} : memref<80x128xf32, #tpu.memory_space<vmem>>, vector<16xf32>,
      tpu.vector_store %arg6[%swap3A_372, %swap3A_373], %mul3A_371 {strides = array<i32>} : memref<80x128xf32, #tpu.memory_space<vmem>>, vector<16xf32>,
      %mul3A_375 = arith.mulf %get3A_319, %div3A_350 : vector<16xf32>
      %swap3A_376 = arith.index_cast %add3A_298 : i32 to index
      %swap3A_377 = arith.constant 96 : index
      %swap3A_378 = tpu.vector_load %arg6[%swap3A_376, %swap3A_377] {strides = array<i32>} : memref<80x128xf32, #tpu.memory_space<vmem>>, vector<16xf32>,
      tpu.vector_store %arg6[%swap3A_376, %swap3A_377], %mul3A_375 {strides = array<i32>} : memref<80x128xf32, #tpu.memory_space<vmem>>, vector<16xf32>,
      %mul3A_379 = arith.mulf %get3A_322, %div3A_350 : vector<16xf32>
      %swap3A_380 = arith.index_cast %add3A_298 : i32 to index
      %swap3A_381 = arith.constant 112 : index
      %swap3A_382 = tpu.vector_load %arg6[%swap3A_380, %swap3A_381] {strides = array<i32>} : memref<80x128xf32, #tpu.memory_space<vmem>>, vector<16xf32>,
      tpu.vector_store %arg6[%swap3A_380, %swap3A_381], %mul3A_379 {strides = array<i32>} : memref<80x128xf32, #tpu.memory_space<vmem>>, vector<16xf32>,
      %mul3A_383 = arith.constant 4 : i32
      %mul3A_384 = arith.muli %scan3A_121, %mul3A_383 : i32
      %add3A_385 = arith.constant 3 : i32
      %add3A_386 = arith.addi %mul3A_384, %add3A_385 : i32
      %get3A_387 = arith.index_cast %add3A_386 : i32 to index
      %get3A_388 = arith.constant 0 : index
      %get3A_389 = tpu.vector_load %arg6[%get3A_387, %get3A_388] {strides = array<i32>} : memref<80x128xf32, #tpu.memory_space<vmem>>, vector<16xf32>,
      %get3A_390 = arith.index_cast %add3A_386 : i32 to index
      %get3A_391 = arith.constant 16 : index
      %get3A_392 = tpu.vector_load %arg6[%get3A_390, %get3A_391] {strides = array<i32>} : memref<80x128xf32, #tpu.memory_space<vmem>>, vector<16xf32>,
      %get3A_393 = arith.index_cast %add3A_386 : i32 to index
      %get3A_394 = arith.constant 32 : index
      %get3A_395 = tpu.vector_load %arg6[%get3A_393, %get3A_394] {strides = array<i32>} : memref<80x128xf32, #tpu.memory_space<vmem>>, vector<16xf32>,
      %get3A_396 = arith.index_cast %add3A_386 : i32 to index
      %get3A_397 = arith.constant 48 : index
      %get3A_398 = tpu.vector_load %arg6[%get3A_396, %get3A_397] {strides = array<i32>} : memref<80x128xf32, #tpu.memory_space<vmem>>, vector<16xf32>,
      %get3A_399 = arith.index_cast %add3A_386 : i32 to index
      %get3A_400 = arith.constant 64 : index
      %get3A_401 = tpu.vector_load %arg6[%get3A_399, %get3A_400] {strides = array<i32>} : memref<80x128xf32, #tpu.memory_space<vmem>>, vector<16xf32>,
      %get3A_402 = arith.index_cast %add3A_386 : i32 to index
      %get3A_403 = arith.constant 80 : index
      %get3A_404 = tpu.vector_load %arg6[%get3A_402, %get3A_403] {strides = array<i32>} : memref<80x128xf32, #tpu.memory_space<vmem>>, vector<16xf32>,
      %get3A_405 = arith.index_cast %add3A_386 : i32 to index
      %get3A_406 = arith.constant 96 : index
      %get3A_407 = tpu.vector_load %arg6[%get3A_405, %get3A_406] {strides = array<i32>} : memref<80x128xf32, #tpu.memory_space<vmem>>, vector<16xf32>,
      %get3A_408 = arith.index_cast %add3A_386 : i32 to index
      %get3A_409 = arith.constant 112 : index
      %get3A_410 = tpu.vector_load %arg6[%get3A_408, %get3A_409] {strides = array<i32>} : memref<80x128xf32, #tpu.memory_space<vmem>>, vector<16xf32>,
      %mul3A_411 = arith.mulf %get3A_389, %get3A_12 : vector<16xf32>
      %mul3A_412 = arith.mulf %get3A_392, %get3A_14 : vector<16xf32>
      %add3A_413 = arith.addf %mul3A_411, %mul3A_412 : vector<16xf32>
      %mul3A_414 = arith.mulf %get3A_395, %get3A_16 : vector<16xf32>
      %add3A_415 = arith.addf %add3A_413, %mul3A_414 : vector<16xf32>
      %mul3A_416 = arith.mulf %get3A_398, %get3A_18 : vector<16xf32>
      %add3A_417 = arith.addf %add3A_415, %mul3A_416 : vector<16xf32>
      %mul3A_418 = arith.mulf %get3A_401, %get3A_20 : vector<16xf32>
      %add3A_419 = arith.addf %add3A_417, %mul3A_418 : vector<16xf32>
      %mul3A_420 = arith.mulf %get3A_404, %get3A_22 : vector<16xf32>
      %add3A_421 = arith.addf %add3A_419, %mul3A_420 : vector<16xf32>
      %mul3A_422 = arith.mulf %get3A_407, %get3A_24 : vector<16xf32>
      %add3A_423 = arith.addf %add3A_421, %mul3A_422 : vector<16xf32>
      %mul3A_424 = arith.mulf %get3A_410, %get3A_26 : vector<16xf32>
      %add3A_425 = arith.addf %add3A_423, %mul3A_424 : vector<16xf32>
      %reduce_sum3A_426 = arith.constant true
      %reduce_sum3A_427 = vector.broadcast %reduce_sum3A_426 : i1 to vector<16xi1>
      %reduce_sum3A_428 = tpu.scan <sum>, %add3A_425 masked %reduce_sum3A_427 : vector<16xf32>, vector<16xi1> -> vector<16xf32>
      %reduce_sum3A_429 = vector.extract %reduce_sum3A_428[15] : f32 from vector<16xf32>
      %broadcast_in_dim3A_430 = vector.broadcast %reduce_sum3A_429 : f32 to vector<16xf32>
      %add3A_431 = arith.addf %broadcast_in_dim3A_430, %get3A_28 : vector<16xf32>
      %exp3A_432 = math.exp %add3A_431 : vector<16xf32>
      %add3A_433 = arith.constant 1.000000e+00 : f32
      %add3A_434 = vector.broadcast %add3A_433 : f32 to vector<16xf32>
      %add3A_435 = arith.addf %add3A_434, %exp3A_432 : vector<16xf32>
      %div3A_436 = arith.constant 1.000000e+00 : f32
      %div3A_437 = vector.broadcast %div3A_436 : f32 to vector<16xf32>
      %div3A_438 = arith.divf %div3A_437, %add3A_435 : vector<16xf32>
      %mul3A_439 = arith.mulf %get3A_389, %div3A_438 : vector<16xf32>
      %swap3A_440 = arith.index_cast %add3A_386 : i32 to index
      %swap3A_441 = arith.constant 0 : index
      %swap3A_442 = tpu.vector_load %arg6[%swap3A_440, %swap3A_441] {strides = array<i32>} : memref<80x128xf32, #tpu.memory_space<vmem>>, vector<16xf32>,
      tpu.vector_store %arg6[%swap3A_440, %swap3A_441], %mul3A_439 {strides = array<i32>} : memref<80x128xf32, #tpu.memory_space<vmem>>, vector<16xf32>,
      %mul3A_443 = arith.mulf %get3A_392, %div3A_438 : vector<16xf32>
      %swap3A_444 = arith.index_cast %add3A_386 : i32 to index
      %swap3A_445 = arith.constant 16 : index
      %swap3A_446 = tpu.vector_load %arg6[%swap3A_444, %swap3A_445] {strides = array<i32>} : memref<80x128xf32, #tpu.memory_space<vmem>>, vector<16xf32>,
      tpu.vector_store %arg6[%swap3A_444, %swap3A_445], %mul3A_443 {strides = array<i32>} : memref<80x128xf32, #tpu.memory_space<vmem>>, vector<16xf32>,
      %mul3A_447 = arith.mulf %get3A_395, %div3A_438 : vector<16xf32>
      %swap3A_448 = arith.index_cast %add3A_386 : i32 to index
      %swap3A_449 = arith.constant 32 : index
      %swap3A_450 = tpu.vector_load %arg6[%swap3A_448, %swap3A_449] {strides = array<i32>} : memref<80x128xf32, #tpu.memory_space<vmem>>, vector<16xf32>,
      tpu.vector_store %arg6[%swap3A_448, %swap3A_449], %mul3A_447 {strides = array<i32>} : memref<80x128xf32, #tpu.memory_space<vmem>>, vector<16xf32>,
      %mul3A_451 = arith.mulf %get3A_398, %div3A_438 : vector<16xf32>
      %swap3A_452 = arith.index_cast %add3A_386 : i32 to index
      %swap3A_453 = arith.constant 48 : index
      %swap3A_454 = tpu.vector_load %arg6[%swap3A_452, %swap3A_453] {strides = array<i32>} : memref<80x128xf32, #tpu.memory_space<vmem>>, vector<16xf32>,
      tpu.vector_store %arg6[%swap3A_452, %swap3A_453], %mul3A_451 {strides = array<i32>} : memref<80x128xf32, #tpu.memory_space<vmem>>, vector<16xf32>,
      %mul3A_455 = arith.mulf %get3A_401, %div3A_438 : vector<16xf32>
      %swap3A_456 = arith.index_cast %add3A_386 : i32 to index
      %swap3A_457 = arith.constant 64 : index
      %swap3A_458 = tpu.vector_load %arg6[%swap3A_456, %swap3A_457] {strides = array<i32>} : memref<80x128xf32, #tpu.memory_space<vmem>>, vector<16xf32>,
      tpu.vector_store %arg6[%swap3A_456, %swap3A_457], %mul3A_455 {strides = array<i32>} : memref<80x128xf32, #tpu.memory_space<vmem>>, vector<16xf32>,
      %mul3A_459 = arith.mulf %get3A_404, %div3A_438 : vector<16xf32>
      %swap3A_460 = arith.index_cast %add3A_386 : i32 to index
      %swap3A_461 = arith.constant 80 : index
      %swap3A_462 = tpu.vector_load %arg6[%swap3A_460, %swap3A_461] {strides = array<i32>} : memref<80x128xf32, #tpu.memory_space<vmem>>, vector<16xf32>,
      tpu.vector_store %arg6[%swap3A_460, %swap3A_461], %mul3A_459 {strides = array<i32>} : memref<80x128xf32, #tpu.memory_space<vmem>>, vector<16xf32>,
      %mul3A_463 = arith.mulf %get3A_407, %div3A_438 : vector<16xf32>
      %swap3A_464 = arith.index_cast %add3A_386 : i32 to index
      %swap3A_465 = arith.constant 96 : index
      %swap3A_466 = tpu.vector_load %arg6[%swap3A_464, %swap3A_465] {strides = array<i32>} : memref<80x128xf32, #tpu.memory_space<vmem>>, vector<16xf32>,
      tpu.vector_store %arg6[%swap3A_464, %swap3A_465], %mul3A_463 {strides = array<i32>} : memref<80x128xf32, #tpu.memory_space<vmem>>, vector<16xf32>,
      %mul3A_467 = arith.mulf %get3A_410, %div3A_438 : vector<16xf32>
      %swap3A_468 = arith.index_cast %add3A_386 : i32 to index
      %swap3A_469 = arith.constant 112 : index
      %swap3A_470 = tpu.vector_load %arg6[%swap3A_468, %swap3A_469] {strides = array<i32>} : memref<80x128xf32, #tpu.memory_space<vmem>>, vector<16xf32>,
      tpu.vector_store %arg6[%swap3A_468, %swap3A_469], %mul3A_467 {strides = array<i32>} : memref<80x128xf32, #tpu.memory_space<vmem>>, vector<16xf32>,
      %scan3A_471 = arith.constant 0 : i32
      scf.yield %scan3A_471 : i32
    }
    %scan3A_74 = arith.constant 20 : i32
    %dma_start3A_75 = arith.constant 0 : i32
    %dma_start3A_76 = arith.constant 0 : i32
    %dma_start3A_77 = tpu.memref_slice %arg13[%dma_start3A_75, %dma_start3A_76] : memref<1024x128xf32, #tpu.memory_space<vmem_shared>> -> memref<1024x128xf32, #tpu.memory_space<vmem_shared>>
    tpu.enqueue_indirect_dma source(%arg6 : memref<80x128xf32, #tpu.memory_space<vmem>>) target(%dma_start3A_77 : memref<1024x128xf32, #tpu.memory_space<vmem_shared>>) offsets(%arg9 : memref<80xi32, #tpu.memory_space<vmem>>) semaphore(%arg20 : memref<!tpu.dma_semaphore, #tpu.memory_space<semaphore_mem>>) {add = true}
    %and3A = arith.constant true
    %and3A_78 = arith.constant false
    %and3A_79 = arith.andi %and3A, %and3A_78 : i1
    %convert_element_type3A = arith.extui %and3A_79 : i1 to i32
    %cond3A = arith.constant 0 : i32
    %cond3A_80 = arith.cmpi ne, %convert_element_type3A, %cond3A : i32
    scf.if %cond3A_80 {
      %dma_wait3A_121 = arith.constant 0 : i32
      %dma_wait3A_122 = arith.constant 0 : i32
      %dma_wait3A_123 = tpu.memref_slice %arg13[%dma_wait3A_121, %dma_wait3A_122] : memref<1024x128xf32, #tpu.memory_space<vmem_shared>> -> memref<1024x128xf32, #tpu.memory_space<vmem_shared>>
      tpu.wait_indirect_dma semaphore(%arg22 : memref<!tpu.dma_semaphore, #tpu.memory_space<semaphore_mem>>) src(%arg8 : memref<80x128xf32, #tpu.memory_space<vmem>>) dst(%dma_wait3A_123 : memref<1024x128xf32, #tpu.memory_space<vmem_shared>>)
      %add3A_124 = arith.constant 6400 : i32
      %add3A_125 = arith.addi %mul3A_2, %add3A_124 : i32
      %dma_start3A_126 = arith.constant 0 : i32
      %dma_start3A_127 = tpu.memref_slice %arg2[%add3A_125, %dma_start3A_126] : memref<320000x128xf32, #tpu.memory_space<hbm>> -> memref<80x128xf32, #tpu.memory_space<hbm>>
      %dma_start3A_128 = arith.constant 0 : i32
      %dma_start3A_129 = tpu.memref_slice %arg2[%add3A_125, %dma_start3A_128] : memref<320000x128xf32, #tpu.memory_space<hbm>> -> memref<80x128xf32, #tpu.memory_space<hbm>>
      tpu.enqueue_dma source(%dma_start3A_129 : memref<80x128xf32, #tpu.memory_space<hbm>>) target(%arg8 : memref<80x128xf32, #tpu.memory_space<vmem>>) target_semaphore(%arg16 : memref<!tpu.dma_semaphore, #tpu.memory_space<semaphore_mem>>)
      %dma_start3A_130 = tpu.memref_slice %arg3[%add3A_125] : memref<320000xi32, #tpu.memory_space<hbm>> -> memref<80xi32, #tpu.memory_space<hbm>>
      %dma_start3A_131 = tpu.memref_slice %arg3[%add3A_125] : memref<320000xi32, #tpu.memory_space<hbm>> -> memref<80xi32, #tpu.memory_space<hbm>>
      tpu.enqueue_dma source(%dma_start3A_131 : memref<80xi32, #tpu.memory_space<hbm>>) target(%arg11 : memref<80xi32, #tpu.memory_space<vmem>>) target_semaphore(%arg19 : memref<!tpu.dma_semaphore, #tpu.memory_space<semaphore_mem>>)
    } else {
    }
    %dma_wait3A_81 = arith.constant 0 : i32
    %dma_wait3A_82 = arith.constant 0 : i32
    %dma_wait3A_83 = tpu.memref_slice %arg2[%dma_wait3A_81, %dma_wait3A_82] : memref<320000x128xf32, #tpu.memory_space<hbm>> -> memref<80x128xf32, #tpu.memory_space<hbm>>
    %dma_wait3A_84 = arith.constant 0 : i32
    %dma_wait3A_85 = arith.constant 0 : i32
    %dma_wait3A_86 = tpu.memref_slice %arg2[%dma_wait3A_84, %dma_wait3A_85] : memref<320000x128xf32, #tpu.memory_space<hbm>> -> memref<80x128xf32, #tpu.memory_space<hbm>>
    tpu.wait_dma2 semaphore(%arg15 : memref<!tpu.dma_semaphore, #tpu.memory_space<semaphore_mem>>) src(%dma_wait3A_86 : memref<80x128xf32, #tpu.memory_space<hbm>>) dst(%arg7 : memref<80x128xf32, #tpu.memory_space<vmem>>)
    %dma_wait3A_87 = arith.constant 0 : i32
    %dma_wait3A_88 = tpu.memref_slice %arg3[%dma_wait3A_87] : memref<320000xi32, #tpu.memory_space<hbm>> -> memref<80xi32, #tpu.memory_space<hbm>>
    %dma_wait3A_89 = arith.constant 0 : i32
    %dma_wait3A_90 = tpu.memref_slice %arg3[%dma_wait3A_89] : memref<320000xi32, #tpu.memory_space<hbm>> -> memref<80xi32, #tpu.memory_space<hbm>>
    tpu.wait_dma2 semaphore(%arg18 : memref<!tpu.dma_semaphore, #tpu.memory_space<semaphore_mem>>) src(%dma_wait3A_90 : memref<80xi32, #tpu.memory_space<hbm>>) dst(%arg10 : memref<80xi32, #tpu.memory_space<vmem>>)
    %scan3A_91 = arith.constant 0 : i32
    %scan3A_92 = arith.constant 0 : i32
    %scan3A_93 = arith.constant 20 : i32
    %scan3A_94 = arith.addi %scan3A_92, %scan3A_93 : i32
    %scan3A_95 = arith.constant 1 : i32
    %scan3A_96 = scf.for %scan3A_121 = %scan3A_92 to %scan3A_94 step %scan3A_95 iter_args(%scan3A_122 = %scan3A_91) -> (i32)  : i32 {
      %mul3A_123 = arith.constant 4 : i32
      %mul3A_124 = arith.muli %scan3A_121, %mul3A_123 : i32
      %add3A_125 = arith.constant 0 : i32
      %add3A_126 = arith.addi %mul3A_124, %add3A_125 : i32
      %get3A_127 = arith.index_cast %add3A_126 : i32 to index
      %get3A_128 = arith.constant 0 : index
      %get3A_129 = tpu.vector_load %arg7[%get3A_127, %get3A_128] {strides = array<i32>} : memref<80x128xf32, #tpu.memory_space<vmem>>, vector<16xf32>,
      %get3A_130 = arith.index_cast %add3A_126 : i32 to index
      %get3A_131 = arith.constant 16 : index
      %get3A_132 = tpu.vector_load %arg7[%get3A_130, %get3A_131] {strides = array<i32>} : memref<80x128xf32, #tpu.memory_space<vmem>>, vector<16xf32>,
      %get3A_133 = arith.index_cast %add3A_126 : i32 to index
      %get3A_134 = arith.constant 32 : index
      %get3A_135 = tpu.vector_load %arg7[%get3A_133, %get3A_134] {strides = array<i32>} : memref<80x128xf32, #tpu.memory_space<vmem>>, vector<16xf32>,
      %get3A_136 = arith.index_cast %add3A_126 : i32 to index
      %get3A_137 = arith.constant 48 : index
      %get3A_138 = tpu.vector_load %arg7[%get3A_136, %get3A_137] {strides = array<i32>} : memref<80x128xf32, #tpu.memory_space<vmem>>, vector<16xf32>,
      %get3A_139 = arith.index_cast %add3A_126 : i32 to index
      %get3A_140 = arith.constant 64 : index
      %get3A_141 = tpu.vector_load %arg7[%get3A_139, %get3A_140] {strides = array<i32>} : memref<80x128xf32, #tpu.memory_space<vmem>>, vector<16xf32>,
      %get3A_142 = arith.index_cast %add3A_126 : i32 to index
      %get3A_143 = arith.constant 80 : index
      %get3A_144 = tpu.vector_load %arg7[%get3A_142, %get3A_143] {strides = array<i32>} : memref<80x128xf32, #tpu.memory_space<vmem>>, vector<16xf32>,
      %get3A_145 = arith.index_cast %add3A_126 : i32 to index
      %get3A_146 = arith.constant 96 : index
      %get3A_147 = tpu.vector_load %arg7[%get3A_145, %get3A_146] {strides = array<i32>} : memref<80x128xf32, #tpu.memory_space<vmem>>, vector<16xf32>,
      %get3A_148 = arith.index_cast %add3A_126 : i32 to index
      %get3A_149 = arith.constant 112 : index
      %get3A_150 = tpu.vector_load %arg7[%get3A_148, %get3A_149] {strides = array<i32>} : memref<80x128xf32, #tpu.memory_space<vmem>>, vector<16xf32>,
      %mul3A_151 = arith.mulf %get3A_129, %get3A_12 : vector<16xf32>
      %mul3A_152 = arith.mulf %get3A_132, %get3A_14 : vector<16xf32>
      %add3A_153 = arith.addf %mul3A_151, %mul3A_152 : vector<16xf32>
      %mul3A_154 = arith.mulf %get3A_135, %get3A_16 : vector<16xf32>
      %add3A_155 = arith.addf %add3A_153, %mul3A_154 : vector<16xf32>
      %mul3A_156 = arith.mulf %get3A_138, %get3A_18 : vector<16xf32>
      %add3A_157 = arith.addf %add3A_155, %mul3A_156 : vector<16xf32>
      %mul3A_158 = arith.mulf %get3A_141, %get3A_20 : vector<16xf32>
      %add3A_159 = arith.addf %add3A_157, %mul3A_158 : vector<16xf32>
      %mul3A_160 = arith.mulf %get3A_144, %get3A_22 : vector<16xf32>
      %add3A_161 = arith.addf %add3A_159, %mul3A_160 : vector<16xf32>
      %mul3A_162 = arith.mulf %get3A_147, %get3A_24 : vector<16xf32>
      %add3A_163 = arith.addf %add3A_161, %mul3A_162 : vector<16xf32>
      %mul3A_164 = arith.mulf %get3A_150, %get3A_26 : vector<16xf32>
      %add3A_165 = arith.addf %add3A_163, %mul3A_164 : vector<16xf32>
      %reduce_sum3A = arith.constant true
      %reduce_sum3A_166 = vector.broadcast %reduce_sum3A : i1 to vector<16xi1>
      %reduce_sum3A_167 = tpu.scan <sum>, %add3A_165 masked %reduce_sum3A_166 : vector<16xf32>, vector<16xi1> -> vector<16xf32>
      %reduce_sum3A_168 = vector.extract %reduce_sum3A_167[15] : f32 from vector<16xf32>
      %broadcast_in_dim3A_169 = vector.broadcast %reduce_sum3A_168 : f32 to vector<16xf32>
      %add3A_170 = arith.addf %broadcast_in_dim3A_169, %get3A_28 : vector<16xf32>
      %exp3A = math.exp %add3A_170 : vector<16xf32>
      %add3A_171 = arith.constant 1.000000e+00 : f32
      %add3A_172 = vector.broadcast %add3A_171 : f32 to vector<16xf32>
      %add3A_173 = arith.addf %add3A_172, %exp3A : vector<16xf32>
      %div3A = arith.constant 1.000000e+00 : f32
      %div3A_174 = vector.broadcast %div3A : f32 to vector<16xf32>
      %div3A_175 = arith.divf %div3A_174, %add3A_173 : vector<16xf32>
      %mul3A_176 = arith.mulf %get3A_129, %div3A_175 : vector<16xf32>
      %swap3A = arith.index_cast %add3A_126 : i32 to index
      %swap3A_177 = arith.constant 0 : index
      %swap3A_178 = tpu.vector_load %arg7[%swap3A, %swap3A_177] {strides = array<i32>} : memref<80x128xf32, #tpu.memory_space<vmem>>, vector<16xf32>,
      tpu.vector_store %arg7[%swap3A, %swap3A_177], %mul3A_176 {strides = array<i32>} : memref<80x128xf32, #tpu.memory_space<vmem>>, vector<16xf32>,
      %mul3A_179 = arith.mulf %get3A_132, %div3A_175 : vector<16xf32>
      %swap3A_180 = arith.index_cast %add3A_126 : i32 to index
      %swap3A_181 = arith.constant 16 : index
      %swap3A_182 = tpu.vector_load %arg7[%swap3A_180, %swap3A_181] {strides = array<i32>} : memref<80x128xf32, #tpu.memory_space<vmem>>, vector<16xf32>,
      tpu.vector_store %arg7[%swap3A_180, %swap3A_181], %mul3A_179 {strides = array<i32>} : memref<80x128xf32, #tpu.memory_space<vmem>>, vector<16xf32>,
      %mul3A_183 = arith.mulf %get3A_135, %div3A_175 : vector<16xf32>
      %swap3A_184 = arith.index_cast %add3A_126 : i32 to index
      %swap3A_185 = arith.constant 32 : index
      %swap3A_186 = tpu.vector_load %arg7[%swap3A_184, %swap3A_185] {strides = array<i32>} : memref<80x128xf32, #tpu.memory_space<vmem>>, vector<16xf32>,
      tpu.vector_store %arg7[%swap3A_184, %swap3A_185], %mul3A_183 {strides = array<i32>} : memref<80x128xf32, #tpu.memory_space<vmem>>, vector<16xf32>,
      %mul3A_187 = arith.mulf %get3A_138, %div3A_175 : vector<16xf32>
      %swap3A_188 = arith.index_cast %add3A_126 : i32 to index
      %swap3A_189 = arith.constant 48 : index
      %swap3A_190 = tpu.vector_load %arg7[%swap3A_188, %swap3A_189] {strides = array<i32>} : memref<80x128xf32, #tpu.memory_space<vmem>>, vector<16xf32>,
      tpu.vector_store %arg7[%swap3A_188, %swap3A_189], %mul3A_187 {strides = array<i32>} : memref<80x128xf32, #tpu.memory_space<vmem>>, vector<16xf32>,
      %mul3A_191 = arith.mulf %get3A_141, %div3A_175 : vector<16xf32>
      %swap3A_192 = arith.index_cast %add3A_126 : i32 to index
      %swap3A_193 = arith.constant 64 : index
      %swap3A_194 = tpu.vector_load %arg7[%swap3A_192, %swap3A_193] {strides = array<i32>} : memref<80x128xf32, #tpu.memory_space<vmem>>, vector<16xf32>,
      tpu.vector_store %arg7[%swap3A_192, %swap3A_193], %mul3A_191 {strides = array<i32>} : memref<80x128xf32, #tpu.memory_space<vmem>>, vector<16xf32>,
      %mul3A_195 = arith.mulf %get3A_144, %div3A_175 : vector<16xf32>
      %swap3A_196 = arith.index_cast %add3A_126 : i32 to index
      %swap3A_197 = arith.constant 80 : index
      %swap3A_198 = tpu.vector_load %arg7[%swap3A_196, %swap3A_197] {strides = array<i32>} : memref<80x128xf32, #tpu.memory_space<vmem>>, vector<16xf32>,
      tpu.vector_store %arg7[%swap3A_196, %swap3A_197], %mul3A_195 {strides = array<i32>} : memref<80x128xf32, #tpu.memory_space<vmem>>, vector<16xf32>,
      %mul3A_199 = arith.mulf %get3A_147, %div3A_175 : vector<16xf32>
      %swap3A_200 = arith.index_cast %add3A_126 : i32 to index
      %swap3A_201 = arith.constant 96 : index
      %swap3A_202 = tpu.vector_load %arg7[%swap3A_200, %swap3A_201] {strides = array<i32>} : memref<80x128xf32, #tpu.memory_space<vmem>>, vector<16xf32>,
      tpu.vector_store %arg7[%swap3A_200, %swap3A_201], %mul3A_199 {strides = array<i32>} : memref<80x128xf32, #tpu.memory_space<vmem>>, vector<16xf32>,
      %mul3A_203 = arith.mulf %get3A_150, %div3A_175 : vector<16xf32>
      %swap3A_204 = arith.index_cast %add3A_126 : i32 to index
      %swap3A_205 = arith.constant 112 : index
      %swap3A_206 = tpu.vector_load %arg7[%swap3A_204, %swap3A_205] {strides = array<i32>} : memref<80x128xf32, #tpu.memory_space<vmem>>, vector<16xf32>,
      tpu.vector_store %arg7[%swap3A_204, %swap3A_205], %mul3A_203 {strides = array<i32>} : memref<80x128xf32, #tpu.memory_space<vmem>>, vector<16xf32>,
      %mul3A_207 = arith.constant 4 : i32
      %mul3A_208 = arith.muli %scan3A_121, %mul3A_207 : i32
      %add3A_209 = arith.constant 1 : i32
      %add3A_210 = arith.addi %mul3A_208, %add3A_209 : i32
      %get3A_211 = arith.index_cast %add3A_210 : i32 to index
      %get3A_212 = arith.constant 0 : index
      %get3A_213 = tpu.vector_load %arg7[%get3A_211, %get3A_212] {strides = array<i32>} : memref<80x128xf32, #tpu.memory_space<vmem>>, vector<16xf32>,
      %get3A_214 = arith.index_cast %add3A_210 : i32 to index
      %get3A_215 = arith.constant 16 : index
      %get3A_216 = tpu.vector_load %arg7[%get3A_214, %get3A_215] {strides = array<i32>} : memref<80x128xf32, #tpu.memory_space<vmem>>, vector<16xf32>,
      %get3A_217 = arith.index_cast %add3A_210 : i32 to index
      %get3A_218 = arith.constant 32 : index
      %get3A_219 = tpu.vector_load %arg7[%get3A_217, %get3A_218] {strides = array<i32>} : memref<80x128xf32, #tpu.memory_space<vmem>>, vector<16xf32>,
      %get3A_220 = arith.index_cast %add3A_210 : i32 to index
      %get3A_221 = arith.constant 48 : index
      %get3A_222 = tpu.vector_load %arg7[%get3A_220, %get3A_221] {strides = array<i32>} : memref<80x128xf32, #tpu.memory_space<vmem>>, vector<16xf32>,
      %get3A_223 = arith.index_cast %add3A_210 : i32 to index
      %get3A_224 = arith.constant 64 : index
      %get3A_225 = tpu.vector_load %arg7[%get3A_223, %get3A_224] {strides = array<i32>} : memref<80x128xf32, #tpu.memory_space<vmem>>, vector<16xf32>,
      %get3A_226 = arith.index_cast %add3A_210 : i32 to index
      %get3A_227 = arith.constant 80 : index
      %get3A_228 = tpu.vector_load %arg7[%get3A_226, %get3A_227] {strides = array<i32>} : memref<80x128xf32, #tpu.memory_space<vmem>>, vector<16xf32>,
      %get3A_229 = arith.index_cast %add3A_210 : i32 to index
      %get3A_230 = arith.constant 96 : index
      %get3A_231 = tpu.vector_load %arg7[%get3A_229, %get3A_230] {strides = array<i32>} : memref<80x128xf32, #tpu.memory_space<vmem>>, vector<16xf32>,
      %get3A_232 = arith.index_cast %add3A_210 : i32 to index
      %get3A_233 = arith.constant 112 : index
      %get3A_234 = tpu.vector_load %arg7[%get3A_232, %get3A_233] {strides = array<i32>} : memref<80x128xf32, #tpu.memory_space<vmem>>, vector<16xf32>,
      %mul3A_235 = arith.mulf %get3A_213, %get3A_12 : vector<16xf32>
      %mul3A_236 = arith.mulf %get3A_216, %get3A_14 : vector<16xf32>
      %add3A_237 = arith.addf %mul3A_235, %mul3A_236 : vector<16xf32>
      %mul3A_238 = arith.mulf %get3A_219, %get3A_16 : vector<16xf32>
      %add3A_239 = arith.addf %add3A_237, %mul3A_238 : vector<16xf32>
      %mul3A_240 = arith.mulf %get3A_222, %get3A_18 : vector<16xf32>
      %add3A_241 = arith.addf %add3A_239, %mul3A_240 : vector<16xf32>
      %mul3A_242 = arith.mulf %get3A_225, %get3A_20 : vector<16xf32>
      %add3A_243 = arith.addf %add3A_241, %mul3A_242 : vector<16xf32>
      %mul3A_244 = arith.mulf %get3A_228, %get3A_22 : vector<16xf32>
      %add3A_245 = arith.addf %add3A_243, %mul3A_244 : vector<16xf32>
      %mul3A_246 = arith.mulf %get3A_231, %get3A_24 : vector<16xf32>
      %add3A_247 = arith.addf %add3A_245, %mul3A_246 : vector<16xf32>
      %mul3A_248 = arith.mulf %get3A_234, %get3A_26 : vector<16xf32>
      %add3A_249 = arith.addf %add3A_247, %mul3A_248 : vector<16xf32>
      %reduce_sum3A_250 = arith.constant true
      %reduce_sum3A_251 = vector.broadcast %reduce_sum3A_250 : i1 to vector<16xi1>
      %reduce_sum3A_252 = tpu.scan <sum>, %add3A_249 masked %reduce_sum3A_251 : vector<16xf32>, vector<16xi1> -> vector<16xf32>
      %reduce_sum3A_253 = vector.extract %reduce_sum3A_252[15] : f32 from vector<16xf32>
      %broadcast_in_dim3A_254 = vector.broadcast %reduce_sum3A_253 : f32 to vector<16xf32>
      %add3A_255 = arith.addf %broadcast_in_dim3A_254, %get3A_28 : vector<16xf32>
      %exp3A_256 = math.exp %add3A_255 : vector<16xf32>
      %add3A_257 = arith.constant 1.000000e+00 : f32
      %add3A_258 = vector.broadcast %add3A_257 : f32 to vector<16xf32>
      %add3A_259 = arith.addf %add3A_258, %exp3A_256 : vector<16xf32>
      %div3A_260 = arith.constant 1.000000e+00 : f32
      %div3A_261 = vector.broadcast %div3A_260 : f32 to vector<16xf32>
      %div3A_262 = arith.divf %div3A_261, %add3A_259 : vector<16xf32>
      %mul3A_263 = arith.mulf %get3A_213, %div3A_262 : vector<16xf32>
      %swap3A_264 = arith.index_cast %add3A_210 : i32 to index
      %swap3A_265 = arith.constant 0 : index
      %swap3A_266 = tpu.vector_load %arg7[%swap3A_264, %swap3A_265] {strides = array<i32>} : memref<80x128xf32, #tpu.memory_space<vmem>>, vector<16xf32>,
      tpu.vector_store %arg7[%swap3A_264, %swap3A_265], %mul3A_263 {strides = array<i32>} : memref<80x128xf32, #tpu.memory_space<vmem>>, vector<16xf32>,
      %mul3A_267 = arith.mulf %get3A_216, %div3A_262 : vector<16xf32>
      %swap3A_268 = arith.index_cast %add3A_210 : i32 to index
      %swap3A_269 = arith.constant 16 : index
      %swap3A_270 = tpu.vector_load %arg7[%swap3A_268, %swap3A_269] {strides = array<i32>} : memref<80x128xf32, #tpu.memory_space<vmem>>, vector<16xf32>,
      tpu.vector_store %arg7[%swap3A_268, %swap3A_269], %mul3A_267 {strides = array<i32>} : memref<80x128xf32, #tpu.memory_space<vmem>>, vector<16xf32>,
      %mul3A_271 = arith.mulf %get3A_219, %div3A_262 : vector<16xf32>
      %swap3A_272 = arith.index_cast %add3A_210 : i32 to index
      %swap3A_273 = arith.constant 32 : index
      %swap3A_274 = tpu.vector_load %arg7[%swap3A_272, %swap3A_273] {strides = array<i32>} : memref<80x128xf32, #tpu.memory_space<vmem>>, vector<16xf32>,
      tpu.vector_store %arg7[%swap3A_272, %swap3A_273], %mul3A_271 {strides = array<i32>} : memref<80x128xf32, #tpu.memory_space<vmem>>, vector<16xf32>,
      %mul3A_275 = arith.mulf %get3A_222, %div3A_262 : vector<16xf32>
      %swap3A_276 = arith.index_cast %add3A_210 : i32 to index
      %swap3A_277 = arith.constant 48 : index
      %swap3A_278 = tpu.vector_load %arg7[%swap3A_276, %swap3A_277] {strides = array<i32>} : memref<80x128xf32, #tpu.memory_space<vmem>>, vector<16xf32>,
      tpu.vector_store %arg7[%swap3A_276, %swap3A_277], %mul3A_275 {strides = array<i32>} : memref<80x128xf32, #tpu.memory_space<vmem>>, vector<16xf32>,
      %mul3A_279 = arith.mulf %get3A_225, %div3A_262 : vector<16xf32>
      %swap3A_280 = arith.index_cast %add3A_210 : i32 to index
      %swap3A_281 = arith.constant 64 : index
      %swap3A_282 = tpu.vector_load %arg7[%swap3A_280, %swap3A_281] {strides = array<i32>} : memref<80x128xf32, #tpu.memory_space<vmem>>, vector<16xf32>,
      tpu.vector_store %arg7[%swap3A_280, %swap3A_281], %mul3A_279 {strides = array<i32>} : memref<80x128xf32, #tpu.memory_space<vmem>>, vector<16xf32>,
      %mul3A_283 = arith.mulf %get3A_228, %div3A_262 : vector<16xf32>
      %swap3A_284 = arith.index_cast %add3A_210 : i32 to index
      %swap3A_285 = arith.constant 80 : index
      %swap3A_286 = tpu.vector_load %arg7[%swap3A_284, %swap3A_285] {strides = array<i32>} : memref<80x128xf32, #tpu.memory_space<vmem>>, vector<16xf32>,
      tpu.vector_store %arg7[%swap3A_284, %swap3A_285], %mul3A_283 {strides = array<i32>} : memref<80x128xf32, #tpu.memory_space<vmem>>, vector<16xf32>,
      %mul3A_287 = arith.mulf %get3A_231, %div3A_262 : vector<16xf32>
      %swap3A_288 = arith.index_cast %add3A_210 : i32 to index
      %swap3A_289 = arith.constant 96 : index
      %swap3A_290 = tpu.vector_load %arg7[%swap3A_288, %swap3A_289] {strides = array<i32>} : memref<80x128xf32, #tpu.memory_space<vmem>>, vector<16xf32>,
      tpu.vector_store %arg7[%swap3A_288, %swap3A_289], %mul3A_287 {strides = array<i32>} : memref<80x128xf32, #tpu.memory_space<vmem>>, vector<16xf32>,
      %mul3A_291 = arith.mulf %get3A_234, %div3A_262 : vector<16xf32>
      %swap3A_292 = arith.index_cast %add3A_210 : i32 to index
      %swap3A_293 = arith.constant 112 : index
      %swap3A_294 = tpu.vector_load %arg7[%swap3A_292, %swap3A_293] {strides = array<i32>} : memref<80x128xf32, #tpu.memory_space<vmem>>, vector<16xf32>,
      tpu.vector_store %arg7[%swap3A_292, %swap3A_293], %mul3A_291 {strides = array<i32>} : memref<80x128xf32, #tpu.memory_space<vmem>>, vector<16xf32>,
      %mul3A_295 = arith.constant 4 : i32
      %mul3A_296 = arith.muli %scan3A_121, %mul3A_295 : i32
      %add3A_297 = arith.constant 2 : i32
      %add3A_298 = arith.addi %mul3A_296, %add3A_297 : i32
      %get3A_299 = arith.index_cast %add3A_298 : i32 to index
      %get3A_300 = arith.constant 0 : index
      %get3A_301 = tpu.vector_load %arg7[%get3A_299, %get3A_300] {strides = array<i32>} : memref<80x128xf32, #tpu.memory_space<vmem>>, vector<16xf32>,
      %get3A_302 = arith.index_cast %add3A_298 : i32 to index
      %get3A_303 = arith.constant 16 : index
      %get3A_304 = tpu.vector_load %arg7[%get3A_302, %get3A_303] {strides = array<i32>} : memref<80x128xf32, #tpu.memory_space<vmem>>, vector<16xf32>,
      %get3A_305 = arith.index_cast %add3A_298 : i32 to index
      %get3A_306 = arith.constant 32 : index
      %get3A_307 = tpu.vector_load %arg7[%get3A_305, %get3A_306] {strides = array<i32>} : memref<80x128xf32, #tpu.memory_space<vmem>>, vector<16xf32>,
      %get3A_308 = arith.index_cast %add3A_298 : i32 to index
      %get3A_309 = arith.constant 48 : index
      %get3A_310 = tpu.vector_load %arg7[%get3A_308, %get3A_309] {strides = array<i32>} : memref<80x128xf32, #tpu.memory_space<vmem>>, vector<16xf32>,
      %get3A_311 = arith.index_cast %add3A_298 : i32 to index
      %get3A_312 = arith.constant 64 : index
      %get3A_313 = tpu.vector_load %arg7[%get3A_311, %get3A_312] {strides = array<i32>} : memref<80x128xf32, #tpu.memory_space<vmem>>, vector<16xf32>,
      %get3A_314 = arith.index_cast %add3A_298 : i32 to index
      %get3A_315 = arith.constant 80 : index
      %get3A_316 = tpu.vector_load %arg7[%get3A_314, %get3A_315] {strides = array<i32>} : memref<80x128xf32, #tpu.memory_space<vmem>>, vector<16xf32>,
      %get3A_317 = arith.index_cast %add3A_298 : i32 to index
      %get3A_318 = arith.constant 96 : index
      %get3A_319 = tpu.vector_load %arg7[%get3A_317, %get3A_318] {strides = array<i32>} : memref<80x128xf32, #tpu.memory_space<vmem>>, vector<16xf32>,
      %get3A_320 = arith.index_cast %add3A_298 : i32 to index
      %get3A_321 = arith.constant 112 : index
      %get3A_322 = tpu.vector_load %arg7[%get3A_320, %get3A_321] {strides = array<i32>} : memref<80x128xf32, #tpu.memory_space<vmem>>, vector<16xf32>,
      %mul3A_323 = arith.mulf %get3A_301, %get3A_12 : vector<16xf32>
      %mul3A_324 = arith.mulf %get3A_304, %get3A_14 : vector<16xf32>
      %add3A_325 = arith.addf %mul3A_323, %mul3A_324 : vector<16xf32>
      %mul3A_326 = arith.mulf %get3A_307, %get3A_16 : vector<16xf32>
      %add3A_327 = arith.addf %add3A_325, %mul3A_326 : vector<16xf32>
      %mul3A_328 = arith.mulf %get3A_310, %get3A_18 : vector<16xf32>
      %add3A_329 = arith.addf %add3A_327, %mul3A_328 : vector<16xf32>
      %mul3A_330 = arith.mulf %get3A_313, %get3A_20 : vector<16xf32>
      %add3A_331 = arith.addf %add3A_329, %mul3A_330 : vector<16xf32>
      %mul3A_332 = arith.mulf %get3A_316, %get3A_22 : vector<16xf32>
      %add3A_333 = arith.addf %add3A_331, %mul3A_332 : vector<16xf32>
      %mul3A_334 = arith.mulf %get3A_319, %get3A_24 : vector<16xf32>
      %add3A_335 = arith.addf %add3A_333, %mul3A_334 : vector<16xf32>
      %mul3A_336 = arith.mulf %get3A_322, %get3A_26 : vector<16xf32>
      %add3A_337 = arith.addf %add3A_335, %mul3A_336 : vector<16xf32>
      %reduce_sum3A_338 = arith.constant true
      %reduce_sum3A_339 = vector.broadcast %reduce_sum3A_338 : i1 to vector<16xi1>
      %reduce_sum3A_340 = tpu.scan <sum>, %add3A_337 masked %reduce_sum3A_339 : vector<16xf32>, vector<16xi1> -> vector<16xf32>
      %reduce_sum3A_341 = vector.extract %reduce_sum3A_340[15] : f32 from vector<16xf32>
      %broadcast_in_dim3A_342 = vector.broadcast %reduce_sum3A_341 : f32 to vector<16xf32>
      %add3A_343 = arith.addf %broadcast_in_dim3A_342, %get3A_28 : vector<16xf32>
      %exp3A_344 = math.exp %add3A_343 : vector<16xf32>
      %add3A_345 = arith.constant 1.000000e+00 : f32
      %add3A_346 = vector.broadcast %add3A_345 : f32 to vector<16xf32>
      %add3A_347 = arith.addf %add3A_346, %exp3A_344 : vector<16xf32>
      %div3A_348 = arith.constant 1.000000e+00 : f32
      %div3A_349 = vector.broadcast %div3A_348 : f32 to vector<16xf32>
      %div3A_350 = arith.divf %div3A_349, %add3A_347 : vector<16xf32>
      %mul3A_351 = arith.mulf %get3A_301, %div3A_350 : vector<16xf32>
      %swap3A_352 = arith.index_cast %add3A_298 : i32 to index
      %swap3A_353 = arith.constant 0 : index
      %swap3A_354 = tpu.vector_load %arg7[%swap3A_352, %swap3A_353] {strides = array<i32>} : memref<80x128xf32, #tpu.memory_space<vmem>>, vector<16xf32>,
      tpu.vector_store %arg7[%swap3A_352, %swap3A_353], %mul3A_351 {strides = array<i32>} : memref<80x128xf32, #tpu.memory_space<vmem>>, vector<16xf32>,
      %mul3A_355 = arith.mulf %get3A_304, %div3A_350 : vector<16xf32>
      %swap3A_356 = arith.index_cast %add3A_298 : i32 to index
      %swap3A_357 = arith.constant 16 : index
      %swap3A_358 = tpu.vector_load %arg7[%swap3A_356, %swap3A_357] {strides = array<i32>} : memref<80x128xf32, #tpu.memory_space<vmem>>, vector<16xf32>,
      tpu.vector_store %arg7[%swap3A_356, %swap3A_357], %mul3A_355 {strides = array<i32>} : memref<80x128xf32, #tpu.memory_space<vmem>>, vector<16xf32>,
      %mul3A_359 = arith.mulf %get3A_307, %div3A_350 : vector<16xf32>
      %swap3A_360 = arith.index_cast %add3A_298 : i32 to index
      %swap3A_361 = arith.constant 32 : index
      %swap3A_362 = tpu.vector_load %arg7[%swap3A_360, %swap3A_361] {strides = array<i32>} : memref<80x128xf32, #tpu.memory_space<vmem>>, vector<16xf32>,
      tpu.vector_store %arg7[%swap3A_360, %swap3A_361], %mul3A_359 {strides = array<i32>} : memref<80x128xf32, #tpu.memory_space<vmem>>, vector<16xf32>,
      %mul3A_363 = arith.mulf %get3A_310, %div3A_350 : vector<16xf32>
      %swap3A_364 = arith.index_cast %add3A_298 : i32 to index
      %swap3A_365 = arith.constant 48 : index
      %swap3A_366 = tpu.vector_load %arg7[%swap3A_364, %swap3A_365] {strides = array<i32>} : memref<80x128xf32, #tpu.memory_space<vmem>>, vector<16xf32>,
      tpu.vector_store %arg7[%swap3A_364, %swap3A_365], %mul3A_363 {strides = array<i32>} : memref<80x128xf32, #tpu.memory_space<vmem>>, vector<16xf32>,
      %mul3A_367 = arith.mulf %get3A_313, %div3A_350 : vector<16xf32>
      %swap3A_368 = arith.index_cast %add3A_298 : i32 to index
      %swap3A_369 = arith.constant 64 : index
      %swap3A_370 = tpu.vector_load %arg7[%swap3A_368, %swap3A_369] {strides = array<i32>} : memref<80x128xf32, #tpu.memory_space<vmem>>, vector<16xf32>,
      tpu.vector_store %arg7[%swap3A_368, %swap3A_369], %mul3A_367 {strides = array<i32>} : memref<80x128xf32, #tpu.memory_space<vmem>>, vector<16xf32>,
      %mul3A_371 = arith.mulf %get3A_316, %div3A_350 : vector<16xf32>
      %swap3A_372 = arith.index_cast %add3A_298 : i32 to index
      %swap3A_373 = arith.constant 80 : index
      %swap3A_374 = tpu.vector_load %arg7[%swap3A_372, %swap3A_373] {strides = array<i32>} : memref<80x128xf32, #tpu.memory_space<vmem>>, vector<16xf32>,
      tpu.vector_store %arg7[%swap3A_372, %swap3A_373], %mul3A_371 {strides = array<i32>} : memref<80x128xf32, #tpu.memory_space<vmem>>, vector<16xf32>,
      %mul3A_375 = arith.mulf %get3A_319, %div3A_350 : vector<16xf32>
      %swap3A_376 = arith.index_cast %add3A_298 : i32 to index
      %swap3A_377 = arith.constant 96 : index
      %swap3A_378 = tpu.vector_load %arg7[%swap3A_376, %swap3A_377] {strides = array<i32>} : memref<80x128xf32, #tpu.memory_space<vmem>>, vector<16xf32>,
      tpu.vector_store %arg7[%swap3A_376, %swap3A_377], %mul3A_375 {strides = array<i32>} : memref<80x128xf32, #tpu.memory_space<vmem>>, vector<16xf32>,
      %mul3A_379 = arith.mulf %get3A_322, %div3A_350 : vector<16xf32>
      %swap3A_380 = arith.index_cast %add3A_298 : i32 to index
      %swap3A_381 = arith.constant 112 : index
      %swap3A_382 = tpu.vector_load %arg7[%swap3A_380, %swap3A_381] {strides = array<i32>} : memref<80x128xf32, #tpu.memory_space<vmem>>, vector<16xf32>,
      tpu.vector_store %arg7[%swap3A_380, %swap3A_381], %mul3A_379 {strides = array<i32>} : memref<80x128xf32, #tpu.memory_space<vmem>>, vector<16xf32>,
      %mul3A_383 = arith.constant 4 : i32
      %mul3A_384 = arith.muli %scan3A_121, %mul3A_383 : i32
      %add3A_385 = arith.constant 3 : i32
      %add3A_386 = arith.addi %mul3A_384, %add3A_385 : i32
      %get3A_387 = arith.index_cast %add3A_386 : i32 to index
      %get3A_388 = arith.constant 0 : index
      %get3A_389 = tpu.vector_load %arg7[%get3A_387, %get3A_388] {strides = array<i32>} : memref<80x128xf32, #tpu.memory_space<vmem>>, vector<16xf32>,
      %get3A_390 = arith.index_cast %add3A_386 : i32 to index
      %get3A_391 = arith.constant 16 : index
      %get3A_392 = tpu.vector_load %arg7[%get3A_390, %get3A_391] {strides = array<i32>} : memref<80x128xf32, #tpu.memory_space<vmem>>, vector<16xf32>,
      %get3A_393 = arith.index_cast %add3A_386 : i32 to index
      %get3A_394 = arith.constant 32 : index
      %get3A_395 = tpu.vector_load %arg7[%get3A_393, %get3A_394] {strides = array<i32>} : memref<80x128xf32, #tpu.memory_space<vmem>>, vector<16xf32>,
      %get3A_396 = arith.index_cast %add3A_386 : i32 to index
      %get3A_397 = arith.constant 48 : index
      %get3A_398 = tpu.vector_load %arg7[%get3A_396, %get3A_397] {strides = array<i32>} : memref<80x128xf32, #tpu.memory_space<vmem>>, vector<16xf32>,
      %get3A_399 = arith.index_cast %add3A_386 : i32 to index
      %get3A_400 = arith.constant 64 : index
      %get3A_401 = tpu.vector_load %arg7[%get3A_399, %get3A_400] {strides = array<i32>} : memref<80x128xf32, #tpu.memory_space<vmem>>, vector<16xf32>,
      %get3A_402 = arith.index_cast %add3A_386 : i32 to index
      %get3A_403 = arith.constant 80 : index
      %get3A_404 = tpu.vector_load %arg7[%get3A_402, %get3A_403] {strides = array<i32>} : memref<80x128xf32, #tpu.memory_space<vmem>>, vector<16xf32>,
      %get3A_405 = arith.index_cast %add3A_386 : i32 to index
      %get3A_406 = arith.constant 96 : index
      %get3A_407 = tpu.vector_load %arg7[%get3A_405, %get3A_406] {strides = array<i32>} : memref<80x128xf32, #tpu.memory_space<vmem>>, vector<16xf32>,
      %get3A_408 = arith.index_cast %add3A_386 : i32 to index
      %get3A_409 = arith.constant 112 : index
      %get3A_410 = tpu.vector_load %arg7[%get3A_408, %get3A_409] {strides = array<i32>} : memref<80x128xf32, #tpu.memory_space<vmem>>, vector<16xf32>,
      %mul3A_411 = arith.mulf %get3A_389, %get3A_12 : vector<16xf32>
      %mul3A_412 = arith.mulf %get3A_392, %get3A_14 : vector<16xf32>
      %add3A_413 = arith.addf %mul3A_411, %mul3A_412 : vector<16xf32>
      %mul3A_414 = arith.mulf %get3A_395, %get3A_16 : vector<16xf32>
      %add3A_415 = arith.addf %add3A_413, %mul3A_414 : vector<16xf32>
      %mul3A_416 = arith.mulf %get3A_398, %get3A_18 : vector<16xf32>
      %add3A_417 = arith.addf %add3A_415, %mul3A_416 : vector<16xf32>
      %mul3A_418 = arith.mulf %get3A_401, %get3A_20 : vector<16xf32>
      %add3A_419 = arith.addf %add3A_417, %mul3A_418 : vector<16xf32>
      %mul3A_420 = arith.mulf %get3A_404, %get3A_22 : vector<16xf32>
      %add3A_421 = arith.addf %add3A_419, %mul3A_420 : vector<16xf32>
      %mul3A_422 = arith.mulf %get3A_407, %get3A_24 : vector<16xf32>
      %add3A_423 = arith.addf %add3A_421, %mul3A_422 : vector<16xf32>
      %mul3A_424 = arith.mulf %get3A_410, %get3A_26 : vector<16xf32>
      %add3A_425 = arith.addf %add3A_423, %mul3A_424 : vector<16xf32>
      %reduce_sum3A_426 = arith.constant true
      %reduce_sum3A_427 = vector.broadcast %reduce_sum3A_426 : i1 to vector<16xi1>
      %reduce_sum3A_428 = tpu.scan <sum>, %add3A_425 masked %reduce_sum3A_427 : vector<16xf32>, vector<16xi1> -> vector<16xf32>
      %reduce_sum3A_429 = vector.extract %reduce_sum3A_428[15] : f32 from vector<16xf32>
      %broadcast_in_dim3A_430 = vector.broadcast %reduce_sum3A_429 : f32 to vector<16xf32>
      %add3A_431 = arith.addf %broadcast_in_dim3A_430, %get3A_28 : vector<16xf32>
      %exp3A_432 = math.exp %add3A_431 : vector<16xf32>
      %add3A_433 = arith.constant 1.000000e+00 : f32
      %add3A_434 = vector.broadcast %add3A_433 : f32 to vector<16xf32>
      %add3A_435 = arith.addf %add3A_434, %exp3A_432 : vector<16xf32>
      %div3A_436 = arith.constant 1.000000e+00 : f32
      %div3A_437 = vector.broadcast %div3A_436 : f32 to vector<16xf32>
      %div3A_438 = arith.divf %div3A_437, %add3A_435 : vector<16xf32>
      %mul3A_439 = arith.mulf %get3A_389, %div3A_438 : vector<16xf32>
      %swap3A_440 = arith.index_cast %add3A_386 : i32 to index
      %swap3A_441 = arith.constant 0 : index
      %swap3A_442 = tpu.vector_load %arg7[%swap3A_440, %swap3A_441] {strides = array<i32>} : memref<80x128xf32, #tpu.memory_space<vmem>>, vector<16xf32>,
      tpu.vector_store %arg7[%swap3A_440, %swap3A_441], %mul3A_439 {strides = array<i32>} : memref<80x128xf32, #tpu.memory_space<vmem>>, vector<16xf32>,
      %mul3A_443 = arith.mulf %get3A_392, %div3A_438 : vector<16xf32>
      %swap3A_444 = arith.index_cast %add3A_386 : i32 to index
      %swap3A_445 = arith.constant 16 : index
      %swap3A_446 = tpu.vector_load %arg7[%swap3A_444, %swap3A_445] {strides = array<i32>} : memref<80x128xf32, #tpu.memory_space<vmem>>, vector<16xf32>,
      tpu.vector_store %arg7[%swap3A_444, %swap3A_445], %mul3A_443 {strides = array<i32>} : memref<80x128xf32, #tpu.memory_space<vmem>>, vector<16xf32>,
      %mul3A_447 = arith.mulf %get3A_395, %div3A_438 : vector<16xf32>
      %swap3A_448 = arith.index_cast %add3A_386 : i32 to index
      %swap3A_449 = arith.constant 32 : index
      %swap3A_450 = tpu.vector_load %arg7[%swap3A_448, %swap3A_449] {strides = array<i32>} : memref<80x128xf32, #tpu.memory_space<vmem>>, vector<16xf32>,
      tpu.vector_store %arg7[%swap3A_448, %swap3A_449], %mul3A_447 {strides = array<i32>} : memref<80x128xf32, #tpu.memory_space<vmem>>, vector<16xf32>,
      %mul3A_451 = arith.mulf %get3A_398, %div3A_438 : vector<16xf32>
      %swap3A_452 = arith.index_cast %add3A_386 : i32 to index
      %swap3A_453 = arith.constant 48 : index
      %swap3A_454 = tpu.vector_load %arg7[%swap3A_452, %swap3A_453] {strides = array<i32>} : memref<80x128xf32, #tpu.memory_space<vmem>>, vector<16xf32>,
      tpu.vector_store %arg7[%swap3A_452, %swap3A_453], %mul3A_451 {strides = array<i32>} : memref<80x128xf32, #tpu.memory_space<vmem>>, vector<16xf32>,
      %mul3A_455 = arith.mulf %get3A_401, %div3A_438 : vector<16xf32>
      %swap3A_456 = arith.index_cast %add3A_386 : i32 to index
      %swap3A_457 = arith.constant 64 : index
      %swap3A_458 = tpu.vector_load %arg7[%swap3A_456, %swap3A_457] {strides = array<i32>} : memref<80x128xf32, #tpu.memory_space<vmem>>, vector<16xf32>,
      tpu.vector_store %arg7[%swap3A_456, %swap3A_457], %mul3A_455 {strides = array<i32>} : memref<80x128xf32, #tpu.memory_space<vmem>>, vector<16xf32>,
      %mul3A_459 = arith.mulf %get3A_404, %div3A_438 : vector<16xf32>
      %swap3A_460 = arith.index_cast %add3A_386 : i32 to index
      %swap3A_461 = arith.constant 80 : index
      %swap3A_462 = tpu.vector_load %arg7[%swap3A_460, %swap3A_461] {strides = array<i32>} : memref<80x128xf32, #tpu.memory_space<vmem>>, vector<16xf32>,
      tpu.vector_store %arg7[%swap3A_460, %swap3A_461], %mul3A_459 {strides = array<i32>} : memref<80x128xf32, #tpu.memory_space<vmem>>, vector<16xf32>,
      %mul3A_463 = arith.mulf %get3A_407, %div3A_438 : vector<16xf32>
      %swap3A_464 = arith.index_cast %add3A_386 : i32 to index
      %swap3A_465 = arith.constant 96 : index
      %swap3A_466 = tpu.vector_load %arg7[%swap3A_464, %swap3A_465] {strides = array<i32>} : memref<80x128xf32, #tpu.memory_space<vmem>>, vector<16xf32>,
      tpu.vector_store %arg7[%swap3A_464, %swap3A_465], %mul3A_463 {strides = array<i32>} : memref<80x128xf32, #tpu.memory_space<vmem>>, vector<16xf32>,
      %mul3A_467 = arith.mulf %get3A_410, %div3A_438 : vector<16xf32>
      %swap3A_468 = arith.index_cast %add3A_386 : i32 to index
      %swap3A_469 = arith.constant 112 : index
      %swap3A_470 = tpu.vector_load %arg7[%swap3A_468, %swap3A_469] {strides = array<i32>} : memref<80x128xf32, #tpu.memory_space<vmem>>, vector<16xf32>,
      tpu.vector_store %arg7[%swap3A_468, %swap3A_469], %mul3A_467 {strides = array<i32>} : memref<80x128xf32, #tpu.memory_space<vmem>>, vector<16xf32>,
      %scan3A_471 = arith.constant 0 : i32
      scf.yield %scan3A_471 : i32
    }
    %scan3A_97 = arith.constant 20 : i32
    %dma_start3A_98 = arith.constant 0 : i32
    %dma_start3A_99 = arith.constant 0 : i32
    %dma_start3A_100 = tpu.memref_slice %arg13[%dma_start3A_98, %dma_start3A_99] : memref<1024x128xf32, #tpu.memory_space<vmem_shared>> -> memref<1024x128xf32, #tpu.memory_space<vmem_shared>>
    tpu.enqueue_indirect_dma source(%arg7 : memref<80x128xf32, #tpu.memory_space<vmem>>) target(%dma_start3A_100 : memref<1024x128xf32, #tpu.memory_space<vmem_shared>>) offsets(%arg10 : memref<80xi32, #tpu.memory_space<vmem>>) semaphore(%arg21 : memref<!tpu.dma_semaphore, #tpu.memory_space<semaphore_mem>>) {add = true}
    %and3A_101 = arith.constant true
    %and3A_102 = arith.constant false
    %and3A_103 = arith.andi %and3A_101, %and3A_102 : i1
    %convert_element_type3A_104 = arith.extui %and3A_103 : i1 to i32
    %cond3A_105 = arith.constant 0 : i32
    %cond3A_106 = arith.cmpi ne, %convert_element_type3A_104, %cond3A_105 : i32
    scf.if %cond3A_106 {
      %dma_wait3A_121 = arith.constant 0 : i32
      %dma_wait3A_122 = arith.constant 0 : i32
      %dma_wait3A_123 = tpu.memref_slice %arg13[%dma_wait3A_121, %dma_wait3A_122] : memref<1024x128xf32, #tpu.memory_space<vmem_shared>> -> memref<1024x128xf32, #tpu.memory_space<vmem_shared>>
      tpu.wait_indirect_dma semaphore(%arg20 : memref<!tpu.dma_semaphore, #tpu.memory_space<semaphore_mem>>) src(%arg6 : memref<80x128xf32, #tpu.memory_space<vmem>>) dst(%dma_wait3A_123 : memref<1024x128xf32, #tpu.memory_space<vmem_shared>>)
      %add3A_124 = arith.constant 6480 : i32
      %add3A_125 = arith.addi %mul3A_2, %add3A_124 : i32
      %dma_start3A_126 = arith.constant 0 : i32
      %dma_start3A_127 = tpu.memref_slice %arg2[%add3A_125, %dma_start3A_126] : memref<320000x128xf32, #tpu.memory_space<hbm>> -> memref<80x128xf32, #tpu.memory_space<hbm>>
      %dma_start3A_128 = arith.constant 0 : i32
      %dma_start3A_129 = tpu.memref_slice %arg2[%add3A_125, %dma_start3A_128] : memref<320000x128xf32, #tpu.memory_space<hbm>> -> memref<80x128xf32, #tpu.memory_space<hbm>>
      tpu.enqueue_dma source(%dma_start3A_129 : memref<80x128xf32, #tpu.memory_space<hbm>>) target(%arg6 : memref<80x128xf32, #tpu.memory_space<vmem>>) target_semaphore(%arg14 : memref<!tpu.dma_semaphore, #tpu.memory_space<semaphore_mem>>)
      %dma_start3A_130 = tpu.memref_slice %arg3[%add3A_125] : memref<320000xi32, #tpu.memory_space<hbm>> -> memref<80xi32, #tpu.memory_space<hbm>>
      %dma_start3A_131 = tpu.memref_slice %arg3[%add3A_125] : memref<320000xi32, #tpu.memory_space<hbm>> -> memref<80xi32, #tpu.memory_space<hbm>>
      tpu.enqueue_dma source(%dma_start3A_131 : memref<80xi32, #tpu.memory_space<hbm>>) target(%arg9 : memref<80xi32, #tpu.memory_space<vmem>>) target_semaphore(%arg17 : memref<!tpu.dma_semaphore, #tpu.memory_space<semaphore_mem>>)
    } else {
    }
    %dma_wait3A_107 = arith.constant 0 : i32
    %dma_wait3A_108 = arith.constant 0 : i32
    %dma_wait3A_109 = tpu.memref_slice %arg13[%dma_wait3A_107, %dma_wait3A_108] : memref<1024x128xf32, #tpu.memory_space<vmem_shared>> -> memref<1024x128xf32, #tpu.memory_space<vmem_shared>>
    tpu.wait_indirect_dma semaphore(%arg22 : memref<!tpu.dma_semaphore, #tpu.memory_space<semaphore_mem>>) src(%arg8 : memref<80x128xf32, #tpu.memory_space<vmem>>) dst(%dma_wait3A_109 : memref<1024x128xf32, #tpu.memory_space<vmem_shared>>)
    %dma_wait3A_110 = arith.constant 0 : i32
    %dma_wait3A_111 = arith.constant 0 : i32
    %dma_wait3A_112 = tpu.memref_slice %arg13[%dma_wait3A_110, %dma_wait3A_111] : memref<1024x128xf32, #tpu.memory_space<vmem_shared>> -> memref<1024x128xf32, #tpu.memory_space<vmem_shared>>
    tpu.wait_indirect_dma semaphore(%arg20 : memref<!tpu.dma_semaphore, #tpu.memory_space<semaphore_mem>>) src(%arg6 : memref<80x128xf32, #tpu.memory_space<vmem>>) dst(%dma_wait3A_112 : memref<1024x128xf32, #tpu.memory_space<vmem_shared>>)
    %dma_wait3A_113 = arith.constant 0 : i32
    %dma_wait3A_114 = arith.constant 0 : i32
    %dma_wait3A_115 = tpu.memref_slice %arg13[%dma_wait3A_113, %dma_wait3A_114] : memref<1024x128xf32, #tpu.memory_space<vmem_shared>> -> memref<1024x128xf32, #tpu.memory_space<vmem_shared>>
    tpu.wait_indirect_dma semaphore(%arg21 : memref<!tpu.dma_semaphore, #tpu.memory_space<semaphore_mem>>) src(%arg7 : memref<80x128xf32, #tpu.memory_space<vmem>>) dst(%dma_wait3A_115 : memref<1024x128xf32, #tpu.memory_space<vmem_shared>>)
    %barrier3A_116 = arith.constant 0 : index
    tpu.barrier barrier_id(%barrier3A_116)
    %mul3A_117 = arith.constant 64 : i32
    %mul3A_118 = arith.muli %arg1, %mul3A_117 : i32
    %mul3A_119 = arith.constant 64 : i32
    %mul3A_120 = arith.muli %arg1, %mul3A_119 : i32
    "tpu.region"() ({
      %run_scoped3A = tpu.sem_alloc : memref<!tpu.dma_semaphore, #tpu.memory_space<semaphore_mem>>
      %dma_start3A_121 = arith.constant 0 : i32
      %dma_start3A_122 = tpu.memref_slice %arg5[%arg0, %mul3A_120, %dma_start3A_121] : memref<2x1024x128xf32, #tpu.memory_space<hbm>> -> memref<1x64x128xf32, #tpu.memory_space<hbm>>
      %dma_start3A_123 = tpu.memref_squeeze %dma_start3A_122 : memref<1x64x128xf32, #tpu.memory_space<hbm>> -> memref<64x128xf32, #tpu.memory_space<hbm>>
      %dma_start3A_124 = arith.constant 0 : i32
      %dma_start3A_125 = tpu.memref_slice %arg13[%mul3A_118, %dma_start3A_124] : memref<1024x128xf32, #tpu.memory_space<vmem_shared>> -> memref<64x128xf32, #tpu.memory_space<vmem_shared>>
      tpu.enqueue_dma source(%dma_start3A_125 : memref<64x128xf32, #tpu.memory_space<vmem_shared>>) target(%dma_start3A_123 : memref<64x128xf32, #tpu.memory_space<hbm>>) target_semaphore(%run_scoped3A : memref<!tpu.dma_semaphore, #tpu.memory_space<semaphore_mem>>)
      %dma_wait3A_126 = arith.constant 0 : i32
      %dma_wait3A_127 = tpu.memref_slice %arg5[%arg0, %mul3A_120, %dma_wait3A_126] : memref<2x1024x128xf32, #tpu.memory_space<hbm>> -> memref<1x64x128xf32, #tpu.memory_space<hbm>>
      %dma_wait3A_128 = tpu.memref_squeeze %dma_wait3A_127 : memref<1x64x128xf32, #tpu.memory_space<hbm>> -> memref<64x128xf32, #tpu.memory_space<hbm>>
      %dma_wait3A_129 = arith.constant 0 : i32
      %dma_wait3A_130 = tpu.memref_slice %arg13[%mul3A_118, %dma_wait3A_129] : memref<1024x128xf32, #tpu.memory_space<vmem_shared>> -> memref<64x128xf32, #tpu.memory_space<vmem_shared>>
      tpu.wait_dma2 semaphore(%run_scoped3A : memref<!tpu.dma_semaphore, #tpu.memory_space<semaphore_mem>>) src(%dma_wait3A_130 : memref<64x128xf32, #tpu.memory_space<vmem_shared>>) dst(%dma_wait3A_128 : memref<64x128xf32, #tpu.memory_space<hbm>>)
      tpu.yield
    }) : () -> ()
    return
  }
}

module attributes {stable_mosaic.version = 14 : i64} {
  func.func @_add_body(%arg0: memref<2x1024x128xf32, #tpu.memory_space<vmem>>, %arg1: memref<1024x128xf32, #tpu.memory_space<vmem>>, %arg2: memref<1024x128xf32, #tpu.memory_space<vmem>>) attributes {dimension_semantics = [], scalar_prefetch = 0 : i64, scratch_operands = 0 : i64, tpu.core_type = #tpu.core_type<tc>} {
    %get3A = arith.constant 0 : index
    %get3A_0 = arith.constant 0 : index
    %get3A_1 = arith.constant 0 : index
    %get3A_2 = vector.load %arg0[%get3A, %get3A_0, %get3A_1] : memref<2x1024x128xf32, #tpu.memory_space<vmem>>, vector<1x1024x128xf32>
    %get3A_3 = vector.shape_cast %get3A_2 : vector<1x1024x128xf32> to vector<1024x128xf32>
    %get3A_4 = arith.constant 1 : index
    %get3A_5 = arith.constant 0 : index
    %get3A_6 = arith.constant 0 : index
    %get3A_7 = vector.load %arg0[%get3A_4, %get3A_5, %get3A_6] : memref<2x1024x128xf32, #tpu.memory_space<vmem>>, vector<1x1024x128xf32>
    %get3A_8 = vector.shape_cast %get3A_7 : vector<1x1024x128xf32> to vector<1024x128xf32>
    %add3A = arith.addf %get3A_3, %get3A_8 : vector<1024x128xf32>
    %get3A_9 = arith.constant 0 : index
    %get3A_10 = arith.constant 0 : index
    %get3A_11 = vector.load %arg1[%get3A_9, %get3A_10] : memref<1024x128xf32, #tpu.memory_space<vmem>>, vector<1024x128xf32>
    %add3A_12 = arith.addf %add3A, %get3A_11 : vector<1024x128xf32>
    %swap3A = arith.constant 0 : index
    %swap3A_13 = arith.constant 0 : index
    %swap3A_14 = vector.load %arg2[%swap3A, %swap3A_13] : memref<1024x128xf32, #tpu.memory_space<vmem>>, vector<1024x128xf32>
    tpu.vector_store %arg2[%swap3A, %swap3A_13], %add3A_12 {strides = array<i32>} : memref<1024x128xf32, #tpu.memory_space<vmem>>, vector<1024x128xf32>,
    return
  }
}

module attributes {stable_mosaic.version = 14 : i64} {
  func.func @_tc_seg_body(%arg0: i32, %arg1: memref<2560x128xf32, #tpu.memory_space<vmem>>, %arg2: memref<1x1x2560xi16, #tpu.memory_space<vmem>>, %arg3: memref<128x1xf32, #tpu.memory_space<vmem>>, %arg4: memref<1x1xf32, #tpu.memory_space<vmem>>, %arg5: memref<1024x128xf32, #tpu.memory_space<vmem>>) attributes {dimension_semantics = [#tpu.dimension_semantics<arbitrary>], iteration_bounds = array<i64: 45>, scalar_prefetch = 0 : i64, scratch_operands = 0 : i64, tpu.core_type = #tpu.core_type<tc>, window_params = [{transform_indices = @transform_0, window_bounds = array<i64: 2560, 128>}, {transform_indices = @transform_1, window_bounds = array<i64: 1, 1, 2560>}, {pipeline_mode = #tpu.pipeline_mode<synchronous>, transform_indices = @transform_2, window_bounds = array<i64: 128, 1>}, {pipeline_mode = #tpu.pipeline_mode<synchronous>, transform_indices = @transform_3, window_bounds = array<i64: 1, 1>}, {pipeline_mode = #tpu.pipeline_mode<synchronous>, transform_indices = @transform_4, window_bounds = array<i64: 1024, 128>}]} {
    %eq3A = arith.constant 0 : i32
    %eq3A_0 = arith.cmpi eq, %arg0, %eq3A : i32
    %convert_element_type3A = arith.extui %eq3A_0 : i1 to i32
    %cond3A = arith.constant 0 : i32
    %cond3A_1 = arith.cmpi ne, %convert_element_type3A, %cond3A : i32
    scf.if %cond3A_1 {
      %broadcast_in_dim3A = arith.constant 0.000000e+00 : f32
      %broadcast_in_dim3A_38 = vector.broadcast %broadcast_in_dim3A : f32 to vector<1024x128xf32>
      %swap3A_39 = arith.constant 0 : index
      %swap3A_40 = arith.constant 0 : index
      %swap3A_41 = vector.load %arg5[%swap3A_39, %swap3A_40] : memref<1024x128xf32, #tpu.memory_space<vmem>>, vector<1024x128xf32>
      tpu.vector_store %arg5[%swap3A_39, %swap3A_40], %broadcast_in_dim3A_38 {strides = array<i32>} : memref<1024x128xf32, #tpu.memory_space<vmem>>, vector<1024x128xf32>,
    } else {
    }
    %get3A = arith.constant 0 : index
    %get3A_2 = arith.constant 0 : index
    %get3A_3 = vector.load %arg1[%get3A, %get3A_2] : memref<2560x128xf32, #tpu.memory_space<vmem>>, vector<2560x128xf32>
    %get3A_4 = arith.constant 0 : index
    %get3A_5 = arith.constant 0 : index
    %get3A_6 = vector.load %arg3[%get3A_4, %get3A_5] : memref<128x1xf32, #tpu.memory_space<vmem>>, vector<128x1xf32>
    %dot_general3A = arith.constant dense<0.000000e+00> : vector<2560x1xf32>
    %dot_general3A_7 = tpu.matmul %get3A_3, %get3A_6, %dot_general3A {dimension_numbers = #tpu.dot_dimension_numbers<[1], [0], [0], [1], [0, 0, 1, 1], [], []>, transpose_lhs_hint = false} : vector<2560x128xf32>, vector<128x1xf32>, vector<2560x1xf32> -> vector<2560x1xf32>
    %get3A_8 = arith.constant 0 : index
    %get3A_9 = arith.constant 0 : index
    %get3A_10 = vector.load %arg4[%get3A_8, %get3A_9] : memref<1x1xf32, #tpu.memory_space<vmem>>, vector<1x1xf32>
    %get3A_11 = vector.extract %get3A_10[0, 0] : f32 from vector<1x1xf32>
    %add3A = vector.broadcast %get3A_11 : f32 to vector<2560x1xf32>
    %add3A_12 = arith.addf %dot_general3A_7, %add3A : vector<2560x1xf32>
    %logistic3A = arith.negf %add3A_12 : vector<2560x1xf32>
    %logistic3A_13 = math.exp %logistic3A : vector<2560x1xf32>
    %logistic3A_14 = arith.constant 1.000000e+00 : f32
    %logistic3A_15 = vector.broadcast %logistic3A_14 : f32 to vector<2560x1xf32>
    %logistic3A_16 = arith.addf %logistic3A_15, %logistic3A_13 : vector<2560x1xf32>
    %logistic3A_17 = arith.divf %logistic3A_15, %logistic3A_16 : vector<2560x1xf32>
    %mul3A = vector.broadcast %logistic3A_17 : vector<2560x1xf32> to vector<2560x128xf32>
    %mul3A_18 = arith.mulf %mul3A, %get3A_3 : vector<2560x128xf32>
    %convert_element_type3A_19 = arith.truncf %mul3A_18 : vector<2560x128xf32> to vector<2560x128xbf16>
    %get3A_20 = arith.constant 0 : index
    %get3A_21 = arith.constant 0 : index
    %get3A_22 = arith.constant 0 : index
    %get3A_23 = vector.load %arg2[%get3A_20, %get3A_21, %get3A_22] : memref<1x1x2560xi16, #tpu.memory_space<vmem>>, vector<1x1x2560xi16>
    %get3A_24 = vector.shape_cast %get3A_23 : vector<1x1x2560xi16> to vector<1x2560xi16>
    %iota3A = tpu.iota {dimensions = array<i32: 0>} : vector<1024x2560xi16>
    %eq3A_25 = vector.broadcast %get3A_24 : vector<1x2560xi16> to vector<1024x2560xi16>
    %eq3A_26 = arith.cmpi eq, %iota3A, %eq3A_25 : vector<1024x2560xi16>
    %convert_element_type3A_27 = arith.extui %eq3A_26 : vector<1024x2560xi1> to vector<1024x2560xi32>
    %convert_element_type3A_28 = arith.sitofp %convert_element_type3A_27 : vector<1024x2560xi32> to vector<1024x2560xf32>
    %convert_element_type3A_29 = arith.truncf %convert_element_type3A_28 : vector<1024x2560xf32> to vector<1024x2560xbf16>
    %get3A_30 = arith.constant 0 : index
    %get3A_31 = arith.constant 0 : index
    %get3A_32 = vector.load %arg5[%get3A_30, %get3A_31] : memref<1024x128xf32, #tpu.memory_space<vmem>>, vector<1024x128xf32>
    %dot_general3A_33 = arith.constant dense<0.000000e+00> : vector<1024x128xf32>
    %dot_general3A_34 = tpu.matmul %convert_element_type3A_29, %convert_element_type3A_19, %dot_general3A_33 {dimension_numbers = #tpu.dot_dimension_numbers<[1], [0], [0], [1], [0, 0, 1, 1], [], []>, transpose_lhs_hint = false} : vector<1024x2560xbf16>, vector<2560x128xbf16>, vector<1024x128xf32> -> vector<1024x128xf32>
    %add3A_35 = arith.addf %get3A_32, %dot_general3A_34 : vector<1024x128xf32>
    %swap3A = arith.constant 0 : index
    %swap3A_36 = arith.constant 0 : index
    %swap3A_37 = vector.load %arg5[%swap3A, %swap3A_36] : memref<1024x128xf32, #tpu.memory_space<vmem>>, vector<1024x128xf32>
    tpu.vector_store %arg5[%swap3A, %swap3A_36], %add3A_35 {strides = array<i32>} : memref<1024x128xf32, #tpu.memory_space<vmem>>, vector<1024x128xf32>,
    return
  }
  func.func @transform_0(%arg0: i32) -> (i32, i32) {
    %add3A = arith.constant 80 : i32
    %add3A_0 = arith.addi %arg0, %add3A : i32
    %c0_i32 = arith.constant 0 : i32
    %c0_i32_1 = arith.constant 0 : i32
    return %add3A_0, %c0_i32 : i32, i32
  }
  func.func @transform_1(%arg0: i32) -> (i32, i32, i32) {
    %add3A = arith.constant 80 : i32
    %add3A_0 = arith.addi %arg0, %add3A : i32
    %c0_i32 = arith.constant 0 : i32
    %c0_i32_1 = arith.constant 0 : i32
    %c0_i32_2 = arith.constant 0 : i32
    return %add3A_0, %c0_i32, %c0_i32_1 : i32, i32, i32
  }
  func.func @transform_2(%arg0: i32) -> (i32, i32) {
    %c0_i32 = arith.constant 0 : i32
    %c0_i32_0 = arith.constant 0 : i32
    %c0_i32_1 = arith.constant 0 : i32
    return %c0_i32, %c0_i32_0 : i32, i32
  }
  func.func @transform_3(%arg0: i32) -> (i32, i32) {
    %c0_i32 = arith.constant 0 : i32
    %c0_i32_0 = arith.constant 0 : i32
    %c0_i32_1 = arith.constant 0 : i32
    return %c0_i32, %c0_i32_0 : i32, i32
  }
  func.func @transform_4(%arg0: i32) -> (i32, i32) {
    %c0_i32 = arith.constant 0 : i32
    %c0_i32_0 = arith.constant 0 : i32
    %c0_i32_1 = arith.constant 0 : i32
    return %c0_i32, %c0_i32_0 : i32, i32
  }
}

</mosaic_0001>

<sc_bundles>
// kernel: _run.5.cloned.1.call-start
scs
__scs_entry_jumppad:
0x0: {  	(pc) =	sbr.rel $0x88, $3  }
0x1: {  	(tag) =	ssettag $0x0;
	lr =	simm.s32 $0x1  }
0x2: {  	[smem:$0x3F9B] =	sst lr;
	_ =	strace $0xD0000000  }
0x3: {  	_ = 	snop  }
0x4: {  	_ = 	snop  }
0x5: {  	_ = 	snop  }
0x6: {  	_ = 	snop  }
0x7: {  	_ = 	snop  }
__scs_overlays_trampoline_lowered:
0x8: {  	[smem:$0x3FAA] =	sst s0  }
0x9: {  	[smem:$0x3FAB] =	sst s1  }
0xa: {  	[smem:$0x3FAC] =	sst s2  }
0xb: {  	[smem:$0x3FAD] =	sst s3  }
0xc: {  	[smem:$0x3FAE] =	sst s4  }
0xd: {  	[smem:$0x3FAF] =	sst s5  }
0xe: {  	[smem:$0x3FB0] =	sst s6  }
0xf: {  	[smem:$0x3FB1] =	sst s7  }
0x10: {  	[smem:$0x3FB2] =	sst s8  }
0x11: {  	[smem:$0x3FB3] =	sst s9;
	s0 =	simm.s32 @!p0 $0x0  }
0x12: {  	s1 =	sld [smem:$0x3F99];
	s0 =	simm.s32 @p0 $0x1  }
0x13: {  	[smem:$0x3FB4] =	sst s0;
	s0 =	simm.s32 @!p1 $0x0  }
0x14: {  	s2 =	sld [smem:$0x3F98];
	s0 =	simm.s32 @p1 $0x1  }
0x15: {  	[smem:$0x3FB5] =	sst s0;
	s0 =	simm.s32 @!p2 $0x0  }
0x16: {  	s3 =	sld [smem:$0x3FDB];
	s0 =	simm.s32 @p2 $0x1  }
0x17: {  	s4 =	simm.s32 $0x1BF5;
	[smem:$0x3FB7] =	sst s0  }
0x18: {  	s0 =	sld [smem:$0x3F9A];
	_ =	swait.ge [sflag:s4], $0x0  }
0x19: {  	s7 =	sld [smem:$0x3F9B]  }
0x1a: {  	s8 =	sadd.s32 $0xFFFFE003, lr  }
0x1b: {  	s9 =	sadd.s32 $0xFFFFFEF7, lr;
	s5 =	simm.s32 $0xFFFFFFFF;
	p2 =	slt.u32 s8, $0xFFFFF086  }
0x1c: {  	p1 =	slt.u32 s9, $0xF7A;
	s5 =	simm.s32 @!p2 $0x0  }
0x1d: {  	s5 =	simm.s32 @p1 $0x1;
	p0 =	seq.s32 s7, s2  }
0x1e: {  	s7 =	smul.u32 @!p0 $0xF7A, s2;
	p2 =	seq.s32 @!p0 s5, $0x0  }
0x1f: {  	s9 =	smul.u32 $0xF7A, s1;
	s8 =	simm.s32 @!p0 $0x1BF5;
	p2 =	por !p2, p0  }
0x20: {  	[sflag:s8] =	ssyncset.s32 @!p0 $0xFFFFF086;
	s6 =	sadd.s32 @!p0 s3, s7;
	s7 =	simm.s32 @!p0 $0x108  }
0x21: {  	s3 =	sadd.s32 s3, s9;
	s6 =	sadd.s32 @!p0 $0x88, s6;
	s7 =	simm.s32 @p2 $0x1082  }
0x22: {  	[simem:s7], [sflag:s8] =	dma.local @!p0 [hbm:s6], $0xF7A  }
0x23: {  	s9 =	sor.u32 $0xD0000000, s2;
	s6 =	simm.s32 $0x108;
	_ =	swait.ge @!p0 [sflag:s8], $0x0  }
0x24: {  	s3 =	sadd.s32 $0x88, s3;
	s6 =	simm.s32 @!p1 $0x1082;
	[sflag:s4] =	ssyncset.s32 $0xFFFFF086  }
0x25: {  	[simem:s6], [sflag:s4] =	dma.local [hbm:s3], $0xF7A  }
0x26: {  	[smem:$0x3F9B] =	sst s1;
	(tag) =	ssettag s2;
	_ =	strace s9  }
0x27: {  	s1 =	sld [smem:$0x3FAB]  }
0x28: {  	s2 =	sld [smem:$0x3FAC]  }
0x29: {  	s4 =	sld [smem:$0x3FAE]  }
0x2a: {  	p0 =	seq.s32 s5, $0x0;
	s5 =	sld [smem:$0x3FAF]  }
0x2b: {  	s6 =	sld [smem:$0x3FB0]  }
0x2c: {  	s7 =	sld [smem:$0x3FB1]  }
0x2d: {  	s3 =	simm.s32 $0x108;
	s8 =	sld [smem:$0x3FB2]  }
0x2e: {  	s3 =	simm.s32 @!p0 $0x1082;
	s9 =	sld [smem:$0x3FB3]  }
0x2f: {  	lr =	sadd.s32 s0, s3;
	s0 =	sld [smem:$0x3FAA]  }
0x30: {  	s3 =	sld [smem:$0x3FAD]  }
0x31: {  	[smem:$0x3FB6] =	sst s10  }
0x32: {  	s10 =	sld [smem:$0x3FB4];
	_ =	sdelay $0x3  }
0x33: {  	p0 =	seq.s32 s10, $0x1;
	s10 =	sld [smem:$0x3FB6];
	_ =	sdelay $0x3  }
0x34: {  	[smem:$0x3FB6] =	sst s10  }
0x35: {  	s10 =	sld [smem:$0x3FB5];
	_ =	sdelay $0x3  }
0x36: {  	p1 =	seq.s32 s10, $0x1;
	s10 =	sld [smem:$0x3FB6];
	_ =	sdelay $0x3  }
0x37: {  	[smem:$0x3FB6] =	sst s10  }
0x38: {  	s10 =	sld [smem:$0x3FB7]  }
0x39: {  	_ = 	snop;
	(pc) =	sbr.ind lr, $3  }
0x3a: {  	_ = 	snop  }
0x3b: {  	_ = 	snop  }
0x3c: {  	p2 =	seq.s32 s10, $0x1;
	s10 =	sld [smem:$0x3FB6]  }
0x3d: {  	_ =	shalt  }
0x3e: {  	_ =	shalt  }
0x3f: {  	_ =	shalt  }
0x40: {  	_ =	shalt  }
0x41: {  	_ =	shalt  }
0x42: {  	_ =	shalt  }
0x43: {  	_ =	shalt  }
0x44: {  	_ =	shalt  }
0x45: {  	_ =	shalt  }
0x46: {  	_ =	shalt  }
0x47: {  	_ =	shalt  }
0x48: {  	_ =	shalt  }
0x49: {  	_ =	shalt  }
0x4a: {  	_ =	shalt  }
0x4b: {  	_ =	shalt  }
0x4c: {  	_ =	shalt  }
0x4d: {  	_ =	shalt  }
0x4e: {  	_ =	shalt  }
0x4f: {  	_ =	shalt  }
0x50: {  	_ =	shalt  }
0x51: {  	_ =	shalt  }
0x52: {  	_ =	shalt  }
0x53: {  	_ =	shalt  }
0x54: {  	_ =	shalt  }
0x55: {  	_ =	shalt  }
0x56: {  	_ =	shalt  }
0x57: {  	_ =	shalt  }
0x58: {  	_ =	shalt  }
0x59: {  	_ =	shalt  }
0x5a: {  	_ =	shalt  }
0x5b: {  	_ =	shalt  }
0x5c: {  	_ =	shalt  }
0x5d: {  	_ =	shalt  }
0x5e: {  	_ =	shalt  }
0x5f: {  	_ =	shalt  }
0x60: {  	_ =	shalt  }
0x61: {  	_ =	shalt  }
0x62: {  	_ =	shalt  }
0x63: {  	_ =	shalt  }
0x64: {  	_ =	shalt  }
0x65: {  	_ =	shalt  }
0x66: {  	_ =	shalt  }
0x67: {  	_ =	shalt  }
0x68: {  	_ =	shalt  }
0x69: {  	_ =	shalt  }
0x6a: {  	_ =	shalt  }
0x6b: {  	_ =	shalt  }
0x6c: {  	_ =	shalt  }
0x6d: {  	_ =	shalt  }
0x6e: {  	_ =	shalt  }
0x6f: {  	_ =	shalt  }
0x70: {  	_ =	shalt  }
0x71: {  	_ =	shalt  }
0x72: {  	_ =	shalt  }
0x73: {  	_ =	shalt  }
0x74: {  	_ =	shalt  }
0x75: {  	_ =	shalt  }
0x76: {  	_ =	shalt  }
0x77: {  	_ =	shalt  }
0x78: {  	_ =	shalt  }
0x79: {  	_ =	shalt  }
0x7a: {  	_ =	shalt  }
0x7b: {  	_ =	shalt  }
0x7c: {  	_ =	shalt  }
0x7d: {  	_ =	shalt  }
0x7e: {  	_ =	shalt  }
0x7f: {  	_ =	shalt  }
0x80: {  	_ =	shalt  }
0x81: {  	_ =	shalt  }
0x82: {  	_ =	shalt  }
0x83: {  	_ =	shalt  }
0x84: {  	_ =	shalt  }
0x85: {  	_ =	shalt  }
0x86: {  	_ =	shalt  }
0x87: {  	_ =	shalt  }
.Lfunc_end0:
.L_simem_size_0:
called_computation_lowered:
.L_overlay_start_0:
0x88: {  	s2 =	sld [smem:$0x3FD9]  }
0x89: {  	s3 =	sld [smem:$0x3FFE];
	_ =	sdelay $0x1  }
0x8a: {  	s1 =	srdreg.scid  }
0x8b: {  	s0 =	sand.u32 $0x1, s1  }
0x8c: {  	s17 =	sshll.u32 s0, $0xA;
	s2 =	sadd.s32 s3, s2  }
0x8d: {  	s2 =	sadd.s32 s2, s17  }
0x8e: {  	[smem:$0x3FC2] =	sst s2  }
0x8f: {  	_ = 	snop  }
0x90: {  	s2 =	sld [smem:$0x3FC9]  }
0x91: {  	s18 =	sld [smem:$0x3FC8]  }
0x92: {  	s4 =	sld [smem:$0x3FC7];
	(tm) =	ssettm $0x1  }
0x93: {  	s5 =	sld [smem:$0x3FFB];
	_ =	sdelay $0x3  }
0x94: {  	_ =	strace s5  }
0x95: {  	s5 =	sld [smem:$0x3FFC];
	_ =	sdelay $0x3  }
0x96: {  	_ =	strace s5  }
0x97: {  	s5 =	sld [smem:$0x3FFD];
	_ =	sdelay $0x3  }
0x98: {  	_ =	strace s5  }
0x99: {  	_ =	strace $0x8FFFFFFF  }
0x9a: {  	s19 =	sld [smem:$0x3FDB];
	_ =	sdelay $0x1  }
0x9b: {  	s6 =	simm.s32 $_scs_section_size  }
0x9c: {  	s7 =	simm.s32 $_size__tile_overlayer_lowered;
	s8 =	simm.s32 $_tile_overlayer_lowered  }
0x9d: {  	s22 =	simm.s32 $0x1BFF;
	s21 =	sshll.u32 s8, $0x1;
	s5 =	sadd.s32 s6, s19  }
0x9e: {  	s9 =	simm.s32 $0x0;
	s20 =	sshll.u32 s7, $0x1;
	s7 =	sadd.s32 s21, s5  }
0x9f: {  	[timem:s9], [sflag:s22] =	dma.local [hbm:s7], s20  }
0xa0: {  	_ =	swait.ge [sflag:s22], s20  }
0xa1: {  	s6 =	ssub.s32 $0x0, s20;
	[sflag:s22] =	ssyncset.done $0x0  }
0xa2: {  	[sflag:s22] =	ssyncadd.s32 s6;
	_ =	sdelay $0x1  }
0xa3: {  	s23 =	simm.s32 $0x1B8B  }
0xa4: {  	_ =	swait.ge [sflag:s23], $0x1  }
0xa5: {  	[sflag:s23] =	ssyncset.done $0x0  }
0xa6: {  	s25 =	simm.s32 $0x1B8E;
	s24 =	sld [smem:$0x3FFE];
	[sflag:s23] =	ssyncadd.s32 $0xFFFFFFFF  }
0xa7: {  	s26 =	simm.s32 $execute0_lowered;
	[smem:$0x3FD2] =	sst s25  }
0xa8: {  	s7 =	sshll.u32 s26, $0x1;
	_ =	strace $0x80000046;
	[dreg:$0x1] =	wrdreg $0xFFFFFFFF  }
0xa9: {  	s28 =	simm.s32 $_size_execute0_lowered;
	s5 =	sadd.s32 s5, s7;
	[dreg:$0x0] =	wrdreg $0x0  }
0xaa: {  	s7 =	sshll.u32 s28, $0x1;
	[dreg:$0x2] =	wrdreg s5  }
0xab: {  	[dreg:$0x3] =	wrdreg s7  }
0xac: {  	[dreg:$0x4] =	wrdreg $0xC0  }
0xad: {  	_ =	task [dreg:s9], $0x5FFFF  }
0xae: {  	[dreg:$0x1] =	wrdreg $0xFFFFFFFF  }
0xaf: {  	[dreg:$0x0] =	wrdreg $0x60  }
0xb0: {  	[dreg:$0x2] =	wrdreg s2  }
0xb1: {  	[dreg:$0x3] =	wrdreg s18  }
0xb2: {  	[dreg:$0x4] =	wrdreg s4  }
0xb3: {  	[dreg:$0x5] =	wrdreg s24  }
0xb4: {  	[dreg:$0x6] =	wrdreg $0x7A800  }
0xb5: {  	[dreg:$0x7] =	wrdreg $0x9  }
0xb6: {  	_ =	task.clear_ibuf [dreg:s9], $0x8FFFF;
	_ =	strace $0x90000046  }
0xb7: {  	s29 =	simm.s32 $0x9;
	_ =	strace $0x80000048  }
0xb8: {  	_ =	swait.ge [sflag:s29], $0x1  }
0xb9: {  	[sflag:s29] =	ssyncadd.s32 $0xFFFFFFFF  }
0xba: {  	_ =	strace $0x90000048  }
0xbb: {  	_ =	sfence  }
0xbc: {  	s30 =	sld [smem:$0x0];
	_ =	sdelay $0x2  }
0xbd: {  	s31 =	sshll.u32 s1, $0xD;
	s1 =	sshrl.u32 s1, $0x2  }
0xbe: {  	s3 =	sand.u32 $0x4000, s31;
	s1 =	sadd.s32 s1, s30  }
0xbf: {  	s0 =	sor.u32 s3, s0;
	s1 =	sshll.u32 s1, $0x11  }
0xc0: {  	s0 =	sor.u32 s1, s0  }
0xc1: {  	s0 =	sadd.s32 $0x8F2B, s0  }
0xc2: {  	[sflag:s0] =	ssyncadd.remote.s32 $0x1  }
0xc3: {  	_ =	sfence.sel $0xFFFF  }
0xc4: {  	[dreg:$0x0] =	wrdreg $0xFFFFFFFF;
	(pc) =	sbr.abs _section_cstart, $3  }
0xc5: {  	[dreg:$0x1] =	wrdreg $0xFFFFFFFF  }
0xc6: {  	_ =	task.clear_ibuf [dreg:s9], $0x2FFFF;
	_ =	strace $0x9FFFFFFF  }
0xc7: {  	(tm) =	ssettm $0x7FFFFFFF  }
tec
execute0_lowered:
.L_overlay_start_1:
0x0: {  	(tag) =	ssettag $0x1  }
0x1: {  	s1 =	rddreg [dreg:$0x0]  }
0x2: {  	s2 =	rddreg [dreg:$0x1]  }
0x3: {  	s0 =	rddreg [dreg:$0x3]  }
0x4: {  	s5 =	rddreg [dreg:$0x4]  }
0x5: {  	s6 =	simm.s32 $0x0;
	s10 =	stileid.u32;
	s3 =	srdreg.scid  }
0x6: {  	s20 =	simm.s32 $0xA;
	s28 =	simm.s32 $0x4;
	s29 =	simm.s32 $0x50  }
0x7: {  	s30 =	simm.s32 $0x2;
	s31 =	simm.s32 $0x5;
	s19 =	simm.s32 $0x6  }
0x8: {  	[smem:$0x7FF] =	sst s6;
	s3 =	sand.u32 $0x1, s3;
	s4 =	sshll.u32 s10, $0x1  }
0x9: {  	s7 =	sshll.u32 s10, $0xA;
	s10 =	sshll.u32 s10, $0xD;
	_ =	strace $0x80000047  }
0xa: {  	s4 =	sor.u32 s3, s4;
	s0 =	sadd.s32 s7, s0;
	s21 =	ssub.s32 $0x2, s3  }
0xb: {  	s7 =	sadd.s32 s10, s5;
	s3 =	sshll.u32 s3, $0xE;
	s8 =	smul.u32 $0x1900, s4  }
0xc: {  	s9 =	sshrl.u32 s21, $0x1;
	s4 =	smul.u32 $0x19000, s4;
	s0 =	sadd.s32 s3, s0  }
0xd: {  	s3 =	simm.s32 $0x3;
	s9 =	ssub.s32 s21, s9;
	s0 =	sadd.s32 $0xA00, s0  }
0xe: {  	s21 =	simm.s32 $0x7800;
	s22 =	sshrl.u32 s8, $0x3;
	s4 =	sadd.s32 s1, s4  }
0xf: {  	s24 =	sor.u32 $0x50, s8;
	s10 =	sor.u32 $0xA0, s8;
	s15 =	sor.u32 $0xF0, s8  }
0x10: {  	s16 =	sadd.s32 $0x140, s8;
	[dreg:$0xc] =	wrdreg s0;
	s18 =	smax.u32 s9, $0x1  }
0x11: {  	s0 =	simm.s32 $0x7;
	s8 =	simm.s32 $0x9;
	s9 =	simm.s32 $0x0  }
0x12: {  	[dreg:$0x6] =	wrdreg s4;
	s23 =	sadd.s32 s2, s22;
	s11 =	sshll.u32 s24, $0x4  }
0x13: {  	s4 =	sshrl.u32 s24, $0x3;
	s25 =	sshll.u32 s10, $0x4;
	s26 =	sshrl.u32 s10, $0x3  }
0x14: {  	s22 =	simm.s32 $0x2800;
	[dreg:$0x7] =	wrdreg s23;
	s11 =	sadd.s32 s1, s11  }
0x15: {  	s24 =	simm.s32 $0x5000;
	s4 =	sadd.s32 s2, s4;
	[dreg:$0x8] =	wrdreg s11  }
0x16: {  	s23 =	simm.s32 $0x7880;
	[dreg:$0x9] =	wrdreg s4;
	s4 =	sadd.s32 s1, s25  }
0x17: {  	s25 =	simm.s32 $0x7900;
	[dreg:$0xa] =	wrdreg s4;
	s4 =	sadd.s32 s2, s26  }
0x18: {  	v0 =	vimm.f32 $0.0e+00;
	s26 =	simm.s32 $0x1;
	[dreg:$0xb] =	wrdreg s4;
	s4 =	simm.s32 $0x8  }
.LBB2_1:
0x19: {  	s11 =	rddreg [dreg:$0x2];
	s12 =	simm.s32 $0x7980  }
0x1a: {  	[tilespmem:s12], [sflag:$0xA] =	stream.linear.gather [hbm4b:s11+s6], $0x100, $0x38;
	[tilespmem:$0x9A80] =	vst v63  }
0x1b: {  	_ =	swait.ge [sflag:s20], $0x100  }
0x1c: {  	[sflag:s20] =	ssyncset.done $0x0  }
0x1d: {  	s11 =	simm.s32 $0x0;
	s12 =	simm.s32 $0x200;
	[sflag:s20] =	ssyncadd.s32 $0xFFFFFF00  }
.LBB2_2:
0x1e: {  	p0 =	sne.s32 s12, $0x7E00;
	[tilespmem:s11+$0x70] =	vst v0  }
0x1f: {  	[tilespmem:s11+$0x0] =	vst v0  }
0x20: {  	[tilespmem:s11+$0x10] =	vst v0  }
.Ltmp0:
0x21: {  	[tilespmem:s11+$0x20] =	vst v0;
	(pc) =	sbr.rel @p0 .LBB2_2-.Ltmp0, $4  }
0x22: {  	[tilespmem:s11+$0x30] =	vst v0  }
0x23: {  	[tilespmem:s11+$0x40] =	vst v0  }
0x24: {  	[tilespmem:s11+$0x50] =	vst v0  }
0x25: {  	[tilespmem:s11+$0x60] =	vst v0;
	s11 =	sshra.s32 s12, $0x2;
	s12 =	sadd.s32 $0x200, s12  }
0x26: {  	[tilespmem:s11+$0x70] =	vst v0  }
0x27: {  	[tilespmem:s11+$0x0] =	vst v0  }
0x28: {  	[tilespmem:s11+$0x10] =	vst v0  }
0x29: {  	[tilespmem:s11+$0x20] =	vst v0  }
0x2a: {  	[tilespmem:s11+$0x30] =	vst v0  }
0x2b: {  	[tilespmem:s11+$0x40] =	vst v0  }
0x2c: {  	[tilespmem:s11+$0x50] =	vst v0  }
0x2d: {  	[tilespmem:s11+$0x60] =	vst v0;
	s11 =	simm.s32 $0x0  }
0x2e: {  	[spmem:s7] =	stream.linear.scatter [tilespmem:s11], [sflag:$0xA], $0x2000, $0x38;
	[tilespmem:$0x9A80] =	vst v63  }
0x2f: {  	_ =	swait.ge [sflag:s20], $0x2000  }
0x30: {  	[sflag:s20] =	ssyncset.done $0x0  }
0x31: {  	[sflag:s20] =	ssyncadd.s32 $0xFFFFE000  }
0x32: {  	[bflag:$0x0] =	sbarrier.arrive $0xFFFF  }
0x33: {  	v2 =	vld [tilespmem:$0x7980]  }
0x34: {  	v3 =	vld [tilespmem:$0x7990]  }
0x35: {  	v4 =	vld [tilespmem:$0x79A0]  }
0x36: {  	v5 =	vld [tilespmem:$0x79B0]  }
0x37: {  	v6 =	vld [tilespmem:$0x79C0]  }
0x38: {  	v7 =	vld [tilespmem:$0x79D0]  }
0x39: {  	v8 =	vld [tilespmem:$0x79E0]  }
0x3a: {  	v9 =	vld [tilespmem:$0x79F0];
	s12 =	rddreg [dreg:$0x6]  }
0x3b: {  	v1 =	vld [tilespmem:$0x7A00];
	[tilespmem:s11], [sflag:$0x1] =	stream.linear.gather [hbm4b:s12+s11], $0x2800, $0x38  }
0x3c: {  	s14 =	rddreg [dreg:$0x7]  }
0x3d: {  	[tilespmem:s21], [sflag:$0x4] =	stream.linear.gather [hbm4b:s14+s11], $0x50, $0x38;
	[tilespmem:$0x9A80] =	vst v63  }
0x3e: {  	s17 =	rddreg [dreg:$0x8]  }
0x3f: {  	[tilespmem:s22], [sflag:$0x2] =	stream.linear.gather [hbm4b:s17+s11], $0x2800, $0x38;
	[tilespmem:$0x9A80] =	vst v63  }
0x40: {  	s13 =	rddreg [dreg:$0x9]  }
0x41: {  	[tilespmem:s23], [sflag:$0x5] =	stream.linear.gather [hbm4b:s13+s11], $0x50, $0x38;
	[tilespmem:$0x9A80] =	vst v63  }
0x42: {  	s14 =	rddreg [dreg:$0xa]  }
0x43: {  	[tilespmem:s24], [sflag:$0x3] =	stream.linear.gather [hbm4b:s14+s11], $0x2800, $0x38;
	[tilespmem:$0x9A80] =	vst v63  }
0x44: {  	s17 =	rddreg [dreg:$0xb]  }
0x45: {  	[tilespmem:s25], [sflag:$0x6] =	stream.linear.gather [hbm4b:s17+s11], $0x50, $0x38;
	[tilespmem:$0x9A80] =	vst v63  }
.LBB2_4:
0x46: {  	_ =	swait.ge [sflag:s26], $0x2800  }
0x47: {  	[sflag:s26] =	ssyncset.done $0x0  }
0x48: {  	[sflag:s26] =	ssyncadd.s32 $0xFFFFD800  }
0x49: {  	_ =	swait.ge [sflag:s28], $0x50  }
0x4a: {  	[sflag:s28] =	ssyncset.done $0x0  }
0x4b: {  	s12 =	simm.s32 $0x0;
	[sflag:s28] =	ssyncadd.s32 $0xFFFFFFB0  }
0x4c: {  	v12 =	vld [tilespmem:s12+$0x100]  }
0x4d: {  	v15 =	vld [tilespmem:s12+$0x110];
	_ =	sdelay $0x1  }
0x4e: {  	v27 =	vld [tilespmem:s12+$0x120];
	_ =	sdelay $0x1  }
0x4f: {  	v18 =	vld [tilespmem:s12+$0x130]  }
0x50: {  	v10 =	vmul.f32 v12, v2;
	v11 =	vmul.f32 v15, v3  }
0x51: {  	v28 =	vld [tilespmem:s12+$0x140]  }
0x52: {  	v16 =	vld [tilespmem:s12+$0x150];
	v10 =	vadd.f32 v11, v10;
	v11 =	vmul.f32 v27, v4  }
0x53: {  	v19 =	vld [tilespmem:s12+$0x160]  }
0x54: {  	v13 =	vld [tilespmem:s12+$0x90];
	v10 =	vadd.f32 v11, v10;
	v11 =	vmul.f32 v18, v5  }
0x55: {  	v17 =	vld [tilespmem:s12+$0x80]  }
0x56: {  	v39 =	vld [tilespmem:s12+$0x170];
	v10 =	vadd.f32 v11, v10;
	v11 =	vmul.f32 v28, v6  }
0x57: {  	v22 =	vld [tilespmem:s12+$0xA0]  }
0x58: {  	v14 =	vmul.f32 v16, v7;
	v11 =	vadd.f32 v11, v10  }
0x59: {  	v24 =	vld [tilespmem:s12+$0xB0];
	v20 =	vmul.f32 v19, v8  }
0x5a: {  	v25 =	vld [tilespmem:s12+$0xC0];
	v21 =	vmul.f32 v17, v2;
	v23 =	vmul.f32 v13, v3;
	v14 =	vadd.f32 v14, v11  }
0x5b: {  	v36 =	vld [tilespmem:s12+$0xD0];
	v26 =	vmul.f32 v39, v9  }
0x5c: {  	v21 =	vadd.f32 v23, v21;
	v23 =	vmul.f32 v22, v4;
	v10 =	vld [tilespmem:s12+$0x190];
	v14 =	vadd.f32 v20, v14  }
0x5d: {  	v11 =	vld [tilespmem:s12+$0x180]  }
0x5e: {  	v31 =	vld [tilespmem:s12+$0xE0];
	v21 =	vadd.f32 v23, v21;
	v23 =	vmul.f32 v24, v5;
	v29 =	vadd.f32 v26, v14  }
0x5f: {  	v20 =	vld [tilespmem:s12+$0x1A0]  }
0x60: {  	v41 =	vld [tilespmem:s12+$0xF0];
	v51 =	vmul.f32 v25, v6;
	v21 =	vadd.f32 v23, v21;
	(xrf2) =	vadd.scan.msk.f32 $0xffff, v29  }
0x61: {  	v52 =	vmul.f32 v36, v7;
	v14 =	vld [tilespmem:s12+$0x1B0]  }
0x62: {  	v21 =	vadd.f32 v51, v21;
	v30 =	vmul.f32 v10, v3;
	v32 =	vmul.f32 v11, v2  }
0x63: {  	v53 =	vmul.f32 v31, v8;
	v26 =	vld [tilespmem:s12+$0x1C0]  }
0x64: {  	v33 =	vmul.f32 v20, v4;
	v30 =	vadd.f32 v30, v32;
	v32 =	vadd.f32 v52, v21  }
0x65: {  	v54 =	vmul.f32 v41, v9;
	v29 =	vld [tilespmem:s12+$0x1D0]  }
0x66: {  	v23 =	vmul.f32 v14, v5;
	v33 =	vadd.f32 v33, v30;
	v32 =	vadd.f32 v53, v32  }
0x67: {  	v30 =	vld [tilespmem:s12+$0x1E0]  }
0x68: {  	v35 =	vld [tilespmem:s12+$0x1F0];
	v34 =	vmul.f32 v26, v6;
	v23 =	vadd.f32 v23, v33;
	v32 =	vadd.f32 v54, v32  }
0x69: {  	v21 =	vld [tilespmem:s12+$0x0]  }
0x6a: {  	v37 =	vmul.f32 v29, v7;
	v34 =	vadd.f32 v34, v23;
	v23 =	vld [tilespmem:s12+$0x10];
	v55, _, _ =	vpop (xrf2);
	(xrf2) =	vadd.scan.msk.f32 $0xffff, v32;
	_ =	sdelay $0x1  }
0x6b: {  	v38 =	vmul.f32 v30, v8;
	v37 =	vadd.f32 v37, v34;
	v34 =	vld [tilespmem:s12+$0x20];
	v33 =	vbroadcast v55, $0xF;
	_ =	sdelay $0x1  }
0x6c: {  	v40 =	vmul.f32 v35, v9;
	v32 =	vld [tilespmem:s12+$0x30];
	v37 =	vadd.f32 v38, v37;
	v56 =	vadd.f32 v33, v1  }
0x6d: {  	v57 =	vmul.f32 v21, v2;
	v42 =	vmul.f32 v23, v3  }
0x6e: {  	v37 =	vadd.f32 v40, v37;
	v33 =	vld [tilespmem:s12+$0x40];
	v38 =	vmul.f32 $1.442695020e+00, v56  }
0x6f: {  	v40 =	vadd.f32 v42, v57;
	v58 =	vmul.f32 v34, v4  }
0x70: {  	(xrf2) =	vadd.scan.msk.f32 $0xffff, v37;
	v37 =	vld [tilespmem:s12+$0x50];
	(erf) = vpow2.f32 v38  }
0x71: {  	v43 =	vmul.f32 v32, v5;
	v40 =	vadd.f32 v58, v40  }
0x72: {  	v38 =	vld [tilespmem:s12+$0x60];
	v45, _, _ =	vpop (xrf2)  }
0x73: {  	v59 =	vmul.f32 v33, v6;
	v43 =	vadd.f32 v43, v40;
	v60 =	vbroadcast v45, $0xF  }
0x74: {  	v40 =	vld [tilespmem:s12+$0x70]  }
0x75: {  	v44 =	vmul.f32 v37, v7;
	v42 =	vadd.f32 v59, v43;
	v43 =	vadd.f32 v60, v1;
	_ =	sdelay $0x1  }
0x76: {  	v61 =	vmul.f32 v38, v8;
	v42 =	vadd.f32 v44, v42;
	v43 =	vmul.f32 $1.442695020e+00, v43;
	_ =	sdelay $0x1  }
0x77: {  	v46 =	vmul.f32 v40, v9;
	v42 =	vadd.f32 v61, v42;
	v63 =	vpop (erf);
	(erf) = vpow2.f32 v43  }
0x78: {  	v62, _, _ =	vpop (xrf2);
	v45 =	vadd.f32 $1.000000000e+00, v63  }
0x79: {  	v44 =	vbroadcast v62, $0xF;
	v42 =	vadd.f32 v46, v42  }
0x7a: {  	(erf) = vrcp.f32 v45  }
0x7b: {  	v44 =	vadd.f32 v44, v1;
	(xrf2) =	vadd.scan.msk.f32 $0xffff, v42;
	_ =	sdelay $0x1  }
0x7c: {  	s13 =	simm.s32 $0x800;
	v42 =	vmul.f32 $1.442695020e+00, v44  }
.LBB2_5:
0x7d: {  	p0 =	sne.s32 s13, $0x9800;
	s14 =	smov.u32 s13;
	s13 =	sadd.s32 $0x800, s13  }
0x7e: {  	(erf) = vpow2.f32 v42  }
0x7f: {  	v42 =	vpop (erf)  }
0x80: {  	v43 =	vadd.f32 $1.000000000e+00, v42  }
0x81: {  	s14 =	sshra.s32 s14, $0x2  }
0x82: {  	(erf) = vrcp.f32 v43;
	v42 =	vpop (erf)  }
0x83: {  	v27 =	vmul.f32 v42, v27;
	v18 =	vmul.f32 v42, v18  }
0x84: {  	v15 =	vmul.f32 v42, v15;
	v39 =	vmul.f32 v42, v39;
	v43, _, _ =	vpop (xrf2)  }
0x85: {  	v12 =	vmul.f32 v42, v12;
	v43 =	vbroadcast v43, $0xF;
	[tilespmem:s12+$0x130] =	vst v18  }
0x86: {  	v16 =	vmul.f32 v42, v16;
	[tilespmem:s12+$0x120] =	vst v27;
	v27 =	vmul.f32 v42, v28  }
0x87: {  	v19 =	vmul.f32 v42, v19;
	v18 =	vld [tilespmem:s14+$0x130];
	v28 =	vadd.f32 v43, v1;
	[tilespmem:s12+$0x100] =	vst v12;
	v42 =	vpop (erf)  }
0x88: {  	v12 =	vld [tilespmem:s14+$0x100];
	[tilespmem:s12+$0x110] =	vst v15;
	v43 =	vadd.f32 $1.000000000e+00, v42  }
0x89: {  	v15 =	vld [tilespmem:s14+$0x110];
	v28 =	vmul.f32 $1.442695020e+00, v28;
	[tilespmem:s12+$0x150] =	vst v16  }
0x8a: {  	v16 =	vld [tilespmem:s14+$0x150];
	[tilespmem:s12+$0x140] =	vst v27;
	(erf) = vrcp.f32 v43  }
0x8b: {  	v27 =	vld [tilespmem:s14+$0x120];
	[tilespmem:s12+$0x160] =	vst v19;
	(erf) = vpow2.f32 v28;
	v42 =	vpop (erf)  }
0x8c: {  	v19 =	vld [tilespmem:s14+$0x160];
	v17 =	vmul.f32 v42, v17;
	v13 =	vmul.f32 v42, v13;
	[tilespmem:s12+$0x170] =	vst v39  }
0x8d: {  	v22 =	vmul.f32 v42, v22;
	v24 =	vmul.f32 v42, v24  }
0x8e: {  	v39 =	vmul.f32 v12, v2;
	v43 =	vmul.f32 v15, v3;
	[tilespmem:s12+$0x90] =	vst v13  }
0x8f: {  	v25 =	vmul.f32 v42, v25;
	v36 =	vmul.f32 v42, v36;
	v28 =	vld [tilespmem:s14+$0x140];
	[tilespmem:s12+$0x80] =	vst v17  }
0x90: {  	v31 =	vmul.f32 v42, v31;
	v13 =	vld [tilespmem:s14+$0x90];
	v39 =	vadd.f32 v43, v39;
	v45 =	vmul.f32 v27, v4;
	[tilespmem:s12+$0xB0] =	vst v24  }
0x91: {  	v44 =	vmul.f32 v16, v7;
	v17 =	vld [tilespmem:s14+$0x80];
	[tilespmem:s12+$0xD0] =	vst v36;
	v36 =	vmul.f32 v42, v41  }
0x92: {  	v24 =	vld [tilespmem:s14+$0xB0];
	v41 =	vadd.f32 v45, v39;
	v45 =	vmul.f32 v18, v5;
	[tilespmem:s12+$0xA0] =	vst v22  }
0x93: {  	v22 =	vld [tilespmem:s14+$0xA0];
	[tilespmem:s12+$0xF0] =	vst v36;
	v43 =	vpop (erf)  }
0x94: {  	v39 =	vld [tilespmem:s14+$0x170];
	v36 =	vadd.f32 v45, v41;
	v41 =	vmul.f32 v28, v6;
	[tilespmem:s12+$0xC0] =	vst v25;
	v26 =	vmul.f32 v43, v26;
	v42 =	vpop (erf)  }
0x95: {  	v10 =	vmul.f32 v43, v10;
	v20 =	vmul.f32 v43, v20;
	v25 =	vld [tilespmem:s14+$0xC0];
	v42 =	vadd.f32 $1.000000000e+00, v42;
	[tilespmem:s12+$0xE0] =	vst v31  }
0x96: {  	v11 =	vmul.f32 v43, v11;
	v31 =	vld [tilespmem:s14+$0xE0];
	v45 =	vmul.f32 v17, v2;
	v41 =	vadd.f32 v41, v36;
	[tilespmem:s12+$0x1C0] =	vst v26  }
0x97: {  	v26 =	vmul.f32 v13, v3;
	v36 =	vld [tilespmem:s14+$0xD0];
	[tilespmem:s12+$0x190] =	vst v10;
	(erf) = vrcp.f32 v42  }
0x98: {  	v14 =	vmul.f32 v43, v14;
	v42 =	vmul.f32 v19, v8;
	v41 =	vadd.f32 v44, v41;
	v10 =	vld [tilespmem:s14+$0x190];
	[tilespmem:s12+$0x180] =	vst v11  }
0x99: {  	v29 =	vmul.f32 v43, v29;
	v44 =	vadd.f32 v26, v45;
	v45 =	vmul.f32 v22, v4;
	v26 =	vld [tilespmem:s14+$0x1C0]  }
0x9a: {  	v30 =	vmul.f32 v43, v30;
	v41 =	vadd.f32 v42, v41;
	v42 =	vmul.f32 v39, v9;
	v11 =	vld [tilespmem:s14+$0x180];
	[tilespmem:s12+$0x1A0] =	vst v20  }
0x9b: {  	v35 =	vmul.f32 v43, v35;
	v44 =	vadd.f32 v45, v44;
	v45 =	vmul.f32 v24, v5;
	v20 =	vld [tilespmem:s14+$0x1A0];
	[tilespmem:s12+$0x1B0] =	vst v14  }
0x9c: {  	v43 =	vmul.f32 v25, v6;
	v42 =	vadd.f32 v42, v41;
	v14 =	vld [tilespmem:s14+$0x1B0];
	[tilespmem:s12+$0x1D0] =	vst v29  }
0x9d: {  	v29 =	vadd.f32 v45, v44;
	v41 =	vld [tilespmem:s14+$0xF0];
	[tilespmem:s12+$0x1E0] =	vst v30  }
0x9e: {  	v44 =	vmul.f32 v31, v8;
	v45 =	vmul.f32 v10, v3;
	(xrf2) =	vadd.scan.msk.f32 $0xffff, v42;
	[tilespmem:s12+$0x1F0] =	vst v35  }
0x9f: {  	v42 =	vmul.f32 v26, v6;
	v35 =	vmul.f32 v11, v2  }
0xa0: {  	v46 =	vmul.f32 v36, v7;
	v43 =	vadd.f32 v43, v29;
	v29 =	vld [tilespmem:s14+$0x1D0];
	v47 =	vmul.f32 v20, v4;
	v48 =	vpop (erf)  }
0xa1: {  	v30 =	vld [tilespmem:s14+$0x1E0];
	v45 =	vadd.f32 v45, v35;
	v49 =	vmul.f32 v14, v5;
	v21 =	vmul.f32 v48, v21  }
0xa2: {  	v43 =	vadd.f32 v46, v43;
	v23 =	vmul.f32 v48, v23;
	v32 =	vmul.f32 v48, v32  }
0xa3: {  	v34 =	vmul.f32 v48, v34;
	v33 =	vmul.f32 v48, v33;
	v35 =	vld [tilespmem:s14+$0x1F0];
	v45 =	vadd.f32 v47, v45;
	[tilespmem:s12+$0x0] =	vst v21  }
0xa4: {  	v37 =	vmul.f32 v48, v37;
	v43 =	vadd.f32 v44, v43;
	v44 =	vmul.f32 v41, v9;
	v21 =	vld [tilespmem:s14+$0x0];
	[tilespmem:s12+$0x10] =	vst v23  }
0xa5: {  	v38 =	vmul.f32 v48, v38;
	v40 =	vmul.f32 v48, v40;
	v23 =	vld [tilespmem:s14+$0x10];
	v45 =	vadd.f32 v49, v45;
	[tilespmem:s12+$0x30] =	vst v32  }
0xa6: {  	v46 =	vadd.f32 v44, v43;
	v32 =	vld [tilespmem:s14+$0x30];
	[tilespmem:s12+$0x40] =	vst v33  }
0xa7: {  	v44 =	vmul.f32 v29, v7;
	v33 =	vld [tilespmem:s14+$0x40];
	v42 =	vadd.f32 v42, v45;
	[tilespmem:s12+$0x70] =	vst v40  }
0xa8: {  	v40 =	vmul.f32 v30, v8;
	(xrf2) =	vadd.scan.msk.f32 $0xffff, v46;
	v43, _, _ =	vpop (xrf2);
	[tilespmem:s12+$0x50] =	vst v37  }
0xa9: {  	v37 =	vmul.f32 v21, v2;
	v43 =	vbroadcast v43, $0xF;
	v42 =	vadd.f32 v44, v42;
	[tilespmem:s12+$0x20] =	vst v34  }
0xaa: {  	v45 =	vmul.f32 v35, v9;
	v34 =	vld [tilespmem:s14+$0x20];
	v44 =	vmul.f32 v23, v3;
	[tilespmem:s12+$0x60] =	vst v38;
	s12 =	smov.u32 s14  }
0xab: {  	v46 =	vmul.f32 v32, v5;
	v38 =	vadd.f32 v43, v1;
	v40 =	vadd.f32 v40, v42  }
0xac: {  	v42 =	vadd.f32 v44, v37  }
0xad: {  	v43 =	vmul.f32 v33, v6;
	v37 =	vld [tilespmem:s12+$0x50];
	v40 =	vadd.f32 v45, v40  }
0xae: {  	v44 =	vmul.f32 $1.442695020e+00, v38  }
0xaf: {  	v38 =	vld [tilespmem:s12+$0x60];
	v47 =	vmul.f32 v34, v4  }
0xb0: {  	(erf) = vpow2.f32 v44;
	(xrf2) =	vadd.scan.msk.f32 $0xffff, v40  }
0xb1: {  	v40 =	vld [tilespmem:s12+$0x70];
	v42 =	vadd.f32 v47, v42  }
0xb2: {  	v44 =	vmul.f32 v37, v7;
	v45, _, _ =	vpop (xrf2)  }
0xb3: {  	v42 =	vadd.f32 v46, v42;
	v45 =	vbroadcast v45, $0xF  }
0xb4: {  	v46 =	vmul.f32 v38, v8  }
0xb5: {  	v42 =	vadd.f32 v43, v42;
	v43 =	vadd.f32 v45, v1  }
0xb6: {  	v45 =	vmul.f32 v40, v9  }
0xb7: {  	v42 =	vadd.f32 v44, v42;
	v47 =	vmul.f32 $1.442695020e+00, v43;
	_ =	sdelay $0x1  }
0xb8: {  	v42 =	vadd.f32 v46, v42;
	(erf) = vpow2.f32 v47;
	v43 =	vpop (erf)  }
0xb9: {  	v43 =	vadd.f32 $1.000000000e+00, v43;
	v44, _, _ =	vpop (xrf2)  }
.Ltmp1:
0xba: {  	v42 =	vadd.f32 v45, v42;
	v44 =	vbroadcast v44, $0xF;
	(pc) =	sbr.rel @p0 .LBB2_5-.Ltmp1, $3  }
0xbb: {  	(erf) = vrcp.f32 v43  }
0xbc: {  	v43 =	vadd.f32 v44, v1;
	(xrf2) =	vadd.scan.msk.f32 $0xffff, v42;
	_ =	sdelay $0x1  }
0xbd: {  	v42 =	vmul.f32 $1.442695020e+00, v43  }
0xbe: {  	_ = 	snop  }
0xbf: {  	(erf) = vpow2.f32 v42;
	_ =	sdelay $0x3  }
0xc0: {  	v61 =	vpop (erf)  }
0xc1: {  	v42 =	vadd.f32 $1.000000000e+00, v61  }
0xc2: {  	v43, _, _ =	vpop (xrf2)  }
0xc3: {  	(erf) = vrcp.f32 v42;
	v43 =	vbroadcast v43, $0xF  }
0xc4: {  	v44 =	vpop (erf)  }
0xc5: {  	v62 =	vadd.f32 v43, v1;
	v63 =	vpop (erf)  }
0xc6: {  	v12 =	vmul.f32 v44, v12;
	v43 =	vadd.f32 $1.000000000e+00, v63  }
0xc7: {  	v18 =	vmul.f32 v44, v18;
	v42 =	vmul.f32 $1.442695020e+00, v62  }
0xc8: {  	[tilespmem:s12+$0x100] =	vst v12;
	v12 =	vmul.f32 v44, v28;
	(erf) = vrcp.f32 v43  }
0xc9: {  	v15 =	vmul.f32 v44, v15;
	(erf) = vpow2.f32 v42  }
0xca: {  	[tilespmem:s12+$0x130] =	vst v18  }
0xcb: {  	v16 =	vmul.f32 v44, v16;
	[tilespmem:s12+$0x110] =	vst v15  }
0xcc: {  	v15 =	vmul.f32 v44, v19;
	[tilespmem:s12+$0x140] =	vst v12;
	v12 =	vpop (erf)  }
0xcd: {  	[tilespmem:s12+$0x150] =	vst v16;
	v16 =	vmul.f32 v44, v39;
	v13 =	vmul.f32 v12, v13  }
0xce: {  	[tilespmem:s12+$0x160] =	vst v15  }
0xcf: {  	[tilespmem:s12+$0x170] =	vst v16;
	v15 =	vmul.f32 v12, v17  }
0xd0: {  	v16 =	vmul.f32 v12, v24;
	[tilespmem:s12+$0x90] =	vst v13  }
0xd1: {  	[tilespmem:s12+$0x80] =	vst v15;
	v15 =	vmul.f32 v12, v36;
	v13 =	vpop (erf)  }
0xd2: {  	v27 =	vmul.f32 v44, v27;
	[tilespmem:s12+$0xB0] =	vst v16;
	v17 =	vpop (erf)  }
0xd3: {  	[tilespmem:s12+$0xD0] =	vst v15;
	v15 =	vmul.f32 v12, v41;
	v16 =	vadd.f32 $1.000000000e+00, v17  }
0xd4: {  	[tilespmem:s12+$0x120] =	vst v27;
	v18 =	vmul.f32 v12, v22  }
0xd5: {  	[tilespmem:s12+$0xF0] =	vst v15;
	v15 =	vmul.f32 v13, v26;
	(erf) = vrcp.f32 v16  }
0xd6: {  	[tilespmem:s12+$0xA0] =	vst v18;
	v10 =	vmul.f32 v13, v10  }
0xd7: {  	v11 =	vmul.f32 v13, v11;
	[tilespmem:s12+$0x1C0] =	vst v15  }
0xd8: {  	v17 =	vmul.f32 v12, v25;
	[tilespmem:s12+$0x190] =	vst v10  }
0xd9: {  	v12 =	vmul.f32 v12, v31;
	[tilespmem:s12+$0x180] =	vst v11  }
0xda: {  	v10 =	vmul.f32 v13, v14;
	v11 =	vmul.f32 v13, v29;
	[tilespmem:s12+$0xC0] =	vst v17  }
0xdb: {  	[tilespmem:s12+$0xE0] =	vst v12;
	v12 =	vmul.f32 v13, v20  }
0xdc: {  	[tilespmem:s12+$0x1B0] =	vst v10  }
0xdd: {  	[tilespmem:s12+$0x1A0] =	vst v12;
	v12 =	vmul.f32 v13, v30  }
0xde: {  	v10 =	vmul.f32 v13, v35;
	[tilespmem:s12+$0x1D0] =	vst v11;
	v11 =	vpop (erf)  }
0xdf: {  	[tilespmem:s12+$0x1E0] =	vst v12;
	v12 =	vmul.f32 v11, v21  }
0xe0: {  	[tilespmem:s12+$0x1F0] =	vst v10;
	v10 =	vmul.f32 v11, v23  }
0xe1: {  	v13 =	vmul.f32 v11, v32;
	[tilespmem:s12+$0x0] =	vst v12  }
0xe2: {  	v12 =	vmul.f32 v11, v33;
	[tilespmem:s12+$0x10] =	vst v10  }
0xe3: {  	[tilespmem:s12+$0x30] =	vst v13;
	v10 =	vmul.f32 v11, v40  }
0xe4: {  	v13 =	vmul.f32 v11, v37;
	[tilespmem:s12+$0x40] =	vst v12  }
0xe5: {  	v12 =	vmul.f32 v11, v34;
	[tilespmem:s12+$0x70] =	vst v10  }
0xe6: {  	v10 =	vmul.f32 v11, v38;
	[tilespmem:s12+$0x50] =	vst v13  }
0xe7: {  	p0 =	seq.s32 s11, $0x0;
	[tilespmem:s12+$0x20] =	vst v12  }
0xe8: {  	s13 =	smul.u32 @!p0 $0xF0, s11;
	[tilespmem:s12+$0x60] =	vst v10;
	s12 =	simm.s32 @!p0 $0x9  }
0xe9: {  	[spmem:s5] =	stream.indirect.scatter.add.f32 [tilespmem:s6], [sflag:$0x7], $0x80, s21, s29, $0xb8;
	[tilespmem:$0x9A80] =	vst v63  }
0xea: {  	_ =	swait.ge @!p0 [sflag:s12], $0x2800  }
0xeb: {  	s13 =	sadd.s32 @!p0 s13, s10;
	[sflag:s12] =	ssyncset.done @!p0 $0x0  }
0xec: {  	[sflag:s12] =	ssyncadd.s32 @!p0 $0xFFFFD800;
	s12 =	sshll.u32 @!p0 s13, $0x4  }
0xed: {  	s14 =	simm.s32 @!p0 $0x0;
	s17 =	simm.s32 @!p0 $0x5000;
	s12 =	sadd.s32 @!p0 s1, s12  }
0xee: {  	[tilespmem:s17], [sflag:$0x3] =	stream.linear.gather @!p0 [hbm4b:s12+s14], $0x2800, $0x38;
	[tilespmem:$0x9A80] =	vst v63  }
0xef: {  	s12 =	sshrl.u32 @!p0 s13, $0x3  }
0xf0: {  	s13 =	simm.s32 @!p0 $0x7900;
	s12 =	sadd.s32 @!p0 s2, s12  }
0xf1: {  	[tilespmem:s13], [sflag:$0x6] =	stream.linear.gather @!p0 [hbm4b:s12+s14], $0x50, $0x38;
	[tilespmem:$0x9A80] =	vst v63  }
0xf2: {  	_ =	swait.ge [sflag:s30], $0x2800  }
0xf3: {  	[sflag:s30] =	ssyncset.done $0x0  }
0xf4: {  	[sflag:s30] =	ssyncadd.s32 $0xFFFFD800  }
0xf5: {  	_ =	swait.ge [sflag:s31], $0x50  }
0xf6: {  	[sflag:s31] =	ssyncset.done $0x0  }
0xf7: {  	s12 =	simm.s32 $0x0;
	[sflag:s31] =	ssyncadd.s32 $0xFFFFFFB0  }
0xf8: {  	v12 =	vld [tilespmem:s12+$0x2900]  }
0xf9: {  	v15 =	vld [tilespmem:s12+$0x2910];
	_ =	sdelay $0x1  }
0xfa: {  	v27 =	vld [tilespmem:s12+$0x2920];
	_ =	sdelay $0x1  }
0xfb: {  	v18 =	vld [tilespmem:s12+$0x2930]  }
0xfc: {  	v10 =	vmul.f32 v12, v2;
	v11 =	vmul.f32 v15, v3  }
0xfd: {  	v28 =	vld [tilespmem:s12+$0x2940]  }
0xfe: {  	v16 =	vld [tilespmem:s12+$0x2950];
	v10 =	vadd.f32 v11, v10;
	v11 =	vmul.f32 v27, v4  }
0xff: {  	v13 =	vld [tilespmem:s12+$0x2890]  }
0x100: {  	v17 =	vld [tilespmem:s12+$0x2880];
	v10 =	vadd.f32 v11, v10;
	v11 =	vmul.f32 v18, v5  }
0x101: {  	v19 =	vld [tilespmem:s12+$0x2960]  }
0x102: {  	v22 =	vld [tilespmem:s12+$0x28A0];
	v10 =	vadd.f32 v11, v10;
	v11 =	vmul.f32 v28, v6  }
0x103: {  	v39 =	vld [tilespmem:s12+$0x2970]  }
0x104: {  	v24 =	vld [tilespmem:s12+$0x28B0];
	v14 =	vmul.f32 v16, v7;
	v11 =	vadd.f32 v11, v10  }
0x105: {  	v25 =	vld [tilespmem:s12+$0x28C0];
	v21 =	vmul.f32 v17, v2;
	v23 =	vmul.f32 v13, v3  }
0x106: {  	v36 =	vld [tilespmem:s12+$0x28D0];
	v20 =	vmul.f32 v19, v8;
	v14 =	vadd.f32 v14, v11  }
0x107: {  	v21 =	vadd.f32 v23, v21;
	v23 =	vmul.f32 v22, v4;
	v10 =	vld [tilespmem:s12+$0x2990]  }
0x108: {  	v26 =	vmul.f32 v39, v9;
	v11 =	vld [tilespmem:s12+$0x2980];
	v14 =	vadd.f32 v20, v14  }
0x109: {  	v31 =	vld [tilespmem:s12+$0x28E0];
	v21 =	vadd.f32 v23, v21;
	v23 =	vmul.f32 v24, v5  }
0x10a: {  	v20 =	vld [tilespmem:s12+$0x29A0];
	v29 =	vadd.f32 v26, v14  }
0x10b: {  	v41 =	vld [tilespmem:s12+$0x28F0];
	v44 =	vmul.f32 v25, v6;
	v21 =	vadd.f32 v23, v21  }
0x10c: {  	v45 =	vmul.f32 v36, v7;
	v14 =	vld [tilespmem:s12+$0x29B0];
	(xrf2) =	vadd.scan.msk.f32 $0xffff, v29  }
0x10d: {  	v21 =	vadd.f32 v44, v21;
	v30 =	vmul.f32 v10, v3;
	v37 =	vmul.f32 v11, v2  }
0x10e: {  	v47 =	vmul.f32 v31, v8;
	v26 =	vld [tilespmem:s12+$0x29C0]  }
0x10f: {  	v32 =	vadd.f32 v45, v21;
	v38 =	vmul.f32 v20, v4;
	v30 =	vadd.f32 v30, v37  }
0x110: {  	v49 =	vmul.f32 v41, v9;
	v29 =	vld [tilespmem:s12+$0x29D0]  }
0x111: {  	v32 =	vadd.f32 v47, v32;
	v23 =	vmul.f32 v14, v5;
	v33 =	vadd.f32 v38, v30  }
0x112: {  	v30 =	vld [tilespmem:s12+$0x29E0]  }
0x113: {  	v35 =	vld [tilespmem:s12+$0x29F0];
	v32 =	vadd.f32 v49, v32;
	v46 =	vmul.f32 v26, v6;
	v23 =	vadd.f32 v23, v33  }
0x114: {  	v21 =	vld [tilespmem:s12+$0x2800]  }
0x115: {  	(xrf2) =	vadd.scan.msk.f32 $0xffff, v32;
	v48 =	vmul.f32 v29, v7;
	v34 =	vadd.f32 v46, v23;
	v23 =	vld [tilespmem:s12+$0x2810]  }
0x116: {  	v51, _, _ =	vpop (xrf2)  }
0x117: {  	v50 =	vmul.f32 v30, v8;
	v37 =	vadd.f32 v48, v34;
	v34 =	vld [tilespmem:s12+$0x2820];
	v33 =	vbroadcast v51, $0xF;
	_ =	sdelay $0x1  }
0x118: {  	v52 =	vmul.f32 v35, v9;
	v32 =	vld [tilespmem:s12+$0x2830];
	v37 =	vadd.f32 v50, v37;
	v53 =	vadd.f32 v33, v1  }
0x119: {  	v54 =	vmul.f32 v21, v2;
	v55 =	vmul.f32 v23, v3  }
0x11a: {  	v37 =	vadd.f32 v52, v37;
	v33 =	vld [tilespmem:s12+$0x2840];
	v38 =	vmul.f32 $1.442695020e+00, v53  }
0x11b: {  	v40 =	vadd.f32 v55, v54;
	v56 =	vmul.f32 v34, v4  }
0x11c: {  	(xrf2) =	vadd.scan.msk.f32 $0xffff, v37;
	v37 =	vld [tilespmem:s12+$0x2850];
	(erf) = vpow2.f32 v38  }
0x11d: {  	v57 =	vmul.f32 v32, v5;
	v40 =	vadd.f32 v56, v40  }
0x11e: {  	v45, _, _ =	vpop (xrf2);
	v38 =	vld [tilespmem:s12+$0x2860]  }
0x11f: {  	v60 =	vbroadcast v45, $0xF;
	v58 =	vmul.f32 v33, v6;
	v43 =	vadd.f32 v57, v40  }
0x120: {  	v40 =	vld [tilespmem:s12+$0x2870]  }
0x121: {  	v59 =	vmul.f32 v37, v7;
	v42 =	vadd.f32 v58, v43;
	v43 =	vadd.f32 v60, v1;
	_ =	sdelay $0x1  }
0x122: {  	v61 =	vmul.f32 v38, v8;
	v42 =	vadd.f32 v59, v42;
	v43 =	vmul.f32 $1.442695020e+00, v43;
	_ =	sdelay $0x1  }
0x123: {  	v46 =	vmul.f32 v40, v9;
	v42 =	vadd.f32 v61, v42;
	(erf) = vpow2.f32 v43;
	v63 =	vpop (erf)  }
0x124: {  	v62, _, _ =	vpop (xrf2);
	v45 =	vadd.f32 $1.000000000e+00, v63  }
0x125: {  	v44 =	vbroadcast v62, $0xF;
	v42 =	vadd.f32 v46, v42  }
0x126: {  	(erf) = vrcp.f32 v45  }
0x127: {  	v44 =	vadd.f32 v44, v1;
	(xrf2) =	vadd.scan.msk.f32 $0xffff, v42;
	_ =	sdelay $0x1  }
0x128: {  	s13 =	simm.s32 $0x800;
	v42 =	vmul.f32 $1.442695020e+00, v44  }
.LBB2_7:
0x129: {  	p0 =	sne.s32 s13, $0x9800;
	s14 =	smov.u32 s13;
	s13 =	sadd.s32 $0x800, s13  }
0x12a: {  	(erf) = vpow2.f32 v42  }
0x12b: {  	v42 =	vpop (erf)  }
0x12c: {  	v43 =	vadd.f32 $1.000000000e+00, v42  }
0x12d: {  	s14 =	sshra.s32 s14, $0x2  }
0x12e: {  	(erf) = vrcp.f32 v43;
	v42 =	vpop (erf)  }
0x12f: {  	v27 =	vmul.f32 v42, v27;
	v18 =	vmul.f32 v42, v18  }
0x130: {  	v15 =	vmul.f32 v42, v15;
	v39 =	vmul.f32 v42, v39;
	v43, _, _ =	vpop (xrf2)  }
0x131: {  	v12 =	vmul.f32 v42, v12;
	v43 =	vbroadcast v43, $0xF;
	[tilespmem:s12+$0x2930] =	vst v18  }
0x132: {  	v16 =	vmul.f32 v42, v16;
	[tilespmem:s12+$0x2920] =	vst v27;
	v27 =	vmul.f32 v42, v28  }
0x133: {  	v19 =	vmul.f32 v42, v19;
	v18 =	vld [tilespmem:s14+$0x2930];
	v28 =	vadd.f32 v43, v1;
	[tilespmem:s12+$0x2900] =	vst v12;
	v42 =	vpop (erf)  }
0x134: {  	v12 =	vld [tilespmem:s14+$0x2900];
	[tilespmem:s12+$0x2910] =	vst v15;
	v43 =	vadd.f32 $1.000000000e+00, v42  }
0x135: {  	v15 =	vld [tilespmem:s14+$0x2910];
	v28 =	vmul.f32 $1.442695020e+00, v28;
	[tilespmem:s12+$0x2950] =	vst v16  }
0x136: {  	v16 =	vld [tilespmem:s14+$0x2950];
	[tilespmem:s12+$0x2940] =	vst v27;
	(erf) = vrcp.f32 v43  }
0x137: {  	v27 =	vld [tilespmem:s14+$0x2920];
	[tilespmem:s12+$0x2960] =	vst v19;
	(erf) = vpow2.f32 v28;
	v42 =	vpop (erf)  }
0x138: {  	v19 =	vld [tilespmem:s14+$0x2960];
	v17 =	vmul.f32 v42, v17;
	v13 =	vmul.f32 v42, v13;
	[tilespmem:s12+$0x2970] =	vst v39  }
0x139: {  	v22 =	vmul.f32 v42, v22;
	v24 =	vmul.f32 v42, v24  }
0x13a: {  	v39 =	vmul.f32 v12, v2;
	v43 =	vmul.f32 v15, v3;
	[tilespmem:s12+$0x2890] =	vst v13  }
0x13b: {  	v25 =	vmul.f32 v42, v25;
	v36 =	vmul.f32 v42, v36;
	v28 =	vld [tilespmem:s14+$0x2940];
	[tilespmem:s12+$0x2880] =	vst v17  }
0x13c: {  	v31 =	vmul.f32 v42, v31;
	v13 =	vld [tilespmem:s14+$0x2890];
	v39 =	vadd.f32 v43, v39;
	v45 =	vmul.f32 v27, v4;
	[tilespmem:s12+$0x28B0] =	vst v24  }
0x13d: {  	v44 =	vmul.f32 v16, v7;
	v17 =	vld [tilespmem:s14+$0x2880];
	[tilespmem:s12+$0x28D0] =	vst v36;
	v36 =	vmul.f32 v42, v41  }
0x13e: {  	v24 =	vld [tilespmem:s14+$0x28B0];
	v41 =	vadd.f32 v45, v39;
	v45 =	vmul.f32 v18, v5;
	[tilespmem:s12+$0x28A0] =	vst v22  }
0x13f: {  	v22 =	vld [tilespmem:s14+$0x28A0];
	[tilespmem:s12+$0x28F0] =	vst v36;
	v43 =	vpop (erf)  }
0x140: {  	v39 =	vld [tilespmem:s14+$0x2970];
	v36 =	vadd.f32 v45, v41;
	v41 =	vmul.f32 v28, v6;
	[tilespmem:s12+$0x28C0] =	vst v25;
	v26 =	vmul.f32 v43, v26;
	v42 =	vpop (erf)  }
0x141: {  	v10 =	vmul.f32 v43, v10;
	v20 =	vmul.f32 v43, v20;
	v25 =	vld [tilespmem:s14+$0x28C0];
	v42 =	vadd.f32 $1.000000000e+00, v42;
	[tilespmem:s12+$0x28E0] =	vst v31  }
0x142: {  	v11 =	vmul.f32 v43, v11;
	v31 =	vld [tilespmem:s14+$0x28E0];
	v45 =	vmul.f32 v17, v2;
	v41 =	vadd.f32 v41, v36;
	[tilespmem:s12+$0x29C0] =	vst v26  }
0x143: {  	v26 =	vmul.f32 v13, v3;
	v36 =	vld [tilespmem:s14+$0x28D0];
	[tilespmem:s12+$0x2990] =	vst v10;
	(erf) = vrcp.f32 v42  }
0x144: {  	v14 =	vmul.f32 v43, v14;
	v42 =	vmul.f32 v19, v8;
	v41 =	vadd.f32 v44, v41;
	v10 =	vld [tilespmem:s14+$0x2990];
	[tilespmem:s12+$0x2980] =	vst v11  }
0x145: {  	v29 =	vmul.f32 v43, v29;
	v44 =	vadd.f32 v26, v45;
	v45 =	vmul.f32 v22, v4;
	v26 =	vld [tilespmem:s14+$0x29C0]  }
0x146: {  	v30 =	vmul.f32 v43, v30;
	v41 =	vadd.f32 v42, v41;
	v42 =	vmul.f32 v39, v9;
	v11 =	vld [tilespmem:s14+$0x2980];
	[tilespmem:s12+$0x29A0] =	vst v20  }
0x147: {  	v35 =	vmul.f32 v43, v35;
	v44 =	vadd.f32 v45, v44;
	v45 =	vmul.f32 v24, v5;
	v20 =	vld [tilespmem:s14+$0x29A0];
	[tilespmem:s12+$0x29B0] =	vst v14  }
0x148: {  	v43 =	vmul.f32 v25, v6;
	v42 =	vadd.f32 v42, v41;
	v14 =	vld [tilespmem:s14+$0x29B0];
	[tilespmem:s12+$0x29D0] =	vst v29  }
0x149: {  	v29 =	vadd.f32 v45, v44;
	v41 =	vld [tilespmem:s14+$0x28F0];
	[tilespmem:s12+$0x29E0] =	vst v30  }
0x14a: {  	v44 =	vmul.f32 v31, v8;
	v45 =	vmul.f32 v10, v3;
	(xrf2) =	vadd.scan.msk.f32 $0xffff, v42;
	[tilespmem:s12+$0x29F0] =	vst v35  }
0x14b: {  	v42 =	vmul.f32 v26, v6;
	v35 =	vmul.f32 v11, v2  }
0x14c: {  	v46 =	vmul.f32 v36, v7;
	v43 =	vadd.f32 v43, v29;
	v29 =	vld [tilespmem:s14+$0x29D0];
	v47 =	vmul.f32 v20, v4;
	v48 =	vpop (erf)  }
0x14d: {  	v30 =	vld [tilespmem:s14+$0x29E0];
	v45 =	vadd.f32 v45, v35;
	v49 =	vmul.f32 v14, v5;
	v21 =	vmul.f32 v48, v21  }
0x14e: {  	v43 =	vadd.f32 v46, v43;
	v23 =	vmul.f32 v48, v23;
	v32 =	vmul.f32 v48, v32  }
0x14f: {  	v34 =	vmul.f32 v48, v34;
	v33 =	vmul.f32 v48, v33;
	v35 =	vld [tilespmem:s14+$0x29F0];
	v45 =	vadd.f32 v47, v45;
	[tilespmem:s12+$0x2800] =	vst v21  }
0x150: {  	v37 =	vmul.f32 v48, v37;
	v43 =	vadd.f32 v44, v43;
	v44 =	vmul.f32 v41, v9;
	v21 =	vld [tilespmem:s14+$0x2800];
	[tilespmem:s12+$0x2810] =	vst v23  }
0x151: {  	v38 =	vmul.f32 v48, v38;
	v40 =	vmul.f32 v48, v40;
	v23 =	vld [tilespmem:s14+$0x2810];
	v45 =	vadd.f32 v49, v45;
	[tilespmem:s12+$0x2830] =	vst v32  }
0x152: {  	v46 =	vadd.f32 v44, v43;
	v32 =	vld [tilespmem:s14+$0x2830];
	[tilespmem:s12+$0x2840] =	vst v33  }
0x153: {  	v44 =	vmul.f32 v29, v7;
	v33 =	vld [tilespmem:s14+$0x2840];
	v42 =	vadd.f32 v42, v45;
	[tilespmem:s12+$0x2870] =	vst v40  }
0x154: {  	v40 =	vmul.f32 v30, v8;
	(xrf2) =	vadd.scan.msk.f32 $0xffff, v46;
	v43, _, _ =	vpop (xrf2);
	[tilespmem:s12+$0x2850] =	vst v37  }
0x155: {  	v37 =	vmul.f32 v21, v2;
	v43 =	vbroadcast v43, $0xF;
	v42 =	vadd.f32 v44, v42;
	[tilespmem:s12+$0x2820] =	vst v34  }
0x156: {  	v45 =	vmul.f32 v35, v9;
	v34 =	vld [tilespmem:s14+$0x2820];
	v44 =	vmul.f32 v23, v3;
	[tilespmem:s12+$0x2860] =	vst v38;
	s12 =	smov.u32 s14  }
0x157: {  	v46 =	vmul.f32 v32, v5;
	v38 =	vadd.f32 v43, v1;
	v40 =	vadd.f32 v40, v42  }
0x158: {  	v42 =	vadd.f32 v44, v37  }
0x159: {  	v43 =	vmul.f32 v33, v6;
	v37 =	vld [tilespmem:s12+$0x2850];
	v40 =	vadd.f32 v45, v40  }
0x15a: {  	v44 =	vmul.f32 $1.442695020e+00, v38  }
0x15b: {  	v38 =	vld [tilespmem:s12+$0x2860];
	v47 =	vmul.f32 v34, v4  }
0x15c: {  	(erf) = vpow2.f32 v44;
	(xrf2) =	vadd.scan.msk.f32 $0xffff, v40  }
0x15d: {  	v40 =	vld [tilespmem:s12+$0x2870];
	v42 =	vadd.f32 v47, v42  }
0x15e: {  	v44 =	vmul.f32 v37, v7;
	v45, _, _ =	vpop (xrf2)  }
0x15f: {  	v42 =	vadd.f32 v46, v42;
	v45 =	vbroadcast v45, $0xF  }
0x160: {  	v46 =	vmul.f32 v38, v8  }
0x161: {  	v42 =	vadd.f32 v43, v42;
	v43 =	vadd.f32 v45, v1  }
0x162: {  	v45 =	vmul.f32 v40, v9  }
0x163: {  	v42 =	vadd.f32 v44, v42;
	v47 =	vmul.f32 $1.442695020e+00, v43;
	_ =	sdelay $0x1  }
0x164: {  	v42 =	vadd.f32 v46, v42;
	(erf) = vpow2.f32 v47;
	v43 =	vpop (erf)  }
0x165: {  	v43 =	vadd.f32 $1.000000000e+00, v43;
	v44, _, _ =	vpop (xrf2)  }
.Ltmp2:
0x166: {  	v42 =	vadd.f32 v45, v42;
	v44 =	vbroadcast v44, $0xF;
	(pc) =	sbr.rel @p0 .LBB2_7-.Ltmp2, $3  }
0x167: {  	(erf) = vrcp.f32 v43  }
0x168: {  	v43 =	vadd.f32 v44, v1;
	(xrf2) =	vadd.scan.msk.f32 $0xffff, v42;
	_ =	sdelay $0x1  }
0x169: {  	v42 =	vmul.f32 $1.442695020e+00, v43  }
0x16a: {  	_ = 	snop  }
0x16b: {  	(erf) = vpow2.f32 v42;
	_ =	sdelay $0x3  }
0x16c: {  	v61 =	vpop (erf)  }
0x16d: {  	v42 =	vadd.f32 $1.000000000e+00, v61  }
0x16e: {  	v43, _, _ =	vpop (xrf2)  }
0x16f: {  	(erf) = vrcp.f32 v42;
	v43 =	vbroadcast v43, $0xF  }
0x170: {  	v44 =	vpop (erf)  }
0x171: {  	v62 =	vadd.f32 v43, v1;
	v63 =	vpop (erf)  }
0x172: {  	v12 =	vmul.f32 v44, v12;
	v43 =	vadd.f32 $1.000000000e+00, v63  }
0x173: {  	v18 =	vmul.f32 v44, v18;
	v42 =	vmul.f32 $1.442695020e+00, v62  }
0x174: {  	[tilespmem:s12+$0x2900] =	vst v12;
	v12 =	vmul.f32 v44, v28;
	(erf) = vrcp.f32 v43  }
0x175: {  	v15 =	vmul.f32 v44, v15;
	(erf) = vpow2.f32 v42  }
0x176: {  	[tilespmem:s12+$0x2930] =	vst v18  }
0x177: {  	v16 =	vmul.f32 v44, v16;
	[tilespmem:s12+$0x2910] =	vst v15  }
0x178: {  	v15 =	vmul.f32 v44, v19;
	[tilespmem:s12+$0x2940] =	vst v12;
	v12 =	vpop (erf)  }
0x179: {  	[tilespmem:s12+$0x2950] =	vst v16;
	v16 =	vmul.f32 v44, v39;
	v13 =	vmul.f32 v12, v13  }
0x17a: {  	[tilespmem:s12+$0x2960] =	vst v15  }
0x17b: {  	[tilespmem:s12+$0x2970] =	vst v16;
	v15 =	vmul.f32 v12, v17  }
0x17c: {  	v16 =	vmul.f32 v12, v24;
	[tilespmem:s12+$0x2890] =	vst v13  }
0x17d: {  	[tilespmem:s12+$0x2880] =	vst v15;
	v15 =	vmul.f32 v12, v36;
	v13 =	vpop (erf)  }
0x17e: {  	v27 =	vmul.f32 v44, v27;
	[tilespmem:s12+$0x28B0] =	vst v16;
	v17 =	vpop (erf)  }
0x17f: {  	[tilespmem:s12+$0x28D0] =	vst v15;
	v15 =	vmul.f32 v12, v41;
	v16 =	vadd.f32 $1.000000000e+00, v17  }
0x180: {  	[tilespmem:s12+$0x2920] =	vst v27;
	v18 =	vmul.f32 v12, v22  }
0x181: {  	[tilespmem:s12+$0x28F0] =	vst v15;
	v15 =	vmul.f32 v13, v26;
	(erf) = vrcp.f32 v16  }
0x182: {  	[tilespmem:s12+$0x28A0] =	vst v18;
	v10 =	vmul.f32 v13, v10  }
0x183: {  	v11 =	vmul.f32 v13, v11;
	[tilespmem:s12+$0x29C0] =	vst v15  }
0x184: {  	v17 =	vmul.f32 v12, v25;
	[tilespmem:s12+$0x2990] =	vst v10  }
0x185: {  	v12 =	vmul.f32 v12, v31;
	[tilespmem:s12+$0x2980] =	vst v11  }
0x186: {  	v10 =	vmul.f32 v13, v14;
	v11 =	vmul.f32 v13, v29;
	[tilespmem:s12+$0x28C0] =	vst v17  }
0x187: {  	[tilespmem:s12+$0x28E0] =	vst v12;
	v12 =	vmul.f32 v13, v20  }
0x188: {  	[tilespmem:s12+$0x29B0] =	vst v10  }
0x189: {  	[tilespmem:s12+$0x29A0] =	vst v12;
	v12 =	vmul.f32 v13, v30  }
0x18a: {  	v10 =	vmul.f32 v13, v35;
	[tilespmem:s12+$0x29D0] =	vst v11;
	v11 =	vpop (erf)  }
0x18b: {  	[tilespmem:s12+$0x29E0] =	vst v12;
	v12 =	vmul.f32 v11, v21  }
0x18c: {  	[tilespmem:s12+$0x29F0] =	vst v10;
	v10 =	vmul.f32 v11, v23  }
0x18d: {  	v13 =	vmul.f32 v11, v32;
	[tilespmem:s12+$0x2800] =	vst v12  }
0x18e: {  	v12 =	vmul.f32 v11, v33;
	[tilespmem:s12+$0x2810] =	vst v10  }
0x18f: {  	[tilespmem:s12+$0x2830] =	vst v13;
	v10 =	vmul.f32 v11, v40  }
0x190: {  	v13 =	vmul.f32 v11, v37;
	[tilespmem:s12+$0x2840] =	vst v12  }
0x191: {  	v12 =	vmul.f32 v11, v34;
	[tilespmem:s12+$0x2870] =	vst v10  }
0x192: {  	v10 =	vmul.f32 v11, v38;
	[tilespmem:s12+$0x2850] =	vst v13  }
0x193: {  	[tilespmem:s12+$0x2820] =	vst v12  }
0x194: {  	[tilespmem:s12+$0x2860] =	vst v10;
	s12 =	smul.u32 $0xF0, s11  }
0x195: {  	[spmem:s5] =	stream.indirect.scatter.add.f32 [tilespmem:s22], [sflag:$0x8], $0x80, s23, s29, $0xb8;
	[tilespmem:$0x9A80] =	vst v63  }
0x196: {  	_ =	swait.ge [sflag:s0], $0x2800;
	s13 =	sadd.s32 s12, s15  }
0x197: {  	s17 =	simm.s32 $0x0;
	[sflag:s0] =	ssyncset.done $0x0;
	s14 =	sshll.u32 s13, $0x4  }
0x198: {  	s13 =	sshrl.u32 s13, $0x3;
	[sflag:s0] =	ssyncadd.s32 $0xFFFFD800;
	s14 =	sadd.s32 s1, s14  }
0x199: {  	[tilespmem:s17], [sflag:$0x1] =	stream.linear.gather [hbm4b:s14+s17], $0x2800, $0x38;
	[tilespmem:$0x9A80] =	vst v63  }
0x19a: {  	s13 =	sadd.s32 s2, s13  }
0x19b: {  	[tilespmem:s21], [sflag:$0x4] =	stream.linear.gather [hbm4b:s13+s17], $0x50, $0x38;
	[tilespmem:$0x9A80] =	vst v63  }
0x19c: {  	_ =	swait.ge [sflag:s3], $0x2800  }
0x19d: {  	[sflag:s3] =	ssyncset.done $0x0  }
0x19e: {  	[sflag:s3] =	ssyncadd.s32 $0xFFFFD800  }
0x19f: {  	_ =	swait.ge [sflag:s19], $0x50  }
0x1a0: {  	[sflag:s19] =	ssyncset.done $0x0  }
0x1a1: {  	s13 =	simm.s32 $0x0;
	[sflag:s19] =	ssyncadd.s32 $0xFFFFFFB0  }
0x1a2: {  	v12 =	vld [tilespmem:s13+$0x5100]  }
0x1a3: {  	v15 =	vld [tilespmem:s13+$0x5110];
	_ =	sdelay $0x1  }
0x1a4: {  	v27 =	vld [tilespmem:s13+$0x5120];
	_ =	sdelay $0x1  }
0x1a5: {  	v18 =	vld [tilespmem:s13+$0x5130]  }
0x1a6: {  	v10 =	vmul.f32 v12, v2;
	v11 =	vmul.f32 v15, v3  }
0x1a7: {  	v28 =	vld [tilespmem:s13+$0x5140]  }
0x1a8: {  	v16 =	vld [tilespmem:s13+$0x5150];
	v10 =	vadd.f32 v11, v10;
	v11 =	vmul.f32 v27, v4  }
0x1a9: {  	v13 =	vld [tilespmem:s13+$0x5090]  }
0x1aa: {  	v17 =	vld [tilespmem:s13+$0x5080];
	v10 =	vadd.f32 v11, v10;
	v11 =	vmul.f32 v18, v5  }
0x1ab: {  	v19 =	vld [tilespmem:s13+$0x5160]  }
0x1ac: {  	v22 =	vld [tilespmem:s13+$0x50A0];
	v10 =	vadd.f32 v11, v10;
	v11 =	vmul.f32 v28, v6  }
0x1ad: {  	v39 =	vld [tilespmem:s13+$0x5170]  }
0x1ae: {  	v24 =	vld [tilespmem:s13+$0x50B0];
	v14 =	vmul.f32 v16, v7;
	v11 =	vadd.f32 v11, v10  }
0x1af: {  	v25 =	vld [tilespmem:s13+$0x50C0];
	v21 =	vmul.f32 v17, v2;
	v23 =	vmul.f32 v13, v3  }
0x1b0: {  	v36 =	vld [tilespmem:s13+$0x50D0];
	v20 =	vmul.f32 v19, v8;
	v14 =	vadd.f32 v14, v11  }
0x1b1: {  	v21 =	vadd.f32 v23, v21;
	v23 =	vmul.f32 v22, v4;
	v10 =	vld [tilespmem:s13+$0x5190]  }
0x1b2: {  	v26 =	vmul.f32 v39, v9;
	v11 =	vld [tilespmem:s13+$0x5180];
	v14 =	vadd.f32 v20, v14  }
0x1b3: {  	v31 =	vld [tilespmem:s13+$0x50E0];
	v21 =	vadd.f32 v23, v21;
	v23 =	vmul.f32 v24, v5  }
0x1b4: {  	v20 =	vld [tilespmem:s13+$0x51A0];
	v29 =	vadd.f32 v26, v14  }
0x1b5: {  	v41 =	vld [tilespmem:s13+$0x50F0];
	v44 =	vmul.f32 v25, v6;
	v21 =	vadd.f32 v23, v21  }
0x1b6: {  	v45 =	vmul.f32 v36, v7;
	v14 =	vld [tilespmem:s13+$0x51B0];
	(xrf2) =	vadd.scan.msk.f32 $0xffff, v29  }
0x1b7: {  	v21 =	vadd.f32 v44, v21;
	v30 =	vmul.f32 v10, v3;
	v37 =	vmul.f32 v11, v2  }
0x1b8: {  	v47 =	vmul.f32 v31, v8;
	v26 =	vld [tilespmem:s13+$0x51C0]  }
0x1b9: {  	v32 =	vadd.f32 v45, v21;
	v38 =	vmul.f32 v20, v4;
	v30 =	vadd.f32 v30, v37  }
0x1ba: {  	v49 =	vmul.f32 v41, v9;
	v29 =	vld [tilespmem:s13+$0x51D0]  }
0x1bb: {  	v32 =	vadd.f32 v47, v32;
	v23 =	vmul.f32 v14, v5;
	v33 =	vadd.f32 v38, v30  }
0x1bc: {  	v30 =	vld [tilespmem:s13+$0x51E0]  }
0x1bd: {  	v35 =	vld [tilespmem:s13+$0x51F0];
	v32 =	vadd.f32 v49, v32;
	v46 =	vmul.f32 v26, v6;
	v23 =	vadd.f32 v23, v33  }
0x1be: {  	v21 =	vld [tilespmem:s13+$0x5000]  }
0x1bf: {  	(xrf2) =	vadd.scan.msk.f32 $0xffff, v32;
	v48 =	vmul.f32 v29, v7;
	v34 =	vadd.f32 v46, v23;
	v23 =	vld [tilespmem:s13+$0x5010]  }
0x1c0: {  	v51, _, _ =	vpop (xrf2)  }
0x1c1: {  	v50 =	vmul.f32 v30, v8;
	v37 =	vadd.f32 v48, v34;
	v34 =	vld [tilespmem:s13+$0x5020];
	v33 =	vbroadcast v51, $0xF;
	_ =	sdelay $0x1  }
0x1c2: {  	v52 =	vmul.f32 v35, v9;
	v32 =	vld [tilespmem:s13+$0x5030];
	v37 =	vadd.f32 v50, v37;
	v53 =	vadd.f32 v33, v1  }
0x1c3: {  	v54 =	vmul.f32 v21, v2;
	v55 =	vmul.f32 v23, v3  }
0x1c4: {  	v37 =	vadd.f32 v52, v37;
	v33 =	vld [tilespmem:s13+$0x5040];
	v38 =	vmul.f32 $1.442695020e+00, v53  }
0x1c5: {  	v40 =	vadd.f32 v55, v54;
	v56 =	vmul.f32 v34, v4  }
0x1c6: {  	(xrf2) =	vadd.scan.msk.f32 $0xffff, v37;
	v37 =	vld [tilespmem:s13+$0x5050];
	(erf) = vpow2.f32 v38  }
0x1c7: {  	v57 =	vmul.f32 v32, v5;
	v40 =	vadd.f32 v56, v40  }
0x1c8: {  	v45, _, _ =	vpop (xrf2);
	v38 =	vld [tilespmem:s13+$0x5060]  }
0x1c9: {  	v60 =	vbroadcast v45, $0xF;
	v58 =	vmul.f32 v33, v6;
	v43 =	vadd.f32 v57, v40  }
0x1ca: {  	v40 =	vld [tilespmem:s13+$0x5070]  }
0x1cb: {  	v59 =	vmul.f32 v37, v7;
	v42 =	vadd.f32 v58, v43;
	v43 =	vadd.f32 v60, v1;
	_ =	sdelay $0x1  }
0x1cc: {  	v61 =	vmul.f32 v38, v8;
	v42 =	vadd.f32 v59, v42;
	v43 =	vmul.f32 $1.442695020e+00, v43;
	_ =	sdelay $0x1  }
0x1cd: {  	v46 =	vmul.f32 v40, v9;
	v42 =	vadd.f32 v61, v42;
	(erf) = vpow2.f32 v43;
	v63 =	vpop (erf)  }
0x1ce: {  	v62, _, _ =	vpop (xrf2);
	v45 =	vadd.f32 $1.000000000e+00, v63  }
0x1cf: {  	v44 =	vbroadcast v62, $0xF;
	v42 =	vadd.f32 v46, v42  }
0x1d0: {  	(erf) = vrcp.f32 v45  }
0x1d1: {  	v44 =	vadd.f32 v44, v1;
	(xrf2) =	vadd.scan.msk.f32 $0xffff, v42;
	_ =	sdelay $0x1  }
0x1d2: {  	s14 =	simm.s32 $0x800;
	v42 =	vmul.f32 $1.442695020e+00, v44  }
.LBB2_9:
0x1d3: {  	p0 =	sne.s32 s14, $0x9800;
	s17 =	smov.u32 s14;
	s14 =	sadd.s32 $0x800, s14  }
0x1d4: {  	(erf) = vpow2.f32 v42  }
0x1d5: {  	v42 =	vpop (erf)  }
0x1d6: {  	v43 =	vadd.f32 $1.000000000e+00, v42  }
0x1d7: {  	s17 =	sshra.s32 s17, $0x2  }
0x1d8: {  	(erf) = vrcp.f32 v43;
	v42 =	vpop (erf)  }
0x1d9: {  	v27 =	vmul.f32 v42, v27;
	v18 =	vmul.f32 v42, v18  }
0x1da: {  	v15 =	vmul.f32 v42, v15;
	v39 =	vmul.f32 v42, v39;
	v43, _, _ =	vpop (xrf2)  }
0x1db: {  	v12 =	vmul.f32 v42, v12;
	v43 =	vbroadcast v43, $0xF;
	[tilespmem:s13+$0x5130] =	vst v18  }
0x1dc: {  	v16 =	vmul.f32 v42, v16;
	[tilespmem:s13+$0x5120] =	vst v27;
	v27 =	vmul.f32 v42, v28  }
0x1dd: {  	v19 =	vmul.f32 v42, v19;
	v18 =	vld [tilespmem:s17+$0x5130];
	v28 =	vadd.f32 v43, v1;
	[tilespmem:s13+$0x5100] =	vst v12;
	v42 =	vpop (erf)  }
0x1de: {  	v12 =	vld [tilespmem:s17+$0x5100];
	[tilespmem:s13+$0x5110] =	vst v15;
	v43 =	vadd.f32 $1.000000000e+00, v42  }
0x1df: {  	v15 =	vld [tilespmem:s17+$0x5110];
	v28 =	vmul.f32 $1.442695020e+00, v28;
	[tilespmem:s13+$0x5150] =	vst v16  }
0x1e0: {  	v16 =	vld [tilespmem:s17+$0x5150];
	[tilespmem:s13+$0x5140] =	vst v27;
	(erf) = vrcp.f32 v43  }
0x1e1: {  	v27 =	vld [tilespmem:s17+$0x5120];
	[tilespmem:s13+$0x5160] =	vst v19;
	(erf) = vpow2.f32 v28;
	v42 =	vpop (erf)  }
0x1e2: {  	v19 =	vld [tilespmem:s17+$0x5160];
	v17 =	vmul.f32 v42, v17;
	v13 =	vmul.f32 v42, v13;
	[tilespmem:s13+$0x5170] =	vst v39  }
0x1e3: {  	v22 =	vmul.f32 v42, v22;
	v24 =	vmul.f32 v42, v24  }
0x1e4: {  	v39 =	vmul.f32 v12, v2;
	v43 =	vmul.f32 v15, v3;
	[tilespmem:s13+$0x5090] =	vst v13  }
0x1e5: {  	v25 =	vmul.f32 v42, v25;
	v36 =	vmul.f32 v42, v36;
	v28 =	vld [tilespmem:s17+$0x5140];
	[tilespmem:s13+$0x5080] =	vst v17  }
0x1e6: {  	v31 =	vmul.f32 v42, v31;
	v13 =	vld [tilespmem:s17+$0x5090];
	v39 =	vadd.f32 v43, v39;
	v45 =	vmul.f32 v27, v4;
	[tilespmem:s13+$0x50B0] =	vst v24  }
0x1e7: {  	v44 =	vmul.f32 v16, v7;
	v17 =	vld [tilespmem:s17+$0x5080];
	[tilespmem:s13+$0x50D0] =	vst v36;
	v36 =	vmul.f32 v42, v41  }
0x1e8: {  	v24 =	vld [tilespmem:s17+$0x50B0];
	v41 =	vadd.f32 v45, v39;
	v45 =	vmul.f32 v18, v5;
	[tilespmem:s13+$0x50A0] =	vst v22  }
0x1e9: {  	v22 =	vld [tilespmem:s17+$0x50A0];
	[tilespmem:s13+$0x50F0] =	vst v36;
	v43 =	vpop (erf)  }
0x1ea: {  	v39 =	vld [tilespmem:s17+$0x5170];
	v36 =	vadd.f32 v45, v41;
	v41 =	vmul.f32 v28, v6;
	[tilespmem:s13+$0x50C0] =	vst v25;
	v26 =	vmul.f32 v43, v26;
	v42 =	vpop (erf)  }
0x1eb: {  	v10 =	vmul.f32 v43, v10;
	v20 =	vmul.f32 v43, v20;
	v25 =	vld [tilespmem:s17+$0x50C0];
	v42 =	vadd.f32 $1.000000000e+00, v42;
	[tilespmem:s13+$0x50E0] =	vst v31  }
0x1ec: {  	v11 =	vmul.f32 v43, v11;
	v31 =	vld [tilespmem:s17+$0x50E0];
	v45 =	vmul.f32 v17, v2;
	v41 =	vadd.f32 v41, v36;
	[tilespmem:s13+$0x51C0] =	vst v26  }
0x1ed: {  	v26 =	vmul.f32 v13, v3;
	v36 =	vld [tilespmem:s17+$0x50D0];
	[tilespmem:s13+$0x5190] =	vst v10;
	(erf) = vrcp.f32 v42  }
0x1ee: {  	v14 =	vmul.f32 v43, v14;
	v42 =	vmul.f32 v19, v8;
	v41 =	vadd.f32 v44, v41;
	v10 =	vld [tilespmem:s17+$0x5190];
	[tilespmem:s13+$0x5180] =	vst v11  }
0x1ef: {  	v29 =	vmul.f32 v43, v29;
	v44 =	vadd.f32 v26, v45;
	v45 =	vmul.f32 v22, v4;
	v26 =	vld [tilespmem:s17+$0x51C0]  }
0x1f0: {  	v30 =	vmul.f32 v43, v30;
	v41 =	vadd.f32 v42, v41;
	v42 =	vmul.f32 v39, v9;
	v11 =	vld [tilespmem:s17+$0x5180];
	[tilespmem:s13+$0x51A0] =	vst v20  }
0x1f1: {  	v35 =	vmul.f32 v43, v35;
	v44 =	vadd.f32 v45, v44;
	v45 =	vmul.f32 v24, v5;
	v20 =	vld [tilespmem:s17+$0x51A0];
	[tilespmem:s13+$0x51B0] =	vst v14  }
0x1f2: {  	v43 =	vmul.f32 v25, v6;
	v42 =	vadd.f32 v42, v41;
	v14 =	vld [tilespmem:s17+$0x51B0];
	[tilespmem:s13+$0x51D0] =	vst v29  }
0x1f3: {  	v29 =	vadd.f32 v45, v44;
	v41 =	vld [tilespmem:s17+$0x50F0];
	[tilespmem:s13+$0x51E0] =	vst v30  }
0x1f4: {  	v44 =	vmul.f32 v31, v8;
	v45 =	vmul.f32 v10, v3;
	(xrf2) =	vadd.scan.msk.f32 $0xffff, v42;
	[tilespmem:s13+$0x51F0] =	vst v35  }
0x1f5: {  	v42 =	vmul.f32 v26, v6;
	v35 =	vmul.f32 v11, v2  }
0x1f6: {  	v46 =	vmul.f32 v36, v7;
	v43 =	vadd.f32 v43, v29;
	v29 =	vld [tilespmem:s17+$0x51D0];
	v47 =	vmul.f32 v20, v4;
	v48 =	vpop (erf)  }
0x1f7: {  	v30 =	vld [tilespmem:s17+$0x51E0];
	v45 =	vadd.f32 v45, v35;
	v49 =	vmul.f32 v14, v5;
	v21 =	vmul.f32 v48, v21  }
0x1f8: {  	v43 =	vadd.f32 v46, v43;
	v23 =	vmul.f32 v48, v23;
	v32 =	vmul.f32 v48, v32  }
0x1f9: {  	v34 =	vmul.f32 v48, v34;
	v33 =	vmul.f32 v48, v33;
	v35 =	vld [tilespmem:s17+$0x51F0];
	v45 =	vadd.f32 v47, v45;
	[tilespmem:s13+$0x5000] =	vst v21  }
0x1fa: {  	v37 =	vmul.f32 v48, v37;
	v43 =	vadd.f32 v44, v43;
	v44 =	vmul.f32 v41, v9;
	v21 =	vld [tilespmem:s17+$0x5000];
	[tilespmem:s13+$0x5010] =	vst v23  }
0x1fb: {  	v38 =	vmul.f32 v48, v38;
	v40 =	vmul.f32 v48, v40;
	v23 =	vld [tilespmem:s17+$0x5010];
	v45 =	vadd.f32 v49, v45;
	[tilespmem:s13+$0x5030] =	vst v32  }
0x1fc: {  	v46 =	vadd.f32 v44, v43;
	v32 =	vld [tilespmem:s17+$0x5030];
	[tilespmem:s13+$0x5040] =	vst v33  }
0x1fd: {  	v44 =	vmul.f32 v29, v7;
	v33 =	vld [tilespmem:s17+$0x5040];
	v42 =	vadd.f32 v42, v45;
	[tilespmem:s13+$0x5070] =	vst v40  }
0x1fe: {  	v40 =	vmul.f32 v30, v8;
	(xrf2) =	vadd.scan.msk.f32 $0xffff, v46;
	v43, _, _ =	vpop (xrf2);
	[tilespmem:s13+$0x5050] =	vst v37  }
0x1ff: {  	v37 =	vmul.f32 v21, v2;
	v43 =	vbroadcast v43, $0xF;
	v42 =	vadd.f32 v44, v42;
	[tilespmem:s13+$0x5020] =	vst v34  }
0x200: {  	v45 =	vmul.f32 v35, v9;
	v34 =	vld [tilespmem:s17+$0x5020];
	v44 =	vmul.f32 v23, v3;
	[tilespmem:s13+$0x5060] =	vst v38;
	s13 =	smov.u32 s17  }
0x201: {  	v46 =	vmul.f32 v32, v5;
	v38 =	vadd.f32 v43, v1;
	v40 =	vadd.f32 v40, v42  }
0x202: {  	v42 =	vadd.f32 v44, v37  }
0x203: {  	v43 =	vmul.f32 v33, v6;
	v37 =	vld [tilespmem:s13+$0x5050];
	v40 =	vadd.f32 v45, v40  }
0x204: {  	v44 =	vmul.f32 $1.442695020e+00, v38  }
0x205: {  	v38 =	vld [tilespmem:s13+$0x5060];
	v47 =	vmul.f32 v34, v4  }
0x206: {  	(erf) = vpow2.f32 v44;
	(xrf2) =	vadd.scan.msk.f32 $0xffff, v40  }
0x207: {  	v40 =	vld [tilespmem:s13+$0x5070];
	v42 =	vadd.f32 v47, v42  }
0x208: {  	v44 =	vmul.f32 v37, v7;
	v45, _, _ =	vpop (xrf2)  }
0x209: {  	v42 =	vadd.f32 v46, v42;
	v45 =	vbroadcast v45, $0xF  }
0x20a: {  	v46 =	vmul.f32 v38, v8  }
0x20b: {  	v42 =	vadd.f32 v43, v42;
	v43 =	vadd.f32 v45, v1  }
0x20c: {  	v45 =	vmul.f32 v40, v9  }
0x20d: {  	v42 =	vadd.f32 v44, v42;
	v47 =	vmul.f32 $1.442695020e+00, v43;
	_ =	sdelay $0x1  }
0x20e: {  	v42 =	vadd.f32 v46, v42;
	(erf) = vpow2.f32 v47;
	v43 =	vpop (erf)  }
0x20f: {  	v43 =	vadd.f32 $1.000000000e+00, v43;
	v44, _, _ =	vpop (xrf2)  }
.Ltmp3:
0x210: {  	v42 =	vadd.f32 v45, v42;
	v44 =	vbroadcast v44, $0xF;
	(pc) =	sbr.rel @p0 .LBB2_9-.Ltmp3, $3  }
0x211: {  	(erf) = vrcp.f32 v43  }
0x212: {  	v43 =	vadd.f32 v44, v1;
	(xrf2) =	vadd.scan.msk.f32 $0xffff, v42;
	_ =	sdelay $0x1  }
0x213: {  	v42 =	vmul.f32 $1.442695020e+00, v43  }
0x214: {  	_ = 	snop  }
0x215: {  	(erf) = vpow2.f32 v42;
	_ =	sdelay $0x4  }
0x216: {  	v61 =	vpop (erf)  }
0x217: {  	v43, _, _ =	vpop (xrf2)  }
0x218: {  	v42 =	vadd.f32 $1.000000000e+00, v61;
	v43 =	vbroadcast v43, $0xF  }
0x219: {  	v44 =	vpop (erf)  }
0x21a: {  	(erf) = vrcp.f32 v42;
	v62 =	vadd.f32 v43, v1;
	v63 =	vpop (erf)  }
0x21b: {  	v43 =	vadd.f32 $1.000000000e+00, v63  }
0x21c: {  	v18 =	vmul.f32 v44, v18;
	v42 =	vmul.f32 $1.442695020e+00, v62  }
0x21d: {  	v27 =	vmul.f32 v44, v27;
	(erf) = vrcp.f32 v43  }
0x21e: {  	v12 =	vmul.f32 v44, v12;
	[tilespmem:s13+$0x5130] =	vst v18;
	(erf) = vpow2.f32 v42  }
0x21f: {  	v15 =	vmul.f32 v44, v15;
	[tilespmem:s13+$0x5120] =	vst v27  }
0x220: {  	v16 =	vmul.f32 v44, v16;
	[tilespmem:s13+$0x5100] =	vst v12  }
0x221: {  	v45 =	vmul.f32 v44, v39;
	[tilespmem:s13+$0x5110] =	vst v15  }
0x222: {  	[tilespmem:s13+$0x5150] =	vst v16;
	v43 =	vmul.f32 v44, v19  }
0x223: {  	[tilespmem:s13+$0x5170] =	vst v45;
	v42 =	vmul.f32 v44, v28;
	v46 =	vpop (erf)  }
0x224: {  	[tilespmem:s13+$0x5160] =	vst v43;
	v13 =	vmul.f32 v46, v13  }
0x225: {  	v47 =	vmul.f32 v46, v17;
	[tilespmem:s13+$0x5140] =	vst v42  }
0x226: {  	v48 =	vmul.f32 v46, v24;
	[tilespmem:s13+$0x5090] =	vst v13;
	v49 =	vpop (erf)  }
0x227: {  	v50 =	vmul.f32 v46, v36;
	[tilespmem:s13+$0x5080] =	vst v47;
	v51 =	vpop (erf)  }
0x228: {  	v52 =	vmul.f32 v46, v22;
	[tilespmem:s13+$0x50B0] =	vst v48;
	v53 =	vadd.f32 $1.000000000e+00, v51  }
0x229: {  	v54 =	vmul.f32 v46, v41;
	[tilespmem:s13+$0x50D0] =	vst v50  }
0x22a: {  	v55 =	vmul.f32 v46, v25;
	[tilespmem:s13+$0x50A0] =	vst v52;
	(erf) = vrcp.f32 v53  }
0x22b: {  	v12 =	vmul.f32 v46, v31;
	[tilespmem:s13+$0x50F0] =	vst v54  }
0x22c: {  	[tilespmem:s13+$0x50C0] =	vst v55;
	v56 =	vmul.f32 v49, v26  }
0x22d: {  	[tilespmem:s13+$0x50E0] =	vst v12;
	v11 =	vmul.f32 v49, v11  }
0x22e: {  	v10 =	vmul.f32 v49, v10;
	[tilespmem:s13+$0x51C0] =	vst v56  }
0x22f: {  	v57 =	vmul.f32 v49, v20;
	[tilespmem:s13+$0x5180] =	vst v11;
	v11 =	vmul.f32 v49, v29  }
0x230: {  	[tilespmem:s13+$0x5190] =	vst v10;
	v10 =	vmul.f32 v49, v14  }
0x231: {  	[tilespmem:s13+$0x51A0] =	vst v57  }
0x232: {  	v58 =	vmul.f32 v49, v30;
	[tilespmem:s13+$0x51B0] =	vst v10  }
0x233: {  	v10 =	vmul.f32 v49, v35;
	[tilespmem:s13+$0x51D0] =	vst v11;
	v11 =	vpop (erf)  }
0x234: {  	[tilespmem:s13+$0x51E0] =	vst v58;
	v59 =	vmul.f32 v11, v21  }
0x235: {  	[tilespmem:s13+$0x51F0] =	vst v10;
	v10 =	vmul.f32 v11, v23  }
0x236: {  	v60 =	vmul.f32 v11, v32;
	[tilespmem:s13+$0x5000] =	vst v59  }
0x237: {  	v61 =	vmul.f32 v11, v33;
	[tilespmem:s13+$0x5010] =	vst v10  }
0x238: {  	v62 =	vmul.f32 v11, v37;
	[tilespmem:s13+$0x5030] =	vst v60  }
0x239: {  	v10 =	vmul.f32 v11, v40;
	[tilespmem:s13+$0x5040] =	vst v61  }
0x23a: {  	v63 =	vmul.f32 v11, v34;
	[tilespmem:s13+$0x5050] =	vst v62  }
0x23b: {  	[tilespmem:s13+$0x5070] =	vst v10;
	v10 =	vmul.f32 v11, v38  }
0x23c: {  	[tilespmem:s13+$0x5020] =	vst v63  }
0x23d: {  	s11 =	sadd.s32 $0x1, s11;
	[tilespmem:s13+$0x5060] =	vst v10  }
0x23e: {  	[spmem:s5] =	stream.indirect.scatter.add.f32 [tilespmem:s24], [sflag:$0x9], $0x80, s25, s29, $0xb8;
	[tilespmem:$0x9A80] =	vst v63  }
0x23f: {  	s12 =	sadd.s32 s12, s16;
	p0 =	sne.s32 s11, $0x1A;
	_ =	swait.ge [sflag:s4], $0x2800  }
.Ltmp4:
0x240: {  	s17 =	sshll.u32 s12, $0x4;
	[sflag:s4] =	ssyncset.done $0x0;
	(pc) =	sbr.rel @p0 .LBB2_4-.Ltmp4, $4  }
0x241: {  	s12 =	sshrl.u32 s12, $0x3;
	s13 =	sadd.s32 s1, s17;
	[sflag:s4] =	ssyncadd.s32 $0xFFFFD800  }
0x242: {  	[tilespmem:s22], [sflag:$0x2] =	stream.linear.gather [hbm4b:s13+s6], $0x2800, $0x38;
	[tilespmem:$0x9A80] =	vst v63  }
0x243: {  	s12 =	sadd.s32 s2, s12  }
0x244: {  	[tilespmem:s23], [sflag:$0x5] =	stream.linear.gather [hbm4b:s12+s6], $0x50, $0x38;
	[tilespmem:$0x9A80] =	vst v63  }
0x245: {  	_ =	swait.ge [sflag:s26], $0x2800  }
0x246: {  	[sflag:s26] =	ssyncset.done $0x0  }
0x247: {  	[sflag:s26] =	ssyncadd.s32 $0xFFFFD800  }
0x248: {  	_ =	swait.ge [sflag:s28], $0x50  }
0x249: {  	[sflag:s28] =	ssyncset.done $0x0  }
0x24a: {  	s11 =	simm.s32 $0x0;
	[sflag:s28] =	ssyncadd.s32 $0xFFFFFFB0  }
0x24b: {  	v12 =	vld [tilespmem:s11+$0x100]  }
0x24c: {  	v15 =	vld [tilespmem:s11+$0x110];
	_ =	sdelay $0x1  }
0x24d: {  	v27 =	vld [tilespmem:s11+$0x120];
	_ =	sdelay $0x1  }
0x24e: {  	v18 =	vld [tilespmem:s11+$0x130]  }
0x24f: {  	v10 =	vmul.f32 v12, v2;
	v11 =	vmul.f32 v15, v3  }
0x250: {  	v28 =	vld [tilespmem:s11+$0x140]  }
0x251: {  	v16 =	vld [tilespmem:s11+$0x150];
	v10 =	vadd.f32 v11, v10;
	v11 =	vmul.f32 v27, v4  }
0x252: {  	v19 =	vld [tilespmem:s11+$0x160]  }
0x253: {  	v13 =	vld [tilespmem:s11+$0x90];
	v10 =	vadd.f32 v11, v10;
	v11 =	vmul.f32 v18, v5  }
0x254: {  	v17 =	vld [tilespmem:s11+$0x80]  }
0x255: {  	v39 =	vld [tilespmem:s11+$0x170];
	v10 =	vadd.f32 v11, v10;
	v11 =	vmul.f32 v28, v6  }
0x256: {  	v22 =	vld [tilespmem:s11+$0xA0]  }
0x257: {  	v14 =	vmul.f32 v16, v7;
	v11 =	vadd.f32 v11, v10  }
0x258: {  	v24 =	vld [tilespmem:s11+$0xB0];
	v20 =	vmul.f32 v19, v8  }
0x259: {  	v25 =	vld [tilespmem:s11+$0xC0];
	v21 =	vmul.f32 v17, v2;
	v23 =	vmul.f32 v13, v3;
	v14 =	vadd.f32 v14, v11  }
0x25a: {  	v36 =	vld [tilespmem:s11+$0xD0];
	v26 =	vmul.f32 v39, v9  }
0x25b: {  	v21 =	vadd.f32 v23, v21;
	v23 =	vmul.f32 v22, v4;
	v10 =	vld [tilespmem:s11+$0x190];
	v14 =	vadd.f32 v20, v14  }
0x25c: {  	v11 =	vld [tilespmem:s11+$0x180]  }
0x25d: {  	v31 =	vld [tilespmem:s11+$0xE0];
	v21 =	vadd.f32 v23, v21;
	v23 =	vmul.f32 v24, v5;
	v29 =	vadd.f32 v26, v14  }
0x25e: {  	v20 =	vld [tilespmem:s11+$0x1A0]  }
0x25f: {  	v41 =	vld [tilespmem:s11+$0xF0];
	v51 =	vmul.f32 v25, v6;
	v21 =	vadd.f32 v23, v21;
	(xrf2) =	vadd.scan.msk.f32 $0xffff, v29  }
0x260: {  	v52 =	vmul.f32 v36, v7;
	v14 =	vld [tilespmem:s11+$0x1B0]  }
0x261: {  	v21 =	vadd.f32 v51, v21;
	v30 =	vmul.f32 v10, v3;
	v32 =	vmul.f32 v11, v2  }
0x262: {  	v53 =	vmul.f32 v31, v8;
	v26 =	vld [tilespmem:s11+$0x1C0]  }
0x263: {  	v33 =	vmul.f32 v20, v4;
	v30 =	vadd.f32 v30, v32;
	v32 =	vadd.f32 v52, v21  }
0x264: {  	v54 =	vmul.f32 v41, v9;
	v29 =	vld [tilespmem:s11+$0x1D0]  }
0x265: {  	v23 =	vmul.f32 v14, v5;
	v33 =	vadd.f32 v33, v30;
	v32 =	vadd.f32 v53, v32  }
0x266: {  	v30 =	vld [tilespmem:s11+$0x1E0]  }
0x267: {  	v35 =	vld [tilespmem:s11+$0x1F0];
	v34 =	vmul.f32 v26, v6;
	v23 =	vadd.f32 v23, v33;
	v32 =	vadd.f32 v54, v32  }
0x268: {  	v21 =	vld [tilespmem:s11+$0x0]  }
0x269: {  	v37 =	vmul.f32 v29, v7;
	v34 =	vadd.f32 v34, v23;
	v23 =	vld [tilespmem:s11+$0x10];
	v55, _, _ =	vpop (xrf2);
	(xrf2) =	vadd.scan.msk.f32 $0xffff, v32;
	_ =	sdelay $0x1  }
0x26a: {  	v38 =	vmul.f32 v30, v8;
	v37 =	vadd.f32 v37, v34;
	v34 =	vld [tilespmem:s11+$0x20];
	v33 =	vbroadcast v55, $0xF;
	_ =	sdelay $0x1  }
0x26b: {  	v40 =	vmul.f32 v35, v9;
	v32 =	vld [tilespmem:s11+$0x30];
	v37 =	vadd.f32 v38, v37;
	v56 =	vadd.f32 v33, v1  }
0x26c: {  	v57 =	vmul.f32 v21, v2;
	v42 =	vmul.f32 v23, v3  }
0x26d: {  	v37 =	vadd.f32 v40, v37;
	v33 =	vld [tilespmem:s11+$0x40];
	v38 =	vmul.f32 $1.442695020e+00, v56  }
0x26e: {  	v40 =	vadd.f32 v42, v57;
	v58 =	vmul.f32 v34, v4  }
0x26f: {  	(xrf2) =	vadd.scan.msk.f32 $0xffff, v37;
	v37 =	vld [tilespmem:s11+$0x50];
	(erf) = vpow2.f32 v38  }
0x270: {  	v43 =	vmul.f32 v32, v5;
	v40 =	vadd.f32 v58, v40  }
0x271: {  	v38 =	vld [tilespmem:s11+$0x60];
	v45, _, _ =	vpop (xrf2)  }
0x272: {  	v59 =	vmul.f32 v33, v6;
	v43 =	vadd.f32 v43, v40;
	v60 =	vbroadcast v45, $0xF  }
0x273: {  	v40 =	vld [tilespmem:s11+$0x70]  }
0x274: {  	v44 =	vmul.f32 v37, v7;
	v42 =	vadd.f32 v59, v43;
	v43 =	vadd.f32 v60, v1;
	_ =	sdelay $0x1  }
0x275: {  	v61 =	vmul.f32 v38, v8;
	v42 =	vadd.f32 v44, v42;
	v43 =	vmul.f32 $1.442695020e+00, v43;
	_ =	sdelay $0x1  }
0x276: {  	v46 =	vmul.f32 v40, v9;
	v42 =	vadd.f32 v61, v42;
	v63 =	vpop (erf);
	(erf) = vpow2.f32 v43  }
0x277: {  	v62, _, _ =	vpop (xrf2);
	v45 =	vadd.f32 $1.000000000e+00, v63  }
0x278: {  	v44 =	vbroadcast v62, $0xF;
	v42 =	vadd.f32 v46, v42  }
0x279: {  	(erf) = vrcp.f32 v45  }
0x27a: {  	v44 =	vadd.f32 v44, v1;
	(xrf2) =	vadd.scan.msk.f32 $0xffff, v42;
	_ =	sdelay $0x1  }
0x27b: {  	s12 =	simm.s32 $0x800;
	v42 =	vmul.f32 $1.442695020e+00, v44  }
.LBB2_12:
0x27c: {  	p0 =	sne.s32 s12, $0x9800;
	s13 =	smov.u32 s12;
	s12 =	sadd.s32 $0x800, s12  }
0x27d: {  	(erf) = vpow2.f32 v42  }
0x27e: {  	v42 =	vpop (erf)  }
0x27f: {  	v43 =	vadd.f32 $1.000000000e+00, v42  }
0x280: {  	s13 =	sshra.s32 s13, $0x2  }
0x281: {  	(erf) = vrcp.f32 v43;
	v42 =	vpop (erf)  }
0x282: {  	v27 =	vmul.f32 v42, v27;
	v18 =	vmul.f32 v42, v18  }
0x283: {  	v15 =	vmul.f32 v42, v15;
	v39 =	vmul.f32 v42, v39;
	v43, _, _ =	vpop (xrf2)  }
0x284: {  	v12 =	vmul.f32 v42, v12;
	v43 =	vbroadcast v43, $0xF;
	[tilespmem:s11+$0x130] =	vst v18  }
0x285: {  	v16 =	vmul.f32 v42, v16;
	[tilespmem:s11+$0x120] =	vst v27;
	v27 =	vmul.f32 v42, v28  }
0x286: {  	v19 =	vmul.f32 v42, v19;
	v18 =	vld [tilespmem:s13+$0x130];
	v28 =	vadd.f32 v43, v1;
	[tilespmem:s11+$0x100] =	vst v12;
	v42 =	vpop (erf)  }
0x287: {  	v12 =	vld [tilespmem:s13+$0x100];
	[tilespmem:s11+$0x110] =	vst v15;
	v43 =	vadd.f32 $1.000000000e+00, v42  }
0x288: {  	v15 =	vld [tilespmem:s13+$0x110];
	v28 =	vmul.f32 $1.442695020e+00, v28;
	[tilespmem:s11+$0x150] =	vst v16  }
0x289: {  	v16 =	vld [tilespmem:s13+$0x150];
	[tilespmem:s11+$0x140] =	vst v27;
	(erf) = vrcp.f32 v43  }
0x28a: {  	v27 =	vld [tilespmem:s13+$0x120];
	[tilespmem:s11+$0x160] =	vst v19;
	(erf) = vpow2.f32 v28;
	v42 =	vpop (erf)  }
0x28b: {  	v19 =	vld [tilespmem:s13+$0x160];
	v17 =	vmul.f32 v42, v17;
	v13 =	vmul.f32 v42, v13;
	[tilespmem:s11+$0x170] =	vst v39  }
0x28c: {  	v22 =	vmul.f32 v42, v22;
	v24 =	vmul.f32 v42, v24  }
0x28d: {  	v39 =	vmul.f32 v12, v2;
	v43 =	vmul.f32 v15, v3;
	[tilespmem:s11+$0x90] =	vst v13  }
0x28e: {  	v25 =	vmul.f32 v42, v25;
	v36 =	vmul.f32 v42, v36;
	v28 =	vld [tilespmem:s13+$0x140];
	[tilespmem:s11+$0x80] =	vst v17  }
0x28f: {  	v31 =	vmul.f32 v42, v31;
	v13 =	vld [tilespmem:s13+$0x90];
	v39 =	vadd.f32 v43, v39;
	v45 =	vmul.f32 v27, v4;
	[tilespmem:s11+$0xB0] =	vst v24  }
0x290: {  	v44 =	vmul.f32 v16, v7;
	v17 =	vld [tilespmem:s13+$0x80];
	[tilespmem:s11+$0xD0] =	vst v36;
	v36 =	vmul.f32 v42, v41  }
0x291: {  	v24 =	vld [tilespmem:s13+$0xB0];
	v41 =	vadd.f32 v45, v39;
	v45 =	vmul.f32 v18, v5;
	[tilespmem:s11+$0xA0] =	vst v22  }
0x292: {  	v22 =	vld [tilespmem:s13+$0xA0];
	[tilespmem:s11+$0xF0] =	vst v36;
	v43 =	vpop (erf)  }
0x293: {  	v39 =	vld [tilespmem:s13+$0x170];
	v36 =	vadd.f32 v45, v41;
	v41 =	vmul.f32 v28, v6;
	[tilespmem:s11+$0xC0] =	vst v25;
	v26 =	vmul.f32 v43, v26;
	v42 =	vpop (erf)  }
0x294: {  	v10 =	vmul.f32 v43, v10;
	v20 =	vmul.f32 v43, v20;
	v25 =	vld [tilespmem:s13+$0xC0];
	v42 =	vadd.f32 $1.000000000e+00, v42;
	[tilespmem:s11+$0xE0] =	vst v31  }
0x295: {  	v11 =	vmul.f32 v43, v11;
	v31 =	vld [tilespmem:s13+$0xE0];
	v45 =	vmul.f32 v17, v2;
	v41 =	vadd.f32 v41, v36;
	[tilespmem:s11+$0x1C0] =	vst v26  }
0x296: {  	v26 =	vmul.f32 v13, v3;
	v36 =	vld [tilespmem:s13+$0xD0];
	[tilespmem:s11+$0x190] =	vst v10;
	(erf) = vrcp.f32 v42  }
0x297: {  	v14 =	vmul.f32 v43, v14;
	v42 =	vmul.f32 v19, v8;
	v41 =	vadd.f32 v44, v41;
	v10 =	vld [tilespmem:s13+$0x190];
	[tilespmem:s11+$0x180] =	vst v11  }
0x298: {  	v29 =	vmul.f32 v43, v29;
	v44 =	vadd.f32 v26, v45;
	v45 =	vmul.f32 v22, v4;
	v26 =	vld [tilespmem:s13+$0x1C0]  }
0x299: {  	v30 =	vmul.f32 v43, v30;
	v41 =	vadd.f32 v42, v41;
	v42 =	vmul.f32 v39, v9;
	v11 =	vld [tilespmem:s13+$0x180];
	[tilespmem:s11+$0x1A0] =	vst v20  }
0x29a: {  	v35 =	vmul.f32 v43, v35;
	v44 =	vadd.f32 v45, v44;
	v45 =	vmul.f32 v24, v5;
	v20 =	vld [tilespmem:s13+$0x1A0];
	[tilespmem:s11+$0x1B0] =	vst v14  }
0x29b: {  	v43 =	vmul.f32 v25, v6;
	v42 =	vadd.f32 v42, v41;
	v14 =	vld [tilespmem:s13+$0x1B0];
	[tilespmem:s11+$0x1D0] =	vst v29  }
0x29c: {  	v29 =	vadd.f32 v45, v44;
	v41 =	vld [tilespmem:s13+$0xF0];
	[tilespmem:s11+$0x1E0] =	vst v30  }
0x29d: {  	v44 =	vmul.f32 v31, v8;
	v45 =	vmul.f32 v10, v3;
	(xrf2) =	vadd.scan.msk.f32 $0xffff, v42;
	[tilespmem:s11+$0x1F0] =	vst v35  }
0x29e: {  	v42 =	vmul.f32 v26, v6;
	v35 =	vmul.f32 v11, v2  }
0x29f: {  	v46 =	vmul.f32 v36, v7;
	v43 =	vadd.f32 v43, v29;
	v29 =	vld [tilespmem:s13+$0x1D0];
	v47 =	vmul.f32 v20, v4;
	v48 =	vpop (erf)  }
0x2a0: {  	v30 =	vld [tilespmem:s13+$0x1E0];
	v45 =	vadd.f32 v45, v35;
	v49 =	vmul.f32 v14, v5;
	v21 =	vmul.f32 v48, v21  }
0x2a1: {  	v43 =	vadd.f32 v46, v43;
	v23 =	vmul.f32 v48, v23;
	v32 =	vmul.f32 v48, v32  }
0x2a2: {  	v34 =	vmul.f32 v48, v34;
	v33 =	vmul.f32 v48, v33;
	v35 =	vld [tilespmem:s13+$0x1F0];
	v45 =	vadd.f32 v47, v45;
	[tilespmem:s11+$0x0] =	vst v21  }
0x2a3: {  	v37 =	vmul.f32 v48, v37;
	v43 =	vadd.f32 v44, v43;
	v44 =	vmul.f32 v41, v9;
	v21 =	vld [tilespmem:s13+$0x0];
	[tilespmem:s11+$0x10] =	vst v23  }
0x2a4: {  	v38 =	vmul.f32 v48, v38;
	v40 =	vmul.f32 v48, v40;
	v23 =	vld [tilespmem:s13+$0x10];
	v45 =	vadd.f32 v49, v45;
	[tilespmem:s11+$0x30] =	vst v32  }
0x2a5: {  	v46 =	vadd.f32 v44, v43;
	v32 =	vld [tilespmem:s13+$0x30];
	[tilespmem:s11+$0x40] =	vst v33  }
0x2a6: {  	v44 =	vmul.f32 v29, v7;
	v33 =	vld [tilespmem:s13+$0x40];
	v42 =	vadd.f32 v42, v45;
	[tilespmem:s11+$0x70] =	vst v40  }
0x2a7: {  	v40 =	vmul.f32 v30, v8;
	(xrf2) =	vadd.scan.msk.f32 $0xffff, v46;
	v43, _, _ =	vpop (xrf2);
	[tilespmem:s11+$0x50] =	vst v37  }
0x2a8: {  	v37 =	vmul.f32 v21, v2;
	v43 =	vbroadcast v43, $0xF;
	v42 =	vadd.f32 v44, v42;
	[tilespmem:s11+$0x20] =	vst v34  }
0x2a9: {  	v45 =	vmul.f32 v35, v9;
	v34 =	vld [tilespmem:s13+$0x20];
	v44 =	vmul.f32 v23, v3;
	[tilespmem:s11+$0x60] =	vst v38;
	s11 =	smov.u32 s13  }
0x2aa: {  	v46 =	vmul.f32 v32, v5;
	v38 =	vadd.f32 v43, v1;
	v40 =	vadd.f32 v40, v42  }
0x2ab: {  	v42 =	vadd.f32 v44, v37  }
0x2ac: {  	v43 =	vmul.f32 v33, v6;
	v37 =	vld [tilespmem:s11+$0x50];
	v40 =	vadd.f32 v45, v40  }
0x2ad: {  	v44 =	vmul.f32 $1.442695020e+00, v38  }
0x2ae: {  	v38 =	vld [tilespmem:s11+$0x60];
	v47 =	vmul.f32 v34, v4  }
0x2af: {  	(erf) = vpow2.f32 v44;
	(xrf2) =	vadd.scan.msk.f32 $0xffff, v40  }
0x2b0: {  	v40 =	vld [tilespmem:s11+$0x70];
	v42 =	vadd.f32 v47, v42  }
0x2b1: {  	v44 =	vmul.f32 v37, v7;
	v45, _, _ =	vpop (xrf2)  }
0x2b2: {  	v42 =	vadd.f32 v46, v42;
	v45 =	vbroadcast v45, $0xF  }
0x2b3: {  	v46 =	vmul.f32 v38, v8  }
0x2b4: {  	v42 =	vadd.f32 v43, v42;
	v43 =	vadd.f32 v45, v1  }
0x2b5: {  	v45 =	vmul.f32 v40, v9  }
0x2b6: {  	v42 =	vadd.f32 v44, v42;
	v47 =	vmul.f32 $1.442695020e+00, v43;
	_ =	sdelay $0x1  }
0x2b7: {  	v42 =	vadd.f32 v46, v42;
	(erf) = vpow2.f32 v47;
	v43 =	vpop (erf)  }
0x2b8: {  	v43 =	vadd.f32 $1.000000000e+00, v43;
	v44, _, _ =	vpop (xrf2)  }
.Ltmp5:
0x2b9: {  	v42 =	vadd.f32 v45, v42;
	v44 =	vbroadcast v44, $0xF;
	(pc) =	sbr.rel @p0 .LBB2_12-.Ltmp5, $3  }
0x2ba: {  	(erf) = vrcp.f32 v43  }
0x2bb: {  	v43 =	vadd.f32 v44, v1;
	(xrf2) =	vadd.scan.msk.f32 $0xffff, v42;
	_ =	sdelay $0x1  }
0x2bc: {  	v42 =	vmul.f32 $1.442695020e+00, v43  }
0x2bd: {  	_ = 	snop  }
0x2be: {  	(erf) = vpow2.f32 v42;
	_ =	sdelay $0x3  }
0x2bf: {  	v61 =	vpop (erf)  }
0x2c0: {  	v42 =	vadd.f32 $1.000000000e+00, v61  }
0x2c1: {  	v43, _, _ =	vpop (xrf2)  }
0x2c2: {  	(erf) = vrcp.f32 v42;
	v43 =	vbroadcast v43, $0xF  }
0x2c3: {  	v44 =	vpop (erf)  }
0x2c4: {  	v62 =	vadd.f32 v43, v1;
	v63 =	vpop (erf)  }
0x2c5: {  	v12 =	vmul.f32 v44, v12;
	v43 =	vadd.f32 $1.000000000e+00, v63  }
0x2c6: {  	v18 =	vmul.f32 v44, v18;
	v42 =	vmul.f32 $1.442695020e+00, v62  }
0x2c7: {  	[tilespmem:s11+$0x100] =	vst v12;
	v12 =	vmul.f32 v44, v28;
	(erf) = vrcp.f32 v43  }
0x2c8: {  	v15 =	vmul.f32 v44, v15;
	(erf) = vpow2.f32 v42  }
0x2c9: {  	[tilespmem:s11+$0x130] =	vst v18  }
0x2ca: {  	v16 =	vmul.f32 v44, v16;
	[tilespmem:s11+$0x110] =	vst v15  }
0x2cb: {  	v15 =	vmul.f32 v44, v19;
	[tilespmem:s11+$0x140] =	vst v12;
	v12 =	vpop (erf)  }
0x2cc: {  	[tilespmem:s11+$0x150] =	vst v16;
	v16 =	vmul.f32 v44, v39;
	v13 =	vmul.f32 v12, v13  }
0x2cd: {  	[tilespmem:s11+$0x160] =	vst v15  }
0x2ce: {  	[tilespmem:s11+$0x170] =	vst v16;
	v15 =	vmul.f32 v12, v17  }
0x2cf: {  	v16 =	vmul.f32 v12, v24;
	[tilespmem:s11+$0x90] =	vst v13  }
0x2d0: {  	[tilespmem:s11+$0x80] =	vst v15;
	v15 =	vmul.f32 v12, v36;
	v13 =	vpop (erf)  }
0x2d1: {  	v27 =	vmul.f32 v44, v27;
	[tilespmem:s11+$0xB0] =	vst v16;
	v17 =	vpop (erf)  }
0x2d2: {  	[tilespmem:s11+$0xD0] =	vst v15;
	v15 =	vmul.f32 v12, v41;
	v16 =	vadd.f32 $1.000000000e+00, v17  }
0x2d3: {  	[tilespmem:s11+$0x120] =	vst v27;
	v18 =	vmul.f32 v12, v22  }
0x2d4: {  	[tilespmem:s11+$0xF0] =	vst v15;
	v15 =	vmul.f32 v13, v26;
	(erf) = vrcp.f32 v16  }
0x2d5: {  	[tilespmem:s11+$0xA0] =	vst v18;
	v10 =	vmul.f32 v13, v10  }
0x2d6: {  	v11 =	vmul.f32 v13, v11;
	[tilespmem:s11+$0x1C0] =	vst v15  }
0x2d7: {  	v17 =	vmul.f32 v12, v25;
	[tilespmem:s11+$0x190] =	vst v10  }
0x2d8: {  	v12 =	vmul.f32 v12, v31;
	[tilespmem:s11+$0x180] =	vst v11  }
0x2d9: {  	v10 =	vmul.f32 v13, v14;
	v11 =	vmul.f32 v13, v29;
	[tilespmem:s11+$0xC0] =	vst v17  }
0x2da: {  	[tilespmem:s11+$0xE0] =	vst v12;
	v12 =	vmul.f32 v13, v20  }
0x2db: {  	[tilespmem:s11+$0x1B0] =	vst v10  }
0x2dc: {  	[tilespmem:s11+$0x1A0] =	vst v12;
	v12 =	vmul.f32 v13, v30  }
0x2dd: {  	v10 =	vmul.f32 v13, v35;
	[tilespmem:s11+$0x1D0] =	vst v11;
	v11 =	vpop (erf)  }
0x2de: {  	[tilespmem:s11+$0x1E0] =	vst v12;
	v12 =	vmul.f32 v11, v21  }
0x2df: {  	[tilespmem:s11+$0x1F0] =	vst v10;
	v10 =	vmul.f32 v11, v23  }
0x2e0: {  	v13 =	vmul.f32 v11, v32;
	[tilespmem:s11+$0x0] =	vst v12  }
0x2e1: {  	v12 =	vmul.f32 v11, v33;
	[tilespmem:s11+$0x10] =	vst v10  }
0x2e2: {  	[tilespmem:s11+$0x30] =	vst v13;
	v10 =	vmul.f32 v11, v40  }
0x2e3: {  	v13 =	vmul.f32 v11, v37;
	[tilespmem:s11+$0x40] =	vst v12  }
0x2e4: {  	v12 =	vmul.f32 v11, v34;
	[tilespmem:s11+$0x70] =	vst v10  }
0x2e5: {  	v10 =	vmul.f32 v11, v38;
	[tilespmem:s11+$0x50] =	vst v13  }
0x2e6: {  	[tilespmem:s11+$0x20] =	vst v12  }
0x2e7: {  	s17 =	simm.s32 $0x0;
	[tilespmem:s11+$0x60] =	vst v10  }
0x2e8: {  	[spmem:s5] =	stream.indirect.scatter.add.f32 [tilespmem:s17], [sflag:$0x7], $0x80, s21, s29, $0xb8;
	[tilespmem:$0x9A80] =	vst v63  }
0x2e9: {  	_ =	swait.ge [sflag:s30], $0x2800  }
0x2ea: {  	[sflag:s30] =	ssyncset.done $0x0  }
0x2eb: {  	[sflag:s30] =	ssyncadd.s32 $0xFFFFD800  }
0x2ec: {  	_ =	swait.ge [sflag:s31], $0x50  }
0x2ed: {  	[sflag:s31] =	ssyncset.done $0x0  }
0x2ee: {  	s11 =	simm.s32 $0x0;
	[sflag:s31] =	ssyncadd.s32 $0xFFFFFFB0  }
0x2ef: {  	v12 =	vld [tilespmem:s11+$0x2900]  }
0x2f0: {  	v15 =	vld [tilespmem:s11+$0x2910];
	_ =	sdelay $0x1  }
0x2f1: {  	v27 =	vld [tilespmem:s11+$0x2920];
	_ =	sdelay $0x1  }
0x2f2: {  	v18 =	vld [tilespmem:s11+$0x2930]  }
0x2f3: {  	v10 =	vmul.f32 v12, v2;
	v11 =	vmul.f32 v15, v3  }
0x2f4: {  	v28 =	vld [tilespmem:s11+$0x2940]  }
0x2f5: {  	v16 =	vld [tilespmem:s11+$0x2950];
	v10 =	vadd.f32 v11, v10;
	v11 =	vmul.f32 v27, v4  }
0x2f6: {  	v13 =	vld [tilespmem:s11+$0x2890]  }
0x2f7: {  	v17 =	vld [tilespmem:s11+$0x2880];
	v10 =	vadd.f32 v11, v10;
	v11 =	vmul.f32 v18, v5  }
0x2f8: {  	v19 =	vld [tilespmem:s11+$0x2960]  }
0x2f9: {  	v22 =	vld [tilespmem:s11+$0x28A0];
	v10 =	vadd.f32 v11, v10;
	v11 =	vmul.f32 v28, v6  }
0x2fa: {  	v39 =	vld [tilespmem:s11+$0x2970]  }
0x2fb: {  	v24 =	vld [tilespmem:s11+$0x28B0];
	v14 =	vmul.f32 v16, v7;
	v11 =	vadd.f32 v11, v10  }
0x2fc: {  	v25 =	vld [tilespmem:s11+$0x28C0];
	v21 =	vmul.f32 v17, v2;
	v23 =	vmul.f32 v13, v3  }
0x2fd: {  	v36 =	vld [tilespmem:s11+$0x28D0];
	v20 =	vmul.f32 v19, v8;
	v14 =	vadd.f32 v14, v11  }
0x2fe: {  	v21 =	vadd.f32 v23, v21;
	v23 =	vmul.f32 v22, v4;
	v10 =	vld [tilespmem:s11+$0x2990]  }
0x2ff: {  	v26 =	vmul.f32 v39, v9;
	v11 =	vld [tilespmem:s11+$0x2980];
	v14 =	vadd.f32 v20, v14  }
0x300: {  	v31 =	vld [tilespmem:s11+$0x28E0];
	v21 =	vadd.f32 v23, v21;
	v23 =	vmul.f32 v24, v5  }
0x301: {  	v20 =	vld [tilespmem:s11+$0x29A0];
	v29 =	vadd.f32 v26, v14  }
0x302: {  	v41 =	vld [tilespmem:s11+$0x28F0];
	v44 =	vmul.f32 v25, v6;
	v21 =	vadd.f32 v23, v21  }
0x303: {  	v45 =	vmul.f32 v36, v7;
	v14 =	vld [tilespmem:s11+$0x29B0];
	(xrf2) =	vadd.scan.msk.f32 $0xffff, v29  }
0x304: {  	v21 =	vadd.f32 v44, v21;
	v30 =	vmul.f32 v10, v3;
	v37 =	vmul.f32 v11, v2  }
0x305: {  	v47 =	vmul.f32 v31, v8;
	v26 =	vld [tilespmem:s11+$0x29C0]  }
0x306: {  	v32 =	vadd.f32 v45, v21;
	v38 =	vmul.f32 v20, v4;
	v30 =	vadd.f32 v30, v37  }
0x307: {  	v49 =	vmul.f32 v41, v9;
	v29 =	vld [tilespmem:s11+$0x29D0]  }
0x308: {  	v32 =	vadd.f32 v47, v32;
	v23 =	vmul.f32 v14, v5;
	v33 =	vadd.f32 v38, v30  }
0x309: {  	v30 =	vld [tilespmem:s11+$0x29E0]  }
0x30a: {  	v35 =	vld [tilespmem:s11+$0x29F0];
	v32 =	vadd.f32 v49, v32;
	v46 =	vmul.f32 v26, v6;
	v23 =	vadd.f32 v23, v33  }
0x30b: {  	v21 =	vld [tilespmem:s11+$0x2800]  }
0x30c: {  	(xrf2) =	vadd.scan.msk.f32 $0xffff, v32;
	v48 =	vmul.f32 v29, v7;
	v34 =	vadd.f32 v46, v23;
	v23 =	vld [tilespmem:s11+$0x2810]  }
0x30d: {  	v51, _, _ =	vpop (xrf2)  }
0x30e: {  	v50 =	vmul.f32 v30, v8;
	v37 =	vadd.f32 v48, v34;
	v34 =	vld [tilespmem:s11+$0x2820];
	v33 =	vbroadcast v51, $0xF;
	_ =	sdelay $0x1  }
0x30f: {  	v52 =	vmul.f32 v35, v9;
	v32 =	vld [tilespmem:s11+$0x2830];
	v37 =	vadd.f32 v50, v37;
	v53 =	vadd.f32 v33, v1  }
0x310: {  	v54 =	vmul.f32 v21, v2;
	v55 =	vmul.f32 v23, v3  }
0x311: {  	v37 =	vadd.f32 v52, v37;
	v33 =	vld [tilespmem:s11+$0x2840];
	v38 =	vmul.f32 $1.442695020e+00, v53  }
0x312: {  	v40 =	vadd.f32 v55, v54;
	v56 =	vmul.f32 v34, v4  }
0x313: {  	(xrf2) =	vadd.scan.msk.f32 $0xffff, v37;
	v37 =	vld [tilespmem:s11+$0x2850];
	(erf) = vpow2.f32 v38  }
0x314: {  	v57 =	vmul.f32 v32, v5;
	v40 =	vadd.f32 v56, v40  }
0x315: {  	v45, _, _ =	vpop (xrf2);
	v38 =	vld [tilespmem:s11+$0x2860]  }
0x316: {  	v60 =	vbroadcast v45, $0xF;
	v58 =	vmul.f32 v33, v6;
	v43 =	vadd.f32 v57, v40  }
0x317: {  	v40 =	vld [tilespmem:s11+$0x2870]  }
0x318: {  	v59 =	vmul.f32 v37, v7;
	v42 =	vadd.f32 v58, v43;
	v43 =	vadd.f32 v60, v1;
	_ =	sdelay $0x1  }
0x319: {  	v61 =	vmul.f32 v38, v8;
	v42 =	vadd.f32 v59, v42;
	v43 =	vmul.f32 $1.442695020e+00, v43;
	_ =	sdelay $0x1  }
0x31a: {  	v46 =	vmul.f32 v40, v9;
	v42 =	vadd.f32 v61, v42;
	(erf) = vpow2.f32 v43;
	v63 =	vpop (erf)  }
0x31b: {  	v62, _, _ =	vpop (xrf2);
	v45 =	vadd.f32 $1.000000000e+00, v63  }
0x31c: {  	v44 =	vbroadcast v62, $0xF;
	v42 =	vadd.f32 v46, v42  }
0x31d: {  	(erf) = vrcp.f32 v45  }
0x31e: {  	v44 =	vadd.f32 v44, v1;
	(xrf2) =	vadd.scan.msk.f32 $0xffff, v42;
	_ =	sdelay $0x1  }
0x31f: {  	s12 =	simm.s32 $0x800;
	v42 =	vmul.f32 $1.442695020e+00, v44  }
.LBB2_14:
0x320: {  	p0 =	sne.s32 s12, $0x9800;
	s13 =	smov.u32 s12;
	s12 =	sadd.s32 $0x800, s12  }
0x321: {  	(erf) = vpow2.f32 v42  }
0x322: {  	v42 =	vpop (erf)  }
0x323: {  	v43 =	vadd.f32 $1.000000000e+00, v42  }
0x324: {  	s13 =	sshra.s32 s13, $0x2  }
0x325: {  	(erf) = vrcp.f32 v43;
	v42 =	vpop (erf)  }
0x326: {  	v27 =	vmul.f32 v42, v27;
	v18 =	vmul.f32 v42, v18  }
0x327: {  	v15 =	vmul.f32 v42, v15;
	v39 =	vmul.f32 v42, v39;
	v43, _, _ =	vpop (xrf2)  }
0x328: {  	v12 =	vmul.f32 v42, v12;
	v43 =	vbroadcast v43, $0xF;
	[tilespmem:s11+$0x2930] =	vst v18  }
0x329: {  	v16 =	vmul.f32 v42, v16;
	[tilespmem:s11+$0x2920] =	vst v27;
	v27 =	vmul.f32 v42, v28  }
0x32a: {  	v19 =	vmul.f32 v42, v19;
	v18 =	vld [tilespmem:s13+$0x2930];
	v28 =	vadd.f32 v43, v1;
	[tilespmem:s11+$0x2900] =	vst v12;
	v42 =	vpop (erf)  }
0x32b: {  	v12 =	vld [tilespmem:s13+$0x2900];
	[tilespmem:s11+$0x2910] =	vst v15;
	v43 =	vadd.f32 $1.000000000e+00, v42  }
0x32c: {  	v15 =	vld [tilespmem:s13+$0x2910];
	v28 =	vmul.f32 $1.442695020e+00, v28;
	[tilespmem:s11+$0x2950] =	vst v16  }
0x32d: {  	v16 =	vld [tilespmem:s13+$0x2950];
	[tilespmem:s11+$0x2940] =	vst v27;
	(erf) = vrcp.f32 v43  }
0x32e: {  	v27 =	vld [tilespmem:s13+$0x2920];
	[tilespmem:s11+$0x2960] =	vst v19;
	(erf) = vpow2.f32 v28;
	v42 =	vpop (erf)  }
0x32f: {  	v19 =	vld [tilespmem:s13+$0x2960];
	v17 =	vmul.f32 v42, v17;
	v13 =	vmul.f32 v42, v13;
	[tilespmem:s11+$0x2970] =	vst v39  }
0x330: {  	v22 =	vmul.f32 v42, v22;
	v24 =	vmul.f32 v42, v24  }
0x331: {  	v39 =	vmul.f32 v12, v2;
	v43 =	vmul.f32 v15, v3;
	[tilespmem:s11+$0x2890] =	vst v13  }
0x332: {  	v25 =	vmul.f32 v42, v25;
	v36 =	vmul.f32 v42, v36;
	v28 =	vld [tilespmem:s13+$0x2940];
	[tilespmem:s11+$0x2880] =	vst v17  }
0x333: {  	v31 =	vmul.f32 v42, v31;
	v13 =	vld [tilespmem:s13+$0x2890];
	v39 =	vadd.f32 v43, v39;
	v45 =	vmul.f32 v27, v4;
	[tilespmem:s11+$0x28B0] =	vst v24  }
0x334: {  	v44 =	vmul.f32 v16, v7;
	v17 =	vld [tilespmem:s13+$0x2880];
	[tilespmem:s11+$0x28D0] =	vst v36;
	v36 =	vmul.f32 v42, v41  }
0x335: {  	v24 =	vld [tilespmem:s13+$0x28B0];
	v41 =	vadd.f32 v45, v39;
	v45 =	vmul.f32 v18, v5;
	[tilespmem:s11+$0x28A0] =	vst v22  }
0x336: {  	v22 =	vld [tilespmem:s13+$0x28A0];
	[tilespmem:s11+$0x28F0] =	vst v36;
	v43 =	vpop (erf)  }
0x337: {  	v39 =	vld [tilespmem:s13+$0x2970];
	v36 =	vadd.f32 v45, v41;
	v41 =	vmul.f32 v28, v6;
	[tilespmem:s11+$0x28C0] =	vst v25;
	v26 =	vmul.f32 v43, v26;
	v42 =	vpop (erf)  }
0x338: {  	v10 =	vmul.f32 v43, v10;
	v20 =	vmul.f32 v43, v20;
	v25 =	vld [tilespmem:s13+$0x28C0];
	v42 =	vadd.f32 $1.000000000e+00, v42;
	[tilespmem:s11+$0x28E0] =	vst v31  }
0x339: {  	v11 =	vmul.f32 v43, v11;
	v31 =	vld [tilespmem:s13+$0x28E0];
	v45 =	vmul.f32 v17, v2;
	v41 =	vadd.f32 v41, v36;
	[tilespmem:s11+$0x29C0] =	vst v26  }
0x33a: {  	v26 =	vmul.f32 v13, v3;
	v36 =	vld [tilespmem:s13+$0x28D0];
	[tilespmem:s11+$0x2990] =	vst v10;
	(erf) = vrcp.f32 v42  }
0x33b: {  	v14 =	vmul.f32 v43, v14;
	v42 =	vmul.f32 v19, v8;
	v41 =	vadd.f32 v44, v41;
	v10 =	vld [tilespmem:s13+$0x2990];
	[tilespmem:s11+$0x2980] =	vst v11  }
0x33c: {  	v29 =	vmul.f32 v43, v29;
	v44 =	vadd.f32 v26, v45;
	v45 =	vmul.f32 v22, v4;
	v26 =	vld [tilespmem:s13+$0x29C0]  }
0x33d: {  	v30 =	vmul.f32 v43, v30;
	v41 =	vadd.f32 v42, v41;
	v42 =	vmul.f32 v39, v9;
	v11 =	vld [tilespmem:s13+$0x2980];
	[tilespmem:s11+$0x29A0] =	vst v20  }
0x33e: {  	v35 =	vmul.f32 v43, v35;
	v44 =	vadd.f32 v45, v44;
	v45 =	vmul.f32 v24, v5;
	v20 =	vld [tilespmem:s13+$0x29A0];
	[tilespmem:s11+$0x29B0] =	vst v14  }
0x33f: {  	v43 =	vmul.f32 v25, v6;
	v42 =	vadd.f32 v42, v41;
	v14 =	vld [tilespmem:s13+$0x29B0];
	[tilespmem:s11+$0x29D0] =	vst v29  }
0x340: {  	v29 =	vadd.f32 v45, v44;
	v41 =	vld [tilespmem:s13+$0x28F0];
	[tilespmem:s11+$0x29E0] =	vst v30  }
0x341: {  	v44 =	vmul.f32 v31, v8;
	v45 =	vmul.f32 v10, v3;
	(xrf2) =	vadd.scan.msk.f32 $0xffff, v42;
	[tilespmem:s11+$0x29F0] =	vst v35  }
0x342: {  	v42 =	vmul.f32 v26, v6;
	v35 =	vmul.f32 v11, v2  }
0x343: {  	v46 =	vmul.f32 v36, v7;
	v43 =	vadd.f32 v43, v29;
	v29 =	vld [tilespmem:s13+$0x29D0];
	v47 =	vmul.f32 v20, v4;
	v48 =	vpop (erf)  }
0x344: {  	v30 =	vld [tilespmem:s13+$0x29E0];
	v45 =	vadd.f32 v45, v35;
	v49 =	vmul.f32 v14, v5;
	v21 =	vmul.f32 v48, v21  }
0x345: {  	v43 =	vadd.f32 v46, v43;
	v23 =	vmul.f32 v48, v23;
	v32 =	vmul.f32 v48, v32  }
0x346: {  	v34 =	vmul.f32 v48, v34;
	v33 =	vmul.f32 v48, v33;
	v35 =	vld [tilespmem:s13+$0x29F0];
	v45 =	vadd.f32 v47, v45;
	[tilespmem:s11+$0x2800] =	vst v21  }
0x347: {  	v37 =	vmul.f32 v48, v37;
	v43 =	vadd.f32 v44, v43;
	v44 =	vmul.f32 v41, v9;
	v21 =	vld [tilespmem:s13+$0x2800];
	[tilespmem:s11+$0x2810] =	vst v23  }
0x348: {  	v38 =	vmul.f32 v48, v38;
	v40 =	vmul.f32 v48, v40;
	v23 =	vld [tilespmem:s13+$0x2810];
	v45 =	vadd.f32 v49, v45;
	[tilespmem:s11+$0x2830] =	vst v32  }
0x349: {  	v46 =	vadd.f32 v44, v43;
	v32 =	vld [tilespmem:s13+$0x2830];
	[tilespmem:s11+$0x2840] =	vst v33  }
0x34a: {  	v44 =	vmul.f32 v29, v7;
	v33 =	vld [tilespmem:s13+$0x2840];
	v42 =	vadd.f32 v42, v45;
	[tilespmem:s11+$0x2870] =	vst v40  }
0x34b: {  	v40 =	vmul.f32 v30, v8;
	(xrf2) =	vadd.scan.msk.f32 $0xffff, v46;
	v43, _, _ =	vpop (xrf2);
	[tilespmem:s11+$0x2850] =	vst v37  }
0x34c: {  	v37 =	vmul.f32 v21, v2;
	v43 =	vbroadcast v43, $0xF;
	v42 =	vadd.f32 v44, v42;
	[tilespmem:s11+$0x2820] =	vst v34  }
0x34d: {  	v45 =	vmul.f32 v35, v9;
	v34 =	vld [tilespmem:s13+$0x2820];
	v44 =	vmul.f32 v23, v3;
	[tilespmem:s11+$0x2860] =	vst v38;
	s11 =	smov.u32 s13  }
0x34e: {  	v46 =	vmul.f32 v32, v5;
	v38 =	vadd.f32 v43, v1;
	v40 =	vadd.f32 v40, v42  }
0x34f: {  	v42 =	vadd.f32 v44, v37  }
0x350: {  	v43 =	vmul.f32 v33, v6;
	v37 =	vld [tilespmem:s11+$0x2850];
	v40 =	vadd.f32 v45, v40  }
0x351: {  	v44 =	vmul.f32 $1.442695020e+00, v38  }
0x352: {  	v38 =	vld [tilespmem:s11+$0x2860];
	v47 =	vmul.f32 v34, v4  }
0x353: {  	(erf) = vpow2.f32 v44;
	(xrf2) =	vadd.scan.msk.f32 $0xffff, v40  }
0x354: {  	v40 =	vld [tilespmem:s11+$0x2870];
	v42 =	vadd.f32 v47, v42  }
0x355: {  	v44 =	vmul.f32 v37, v7;
	v45, _, _ =	vpop (xrf2)  }
0x356: {  	v42 =	vadd.f32 v46, v42;
	v45 =	vbroadcast v45, $0xF  }
0x357: {  	v46 =	vmul.f32 v38, v8  }
0x358: {  	v42 =	vadd.f32 v43, v42;
	v43 =	vadd.f32 v45, v1  }
0x359: {  	v45 =	vmul.f32 v40, v9  }
0x35a: {  	v42 =	vadd.f32 v44, v42;
	v47 =	vmul.f32 $1.442695020e+00, v43;
	_ =	sdelay $0x1  }
0x35b: {  	v42 =	vadd.f32 v46, v42;
	(erf) = vpow2.f32 v47;
	v43 =	vpop (erf)  }
0x35c: {  	v43 =	vadd.f32 $1.000000000e+00, v43;
	v44, _, _ =	vpop (xrf2)  }
.Ltmp6:
0x35d: {  	v42 =	vadd.f32 v45, v42;
	v44 =	vbroadcast v44, $0xF;
	(pc) =	sbr.rel @p0 .LBB2_14-.Ltmp6, $3  }
0x35e: {  	(erf) = vrcp.f32 v43  }
0x35f: {  	v43 =	vadd.f32 v44, v1;
	(xrf2) =	vadd.scan.msk.f32 $0xffff, v42;
	_ =	sdelay $0x1  }
0x360: {  	v42 =	vmul.f32 $1.442695020e+00, v43  }
0x361: {  	_ = 	snop  }
0x362: {  	(erf) = vpow2.f32 v42;
	_ =	sdelay $0x3  }
0x363: {  	v2 =	vpop (erf)  }
0x364: {  	v2 =	vadd.f32 $1.000000000e+00, v2;
	_ =	sdelay $0x1  }
0x365: {  	v4 =	vpop (erf)  }
0x366: {  	v3, _, _ =	vpop (xrf2)  }
0x367: {  	(erf) = vrcp.f32 v2;
	v3 =	vbroadcast v3, $0xF;
	v2 =	vpop (erf)  }
0x368: {  	v2 =	vadd.f32 $1.000000000e+00, v2  }
0x369: {  	v1 =	vadd.f32 v3, v1  }
0x36a: {  	(erf) = vrcp.f32 v2;
	v2 =	vmul.f32 v4, v12  }
0x36b: {  	v1 =	vmul.f32 $1.442695020e+00, v1  }
0x36c: {  	v3 =	vmul.f32 v4, v18;
	[tilespmem:s11+$0x2900] =	vst v2;
	v2 =	vmul.f32 v4, v28  }
0x36d: {  	(erf) = vpow2.f32 v1;
	v1 =	vmul.f32 v4, v15  }
0x36e: {  	[tilespmem:s11+$0x2930] =	vst v3  }
0x36f: {  	[tilespmem:s11+$0x2910] =	vst v1;
	v1 =	vmul.f32 v4, v19  }
0x370: {  	v3 =	vmul.f32 v4, v16;
	[tilespmem:s11+$0x2940] =	vst v2;
	v2 =	vpop (erf)  }
0x371: {  	v5 =	vmul.f32 v4, v27;
	[tilespmem:s11+$0x2960] =	vst v1;
	v1 =	vmul.f32 v2, v13  }
0x372: {  	[tilespmem:s11+$0x2950] =	vst v3;
	v3 =	vmul.f32 v4, v39  }
0x373: {  	[tilespmem:s11+$0x2920] =	vst v5  }
0x374: {  	[tilespmem:s11+$0x2970] =	vst v3;
	v55 =	vmul.f32 v2, v17  }
0x375: {  	v3 =	vmul.f32 v2, v24;
	[tilespmem:s11+$0x2890] =	vst v1;
	v1 =	vpop (erf)  }
0x376: {  	v56 =	vmul.f32 v2, v36;
	[tilespmem:s11+$0x2880] =	vst v55;
	v57 =	vpop (erf)  }
0x377: {  	v6 =	vmul.f32 v2, v22;
	[tilespmem:s11+$0x28B0] =	vst v3;
	v3 =	vadd.f32 $1.000000000e+00, v57  }
0x378: {  	v58 =	vmul.f32 v2, v41;
	v59 =	vmul.f32 v2, v25;
	[tilespmem:s11+$0x28D0] =	vst v56  }
0x379: {  	v2 =	vmul.f32 v2, v31;
	[tilespmem:s11+$0x28A0] =	vst v6;
	(erf) = vrcp.f32 v3  }
0x37a: {  	[tilespmem:s11+$0x28F0] =	vst v58  }
0x37b: {  	[tilespmem:s11+$0x28E0] =	vst v2;
	v2 =	vmul.f32 v1, v10  }
0x37c: {  	[tilespmem:s11+$0x28C0] =	vst v59;
	v60 =	vmul.f32 v1, v11  }
0x37d: {  	[tilespmem:s11+$0x2990] =	vst v2;
	v3 =	vmul.f32 v1, v26  }
0x37e: {  	v61 =	vmul.f32 v1, v29;
	[tilespmem:s11+$0x2980] =	vst v60;
	v2 =	vmul.f32 v1, v14  }
0x37f: {  	[tilespmem:s11+$0x29C0] =	vst v3;
	v3 =	vmul.f32 v1, v20  }
0x380: {  	[tilespmem:s11+$0x29D0] =	vst v61  }
0x381: {  	[tilespmem:s11+$0x29A0] =	vst v3;
	v3 =	vmul.f32 v1, v30  }
0x382: {  	[tilespmem:s11+$0x29B0] =	vst v2;
	v1 =	vmul.f32 v1, v35;
	v2 =	vpop (erf)  }
0x383: {  	[tilespmem:s11+$0x29E0] =	vst v3;
	v3 =	vmul.f32 v2, v21  }
0x384: {  	[tilespmem:s11+$0x29F0] =	vst v1;
	v1 =	vmul.f32 v2, v23  }
0x385: {  	v62 =	vmul.f32 v2, v32;
	[tilespmem:s11+$0x2800] =	vst v3  }
0x386: {  	v63 =	vmul.f32 v2, v37;
	[tilespmem:s11+$0x2810] =	vst v1  }
0x387: {  	v3 =	vmul.f32 v2, v33;
	[tilespmem:s11+$0x2830] =	vst v62  }
0x388: {  	v1 =	vmul.f32 v2, v40;
	[tilespmem:s11+$0x2850] =	vst v63  }
0x389: {  	[tilespmem:s11+$0x2840] =	vst v3;
	v3 =	vmul.f32 v2, v34  }
0x38a: {  	[tilespmem:s11+$0x2870] =	vst v1;
	v1 =	vmul.f32 v2, v38  }
0x38b: {  	[tilespmem:s11+$0x2820] =	vst v3  }
0x38c: {  	[tilespmem:s11+$0x2860] =	vst v1  }
0x38d: {  	[spmem:s5] =	stream.indirect.scatter.add.f32 [tilespmem:s22], [sflag:$0x8], $0x80, s23, s29, $0xb8;
	[tilespmem:$0x9A80] =	vst v63  }
0x38e: {  	_ =	swait.ge [sflag:s8], $0x2800  }
0x38f: {  	[sflag:s8] =	ssyncset.done $0x0  }
0x390: {  	[sflag:s8] =	ssyncadd.s32 $0xFFFFD800  }
0x391: {  	_ =	swait.ge [sflag:s0], $0x2800  }
0x392: {  	[sflag:s0] =	ssyncset.done $0x0  }
0x393: {  	[sflag:s0] =	ssyncadd.s32 $0xFFFFD800  }
0x394: {  	_ =	swait.ge [sflag:s4], $0x2800  }
0x395: {  	s17 =	stileid.u32;
	[sflag:s4] =	ssyncset.done $0x0  }
0x396: {  	s12 =	sshrl.u32 s7, $0x3;
	s9 =	sadd.s32 $0x1, s9;
	[sflag:s4] =	ssyncadd.s32 $0xFFFFD800  }
0x397: {  	p0 =	sne.s32 s9, s18;
	s11 =	sshll.u32 s17, $0x6;
	[bflag:$0x0] =	sbarrier.arrive $0xFFFF  }
.Ltmp7:
0x398: {  	s11 =	sor.u32 $0x1C0A, s11;
	s13 =	rddreg [dreg:$0xc];
	(pc) =	sbr.rel @p0 .LBB2_1-.Ltmp7, $4  }
0x399: {  	[hbm:s13], [sflag:s11] =	dma.local [spmem:s12], $0x400  }
0x39a: {  	_ =	swait.ge [sflag:s20], $0x400  }
0x39b: {  	[sflag:s20] =	ssyncset.done $0x0  }
0x39c: {  	[sflag:s20] =	ssyncadd.s32 $0xFFFFFC00  }
0x39d: {  	_ =	sfence.sel $0x180000  }
0x39e: {  	[bflag:$0x0] =	sbarrier.arrive $0xFFFF  }
0x39f: {  	_ =	strace $0x90000047  }
0x3a0: {  	s0 =	stileid.u32;
	[bflag:$0x2] =	sbarrier.arrive $0xFFFF  }
0x3a1: {  	p0 =	sne.s32 s0, $0x0;
	s0 =	rddreg [dreg:$0x5]  }
0x3a2: {  	s0 =	sadd.s32 @!p0 $0x100000, s0  }
0x3a3: {  	[sflag:s0] =	ssyncadd.tile.s32 @!p0 $0x1;
	_ =	shalt  }
.Lfunc_end2:
_tile_overlayer_lowered:
.L_overlay_start_2:
0x3a4: {  	(tag) =	ssettag $0x2  }
0x3a5: {  	s0 =	rddreg [dreg:$0x0];
	s2 =	stileid.u32  }
0x3a6: {  	s1 =	rddreg [dreg:$0x1];
	p0 =	sne.s32 s2, $0x0  }
0x3a7: {  	s3 =	rddreg [dreg:$0x2];
	[bflag:$0x3] =	sbarrier.arrive $0xFFFF;
	s2 =	simm.s32 @!p0 $0x1C0A  }
0x3a8: {  	[timem:s3], [sflag:s2] =	dma.local @!p0 [hbm:s0], s1  }
0x3a9: {  	s0 =	simm.s32 @!p0 $0xA  }
0x3aa: {  	_ =	swait.ge @!p0 [sflag:s0], s1  }
0x3ab: {  	s1 =	ssub.s32 @!p0 $0x0, s1;
	[sflag:s0] =	ssyncset.done @!p0 $0x0  }
0x3ac: {  	[sflag:s0] =	ssyncadd.s32 @!p0 s1  }
0x3ad: {  	[bflag:$0x3] =	sbarrier.arrive $0xFFFF  }
0x3ae: {  	_ =	shalt  }

</sc_bundles>
